<compile_context>
chip_gen: v7x
topology: tpu7x:2x2x1
jax: 0.10.2.dev20260603
libtpu: 0.0.44.dev20260713+nightly
codegen_flags: <defaults>
</compile_context>

<pallas_src>
import dataclasses
import functools

import jax
import jax.numpy as jnp
from jax import lax
from jax.experimental import pallas as pl
from jax.experimental.pallas import tpu as pltpu
from jax.experimental.pallas import tpu_sc as plsc

_N = 10000
_E = 320000
_D = 128
_NCTR = 512

_NCORES = 2
_NSUB = 16
_NW = _NCORES * _NSUB
_EPT = _E // _NW
_K = 128
_NFULL = _EPT // _K
_KTAIL = _EPT - _NFULL * _K
_RPT = 624
_RREM = _N - _NSUB * _RPT


def _sc_mesh():
    return plsc.VectorSubcoreMesh(
        core_axis_name="c", subcore_axis_name="s", num_cores=_NCORES,
        num_subcores=_NSUB)


def _sc_params(layout_passes=True):
    cp = pltpu.CompilerParams(disable_bounds_checks=True)
    if not layout_passes and (
            "needs_layout_passes" in pltpu.CompilerParams.__dataclass_fields__):
        cp = dataclasses.replace(cp, needs_layout_passes=False)
    return cp


def _seg_sum(h, src, dst, zeros):

    nrow = 2
    nidx = 4

    @functools.partial(
        pl.kernel,
        out_type=jax.ShapeDtypeStruct((_NCORES, _N, _D), jnp.float32),
        mesh=_sc_mesh(),
        compiler_params=_sc_params(),
        scratch_types=[
            [pltpu.VMEM((_K,), jnp.int32) for _ in range(nidx)],
            [pltpu.VMEM((_K,), jnp.int32) for _ in range(nidx)],
            [pltpu.VMEM((_K, _D), jnp.float32) for _ in range(nrow)],
            [pltpu.SemaphoreType.DMA for _ in range(nidx)],
            [pltpu.SemaphoreType.DMA for _ in range(nrow)],
            pltpu.VMEM((_KTAIL,), jnp.int32),
            pltpu.VMEM((_KTAIL,), jnp.int32),
            pltpu.VMEM((_KTAIL, _D), jnp.float32),
            pltpu.VMEM_SHARED((_N, _D), jnp.float32),
        ],
    )
    def k(h_hbm, src_hbm, dst_hbm, z_hbm, out_hbm, src_v, dst_v, rows_v,
          isem, gsem, srct_v, dstt_v, rowst_v, acc):
        cid = lax.axis_index("c")
        sid = lax.axis_index("s")
        wid = cid * _NSUB + sid
        r0 = pl.multiple_of(sid * _RPT, 8)
        pltpu.sync_copy(z_hbm.at[pl.ds(r0, _RPT)], acc.at[pl.ds(r0, _RPT)])

        @pl.when(sid == 0)
        def _():
            pltpu.sync_copy(z_hbm.at[pl.ds(_NSUB * _RPT, _RREM)],
                            acc.at[pl.ds(_NSUB * _RPT, _RREM)])

        plsc.subcore_barrier()
        base = wid * _EPT

        def issue_idx(c, bi):
            off = pl.multiple_of(base + c * _K, 8)
            pltpu.async_copy(src_hbm.at[pl.ds(off, _K)], src_v[bi], isem[bi])
            pltpu.async_copy(dst_hbm.at[pl.ds(off, _K)], dst_v[bi], isem[bi])

        def issue_gather(bi, br):
            pltpu.make_async_copy(src_hbm.at[pl.ds(0, _K)], src_v[bi],
                                  isem[bi]).wait()
            pltpu.make_async_copy(dst_hbm.at[pl.ds(0, _K)], dst_v[bi],
                                  isem[bi]).wait()
            pltpu.async_copy(h_hbm.at[src_v[bi]], rows_v[br], gsem[br])

        def drain(bi, br):
            pltpu.make_async_copy(h_hbm.at[src_v[bi]], rows_v[br],
                                  gsem[br]).wait()
            pltpu.sync_copy(rows_v[br], acc.at[dst_v[bi]], add=True)

        for c in range(nidx):
            issue_idx(c, c)
        issue_gather(0, 0)

        @pl.loop(0, 17)
        def _(j):
            c0 = 4 * j
            for b in range(4):
                issue_gather((b + 1) % nidx, (b + 1) % nrow)
                drain(b, b % nrow)
                issue_idx(c0 + b + 4, b)

        for c in range(68, _NFULL):
            if c + 1 < _NFULL:
                issue_gather((c + 1) % nidx, (c + 1) % nrow)
            drain(c % nidx, c % nrow)
            if c + 4 < _NFULL:
                issue_idx(c + 4, c % nidx)

        offt = pl.multiple_of(base + _NFULL * _K, 8)
        pltpu.sync_copy(src_hbm.at[pl.ds(offt, _KTAIL)], srct_v)
        pltpu.sync_copy(dst_hbm.at[pl.ds(offt, _KTAIL)], dstt_v)
        pltpu.sync_copy(h_hbm.at[srct_v], rowst_v)
        pltpu.sync_copy(rowst_v, acc.at[dstt_v], add=True)

        plsc.subcore_barrier()
        pltpu.sync_copy(acc.at[pl.ds(r0, _RPT)], out_hbm.at[cid, pl.ds(r0, _RPT)])

        @pl.when(sid == 0)
        def _():
            pltpu.sync_copy(acc.at[pl.ds(_NSUB * _RPT, _RREM)],
                            out_hbm.at[cid, pl.ds(_NSUB * _RPT, _RREM)])

    return k(h, src, dst, zeros)


_SCN = 1024
_SCNF = _EPT // _SCN
_SCNT = _EPT - _SCNF * _SCN
_MCAP = 10112
_CROWS = 520
_TRASH = _NCTR * 1024 + _NCTR


def _center_stage(h2, zx, src, dst, centers, zeros, zeros_i, trash_i):
    bpw = _NCTR // _NW
    bps = _NCTR // _NSUB

    @functools.partial(
        pl.kernel,
        compiler_params=_sc_params(layout_passes=False),
        out_type=[
            jax.ShapeDtypeStruct((_NCORES * _NCTR, _D), jnp.float32),
            jax.ShapeDtypeStruct((_NCORES, _NCTR, _D), jnp.float32),
            jax.ShapeDtypeStruct((_NCTR, _D), jnp.float32),
            jax.ShapeDtypeStruct((_NCTR, _D), jnp.float32),
        ],
        mesh=_sc_mesh(),
        scratch_types=[
            pltpu.VMEM((_N,), jnp.int32),
            pltpu.VMEM((_NCTR,), jnp.int32),
            [pltpu.VMEM((_SCN,), jnp.int32) for _ in range(2)],
            [pltpu.VMEM((_SCN,), jnp.int32) for _ in range(2)],
            [pltpu.SemaphoreType.DMA for _ in range(2)],
            pltpu.VMEM((_MCAP,), jnp.int32),
            pltpu.VMEM((_K,), jnp.int32),
            pltpu.VMEM((_K,), jnp.int32),
            pltpu.VMEM((_K, _D), jnp.float32),
            pltpu.VMEM((bps,), jnp.int32),
            pltpu.VMEM((bps, _D), jnp.float32),
            pltpu.VMEM((bps, _D), jnp.float32),
            pltpu.VMEM_SHARED((_CROWS, _D), jnp.float32),
        ],
    )
    def k(h2_hbm, zx_hbm, src_hbm, dst_hbm, ctr_hbm, z_hbm, zi_hbm, tr_hbm,
          raw_hbm, rem_hbm, zxc_hbm, h2c_hbm,
          marker, ctr_v, ssrc_v, sdst_v, ssem, mpack_v, gsrc_v,
          gdst_v, rows_v, pmap_v, prow_v, crow_v, cagg):
        cid = lax.axis_index("c")
        sid = lax.axis_index("s")
        wid = cid * _NSUB + sid

        pltpu.sync_copy(zi_hbm, marker)
        pltpu.sync_copy(tr_hbm, mpack_v)
        pltpu.sync_copy(ctr_hbm, ctr_v)
        for j in range(_NCTR // 16):
            cvec = ctr_v[pl.ds(16 * j, 16)]
            vals = lax.iota(jnp.int32, 16) + (16 * j + 1)
            plsc.store_scatter(marker, [cvec], vals)
        r0 = pl.multiple_of(sid * bps, 8)
        pltpu.sync_copy(z_hbm.at[pl.ds(r0, bps)], cagg.at[pl.ds(r0, bps)])

        @pl.when(sid == 0)
        def _():
            pltpu.sync_copy(z_hbm.at[pl.ds(_NCTR, _CROWS - _NCTR)],
                            cagg.at[pl.ds(_NCTR, _CROWS - _NCTR)])

        plsc.subcore_barrier()

        base = wid * _EPT

        def make_scan_sub(b):
            def scan_sub(u, cnt):
                dvec = sdst_v[b][pl.ds(16 * u, 16)]
                svec = ssrc_v[b][pl.ds(16 * u, 16)]
                m = plsc.load_gather(marker, [dvec])
                mask = m > 0
                packed = svec * 1024 + (m - 1)
                plsc.store_compressed(mpack_v.at[pl.ds(cnt, 16)], packed,
                                      mask=mask)
                return cnt + jnp.sum(mask.astype(jnp.int32))
            return scan_sub

        def issue_scan(ci, b):
            off = pl.multiple_of(base + ci * _SCN, 8)
            pltpu.async_copy(src_hbm.at[pl.ds(off, _SCN)], ssrc_v[b], ssem[b])
            pltpu.async_copy(dst_hbm.at[pl.ds(off, _SCN)], sdst_v[b], ssem[b])

        def wait_scan(b):
            pltpu.make_async_copy(src_hbm.at[pl.ds(0, _SCN)], ssrc_v[b],
                                  ssem[b]).wait()
            pltpu.make_async_copy(dst_hbm.at[pl.ds(0, _SCN)], sdst_v[b],
                                  ssem[b]).wait()

        def issue_scan_tail(b):
            offt = pl.multiple_of(base + _SCNF * _SCN, 8)
            pltpu.async_copy(src_hbm.at[pl.ds(offt, _SCNT)],
                             ssrc_v[b].at[pl.ds(0, _SCNT)], ssem[b])
            pltpu.async_copy(dst_hbm.at[pl.ds(offt, _SCNT)],
                             sdst_v[b].at[pl.ds(0, _SCNT)], ssem[b])

        def wait_scan_tail(b):
            pltpu.make_async_copy(src_hbm.at[pl.ds(0, _SCNT)],
                                  ssrc_v[b].at[pl.ds(0, _SCNT)],
                                  ssem[b]).wait()
            pltpu.make_async_copy(dst_hbm.at[pl.ds(0, _SCNT)],
                                  sdst_v[b].at[pl.ds(0, _SCNT)],
                                  ssem[b]).wait()

        issue_scan(0, 0)
        issue_scan(1, 1)
        cnt = jnp.int32(0)
        for ci in range(_SCNF):
            b = ci % 2
            wait_scan(b)
            cnt = lax.fori_loop(0, _SCN // 16, make_scan_sub(b), cnt)
            if ci + 2 < _SCNF:
                issue_scan(ci + 2, b)
            elif ci + 2 == _SCNF:
                issue_scan_tail(b)
        bt = _SCNF % 2
        wait_scan_tail(bt)
        cnt = lax.fori_loop(0, _SCNT // 16, make_scan_sub(bt), cnt)

        nch = (cnt + _K - 1) // _K

        @pl.loop(0, nch)
        def _(q):
            qo = q * _K
            for v in range(_K // 16):
                pk = mpack_v[pl.ds(qo + 16 * v, 16)]
                gsrc_v[pl.ds(16 * v, 16)] = pk >> 10
                gdst_v[pl.ds(16 * v, 16)] = pk & 1023
            pltpu.sync_copy(h2_hbm.at[gsrc_v], rows_v)
            pltpu.sync_copy(rows_v, cagg.at[gdst_v], add=True)

        plsc.subcore_barrier()

        pltpu.sync_copy(cagg.at[pl.ds(r0, bps)],
                        raw_hbm.at[pl.ds(cid * _NCTR + r0, bps)])
        plsc.subcore_barrier()

        pbase = pl.multiple_of(sid * bps, 8)
        for t in range(bps // 16):
            pvec = plsc.load_gather(
                marker, [ctr_v[pl.ds(pbase + 16 * t, 16)]]) - 1
            pmap_v[pl.ds(16 * t, 16)] = pvec + cid * _NCTR
        pltpu.sync_copy(raw_hbm.at[pmap_v], prow_v)
        pltpu.sync_copy(prow_v, rem_hbm.at[cid, pl.ds(pbase, bps)])

        @pl.when(cid == 0)
        def _():
            cbase = pl.multiple_of(sid * bps, 8)
            pltpu.sync_copy(zx_hbm.at[ctr_v.at[pl.ds(cbase, bps)]], crow_v)
            pltpu.sync_copy(crow_v, zxc_hbm.at[pl.ds(cbase, bps)])
            pltpu.sync_copy(h2_hbm.at[ctr_v.at[pl.ds(cbase, bps)]], crow_v)
            pltpu.sync_copy(crow_v, h2c_hbm.at[pl.ds(cbase, bps)])

    return k(h2, zx, src, dst, centers, zeros, zeros_i, trash_i)


_BR = 1000


def _emb_mm(x, W, b):
    def body(x_ref, w_ref, b_ref, o_ref):
        o_ref[...] = (
            jnp.dot(x_ref[...], w_ref[...], preferred_element_type=jnp.float32)
            + b_ref[...]
        )

    return pl.pallas_call(
        body,
        grid=(_N // _BR,),
        in_specs=[
            pl.BlockSpec((_BR, _D), lambda i: (i, 0)),
            pl.BlockSpec((_D, _D), lambda i: (0, 0)),
            pl.BlockSpec((1, _D), lambda i: (0, 0)),
        ],
        out_specs=pl.BlockSpec((_BR, _D), lambda i: (i, 0)),
        out_shape=jax.ShapeDtypeStruct((_N, _D), jnp.float32),
    )(x, W, b.reshape(1, _D))


def _gin0_mm(x_in, agg, W, b):

    def body(x_ref, a0_ref, a1_ref, w_ref, b_ref, z_ref, h_ref):
        z = x_ref[...] + a0_ref[0] + a1_ref[0]
        z_ref[...] = z
        h_ref[...] = jnp.maximum(
            jnp.dot(z, w_ref[...], preferred_element_type=jnp.float32)
            + b_ref[...],
            0.0,
        )

    return pl.pallas_call(
        body,
        grid=(_N // _BR,),
        in_specs=[
            pl.BlockSpec((_BR, _D), lambda i: (i, 0)),
            pl.BlockSpec((1, _BR, _D), lambda i: (0, i, 0)),
            pl.BlockSpec((1, _BR, _D), lambda i: (1, i, 0)),
            pl.BlockSpec((_D, _D), lambda i: (0, 0)),
            pl.BlockSpec((1, _D), lambda i: (0, 0)),
        ],
        out_specs=[
            pl.BlockSpec((_BR, _D), lambda i: (i, 0)),
            pl.BlockSpec((_BR, _D), lambda i: (i, 0)),
        ],
        out_shape=[
            jax.ShapeDtypeStruct((_N, _D), jnp.float32),
            jax.ShapeDtypeStruct((_N, _D), jnp.float32),
        ],
    )(x_in, agg, agg, W, b.reshape(1, _D))


def _gin_mm(zx, h, agg, Wa, Wb, b):

    def body(zx_ref, h_ref, a0_ref, a1_ref, wa_ref, wb_ref, b_ref, o_ref):
        zh = h_ref[...] + a0_ref[0] + a1_ref[0]
        acc = jnp.dot(zx_ref[...], wa_ref[...], preferred_element_type=jnp.float32)
        acc += jnp.dot(zh, wb_ref[...], preferred_element_type=jnp.float32)
        o_ref[...] = jnp.maximum(acc + b_ref[...], 0.0)

    return pl.pallas_call(
        body,
        grid=(_N // _BR,),
        in_specs=[
            pl.BlockSpec((_BR, _D), lambda i: (i, 0)),
            pl.BlockSpec((_BR, _D), lambda i: (i, 0)),
            pl.BlockSpec((1, _BR, _D), lambda i: (0, i, 0)),
            pl.BlockSpec((1, _BR, _D), lambda i: (1, i, 0)),
            pl.BlockSpec((_D, _D), lambda i: (0, 0)),
            pl.BlockSpec((_D, _D), lambda i: (0, 0)),
            pl.BlockSpec((1, _D), lambda i: (0, 0)),
        ],
        out_specs=pl.BlockSpec((_BR, _D), lambda i: (i, 0)),
        out_shape=jax.ShapeDtypeStruct((_N, _D), jnp.float32),
    )(zx, h, agg, agg, Wa, Wb, b.reshape(1, _D))


def _final_mm(zxc, h2c, caggc, Wa, Wb, bg, W0, b0, W1, b1):

    def body(zx_ref, h_ref, a0_ref, a1_ref, wa_ref, wb_ref, bg_ref,
             w0_ref, b0_ref, w1_ref, b1_ref, o_ref):
        zh = h_ref[...] + a0_ref[0] + a1_ref[0]
        acc = jnp.dot(zx_ref[...], wa_ref[...], preferred_element_type=jnp.float32)
        acc += jnp.dot(zh, wb_ref[...], preferred_element_type=jnp.float32)
        h3 = jnp.maximum(acc + bg_ref[...], 0.0)
        t = (
            jnp.dot(h3, w0_ref[...], preferred_element_type=jnp.float32)
            + b0_ref[...]
        )
        o_ref[...] = (
            jnp.dot(t, w1_ref[...], preferred_element_type=jnp.float32)
            + b1_ref[...]
        )

    return pl.pallas_call(
        body,
        grid=(1,),
        in_specs=[
            pl.BlockSpec((_NCTR, _D), lambda i: (0, 0)),
            pl.BlockSpec((_NCTR, _D), lambda i: (0, 0)),
            pl.BlockSpec((1, _NCTR, _D), lambda i: (0, 0, 0)),
            pl.BlockSpec((1, _NCTR, _D), lambda i: (1, 0, 0)),
            pl.BlockSpec((_D, _D), lambda i: (0, 0)),
            pl.BlockSpec((_D, _D), lambda i: (0, 0)),
            pl.BlockSpec((1, _D), lambda i: (0, 0)),
            pl.BlockSpec((_D, _D), lambda i: (0, 0)),
            pl.BlockSpec((1, _D), lambda i: (0, 0)),
            pl.BlockSpec((_D, 1), lambda i: (0, 0)),
            pl.BlockSpec((1, 1), lambda i: (0, 0)),
        ],
        out_specs=pl.BlockSpec((_NCTR, 1), lambda i: (0, 0)),
        out_shape=jax.ShapeDtypeStruct((_NCTR, 1), jnp.float32),
    )(zxc, h2c, caggc, caggc, Wa, Wb, bg.reshape(1, _D),
      W0, b0.reshape(1, _D), W1, b1.reshape(1, 1))


def kernel(x, edge_index, center_node_index, W_emb, b_emb, W_g0, b_g0,
           W_g1, b_g1, W_g2, b_g2, W_o0, b_o0, W_o1, b_o1):
    src = edge_index[0]
    dst = edge_index[1]
    zeros = jnp.zeros((_N, _D), jnp.float32)
    zeros_i = jnp.zeros((_N,), jnp.int32)
    trash_i = jnp.full((_MCAP,), _TRASH, jnp.int32)

    x_in = _emb_mm(x, W_emb, b_emb)
    agg_x = _seg_sum(x_in, src, dst, zeros)
    zx, h1 = _gin0_mm(x_in, agg_x, W_g0, b_g0)
    agg_1 = _seg_sum(h1, src, dst, zeros)
    h2 = _gin_mm(zx, h1, agg_1, W_g1[:_D], W_g1[_D:], b_g1)
    caggc, zxc, h2c = _center_stage(h2, zx, src, dst, center_node_index,
                                    zeros, zeros_i, trash_i)[1:]
    return _final_mm(zxc, h2c, caggc, W_g2[:_D], W_g2[_D:], b_g2,
                     W_o0, b_o0, W_o1, b_o1)

# --- scband reference (transcript-rebuilt; emitter-appended) ---
"""Pipeline reference for scband-critic-15504831939328 (READ-ONLY COPY).

The authoritative reference and input builder live on the scoring server;
editing this copy changes nothing except your own understanding.
"""

import jax, jax.numpy as jnp
import numpy as np

N = 10000
E = 320000
D_IN = 128
D_EMB = 128
N_CENTER = 512


def setup_inputs(seed: int = 0):
    key = jax.random.key(seed)
    ks = jax.random.split(key, 16)
    sc = 0.05
    inp = {}
    inp["x"] = jax.random.normal(ks[0], (N, D_IN), dtype=jnp.float32)
    inp["edge_index"] = jax.random.randint(ks[1], (2, E), 0, N, dtype=jnp.int32)
    inp["center_node_index"] = jax.random.randint(ks[2], (N_CENTER,), 0, N, dtype=jnp.int32)
    inp["W_emb"] = jax.random.normal(ks[3], (D_IN, D_EMB), dtype=jnp.float32) * sc
    inp["b_emb"] = jnp.zeros((D_EMB,), dtype=jnp.float32)
    inp["W_g0"] = jax.random.normal(ks[4], (D_EMB, D_EMB), dtype=jnp.float32) * sc
    inp["b_g0"] = jnp.zeros((D_EMB,), dtype=jnp.float32)
    inp["W_g1"] = jax.random.normal(ks[5], (2 * D_EMB, D_EMB), dtype=jnp.float32) * sc
    inp["b_g1"] = jnp.zeros((D_EMB,), dtype=jnp.float32)
    inp["W_g2"] = jax.random.normal(ks[6], (2 * D_EMB, D_EMB), dtype=jnp.float32) * sc
    inp["b_g2"] = jnp.zeros((D_EMB,), dtype=jnp.float32)
    inp["W_o0"] = jax.random.normal(ks[7], (D_EMB, D_EMB), dtype=jnp.float32) * sc
    inp["b_o0"] = jnp.zeros((D_EMB,), dtype=jnp.float32)
    inp["W_o1"] = jax.random.normal(ks[8], (D_EMB, 1), dtype=jnp.float32) * sc
    inp["b_o1"] = jnp.zeros((1,), dtype=jnp.float32)
    return inp


def _gin(h, src, dst, W, b):
    # GIN conv: nn((1+eps)*x + sum_{j in N(i)} x_j), eps=0, nn = Linear + ReLU
    agg = jax.ops.segment_sum(h[src], dst, num_segments=N)
    z = h + agg
    return jax.nn.relu(z @ W + b)


def reference(x, edge_index, center_node_index, W_emb, b_emb, W_g0, b_g0, W_g1, b_g1, W_g2, b_g2, W_o0, b_o0, W_o1, b_o1):
    src = edge_index[0]
    dst = edge_index[1]
    x_in = x @ W_emb + b_emb
    h = _gin(x_in, src, dst, W_g0, b_g0)
    h = _gin(jnp.concatenate([x_in, h], axis=1), src, dst, W_g1, b_g1)
    h = _gin(jnp.concatenate([x_in, h], axis=1), src, dst, W_g2, b_g2)
    h = h[center_node_index, :]
    h = h @ W_o0 + b_o0
    out = h @ W_o1 + b_o1
    return out

if __name__ == "__main__":
    import jax
    _d = setup_inputs()
    print(jax.jit(kernel)(*tuple(_d.values())))

</pallas_src>

<mosaic_0001>
#map = affine_map<(d0, d1) -> (0, 0)>
#map1 = affine_map<(d0, d1) -> (0)>
#map2 = affine_map<(d0, d1) -> (0, 0, 0)>
module attributes {stable_mosaic.version = 14 : i64} {
  func.func @k(%arg0: i32, %arg1: i32, %arg2: memref<10000x128xf32, #tpu.memory_space<hbm>>, %arg3: memref<320000xi32, #tpu.memory_space<hbm>>, %arg4: memref<320000xi32, #tpu.memory_space<hbm>>, %arg5: memref<10000x128xf32, #tpu.memory_space<hbm>>, %arg6: memref<2x10000x128xf32, #tpu.memory_space<hbm>>, %arg7: memref<128xi32, #tpu.memory_space<vmem>>, %arg8: memref<128xi32, #tpu.memory_space<vmem>>, %arg9: memref<128xi32, #tpu.memory_space<vmem>>, %arg10: memref<128xi32, #tpu.memory_space<vmem>>, %arg11: memref<128xi32, #tpu.memory_space<vmem>>, %arg12: memref<128xi32, #tpu.memory_space<vmem>>, %arg13: memref<128xi32, #tpu.memory_space<vmem>>, %arg14: memref<128xi32, #tpu.memory_space<vmem>>, %arg15: memref<128x128xf32, #tpu.memory_space<vmem>>, %arg16: memref<128x128xf32, #tpu.memory_space<vmem>>, %arg17: memref<!tpu.dma_semaphore, #tpu.memory_space<semaphore_mem>>, %arg18: memref<!tpu.dma_semaphore, #tpu.memory_space<semaphore_mem>>, %arg19: memref<!tpu.dma_semaphore, #tpu.memory_space<semaphore_mem>>, %arg20: memref<!tpu.dma_semaphore, #tpu.memory_space<semaphore_mem>>, %arg21: memref<!tpu.dma_semaphore, #tpu.memory_space<semaphore_mem>>, %arg22: memref<!tpu.dma_semaphore, #tpu.memory_space<semaphore_mem>>, %arg23: memref<16xi32, #tpu.memory_space<vmem>>, %arg24: memref<16xi32, #tpu.memory_space<vmem>>, %arg25: memref<16x128xf32, #tpu.memory_space<vmem>>, %arg26: memref<10000x128xf32, #tpu.memory_space<vmem_shared>>) attributes {dimension_semantics = [#tpu.dimension_semantics<core_parallel>, #tpu.dimension_semantics<subcore_parallel>], iteration_bounds = array<i64: 2, 16>, scalar_prefetch = 0 : i64, scratch_operands = 20 : i64, tpu.core_type = #tpu.core_type<sc_vector_subcore>, window_params = [{transform_indices = #map}, {transform_indices = #map1}, {transform_indices = #map1}, {transform_indices = #map}, {transform_indices = #map2}]} {
    %mul3A = arith.constant 16 : i32
    %mul3A_0 = arith.muli %arg0, %mul3A : i32
    %add3A = arith.addi %mul3A_0, %arg1 : i32
    %mul3A_1 = arith.constant 624 : i32
    %mul3A_2 = arith.muli %arg1, %mul3A_1 : i32
    %multiple_of3A = tpu.assume_multiple %mul3A_2, 8 : i32
    "tpu.region"() ({
      %run_scoped3A = tpu.sem_alloc : memref<!tpu.dma_semaphore, #tpu.memory_space<semaphore_mem>>
      %dma_start3A_228 = arith.constant 0 : i32
      %dma_start3A_229 = tpu.memref_slice %arg26[%multiple_of3A, %dma_start3A_228] : memref<10000x128xf32, #tpu.memory_space<vmem_shared>> -> memref<624x128xf32, #tpu.memory_space<vmem_shared>>
      %dma_start3A_230 = arith.constant 0 : i32
      %dma_start3A_231 = tpu.memref_slice %arg5[%multiple_of3A, %dma_start3A_230] : memref<10000x128xf32, #tpu.memory_space<hbm>> -> memref<624x128xf32, #tpu.memory_space<hbm>>
      tpu.enqueue_dma source(%dma_start3A_231 : memref<624x128xf32, #tpu.memory_space<hbm>>) target(%dma_start3A_229 : memref<624x128xf32, #tpu.memory_space<vmem_shared>>) target_semaphore(%run_scoped3A : memref<!tpu.dma_semaphore, #tpu.memory_space<semaphore_mem>>)
      %dma_wait3A_232 = arith.constant 0 : i32
      %dma_wait3A_233 = tpu.memref_slice %arg26[%multiple_of3A, %dma_wait3A_232] : memref<10000x128xf32, #tpu.memory_space<vmem_shared>> -> memref<624x128xf32, #tpu.memory_space<vmem_shared>>
      %dma_wait3A_234 = arith.constant 0 : i32
      %dma_wait3A_235 = tpu.memref_slice %arg5[%multiple_of3A, %dma_wait3A_234] : memref<10000x128xf32, #tpu.memory_space<hbm>> -> memref<624x128xf32, #tpu.memory_space<hbm>>
      tpu.wait_dma2 semaphore(%run_scoped3A : memref<!tpu.dma_semaphore, #tpu.memory_space<semaphore_mem>>) src(%dma_wait3A_235 : memref<624x128xf32, #tpu.memory_space<hbm>>) dst(%dma_wait3A_233 : memref<624x128xf32, #tpu.memory_space<vmem_shared>>)
      tpu.yield
    }) : () -> ()
    %eq3A = arith.constant 0 : i32
    %eq3A_3 = arith.cmpi eq, %arg1, %eq3A : i32
    %convert_element_type3A = arith.extui %eq3A_3 : i1 to i32
    %cond3A = arith.constant 0 : i32
    %cond3A_4 = arith.cmpi ne, %convert_element_type3A, %cond3A : i32
    scf.if %cond3A_4 {
      "tpu.region"() ({
        %run_scoped3A = tpu.sem_alloc : memref<!tpu.dma_semaphore, #tpu.memory_space<semaphore_mem>>
        %dma_start3A_228 = arith.constant 9984 : i32
        %dma_start3A_229 = arith.constant 0 : i32
        %dma_start3A_230 = tpu.memref_slice %arg26[%dma_start3A_228, %dma_start3A_229] : memref<10000x128xf32, #tpu.memory_space<vmem_shared>> -> memref<16x128xf32, #tpu.memory_space<vmem_shared>>
        %dma_start3A_231 = arith.constant 9984 : i32
        %dma_start3A_232 = arith.constant 0 : i32
        %dma_start3A_233 = tpu.memref_slice %arg5[%dma_start3A_231, %dma_start3A_232] : memref<10000x128xf32, #tpu.memory_space<hbm>> -> memref<16x128xf32, #tpu.memory_space<hbm>>
        tpu.enqueue_dma source(%dma_start3A_233 : memref<16x128xf32, #tpu.memory_space<hbm>>) target(%dma_start3A_230 : memref<16x128xf32, #tpu.memory_space<vmem_shared>>) target_semaphore(%run_scoped3A : memref<!tpu.dma_semaphore, #tpu.memory_space<semaphore_mem>>)
        %dma_wait3A_234 = arith.constant 9984 : i32
        %dma_wait3A_235 = arith.constant 0 : i32
        %dma_wait3A_236 = tpu.memref_slice %arg26[%dma_wait3A_234, %dma_wait3A_235] : memref<10000x128xf32, #tpu.memory_space<vmem_shared>> -> memref<16x128xf32, #tpu.memory_space<vmem_shared>>
        %dma_wait3A_237 = arith.constant 9984 : i32
        %dma_wait3A_238 = arith.constant 0 : i32
        %dma_wait3A_239 = tpu.memref_slice %arg5[%dma_wait3A_237, %dma_wait3A_238] : memref<10000x128xf32, #tpu.memory_space<hbm>> -> memref<16x128xf32, #tpu.memory_space<hbm>>
        tpu.wait_dma2 semaphore(%run_scoped3A : memref<!tpu.dma_semaphore, #tpu.memory_space<semaphore_mem>>) src(%dma_wait3A_239 : memref<16x128xf32, #tpu.memory_space<hbm>>) dst(%dma_wait3A_236 : memref<16x128xf32, #tpu.memory_space<vmem_shared>>)
        tpu.yield
      }) : () -> ()
    } else {
    }
    %barrier3A = arith.constant 0 : index
    tpu.barrier barrier_id(%barrier3A)
    %mul3A_5 = arith.constant 10000 : i32
    %mul3A_6 = arith.muli %add3A, %mul3A_5 : i32
    %add3A_7 = arith.constant 0 : i32
    %add3A_8 = arith.addi %mul3A_6, %add3A_7 : i32
    %multiple_of3A_9 = tpu.assume_multiple %add3A_8, 8 : i32
    %dma_start3A = tpu.memref_slice %arg3[%multiple_of3A_9] : memref<320000xi32, #tpu.memory_space<hbm>> -> memref<128xi32, #tpu.memory_space<hbm>>
    %dma_start3A_10 = tpu.memref_slice %arg3[%multiple_of3A_9] : memref<320000xi32, #tpu.memory_space<hbm>> -> memref<128xi32, #tpu.memory_space<hbm>>
    tpu.enqueue_dma source(%dma_start3A_10 : memref<128xi32, #tpu.memory_space<hbm>>) target(%arg7 : memref<128xi32, #tpu.memory_space<vmem>>) target_semaphore(%arg17 : memref<!tpu.dma_semaphore, #tpu.memory_space<semaphore_mem>>)
    %dma_start3A_11 = tpu.memref_slice %arg4[%multiple_of3A_9] : memref<320000xi32, #tpu.memory_space<hbm>> -> memref<128xi32, #tpu.memory_space<hbm>>
    %dma_start3A_12 = tpu.memref_slice %arg4[%multiple_of3A_9] : memref<320000xi32, #tpu.memory_space<hbm>> -> memref<128xi32, #tpu.memory_space<hbm>>
    tpu.enqueue_dma source(%dma_start3A_12 : memref<128xi32, #tpu.memory_space<hbm>>) target(%arg11 : memref<128xi32, #tpu.memory_space<vmem>>) target_semaphore(%arg17 : memref<!tpu.dma_semaphore, #tpu.memory_space<semaphore_mem>>)
    %add3A_13 = arith.constant 128 : i32
    %add3A_14 = arith.addi %mul3A_6, %add3A_13 : i32
    %multiple_of3A_15 = tpu.assume_multiple %add3A_14, 8 : i32
    %dma_start3A_16 = tpu.memref_slice %arg3[%multiple_of3A_15] : memref<320000xi32, #tpu.memory_space<hbm>> -> memref<128xi32, #tpu.memory_space<hbm>>
    %dma_start3A_17 = tpu.memref_slice %arg3[%multiple_of3A_15] : memref<320000xi32, #tpu.memory_space<hbm>> -> memref<128xi32, #tpu.memory_space<hbm>>
    tpu.enqueue_dma source(%dma_start3A_17 : memref<128xi32, #tpu.memory_space<hbm>>) target(%arg8 : memref<128xi32, #tpu.memory_space<vmem>>) target_semaphore(%arg18 : memref<!tpu.dma_semaphore, #tpu.memory_space<semaphore_mem>>)
    %dma_start3A_18 = tpu.memref_slice %arg4[%multiple_of3A_15] : memref<320000xi32, #tpu.memory_space<hbm>> -> memref<128xi32, #tpu.memory_space<hbm>>
    %dma_start3A_19 = tpu.memref_slice %arg4[%multiple_of3A_15] : memref<320000xi32, #tpu.memory_space<hbm>> -> memref<128xi32, #tpu.memory_space<hbm>>
    tpu.enqueue_dma source(%dma_start3A_19 : memref<128xi32, #tpu.memory_space<hbm>>) target(%arg12 : memref<128xi32, #tpu.memory_space<vmem>>) target_semaphore(%arg18 : memref<!tpu.dma_semaphore, #tpu.memory_space<semaphore_mem>>)
    %add3A_20 = arith.constant 256 : i32
    %add3A_21 = arith.addi %mul3A_6, %add3A_20 : i32
    %multiple_of3A_22 = tpu.assume_multiple %add3A_21, 8 : i32
    %dma_start3A_23 = tpu.memref_slice %arg3[%multiple_of3A_22] : memref<320000xi32, #tpu.memory_space<hbm>> -> memref<128xi32, #tpu.memory_space<hbm>>
    %dma_start3A_24 = tpu.memref_slice %arg3[%multiple_of3A_22] : memref<320000xi32, #tpu.memory_space<hbm>> -> memref<128xi32, #tpu.memory_space<hbm>>
    tpu.enqueue_dma source(%dma_start3A_24 : memref<128xi32, #tpu.memory_space<hbm>>) target(%arg9 : memref<128xi32, #tpu.memory_space<vmem>>) target_semaphore(%arg19 : memref<!tpu.dma_semaphore, #tpu.memory_space<semaphore_mem>>)
    %dma_start3A_25 = tpu.memref_slice %arg4[%multiple_of3A_22] : memref<320000xi32, #tpu.memory_space<hbm>> -> memref<128xi32, #tpu.memory_space<hbm>>
    %dma_start3A_26 = tpu.memref_slice %arg4[%multiple_of3A_22] : memref<320000xi32, #tpu.memory_space<hbm>> -> memref<128xi32, #tpu.memory_space<hbm>>
    tpu.enqueue_dma source(%dma_start3A_26 : memref<128xi32, #tpu.memory_space<hbm>>) target(%arg13 : memref<128xi32, #tpu.memory_space<vmem>>) target_semaphore(%arg19 : memref<!tpu.dma_semaphore, #tpu.memory_space<semaphore_mem>>)
    %add3A_27 = arith.constant 384 : i32
    %add3A_28 = arith.addi %mul3A_6, %add3A_27 : i32
    %multiple_of3A_29 = tpu.assume_multiple %add3A_28, 8 : i32
    %dma_start3A_30 = tpu.memref_slice %arg3[%multiple_of3A_29] : memref<320000xi32, #tpu.memory_space<hbm>> -> memref<128xi32, #tpu.memory_space<hbm>>
    %dma_start3A_31 = tpu.memref_slice %arg3[%multiple_of3A_29] : memref<320000xi32, #tpu.memory_space<hbm>> -> memref<128xi32, #tpu.memory_space<hbm>>
    tpu.enqueue_dma source(%dma_start3A_31 : memref<128xi32, #tpu.memory_space<hbm>>) target(%arg10 : memref<128xi32, #tpu.memory_space<vmem>>) target_semaphore(%arg20 : memref<!tpu.dma_semaphore, #tpu.memory_space<semaphore_mem>>)
    %dma_start3A_32 = tpu.memref_slice %arg4[%multiple_of3A_29] : memref<320000xi32, #tpu.memory_space<hbm>> -> memref<128xi32, #tpu.memory_space<hbm>>
    %dma_start3A_33 = tpu.memref_slice %arg4[%multiple_of3A_29] : memref<320000xi32, #tpu.memory_space<hbm>> -> memref<128xi32, #tpu.memory_space<hbm>>
    tpu.enqueue_dma source(%dma_start3A_33 : memref<128xi32, #tpu.memory_space<hbm>>) target(%arg14 : memref<128xi32, #tpu.memory_space<vmem>>) target_semaphore(%arg20 : memref<!tpu.dma_semaphore, #tpu.memory_space<semaphore_mem>>)
    %dma_wait3A = arith.constant 0 : i32
    %dma_wait3A_34 = tpu.memref_slice %arg3[%dma_wait3A] : memref<320000xi32, #tpu.memory_space<hbm>> -> memref<128xi32, #tpu.memory_space<hbm>>
    %dma_wait3A_35 = arith.constant 0 : i32
    %dma_wait3A_36 = tpu.memref_slice %arg3[%dma_wait3A_35] : memref<320000xi32, #tpu.memory_space<hbm>> -> memref<128xi32, #tpu.memory_space<hbm>>
    tpu.wait_dma2 semaphore(%arg17 : memref<!tpu.dma_semaphore, #tpu.memory_space<semaphore_mem>>) src(%dma_wait3A_36 : memref<128xi32, #tpu.memory_space<hbm>>) dst(%arg7 : memref<128xi32, #tpu.memory_space<vmem>>)
    %dma_wait3A_37 = arith.constant 0 : i32
    %dma_wait3A_38 = tpu.memref_slice %arg4[%dma_wait3A_37] : memref<320000xi32, #tpu.memory_space<hbm>> -> memref<128xi32, #tpu.memory_space<hbm>>
    %dma_wait3A_39 = arith.constant 0 : i32
    %dma_wait3A_40 = tpu.memref_slice %arg4[%dma_wait3A_39] : memref<320000xi32, #tpu.memory_space<hbm>> -> memref<128xi32, #tpu.memory_space<hbm>>
    tpu.wait_dma2 semaphore(%arg17 : memref<!tpu.dma_semaphore, #tpu.memory_space<semaphore_mem>>) src(%dma_wait3A_40 : memref<128xi32, #tpu.memory_space<hbm>>) dst(%arg11 : memref<128xi32, #tpu.memory_space<vmem>>)
    %dma_start3A_41 = arith.constant 0 : i32
    %dma_start3A_42 = arith.constant 0 : i32
    %dma_start3A_43 = tpu.memref_slice %arg2[%dma_start3A_41, %dma_start3A_42] : memref<10000x128xf32, #tpu.memory_space<hbm>> -> memref<10000x128xf32, #tpu.memory_space<hbm>>
    tpu.enqueue_indirect_dma source(%dma_start3A_43 : memref<10000x128xf32, #tpu.memory_space<hbm>>) target(%arg15 : memref<128x128xf32, #tpu.memory_space<vmem>>) offsets(%arg7 : memref<128xi32, #tpu.memory_space<vmem>>) semaphore(%arg21 : memref<!tpu.dma_semaphore, #tpu.memory_space<semaphore_mem>>)
    %scan3A = arith.constant 0 : i32
    %scan3A_44 = arith.constant 17 : i32
    %scan3A_45 = arith.addi %scan3A, %scan3A_44 : i32
    %scan3A_46 = arith.constant 1 : i32
    scf.for %scan3A_228 = %scan3A to %scan3A_45 step %scan3A_46  : i32 {
      %mul3A_229 = arith.constant 1 : i32
      %mul3A_230 = arith.muli %scan3A_228, %mul3A_229 : i32
      %add3A_231 = arith.constant 0 : i32
      %add3A_232 = arith.addi %add3A_231, %mul3A_230 : i32
      %mul3A_233 = arith.constant 4 : i32
      %mul3A_234 = arith.muli %mul3A_233, %add3A_232 : i32
      %dma_wait3A_235 = arith.constant 0 : i32
      %dma_wait3A_236 = tpu.memref_slice %arg3[%dma_wait3A_235] : memref<320000xi32, #tpu.memory_space<hbm>> -> memref<128xi32, #tpu.memory_space<hbm>>
      %dma_wait3A_237 = arith.constant 0 : i32
      %dma_wait3A_238 = tpu.memref_slice %arg3[%dma_wait3A_237] : memref<320000xi32, #tpu.memory_space<hbm>> -> memref<128xi32, #tpu.memory_space<hbm>>
      tpu.wait_dma2 semaphore(%arg18 : memref<!tpu.dma_semaphore, #tpu.memory_space<semaphore_mem>>) src(%dma_wait3A_238 : memref<128xi32, #tpu.memory_space<hbm>>) dst(%arg8 : memref<128xi32, #tpu.memory_space<vmem>>)
      %dma_wait3A_239 = arith.constant 0 : i32
      %dma_wait3A_240 = tpu.memref_slice %arg4[%dma_wait3A_239] : memref<320000xi32, #tpu.memory_space<hbm>> -> memref<128xi32, #tpu.memory_space<hbm>>
      %dma_wait3A_241 = arith.constant 0 : i32
      %dma_wait3A_242 = tpu.memref_slice %arg4[%dma_wait3A_241] : memref<320000xi32, #tpu.memory_space<hbm>> -> memref<128xi32, #tpu.memory_space<hbm>>
      tpu.wait_dma2 semaphore(%arg18 : memref<!tpu.dma_semaphore, #tpu.memory_space<semaphore_mem>>) src(%dma_wait3A_242 : memref<128xi32, #tpu.memory_space<hbm>>) dst(%arg12 : memref<128xi32, #tpu.memory_space<vmem>>)
      %dma_start3A_243 = arith.constant 0 : i32
      %dma_start3A_244 = arith.constant 0 : i32
      %dma_start3A_245 = tpu.memref_slice %arg2[%dma_start3A_243, %dma_start3A_244] : memref<10000x128xf32, #tpu.memory_space<hbm>> -> memref<10000x128xf32, #tpu.memory_space<hbm>>
      tpu.enqueue_indirect_dma source(%dma_start3A_245 : memref<10000x128xf32, #tpu.memory_space<hbm>>) target(%arg16 : memref<128x128xf32, #tpu.memory_space<vmem>>) offsets(%arg8 : memref<128xi32, #tpu.memory_space<vmem>>) semaphore(%arg22 : memref<!tpu.dma_semaphore, #tpu.memory_space<semaphore_mem>>)
      %dma_wait3A_246 = arith.constant 0 : i32
      %dma_wait3A_247 = arith.constant 0 : i32
      %dma_wait3A_248 = tpu.memref_slice %arg2[%dma_wait3A_246, %dma_wait3A_247] : memref<10000x128xf32, #tpu.memory_space<hbm>> -> memref<10000x128xf32, #tpu.memory_space<hbm>>
      tpu.wait_indirect_dma semaphore(%arg21 : memref<!tpu.dma_semaphore, #tpu.memory_space<semaphore_mem>>) src(%dma_wait3A_248 : memref<10000x128xf32, #tpu.memory_space<hbm>>) dst(%arg15 : memref<128x128xf32, #tpu.memory_space<vmem>>)
      "tpu.region"() ({
        %run_scoped3A = tpu.sem_alloc : memref<!tpu.dma_semaphore, #tpu.memory_space<semaphore_mem>>
        %dma_start3A_339 = arith.constant 0 : i32
        %dma_start3A_340 = arith.constant 0 : i32
        %dma_start3A_341 = tpu.memref_slice %arg26[%dma_start3A_339, %dma_start3A_340] : memref<10000x128xf32, #tpu.memory_space<vmem_shared>> -> memref<10000x128xf32, #tpu.memory_space<vmem_shared>>
        tpu.enqueue_indirect_dma source(%arg15 : memref<128x128xf32, #tpu.memory_space<vmem>>) target(%dma_start3A_341 : memref<10000x128xf32, #tpu.memory_space<vmem_shared>>) offsets(%arg11 : memref<128xi32, #tpu.memory_space<vmem>>) semaphore(%run_scoped3A : memref<!tpu.dma_semaphore, #tpu.memory_space<semaphore_mem>>) {add = true}
        %dma_wait3A_342 = arith.constant 0 : i32
        %dma_wait3A_343 = arith.constant 0 : i32
        %dma_wait3A_344 = tpu.memref_slice %arg26[%dma_wait3A_342, %dma_wait3A_343] : memref<10000x128xf32, #tpu.memory_space<vmem_shared>> -> memref<10000x128xf32, #tpu.memory_space<vmem_shared>>
        tpu.wait_indirect_dma semaphore(%run_scoped3A : memref<!tpu.dma_semaphore, #tpu.memory_space<semaphore_mem>>) src(%arg15 : memref<128x128xf32, #tpu.memory_space<vmem>>) dst(%dma_wait3A_344 : memref<10000x128xf32, #tpu.memory_space<vmem_shared>>)
        tpu.yield
      }) : () -> ()
      %add3A_249 = arith.constant 0 : i32
      %add3A_250 = arith.addi %mul3A_234, %add3A_249 : i32
      %add3A_251 = arith.constant 4 : i32
      %add3A_252 = arith.addi %add3A_250, %add3A_251 : i32
      %mul3A_253 = arith.constant 128 : i32
      %mul3A_254 = arith.muli %add3A_252, %mul3A_253 : i32
      %add3A_255 = arith.addi %mul3A_6, %mul3A_254 : i32
      %multiple_of3A_256 = tpu.assume_multiple %add3A_255, 8 : i32
      %dma_start3A_257 = tpu.memref_slice %arg3[%multiple_of3A_256] : memref<320000xi32, #tpu.memory_space<hbm>> -> memref<128xi32, #tpu.memory_space<hbm>>
      %dma_start3A_258 = tpu.memref_slice %arg3[%multiple_of3A_256] : memref<320000xi32, #tpu.memory_space<hbm>> -> memref<128xi32, #tpu.memory_space<hbm>>
      tpu.enqueue_dma source(%dma_start3A_258 : memref<128xi32, #tpu.memory_space<hbm>>) target(%arg7 : memref<128xi32, #tpu.memory_space<vmem>>) target_semaphore(%arg17 : memref<!tpu.dma_semaphore, #tpu.memory_space<semaphore_mem>>)
      %dma_start3A_259 = tpu.memref_slice %arg4[%multiple_of3A_256] : memref<320000xi32, #tpu.memory_space<hbm>> -> memref<128xi32, #tpu.memory_space<hbm>>
      %dma_start3A_260 = tpu.memref_slice %arg4[%multiple_of3A_256] : memref<320000xi32, #tpu.memory_space<hbm>> -> memref<128xi32, #tpu.memory_space<hbm>>
      tpu.enqueue_dma source(%dma_start3A_260 : memref<128xi32, #tpu.memory_space<hbm>>) target(%arg11 : memref<128xi32, #tpu.memory_space<vmem>>) target_semaphore(%arg17 : memref<!tpu.dma_semaphore, #tpu.memory_space<semaphore_mem>>)
      %dma_wait3A_261 = arith.constant 0 : i32
      %dma_wait3A_262 = tpu.memref_slice %arg3[%dma_wait3A_261] : memref<320000xi32, #tpu.memory_space<hbm>> -> memref<128xi32, #tpu.memory_space<hbm>>
      %dma_wait3A_263 = arith.constant 0 : i32
      %dma_wait3A_264 = tpu.memref_slice %arg3[%dma_wait3A_263] : memref<320000xi32, #tpu.memory_space<hbm>> -> memref<128xi32, #tpu.memory_space<hbm>>
      tpu.wait_dma2 semaphore(%arg19 : memref<!tpu.dma_semaphore, #tpu.memory_space<semaphore_mem>>) src(%dma_wait3A_264 : memref<128xi32, #tpu.memory_space<hbm>>) dst(%arg9 : memref<128xi32, #tpu.memory_space<vmem>>)
      %dma_wait3A_265 = arith.constant 0 : i32
      %dma_wait3A_266 = tpu.memref_slice %arg4[%dma_wait3A_265] : memref<320000xi32, #tpu.memory_space<hbm>> -> memref<128xi32, #tpu.memory_space<hbm>>
      %dma_wait3A_267 = arith.constant 0 : i32
      %dma_wait3A_268 = tpu.memref_slice %arg4[%dma_wait3A_267] : memref<320000xi32, #tpu.memory_space<hbm>> -> memref<128xi32, #tpu.memory_space<hbm>>
      tpu.wait_dma2 semaphore(%arg19 : memref<!tpu.dma_semaphore, #tpu.memory_space<semaphore_mem>>) src(%dma_wait3A_268 : memref<128xi32, #tpu.memory_space<hbm>>) dst(%arg13 : memref<128xi32, #tpu.memory_space<vmem>>)
      %dma_start3A_269 = arith.constant 0 : i32
      %dma_start3A_270 = arith.constant 0 : i32
      %dma_start3A_271 = tpu.memref_slice %arg2[%dma_start3A_269, %dma_start3A_270] : memref<10000x128xf32, #tpu.memory_space<hbm>> -> memref<10000x128xf32, #tpu.memory_space<hbm>>
      tpu.enqueue_indirect_dma source(%dma_start3A_271 : memref<10000x128xf32, #tpu.memory_space<hbm>>) target(%arg15 : memref<128x128xf32, #tpu.memory_space<vmem>>) offsets(%arg9 : memref<128xi32, #tpu.memory_space<vmem>>) semaphore(%arg21 : memref<!tpu.dma_semaphore, #tpu.memory_space<semaphore_mem>>)
      %dma_wait3A_272 = arith.constant 0 : i32
      %dma_wait3A_273 = arith.constant 0 : i32
      %dma_wait3A_274 = tpu.memref_slice %arg2[%dma_wait3A_272, %dma_wait3A_273] : memref<10000x128xf32, #tpu.memory_space<hbm>> -> memref<10000x128xf32, #tpu.memory_space<hbm>>
      tpu.wait_indirect_dma semaphore(%arg22 : memref<!tpu.dma_semaphore, #tpu.memory_space<semaphore_mem>>) src(%dma_wait3A_274 : memref<10000x128xf32, #tpu.memory_space<hbm>>) dst(%arg16 : memref<128x128xf32, #tpu.memory_space<vmem>>)
      "tpu.region"() ({
        %run_scoped3A = tpu.sem_alloc : memref<!tpu.dma_semaphore, #tpu.memory_space<semaphore_mem>>
        %dma_start3A_339 = arith.constant 0 : i32
        %dma_start3A_340 = arith.constant 0 : i32
        %dma_start3A_341 = tpu.memref_slice %arg26[%dma_start3A_339, %dma_start3A_340] : memref<10000x128xf32, #tpu.memory_space<vmem_shared>> -> memref<10000x128xf32, #tpu.memory_space<vmem_shared>>
        tpu.enqueue_indirect_dma source(%arg16 : memref<128x128xf32, #tpu.memory_space<vmem>>) target(%dma_start3A_341 : memref<10000x128xf32, #tpu.memory_space<vmem_shared>>) offsets(%arg12 : memref<128xi32, #tpu.memory_space<vmem>>) semaphore(%run_scoped3A : memref<!tpu.dma_semaphore, #tpu.memory_space<semaphore_mem>>) {add = true}
        %dma_wait3A_342 = arith.constant 0 : i32
        %dma_wait3A_343 = arith.constant 0 : i32
        %dma_wait3A_344 = tpu.memref_slice %arg26[%dma_wait3A_342, %dma_wait3A_343] : memref<10000x128xf32, #tpu.memory_space<vmem_shared>> -> memref<10000x128xf32, #tpu.memory_space<vmem_shared>>
        tpu.wait_indirect_dma semaphore(%run_scoped3A : memref<!tpu.dma_semaphore, #tpu.memory_space<semaphore_mem>>) src(%arg16 : memref<128x128xf32, #tpu.memory_space<vmem>>) dst(%dma_wait3A_344 : memref<10000x128xf32, #tpu.memory_space<vmem_shared>>)
        tpu.yield
      }) : () -> ()
      %add3A_275 = arith.constant 1 : i32
      %add3A_276 = arith.addi %mul3A_234, %add3A_275 : i32
      %add3A_277 = arith.constant 4 : i32
      %add3A_278 = arith.addi %add3A_276, %add3A_277 : i32
      %mul3A_279 = arith.constant 128 : i32
      %mul3A_280 = arith.muli %add3A_278, %mul3A_279 : i32
      %add3A_281 = arith.addi %mul3A_6, %mul3A_280 : i32
      %multiple_of3A_282 = tpu.assume_multiple %add3A_281, 8 : i32
      %dma_start3A_283 = tpu.memref_slice %arg3[%multiple_of3A_282] : memref<320000xi32, #tpu.memory_space<hbm>> -> memref<128xi32, #tpu.memory_space<hbm>>
      %dma_start3A_284 = tpu.memref_slice %arg3[%multiple_of3A_282] : memref<320000xi32, #tpu.memory_space<hbm>> -> memref<128xi32, #tpu.memory_space<hbm>>
      tpu.enqueue_dma source(%dma_start3A_284 : memref<128xi32, #tpu.memory_space<hbm>>) target(%arg8 : memref<128xi32, #tpu.memory_space<vmem>>) target_semaphore(%arg18 : memref<!tpu.dma_semaphore, #tpu.memory_space<semaphore_mem>>)
      %dma_start3A_285 = tpu.memref_slice %arg4[%multiple_of3A_282] : memref<320000xi32, #tpu.memory_space<hbm>> -> memref<128xi32, #tpu.memory_space<hbm>>
      %dma_start3A_286 = tpu.memref_slice %arg4[%multiple_of3A_282] : memref<320000xi32, #tpu.memory_space<hbm>> -> memref<128xi32, #tpu.memory_space<hbm>>
      tpu.enqueue_dma source(%dma_start3A_286 : memref<128xi32, #tpu.memory_space<hbm>>) target(%arg12 : memref<128xi32, #tpu.memory_space<vmem>>) target_semaphore(%arg18 : memref<!tpu.dma_semaphore, #tpu.memory_space<semaphore_mem>>)
      %dma_wait3A_287 = arith.constant 0 : i32
      %dma_wait3A_288 = tpu.memref_slice %arg3[%dma_wait3A_287] : memref<320000xi32, #tpu.memory_space<hbm>> -> memref<128xi32, #tpu.memory_space<hbm>>
      %dma_wait3A_289 = arith.constant 0 : i32
      %dma_wait3A_290 = tpu.memref_slice %arg3[%dma_wait3A_289] : memref<320000xi32, #tpu.memory_space<hbm>> -> memref<128xi32, #tpu.memory_space<hbm>>
      tpu.wait_dma2 semaphore(%arg20 : memref<!tpu.dma_semaphore, #tpu.memory_space<semaphore_mem>>) src(%dma_wait3A_290 : memref<128xi32, #tpu.memory_space<hbm>>) dst(%arg10 : memref<128xi32, #tpu.memory_space<vmem>>)
      %dma_wait3A_291 = arith.constant 0 : i32
      %dma_wait3A_292 = tpu.memref_slice %arg4[%dma_wait3A_291] : memref<320000xi32, #tpu.memory_space<hbm>> -> memref<128xi32, #tpu.memory_space<hbm>>
      %dma_wait3A_293 = arith.constant 0 : i32
      %dma_wait3A_294 = tpu.memref_slice %arg4[%dma_wait3A_293] : memref<320000xi32, #tpu.memory_space<hbm>> -> memref<128xi32, #tpu.memory_space<hbm>>
      tpu.wait_dma2 semaphore(%arg20 : memref<!tpu.dma_semaphore, #tpu.memory_space<semaphore_mem>>) src(%dma_wait3A_294 : memref<128xi32, #tpu.memory_space<hbm>>) dst(%arg14 : memref<128xi32, #tpu.memory_space<vmem>>)
      %dma_start3A_295 = arith.constant 0 : i32
      %dma_start3A_296 = arith.constant 0 : i32
      %dma_start3A_297 = tpu.memref_slice %arg2[%dma_start3A_295, %dma_start3A_296] : memref<10000x128xf32, #tpu.memory_space<hbm>> -> memref<10000x128xf32, #tpu.memory_space<hbm>>
      tpu.enqueue_indirect_dma source(%dma_start3A_297 : memref<10000x128xf32, #tpu.memory_space<hbm>>) target(%arg16 : memref<128x128xf32, #tpu.memory_space<vmem>>) offsets(%arg10 : memref<128xi32, #tpu.memory_space<vmem>>) semaphore(%arg22 : memref<!tpu.dma_semaphore, #tpu.memory_space<semaphore_mem>>)
      %dma_wait3A_298 = arith.constant 0 : i32
      %dma_wait3A_299 = arith.constant 0 : i32
      %dma_wait3A_300 = tpu.memref_slice %arg2[%dma_wait3A_298, %dma_wait3A_299] : memref<10000x128xf32, #tpu.memory_space<hbm>> -> memref<10000x128xf32, #tpu.memory_space<hbm>>
      tpu.wait_indirect_dma semaphore(%arg21 : memref<!tpu.dma_semaphore, #tpu.memory_space<semaphore_mem>>) src(%dma_wait3A_300 : memref<10000x128xf32, #tpu.memory_space<hbm>>) dst(%arg15 : memref<128x128xf32, #tpu.memory_space<vmem>>)
      "tpu.region"() ({
        %run_scoped3A = tpu.sem_alloc : memref<!tpu.dma_semaphore, #tpu.memory_space<semaphore_mem>>
        %dma_start3A_339 = arith.constant 0 : i32
        %dma_start3A_340 = arith.constant 0 : i32
        %dma_start3A_341 = tpu.memref_slice %arg26[%dma_start3A_339, %dma_start3A_340] : memref<10000x128xf32, #tpu.memory_space<vmem_shared>> -> memref<10000x128xf32, #tpu.memory_space<vmem_shared>>
        tpu.enqueue_indirect_dma source(%arg15 : memref<128x128xf32, #tpu.memory_space<vmem>>) target(%dma_start3A_341 : memref<10000x128xf32, #tpu.memory_space<vmem_shared>>) offsets(%arg13 : memref<128xi32, #tpu.memory_space<vmem>>) semaphore(%run_scoped3A : memref<!tpu.dma_semaphore, #tpu.memory_space<semaphore_mem>>) {add = true}
        %dma_wait3A_342 = arith.constant 0 : i32
        %dma_wait3A_343 = arith.constant 0 : i32
        %dma_wait3A_344 = tpu.memref_slice %arg26[%dma_wait3A_342, %dma_wait3A_343] : memref<10000x128xf32, #tpu.memory_space<vmem_shared>> -> memref<10000x128xf32, #tpu.memory_space<vmem_shared>>
        tpu.wait_indirect_dma semaphore(%run_scoped3A : memref<!tpu.dma_semaphore, #tpu.memory_space<semaphore_mem>>) src(%arg15 : memref<128x128xf32, #tpu.memory_space<vmem>>) dst(%dma_wait3A_344 : memref<10000x128xf32, #tpu.memory_space<vmem_shared>>)
        tpu.yield
      }) : () -> ()
      %add3A_301 = arith.constant 2 : i32
      %add3A_302 = arith.addi %mul3A_234, %add3A_301 : i32
      %add3A_303 = arith.constant 4 : i32
      %add3A_304 = arith.addi %add3A_302, %add3A_303 : i32
      %mul3A_305 = arith.constant 128 : i32
      %mul3A_306 = arith.muli %add3A_304, %mul3A_305 : i32
      %add3A_307 = arith.addi %mul3A_6, %mul3A_306 : i32
      %multiple_of3A_308 = tpu.assume_multiple %add3A_307, 8 : i32
      %dma_start3A_309 = tpu.memref_slice %arg3[%multiple_of3A_308] : memref<320000xi32, #tpu.memory_space<hbm>> -> memref<128xi32, #tpu.memory_space<hbm>>
      %dma_start3A_310 = tpu.memref_slice %arg3[%multiple_of3A_308] : memref<320000xi32, #tpu.memory_space<hbm>> -> memref<128xi32, #tpu.memory_space<hbm>>
      tpu.enqueue_dma source(%dma_start3A_310 : memref<128xi32, #tpu.memory_space<hbm>>) target(%arg9 : memref<128xi32, #tpu.memory_space<vmem>>) target_semaphore(%arg19 : memref<!tpu.dma_semaphore, #tpu.memory_space<semaphore_mem>>)
      %dma_start3A_311 = tpu.memref_slice %arg4[%multiple_of3A_308] : memref<320000xi32, #tpu.memory_space<hbm>> -> memref<128xi32, #tpu.memory_space<hbm>>
      %dma_start3A_312 = tpu.memref_slice %arg4[%multiple_of3A_308] : memref<320000xi32, #tpu.memory_space<hbm>> -> memref<128xi32, #tpu.memory_space<hbm>>
      tpu.enqueue_dma source(%dma_start3A_312 : memref<128xi32, #tpu.memory_space<hbm>>) target(%arg13 : memref<128xi32, #tpu.memory_space<vmem>>) target_semaphore(%arg19 : memref<!tpu.dma_semaphore, #tpu.memory_space<semaphore_mem>>)
      %dma_wait3A_313 = arith.constant 0 : i32
      %dma_wait3A_314 = tpu.memref_slice %arg3[%dma_wait3A_313] : memref<320000xi32, #tpu.memory_space<hbm>> -> memref<128xi32, #tpu.memory_space<hbm>>
      %dma_wait3A_315 = arith.constant 0 : i32
      %dma_wait3A_316 = tpu.memref_slice %arg3[%dma_wait3A_315] : memref<320000xi32, #tpu.memory_space<hbm>> -> memref<128xi32, #tpu.memory_space<hbm>>
      tpu.wait_dma2 semaphore(%arg17 : memref<!tpu.dma_semaphore, #tpu.memory_space<semaphore_mem>>) src(%dma_wait3A_316 : memref<128xi32, #tpu.memory_space<hbm>>) dst(%arg7 : memref<128xi32, #tpu.memory_space<vmem>>)
      %dma_wait3A_317 = arith.constant 0 : i32
      %dma_wait3A_318 = tpu.memref_slice %arg4[%dma_wait3A_317] : memref<320000xi32, #tpu.memory_space<hbm>> -> memref<128xi32, #tpu.memory_space<hbm>>
      %dma_wait3A_319 = arith.constant 0 : i32
      %dma_wait3A_320 = tpu.memref_slice %arg4[%dma_wait3A_319] : memref<320000xi32, #tpu.memory_space<hbm>> -> memref<128xi32, #tpu.memory_space<hbm>>
      tpu.wait_dma2 semaphore(%arg17 : memref<!tpu.dma_semaphore, #tpu.memory_space<semaphore_mem>>) src(%dma_wait3A_320 : memref<128xi32, #tpu.memory_space<hbm>>) dst(%arg11 : memref<128xi32, #tpu.memory_space<vmem>>)
      %dma_start3A_321 = arith.constant 0 : i32
      %dma_start3A_322 = arith.constant 0 : i32
      %dma_start3A_323 = tpu.memref_slice %arg2[%dma_start3A_321, %dma_start3A_322] : memref<10000x128xf32, #tpu.memory_space<hbm>> -> memref<10000x128xf32, #tpu.memory_space<hbm>>
      tpu.enqueue_indirect_dma source(%dma_start3A_323 : memref<10000x128xf32, #tpu.memory_space<hbm>>) target(%arg15 : memref<128x128xf32, #tpu.memory_space<vmem>>) offsets(%arg7 : memref<128xi32, #tpu.memory_space<vmem>>) semaphore(%arg21 : memref<!tpu.dma_semaphore, #tpu.memory_space<semaphore_mem>>)
      %dma_wait3A_324 = arith.constant 0 : i32
      %dma_wait3A_325 = arith.constant 0 : i32
      %dma_wait3A_326 = tpu.memref_slice %arg2[%dma_wait3A_324, %dma_wait3A_325] : memref<10000x128xf32, #tpu.memory_space<hbm>> -> memref<10000x128xf32, #tpu.memory_space<hbm>>
      tpu.wait_indirect_dma semaphore(%arg22 : memref<!tpu.dma_semaphore, #tpu.memory_space<semaphore_mem>>) src(%dma_wait3A_326 : memref<10000x128xf32, #tpu.memory_space<hbm>>) dst(%arg16 : memref<128x128xf32, #tpu.memory_space<vmem>>)
      "tpu.region"() ({
        %run_scoped3A = tpu.sem_alloc : memref<!tpu.dma_semaphore, #tpu.memory_space<semaphore_mem>>
        %dma_start3A_339 = arith.constant 0 : i32
        %dma_start3A_340 = arith.constant 0 : i32
        %dma_start3A_341 = tpu.memref_slice %arg26[%dma_start3A_339, %dma_start3A_340] : memref<10000x128xf32, #tpu.memory_space<vmem_shared>> -> memref<10000x128xf32, #tpu.memory_space<vmem_shared>>
        tpu.enqueue_indirect_dma source(%arg16 : memref<128x128xf32, #tpu.memory_space<vmem>>) target(%dma_start3A_341 : memref<10000x128xf32, #tpu.memory_space<vmem_shared>>) offsets(%arg14 : memref<128xi32, #tpu.memory_space<vmem>>) semaphore(%run_scoped3A : memref<!tpu.dma_semaphore, #tpu.memory_space<semaphore_mem>>) {add = true}
        %dma_wait3A_342 = arith.constant 0 : i32
        %dma_wait3A_343 = arith.constant 0 : i32
        %dma_wait3A_344 = tpu.memref_slice %arg26[%dma_wait3A_342, %dma_wait3A_343] : memref<10000x128xf32, #tpu.memory_space<vmem_shared>> -> memref<10000x128xf32, #tpu.memory_space<vmem_shared>>
        tpu.wait_indirect_dma semaphore(%run_scoped3A : memref<!tpu.dma_semaphore, #tpu.memory_space<semaphore_mem>>) src(%arg16 : memref<128x128xf32, #tpu.memory_space<vmem>>) dst(%dma_wait3A_344 : memref<10000x128xf32, #tpu.memory_space<vmem_shared>>)
        tpu.yield
      }) : () -> ()
      %add3A_327 = arith.constant 3 : i32
      %add3A_328 = arith.addi %mul3A_234, %add3A_327 : i32
      %add3A_329 = arith.constant 4 : i32
      %add3A_330 = arith.addi %add3A_328, %add3A_329 : i32
      %mul3A_331 = arith.constant 128 : i32
      %mul3A_332 = arith.muli %add3A_330, %mul3A_331 : i32
      %add3A_333 = arith.addi %mul3A_6, %mul3A_332 : i32
      %multiple_of3A_334 = tpu.assume_multiple %add3A_333, 8 : i32
      %dma_start3A_335 = tpu.memref_slice %arg3[%multiple_of3A_334] : memref<320000xi32, #tpu.memory_space<hbm>> -> memref<128xi32, #tpu.memory_space<hbm>>
      %dma_start3A_336 = tpu.memref_slice %arg3[%multiple_of3A_334] : memref<320000xi32, #tpu.memory_space<hbm>> -> memref<128xi32, #tpu.memory_space<hbm>>
      tpu.enqueue_dma source(%dma_start3A_336 : memref<128xi32, #tpu.memory_space<hbm>>) target(%arg10 : memref<128xi32, #tpu.memory_space<vmem>>) target_semaphore(%arg20 : memref<!tpu.dma_semaphore, #tpu.memory_space<semaphore_mem>>)
      %dma_start3A_337 = tpu.memref_slice %arg4[%multiple_of3A_334] : memref<320000xi32, #tpu.memory_space<hbm>> -> memref<128xi32, #tpu.memory_space<hbm>>
      %dma_start3A_338 = tpu.memref_slice %arg4[%multiple_of3A_334] : memref<320000xi32, #tpu.memory_space<hbm>> -> memref<128xi32, #tpu.memory_space<hbm>>
      tpu.enqueue_dma source(%dma_start3A_338 : memref<128xi32, #tpu.memory_space<hbm>>) target(%arg14 : memref<128xi32, #tpu.memory_space<vmem>>) target_semaphore(%arg20 : memref<!tpu.dma_semaphore, #tpu.memory_space<semaphore_mem>>)
    }
    %scan3A_47 = arith.constant 17 : i32
    %dma_wait3A_48 = arith.constant 0 : i32
    %dma_wait3A_49 = tpu.memref_slice %arg3[%dma_wait3A_48] : memref<320000xi32, #tpu.memory_space<hbm>> -> memref<128xi32, #tpu.memory_space<hbm>>
    %dma_wait3A_50 = arith.constant 0 : i32
    %dma_wait3A_51 = tpu.memref_slice %arg3[%dma_wait3A_50] : memref<320000xi32, #tpu.memory_space<hbm>> -> memref<128xi32, #tpu.memory_space<hbm>>
    tpu.wait_dma2 semaphore(%arg18 : memref<!tpu.dma_semaphore, #tpu.memory_space<semaphore_mem>>) src(%dma_wait3A_51 : memref<128xi32, #tpu.memory_space<hbm>>) dst(%arg8 : memref<128xi32, #tpu.memory_space<vmem>>)
    %dma_wait3A_52 = arith.constant 0 : i32
    %dma_wait3A_53 = tpu.memref_slice %arg4[%dma_wait3A_52] : memref<320000xi32, #tpu.memory_space<hbm>> -> memref<128xi32, #tpu.memory_space<hbm>>
    %dma_wait3A_54 = arith.constant 0 : i32
    %dma_wait3A_55 = tpu.memref_slice %arg4[%dma_wait3A_54] : memref<320000xi32, #tpu.memory_space<hbm>> -> memref<128xi32, #tpu.memory_space<hbm>>
    tpu.wait_dma2 semaphore(%arg18 : memref<!tpu.dma_semaphore, #tpu.memory_space<semaphore_mem>>) src(%dma_wait3A_55 : memref<128xi32, #tpu.memory_space<hbm>>) dst(%arg12 : memref<128xi32, #tpu.memory_space<vmem>>)
    %dma_start3A_56 = arith.constant 0 : i32
    %dma_start3A_57 = arith.constant 0 : i32
    %dma_start3A_58 = tpu.memref_slice %arg2[%dma_start3A_56, %dma_start3A_57] : memref<10000x128xf32, #tpu.memory_space<hbm>> -> memref<10000x128xf32, #tpu.memory_space<hbm>>
    tpu.enqueue_indirect_dma source(%dma_start3A_58 : memref<10000x128xf32, #tpu.memory_space<hbm>>) target(%arg16 : memref<128x128xf32, #tpu.memory_space<vmem>>) offsets(%arg8 : memref<128xi32, #tpu.memory_space<vmem>>) semaphore(%arg22 : memref<!tpu.dma_semaphore, #tpu.memory_space<semaphore_mem>>)
    %dma_wait3A_59 = arith.constant 0 : i32
    %dma_wait3A_60 = arith.constant 0 : i32
    %dma_wait3A_61 = tpu.memref_slice %arg2[%dma_wait3A_59, %dma_wait3A_60] : memref<10000x128xf32, #tpu.memory_space<hbm>> -> memref<10000x128xf32, #tpu.memory_space<hbm>>
    tpu.wait_indirect_dma semaphore(%arg21 : memref<!tpu.dma_semaphore, #tpu.memory_space<semaphore_mem>>) src(%dma_wait3A_61 : memref<10000x128xf32, #tpu.memory_space<hbm>>) dst(%arg15 : memref<128x128xf32, #tpu.memory_space<vmem>>)
    "tpu.region"() ({
      %run_scoped3A = tpu.sem_alloc : memref<!tpu.dma_semaphore, #tpu.memory_space<semaphore_mem>>
      %dma_start3A_228 = arith.constant 0 : i32
      %dma_start3A_229 = arith.constant 0 : i32
      %dma_start3A_230 = tpu.memref_slice %arg26[%dma_start3A_228, %dma_start3A_229] : memref<10000x128xf32, #tpu.memory_space<vmem_shared>> -> memref<10000x128xf32, #tpu.memory_space<vmem_shared>>
      tpu.enqueue_indirect_dma source(%arg15 : memref<128x128xf32, #tpu.memory_space<vmem>>) target(%dma_start3A_230 : memref<10000x128xf32, #tpu.memory_space<vmem_shared>>) offsets(%arg11 : memref<128xi32, #tpu.memory_space<vmem>>) semaphore(%run_scoped3A : memref<!tpu.dma_semaphore, #tpu.memory_space<semaphore_mem>>) {add = true}
      %dma_wait3A_231 = arith.constant 0 : i32
      %dma_wait3A_232 = arith.constant 0 : i32
      %dma_wait3A_233 = tpu.memref_slice %arg26[%dma_wait3A_231, %dma_wait3A_232] : memref<10000x128xf32, #tpu.memory_space<vmem_shared>> -> memref<10000x128xf32, #tpu.memory_space<vmem_shared>>
      tpu.wait_indirect_dma semaphore(%run_scoped3A : memref<!tpu.dma_semaphore, #tpu.memory_space<semaphore_mem>>) src(%arg15 : memref<128x128xf32, #tpu.memory_space<vmem>>) dst(%dma_wait3A_233 : memref<10000x128xf32, #tpu.memory_space<vmem_shared>>)
      tpu.yield
    }) : () -> ()
    %add3A_62 = arith.constant 9216 : i32
    %add3A_63 = arith.addi %mul3A_6, %add3A_62 : i32
    %multiple_of3A_64 = tpu.assume_multiple %add3A_63, 8 : i32
    %dma_start3A_65 = tpu.memref_slice %arg3[%multiple_of3A_64] : memref<320000xi32, #tpu.memory_space<hbm>> -> memref<128xi32, #tpu.memory_space<hbm>>
    %dma_start3A_66 = tpu.memref_slice %arg3[%multiple_of3A_64] : memref<320000xi32, #tpu.memory_space<hbm>> -> memref<128xi32, #tpu.memory_space<hbm>>
    tpu.enqueue_dma source(%dma_start3A_66 : memref<128xi32, #tpu.memory_space<hbm>>) target(%arg7 : memref<128xi32, #tpu.memory_space<vmem>>) target_semaphore(%arg17 : memref<!tpu.dma_semaphore, #tpu.memory_space<semaphore_mem>>)
    %dma_start3A_67 = tpu.memref_slice %arg4[%multiple_of3A_64] : memref<320000xi32, #tpu.memory_space<hbm>> -> memref<128xi32, #tpu.memory_space<hbm>>
    %dma_start3A_68 = tpu.memref_slice %arg4[%multiple_of3A_64] : memref<320000xi32, #tpu.memory_space<hbm>> -> memref<128xi32, #tpu.memory_space<hbm>>
    tpu.enqueue_dma source(%dma_start3A_68 : memref<128xi32, #tpu.memory_space<hbm>>) target(%arg11 : memref<128xi32, #tpu.memory_space<vmem>>) target_semaphore(%arg17 : memref<!tpu.dma_semaphore, #tpu.memory_space<semaphore_mem>>)
    %dma_wait3A_69 = arith.constant 0 : i32
    %dma_wait3A_70 = tpu.memref_slice %arg3[%dma_wait3A_69] : memref<320000xi32, #tpu.memory_space<hbm>> -> memref<128xi32, #tpu.memory_space<hbm>>
    %dma_wait3A_71 = arith.constant 0 : i32
    %dma_wait3A_72 = tpu.memref_slice %arg3[%dma_wait3A_71] : memref<320000xi32, #tpu.memory_space<hbm>> -> memref<128xi32, #tpu.memory_space<hbm>>
    tpu.wait_dma2 semaphore(%arg19 : memref<!tpu.dma_semaphore, #tpu.memory_space<semaphore_mem>>) src(%dma_wait3A_72 : memref<128xi32, #tpu.memory_space<hbm>>) dst(%arg9 : memref<128xi32, #tpu.memory_space<vmem>>)
    %dma_wait3A_73 = arith.constant 0 : i32
    %dma_wait3A_74 = tpu.memref_slice %arg4[%dma_wait3A_73] : memref<320000xi32, #tpu.memory_space<hbm>> -> memref<128xi32, #tpu.memory_space<hbm>>
    %dma_wait3A_75 = arith.constant 0 : i32
    %dma_wait3A_76 = tpu.memref_slice %arg4[%dma_wait3A_75] : memref<320000xi32, #tpu.memory_space<hbm>> -> memref<128xi32, #tpu.memory_space<hbm>>
    tpu.wait_dma2 semaphore(%arg19 : memref<!tpu.dma_semaphore, #tpu.memory_space<semaphore_mem>>) src(%dma_wait3A_76 : memref<128xi32, #tpu.memory_space<hbm>>) dst(%arg13 : memref<128xi32, #tpu.memory_space<vmem>>)
    %dma_start3A_77 = arith.constant 0 : i32
    %dma_start3A_78 = arith.constant 0 : i32
    %dma_start3A_79 = tpu.memref_slice %arg2[%dma_start3A_77, %dma_start3A_78] : memref<10000x128xf32, #tpu.memory_space<hbm>> -> memref<10000x128xf32, #tpu.memory_space<hbm>>
    tpu.enqueue_indirect_dma source(%dma_start3A_79 : memref<10000x128xf32, #tpu.memory_space<hbm>>) target(%arg15 : memref<128x128xf32, #tpu.memory_space<vmem>>) offsets(%arg9 : memref<128xi32, #tpu.memory_space<vmem>>) semaphore(%arg21 : memref<!tpu.dma_semaphore, #tpu.memory_space<semaphore_mem>>)
    %dma_wait3A_80 = arith.constant 0 : i32
    %dma_wait3A_81 = arith.constant 0 : i32
    %dma_wait3A_82 = tpu.memref_slice %arg2[%dma_wait3A_80, %dma_wait3A_81] : memref<10000x128xf32, #tpu.memory_space<hbm>> -> memref<10000x128xf32, #tpu.memory_space<hbm>>
    tpu.wait_indirect_dma semaphore(%arg22 : memref<!tpu.dma_semaphore, #tpu.memory_space<semaphore_mem>>) src(%dma_wait3A_82 : memref<10000x128xf32, #tpu.memory_space<hbm>>) dst(%arg16 : memref<128x128xf32, #tpu.memory_space<vmem>>)
    "tpu.region"() ({
      %run_scoped3A = tpu.sem_alloc : memref<!tpu.dma_semaphore, #tpu.memory_space<semaphore_mem>>
      %dma_start3A_228 = arith.constant 0 : i32
      %dma_start3A_229 = arith.constant 0 : i32
      %dma_start3A_230 = tpu.memref_slice %arg26[%dma_start3A_228, %dma_start3A_229] : memref<10000x128xf32, #tpu.memory_space<vmem_shared>> -> memref<10000x128xf32, #tpu.memory_space<vmem_shared>>
      tpu.enqueue_indirect_dma source(%arg16 : memref<128x128xf32, #tpu.memory_space<vmem>>) target(%dma_start3A_230 : memref<10000x128xf32, #tpu.memory_space<vmem_shared>>) offsets(%arg12 : memref<128xi32, #tpu.memory_space<vmem>>) semaphore(%run_scoped3A : memref<!tpu.dma_semaphore, #tpu.memory_space<semaphore_mem>>) {add = true}
      %dma_wait3A_231 = arith.constant 0 : i32
      %dma_wait3A_232 = arith.constant 0 : i32
      %dma_wait3A_233 = tpu.memref_slice %arg26[%dma_wait3A_231, %dma_wait3A_232] : memref<10000x128xf32, #tpu.memory_space<vmem_shared>> -> memref<10000x128xf32, #tpu.memory_space<vmem_shared>>
      tpu.wait_indirect_dma semaphore(%run_scoped3A : memref<!tpu.dma_semaphore, #tpu.memory_space<semaphore_mem>>) src(%arg16 : memref<128x128xf32, #tpu.memory_space<vmem>>) dst(%dma_wait3A_233 : memref<10000x128xf32, #tpu.memory_space<vmem_shared>>)
      tpu.yield
    }) : () -> ()
    %add3A_83 = arith.constant 9344 : i32
    %add3A_84 = arith.addi %mul3A_6, %add3A_83 : i32
    %multiple_of3A_85 = tpu.assume_multiple %add3A_84, 8 : i32
    %dma_start3A_86 = tpu.memref_slice %arg3[%multiple_of3A_85] : memref<320000xi32, #tpu.memory_space<hbm>> -> memref<128xi32, #tpu.memory_space<hbm>>
    %dma_start3A_87 = tpu.memref_slice %arg3[%multiple_of3A_85] : memref<320000xi32, #tpu.memory_space<hbm>> -> memref<128xi32, #tpu.memory_space<hbm>>
    tpu.enqueue_dma source(%dma_start3A_87 : memref<128xi32, #tpu.memory_space<hbm>>) target(%arg8 : memref<128xi32, #tpu.memory_space<vmem>>) target_semaphore(%arg18 : memref<!tpu.dma_semaphore, #tpu.memory_space<semaphore_mem>>)
    %dma_start3A_88 = tpu.memref_slice %arg4[%multiple_of3A_85] : memref<320000xi32, #tpu.memory_space<hbm>> -> memref<128xi32, #tpu.memory_space<hbm>>
    %dma_start3A_89 = tpu.memref_slice %arg4[%multiple_of3A_85] : memref<320000xi32, #tpu.memory_space<hbm>> -> memref<128xi32, #tpu.memory_space<hbm>>
    tpu.enqueue_dma source(%dma_start3A_89 : memref<128xi32, #tpu.memory_space<hbm>>) target(%arg12 : memref<128xi32, #tpu.memory_space<vmem>>) target_semaphore(%arg18 : memref<!tpu.dma_semaphore, #tpu.memory_space<semaphore_mem>>)
    %dma_wait3A_90 = arith.constant 0 : i32
    %dma_wait3A_91 = tpu.memref_slice %arg3[%dma_wait3A_90] : memref<320000xi32, #tpu.memory_space<hbm>> -> memref<128xi32, #tpu.memory_space<hbm>>
    %dma_wait3A_92 = arith.constant 0 : i32
    %dma_wait3A_93 = tpu.memref_slice %arg3[%dma_wait3A_92] : memref<320000xi32, #tpu.memory_space<hbm>> -> memref<128xi32, #tpu.memory_space<hbm>>
    tpu.wait_dma2 semaphore(%arg20 : memref<!tpu.dma_semaphore, #tpu.memory_space<semaphore_mem>>) src(%dma_wait3A_93 : memref<128xi32, #tpu.memory_space<hbm>>) dst(%arg10 : memref<128xi32, #tpu.memory_space<vmem>>)
    %dma_wait3A_94 = arith.constant 0 : i32
    %dma_wait3A_95 = tpu.memref_slice %arg4[%dma_wait3A_94] : memref<320000xi32, #tpu.memory_space<hbm>> -> memref<128xi32, #tpu.memory_space<hbm>>
    %dma_wait3A_96 = arith.constant 0 : i32
    %dma_wait3A_97 = tpu.memref_slice %arg4[%dma_wait3A_96] : memref<320000xi32, #tpu.memory_space<hbm>> -> memref<128xi32, #tpu.memory_space<hbm>>
    tpu.wait_dma2 semaphore(%arg20 : memref<!tpu.dma_semaphore, #tpu.memory_space<semaphore_mem>>) src(%dma_wait3A_97 : memref<128xi32, #tpu.memory_space<hbm>>) dst(%arg14 : memref<128xi32, #tpu.memory_space<vmem>>)
    %dma_start3A_98 = arith.constant 0 : i32
    %dma_start3A_99 = arith.constant 0 : i32
    %dma_start3A_100 = tpu.memref_slice %arg2[%dma_start3A_98, %dma_start3A_99] : memref<10000x128xf32, #tpu.memory_space<hbm>> -> memref<10000x128xf32, #tpu.memory_space<hbm>>
    tpu.enqueue_indirect_dma source(%dma_start3A_100 : memref<10000x128xf32, #tpu.memory_space<hbm>>) target(%arg16 : memref<128x128xf32, #tpu.memory_space<vmem>>) offsets(%arg10 : memref<128xi32, #tpu.memory_space<vmem>>) semaphore(%arg22 : memref<!tpu.dma_semaphore, #tpu.memory_space<semaphore_mem>>)
    %dma_wait3A_101 = arith.constant 0 : i32
    %dma_wait3A_102 = arith.constant 0 : i32
    %dma_wait3A_103 = tpu.memref_slice %arg2[%dma_wait3A_101, %dma_wait3A_102] : memref<10000x128xf32, #tpu.memory_space<hbm>> -> memref<10000x128xf32, #tpu.memory_space<hbm>>
    tpu.wait_indirect_dma semaphore(%arg21 : memref<!tpu.dma_semaphore, #tpu.memory_space<semaphore_mem>>) src(%dma_wait3A_103 : memref<10000x128xf32, #tpu.memory_space<hbm>>) dst(%arg15 : memref<128x128xf32, #tpu.memory_space<vmem>>)
    "tpu.region"() ({
      %run_scoped3A = tpu.sem_alloc : memref<!tpu.dma_semaphore, #tpu.memory_space<semaphore_mem>>
      %dma_start3A_228 = arith.constant 0 : i32
      %dma_start3A_229 = arith.constant 0 : i32
      %dma_start3A_230 = tpu.memref_slice %arg26[%dma_start3A_228, %dma_start3A_229] : memref<10000x128xf32, #tpu.memory_space<vmem_shared>> -> memref<10000x128xf32, #tpu.memory_space<vmem_shared>>
      tpu.enqueue_indirect_dma source(%arg15 : memref<128x128xf32, #tpu.memory_space<vmem>>) target(%dma_start3A_230 : memref<10000x128xf32, #tpu.memory_space<vmem_shared>>) offsets(%arg13 : memref<128xi32, #tpu.memory_space<vmem>>) semaphore(%run_scoped3A : memref<!tpu.dma_semaphore, #tpu.memory_space<semaphore_mem>>) {add = true}
      %dma_wait3A_231 = arith.constant 0 : i32
      %dma_wait3A_232 = arith.constant 0 : i32
      %dma_wait3A_233 = tpu.memref_slice %arg26[%dma_wait3A_231, %dma_wait3A_232] : memref<10000x128xf32, #tpu.memory_space<vmem_shared>> -> memref<10000x128xf32, #tpu.memory_space<vmem_shared>>
      tpu.wait_indirect_dma semaphore(%run_scoped3A : memref<!tpu.dma_semaphore, #tpu.memory_space<semaphore_mem>>) src(%arg15 : memref<128x128xf32, #tpu.memory_space<vmem>>) dst(%dma_wait3A_233 : memref<10000x128xf32, #tpu.memory_space<vmem_shared>>)
      tpu.yield
    }) : () -> ()
    %add3A_104 = arith.constant 9472 : i32
    %add3A_105 = arith.addi %mul3A_6, %add3A_104 : i32
    %multiple_of3A_106 = tpu.assume_multiple %add3A_105, 8 : i32
    %dma_start3A_107 = tpu.memref_slice %arg3[%multiple_of3A_106] : memref<320000xi32, #tpu.memory_space<hbm>> -> memref<128xi32, #tpu.memory_space<hbm>>
    %dma_start3A_108 = tpu.memref_slice %arg3[%multiple_of3A_106] : memref<320000xi32, #tpu.memory_space<hbm>> -> memref<128xi32, #tpu.memory_space<hbm>>
    tpu.enqueue_dma source(%dma_start3A_108 : memref<128xi32, #tpu.memory_space<hbm>>) target(%arg9 : memref<128xi32, #tpu.memory_space<vmem>>) target_semaphore(%arg19 : memref<!tpu.dma_semaphore, #tpu.memory_space<semaphore_mem>>)
    %dma_start3A_109 = tpu.memref_slice %arg4[%multiple_of3A_106] : memref<320000xi32, #tpu.memory_space<hbm>> -> memref<128xi32, #tpu.memory_space<hbm>>
    %dma_start3A_110 = tpu.memref_slice %arg4[%multiple_of3A_106] : memref<320000xi32, #tpu.memory_space<hbm>> -> memref<128xi32, #tpu.memory_space<hbm>>
    tpu.enqueue_dma source(%dma_start3A_110 : memref<128xi32, #tpu.memory_space<hbm>>) target(%arg13 : memref<128xi32, #tpu.memory_space<vmem>>) target_semaphore(%arg19 : memref<!tpu.dma_semaphore, #tpu.memory_space<semaphore_mem>>)
    %dma_wait3A_111 = arith.constant 0 : i32
    %dma_wait3A_112 = tpu.memref_slice %arg3[%dma_wait3A_111] : memref<320000xi32, #tpu.memory_space<hbm>> -> memref<128xi32, #tpu.memory_space<hbm>>
    %dma_wait3A_113 = arith.constant 0 : i32
    %dma_wait3A_114 = tpu.memref_slice %arg3[%dma_wait3A_113] : memref<320000xi32, #tpu.memory_space<hbm>> -> memref<128xi32, #tpu.memory_space<hbm>>
    tpu.wait_dma2 semaphore(%arg17 : memref<!tpu.dma_semaphore, #tpu.memory_space<semaphore_mem>>) src(%dma_wait3A_114 : memref<128xi32, #tpu.memory_space<hbm>>) dst(%arg7 : memref<128xi32, #tpu.memory_space<vmem>>)
    %dma_wait3A_115 = arith.constant 0 : i32
    %dma_wait3A_116 = tpu.memref_slice %arg4[%dma_wait3A_115] : memref<320000xi32, #tpu.memory_space<hbm>> -> memref<128xi32, #tpu.memory_space<hbm>>
    %dma_wait3A_117 = arith.constant 0 : i32
    %dma_wait3A_118 = tpu.memref_slice %arg4[%dma_wait3A_117] : memref<320000xi32, #tpu.memory_space<hbm>> -> memref<128xi32, #tpu.memory_space<hbm>>
    tpu.wait_dma2 semaphore(%arg17 : memref<!tpu.dma_semaphore, #tpu.memory_space<semaphore_mem>>) src(%dma_wait3A_118 : memref<128xi32, #tpu.memory_space<hbm>>) dst(%arg11 : memref<128xi32, #tpu.memory_space<vmem>>)
    %dma_start3A_119 = arith.constant 0 : i32
    %dma_start3A_120 = arith.constant 0 : i32
    %dma_start3A_121 = tpu.memref_slice %arg2[%dma_start3A_119, %dma_start3A_120] : memref<10000x128xf32, #tpu.memory_space<hbm>> -> memref<10000x128xf32, #tpu.memory_space<hbm>>
    tpu.enqueue_indirect_dma source(%dma_start3A_121 : memref<10000x128xf32, #tpu.memory_space<hbm>>) target(%arg15 : memref<128x128xf32, #tpu.memory_space<vmem>>) offsets(%arg7 : memref<128xi32, #tpu.memory_space<vmem>>) semaphore(%arg21 : memref<!tpu.dma_semaphore, #tpu.memory_space<semaphore_mem>>)
    %dma_wait3A_122 = arith.constant 0 : i32
    %dma_wait3A_123 = arith.constant 0 : i32
    %dma_wait3A_124 = tpu.memref_slice %arg2[%dma_wait3A_122, %dma_wait3A_123] : memref<10000x128xf32, #tpu.memory_space<hbm>> -> memref<10000x128xf32, #tpu.memory_space<hbm>>
    tpu.wait_indirect_dma semaphore(%arg22 : memref<!tpu.dma_semaphore, #tpu.memory_space<semaphore_mem>>) src(%dma_wait3A_124 : memref<10000x128xf32, #tpu.memory_space<hbm>>) dst(%arg16 : memref<128x128xf32, #tpu.memory_space<vmem>>)
    "tpu.region"() ({
      %run_scoped3A = tpu.sem_alloc : memref<!tpu.dma_semaphore, #tpu.memory_space<semaphore_mem>>
      %dma_start3A_228 = arith.constant 0 : i32
      %dma_start3A_229 = arith.constant 0 : i32
      %dma_start3A_230 = tpu.memref_slice %arg26[%dma_start3A_228, %dma_start3A_229] : memref<10000x128xf32, #tpu.memory_space<vmem_shared>> -> memref<10000x128xf32, #tpu.memory_space<vmem_shared>>
      tpu.enqueue_indirect_dma source(%arg16 : memref<128x128xf32, #tpu.memory_space<vmem>>) target(%dma_start3A_230 : memref<10000x128xf32, #tpu.memory_space<vmem_shared>>) offsets(%arg14 : memref<128xi32, #tpu.memory_space<vmem>>) semaphore(%run_scoped3A : memref<!tpu.dma_semaphore, #tpu.memory_space<semaphore_mem>>) {add = true}
      %dma_wait3A_231 = arith.constant 0 : i32
      %dma_wait3A_232 = arith.constant 0 : i32
      %dma_wait3A_233 = tpu.memref_slice %arg26[%dma_wait3A_231, %dma_wait3A_232] : memref<10000x128xf32, #tpu.memory_space<vmem_shared>> -> memref<10000x128xf32, #tpu.memory_space<vmem_shared>>
      tpu.wait_indirect_dma semaphore(%run_scoped3A : memref<!tpu.dma_semaphore, #tpu.memory_space<semaphore_mem>>) src(%arg16 : memref<128x128xf32, #tpu.memory_space<vmem>>) dst(%dma_wait3A_233 : memref<10000x128xf32, #tpu.memory_space<vmem_shared>>)
      tpu.yield
    }) : () -> ()
    %add3A_125 = arith.constant 9600 : i32
    %add3A_126 = arith.addi %mul3A_6, %add3A_125 : i32
    %multiple_of3A_127 = tpu.assume_multiple %add3A_126, 8 : i32
    %dma_start3A_128 = tpu.memref_slice %arg3[%multiple_of3A_127] : memref<320000xi32, #tpu.memory_space<hbm>> -> memref<128xi32, #tpu.memory_space<hbm>>
    %dma_start3A_129 = tpu.memref_slice %arg3[%multiple_of3A_127] : memref<320000xi32, #tpu.memory_space<hbm>> -> memref<128xi32, #tpu.memory_space<hbm>>
    tpu.enqueue_dma source(%dma_start3A_129 : memref<128xi32, #tpu.memory_space<hbm>>) target(%arg10 : memref<128xi32, #tpu.memory_space<vmem>>) target_semaphore(%arg20 : memref<!tpu.dma_semaphore, #tpu.memory_space<semaphore_mem>>)
    %dma_start3A_130 = tpu.memref_slice %arg4[%multiple_of3A_127] : memref<320000xi32, #tpu.memory_space<hbm>> -> memref<128xi32, #tpu.memory_space<hbm>>
    %dma_start3A_131 = tpu.memref_slice %arg4[%multiple_of3A_127] : memref<320000xi32, #tpu.memory_space<hbm>> -> memref<128xi32, #tpu.memory_space<hbm>>
    tpu.enqueue_dma source(%dma_start3A_131 : memref<128xi32, #tpu.memory_space<hbm>>) target(%arg14 : memref<128xi32, #tpu.memory_space<vmem>>) target_semaphore(%arg20 : memref<!tpu.dma_semaphore, #tpu.memory_space<semaphore_mem>>)
    %dma_wait3A_132 = arith.constant 0 : i32
    %dma_wait3A_133 = tpu.memref_slice %arg3[%dma_wait3A_132] : memref<320000xi32, #tpu.memory_space<hbm>> -> memref<128xi32, #tpu.memory_space<hbm>>
    %dma_wait3A_134 = arith.constant 0 : i32
    %dma_wait3A_135 = tpu.memref_slice %arg3[%dma_wait3A_134] : memref<320000xi32, #tpu.memory_space<hbm>> -> memref<128xi32, #tpu.memory_space<hbm>>
    tpu.wait_dma2 semaphore(%arg18 : memref<!tpu.dma_semaphore, #tpu.memory_space<semaphore_mem>>) src(%dma_wait3A_135 : memref<128xi32, #tpu.memory_space<hbm>>) dst(%arg8 : memref<128xi32, #tpu.memory_space<vmem>>)
    %dma_wait3A_136 = arith.constant 0 : i32
    %dma_wait3A_137 = tpu.memref_slice %arg4[%dma_wait3A_136] : memref<320000xi32, #tpu.memory_space<hbm>> -> memref<128xi32, #tpu.memory_space<hbm>>
    %dma_wait3A_138 = arith.constant 0 : i32
    %dma_wait3A_139 = tpu.memref_slice %arg4[%dma_wait3A_138] : memref<320000xi32, #tpu.memory_space<hbm>> -> memref<128xi32, #tpu.memory_space<hbm>>
    tpu.wait_dma2 semaphore(%arg18 : memref<!tpu.dma_semaphore, #tpu.memory_space<semaphore_mem>>) src(%dma_wait3A_139 : memref<128xi32, #tpu.memory_space<hbm>>) dst(%arg12 : memref<128xi32, #tpu.memory_space<vmem>>)
    %dma_start3A_140 = arith.constant 0 : i32
    %dma_start3A_141 = arith.constant 0 : i32
    %dma_start3A_142 = tpu.memref_slice %arg2[%dma_start3A_140, %dma_start3A_141] : memref<10000x128xf32, #tpu.memory_space<hbm>> -> memref<10000x128xf32, #tpu.memory_space<hbm>>
    tpu.enqueue_indirect_dma source(%dma_start3A_142 : memref<10000x128xf32, #tpu.memory_space<hbm>>) target(%arg16 : memref<128x128xf32, #tpu.memory_space<vmem>>) offsets(%arg8 : memref<128xi32, #tpu.memory_space<vmem>>) semaphore(%arg22 : memref<!tpu.dma_semaphore, #tpu.memory_space<semaphore_mem>>)
    %dma_wait3A_143 = arith.constant 0 : i32
    %dma_wait3A_144 = arith.constant 0 : i32
    %dma_wait3A_145 = tpu.memref_slice %arg2[%dma_wait3A_143, %dma_wait3A_144] : memref<10000x128xf32, #tpu.memory_space<hbm>> -> memref<10000x128xf32, #tpu.memory_space<hbm>>
    tpu.wait_indirect_dma semaphore(%arg21 : memref<!tpu.dma_semaphore, #tpu.memory_space<semaphore_mem>>) src(%dma_wait3A_145 : memref<10000x128xf32, #tpu.memory_space<hbm>>) dst(%arg15 : memref<128x128xf32, #tpu.memory_space<vmem>>)
    "tpu.region"() ({
      %run_scoped3A = tpu.sem_alloc : memref<!tpu.dma_semaphore, #tpu.memory_space<semaphore_mem>>
      %dma_start3A_228 = arith.constant 0 : i32
      %dma_start3A_229 = arith.constant 0 : i32
      %dma_start3A_230 = tpu.memref_slice %arg26[%dma_start3A_228, %dma_start3A_229] : memref<10000x128xf32, #tpu.memory_space<vmem_shared>> -> memref<10000x128xf32, #tpu.memory_space<vmem_shared>>
      tpu.enqueue_indirect_dma source(%arg15 : memref<128x128xf32, #tpu.memory_space<vmem>>) target(%dma_start3A_230 : memref<10000x128xf32, #tpu.memory_space<vmem_shared>>) offsets(%arg11 : memref<128xi32, #tpu.memory_space<vmem>>) semaphore(%run_scoped3A : memref<!tpu.dma_semaphore, #tpu.memory_space<semaphore_mem>>) {add = true}
      %dma_wait3A_231 = arith.constant 0 : i32
      %dma_wait3A_232 = arith.constant 0 : i32
      %dma_wait3A_233 = tpu.memref_slice %arg26[%dma_wait3A_231, %dma_wait3A_232] : memref<10000x128xf32, #tpu.memory_space<vmem_shared>> -> memref<10000x128xf32, #tpu.memory_space<vmem_shared>>
      tpu.wait_indirect_dma semaphore(%run_scoped3A : memref<!tpu.dma_semaphore, #tpu.memory_space<semaphore_mem>>) src(%arg15 : memref<128x128xf32, #tpu.memory_space<vmem>>) dst(%dma_wait3A_233 : memref<10000x128xf32, #tpu.memory_space<vmem_shared>>)
      tpu.yield
    }) : () -> ()
    %add3A_146 = arith.constant 9728 : i32
    %add3A_147 = arith.addi %mul3A_6, %add3A_146 : i32
    %multiple_of3A_148 = tpu.assume_multiple %add3A_147, 8 : i32
    %dma_start3A_149 = tpu.memref_slice %arg3[%multiple_of3A_148] : memref<320000xi32, #tpu.memory_space<hbm>> -> memref<128xi32, #tpu.memory_space<hbm>>
    %dma_start3A_150 = tpu.memref_slice %arg3[%multiple_of3A_148] : memref<320000xi32, #tpu.memory_space<hbm>> -> memref<128xi32, #tpu.memory_space<hbm>>
    tpu.enqueue_dma source(%dma_start3A_150 : memref<128xi32, #tpu.memory_space<hbm>>) target(%arg7 : memref<128xi32, #tpu.memory_space<vmem>>) target_semaphore(%arg17 : memref<!tpu.dma_semaphore, #tpu.memory_space<semaphore_mem>>)
    %dma_start3A_151 = tpu.memref_slice %arg4[%multiple_of3A_148] : memref<320000xi32, #tpu.memory_space<hbm>> -> memref<128xi32, #tpu.memory_space<hbm>>
    %dma_start3A_152 = tpu.memref_slice %arg4[%multiple_of3A_148] : memref<320000xi32, #tpu.memory_space<hbm>> -> memref<128xi32, #tpu.memory_space<hbm>>
    tpu.enqueue_dma source(%dma_start3A_152 : memref<128xi32, #tpu.memory_space<hbm>>) target(%arg11 : memref<128xi32, #tpu.memory_space<vmem>>) target_semaphore(%arg17 : memref<!tpu.dma_semaphore, #tpu.memory_space<semaphore_mem>>)
    %dma_wait3A_153 = arith.constant 0 : i32
    %dma_wait3A_154 = tpu.memref_slice %arg3[%dma_wait3A_153] : memref<320000xi32, #tpu.memory_space<hbm>> -> memref<128xi32, #tpu.memory_space<hbm>>
    %dma_wait3A_155 = arith.constant 0 : i32
    %dma_wait3A_156 = tpu.memref_slice %arg3[%dma_wait3A_155] : memref<320000xi32, #tpu.memory_space<hbm>> -> memref<128xi32, #tpu.memory_space<hbm>>
    tpu.wait_dma2 semaphore(%arg19 : memref<!tpu.dma_semaphore, #tpu.memory_space<semaphore_mem>>) src(%dma_wait3A_156 : memref<128xi32, #tpu.memory_space<hbm>>) dst(%arg9 : memref<128xi32, #tpu.memory_space<vmem>>)
    %dma_wait3A_157 = arith.constant 0 : i32
    %dma_wait3A_158 = tpu.memref_slice %arg4[%dma_wait3A_157] : memref<320000xi32, #tpu.memory_space<hbm>> -> memref<128xi32, #tpu.memory_space<hbm>>
    %dma_wait3A_159 = arith.constant 0 : i32
    %dma_wait3A_160 = tpu.memref_slice %arg4[%dma_wait3A_159] : memref<320000xi32, #tpu.memory_space<hbm>> -> memref<128xi32, #tpu.memory_space<hbm>>
    tpu.wait_dma2 semaphore(%arg19 : memref<!tpu.dma_semaphore, #tpu.memory_space<semaphore_mem>>) src(%dma_wait3A_160 : memref<128xi32, #tpu.memory_space<hbm>>) dst(%arg13 : memref<128xi32, #tpu.memory_space<vmem>>)
    %dma_start3A_161 = arith.constant 0 : i32
    %dma_start3A_162 = arith.constant 0 : i32
    %dma_start3A_163 = tpu.memref_slice %arg2[%dma_start3A_161, %dma_start3A_162] : memref<10000x128xf32, #tpu.memory_space<hbm>> -> memref<10000x128xf32, #tpu.memory_space<hbm>>
    tpu.enqueue_indirect_dma source(%dma_start3A_163 : memref<10000x128xf32, #tpu.memory_space<hbm>>) target(%arg15 : memref<128x128xf32, #tpu.memory_space<vmem>>) offsets(%arg9 : memref<128xi32, #tpu.memory_space<vmem>>) semaphore(%arg21 : memref<!tpu.dma_semaphore, #tpu.memory_space<semaphore_mem>>)
    %dma_wait3A_164 = arith.constant 0 : i32
    %dma_wait3A_165 = arith.constant 0 : i32
    %dma_wait3A_166 = tpu.memref_slice %arg2[%dma_wait3A_164, %dma_wait3A_165] : memref<10000x128xf32, #tpu.memory_space<hbm>> -> memref<10000x128xf32, #tpu.memory_space<hbm>>
    tpu.wait_indirect_dma semaphore(%arg22 : memref<!tpu.dma_semaphore, #tpu.memory_space<semaphore_mem>>) src(%dma_wait3A_166 : memref<10000x128xf32, #tpu.memory_space<hbm>>) dst(%arg16 : memref<128x128xf32, #tpu.memory_space<vmem>>)
    "tpu.region"() ({
      %run_scoped3A = tpu.sem_alloc : memref<!tpu.dma_semaphore, #tpu.memory_space<semaphore_mem>>
      %dma_start3A_228 = arith.constant 0 : i32
      %dma_start3A_229 = arith.constant 0 : i32
      %dma_start3A_230 = tpu.memref_slice %arg26[%dma_start3A_228, %dma_start3A_229] : memref<10000x128xf32, #tpu.memory_space<vmem_shared>> -> memref<10000x128xf32, #tpu.memory_space<vmem_shared>>
      tpu.enqueue_indirect_dma source(%arg16 : memref<128x128xf32, #tpu.memory_space<vmem>>) target(%dma_start3A_230 : memref<10000x128xf32, #tpu.memory_space<vmem_shared>>) offsets(%arg12 : memref<128xi32, #tpu.memory_space<vmem>>) semaphore(%run_scoped3A : memref<!tpu.dma_semaphore, #tpu.memory_space<semaphore_mem>>) {add = true}
      %dma_wait3A_231 = arith.constant 0 : i32
      %dma_wait3A_232 = arith.constant 0 : i32
      %dma_wait3A_233 = tpu.memref_slice %arg26[%dma_wait3A_231, %dma_wait3A_232] : memref<10000x128xf32, #tpu.memory_space<vmem_shared>> -> memref<10000x128xf32, #tpu.memory_space<vmem_shared>>
      tpu.wait_indirect_dma semaphore(%run_scoped3A : memref<!tpu.dma_semaphore, #tpu.memory_space<semaphore_mem>>) src(%arg16 : memref<128x128xf32, #tpu.memory_space<vmem>>) dst(%dma_wait3A_233 : memref<10000x128xf32, #tpu.memory_space<vmem_shared>>)
      tpu.yield
    }) : () -> ()
    %add3A_167 = arith.constant 9856 : i32
    %add3A_168 = arith.addi %mul3A_6, %add3A_167 : i32
    %multiple_of3A_169 = tpu.assume_multiple %add3A_168, 8 : i32
    %dma_start3A_170 = tpu.memref_slice %arg3[%multiple_of3A_169] : memref<320000xi32, #tpu.memory_space<hbm>> -> memref<128xi32, #tpu.memory_space<hbm>>
    %dma_start3A_171 = tpu.memref_slice %arg3[%multiple_of3A_169] : memref<320000xi32, #tpu.memory_space<hbm>> -> memref<128xi32, #tpu.memory_space<hbm>>
    tpu.enqueue_dma source(%dma_start3A_171 : memref<128xi32, #tpu.memory_space<hbm>>) target(%arg8 : memref<128xi32, #tpu.memory_space<vmem>>) target_semaphore(%arg18 : memref<!tpu.dma_semaphore, #tpu.memory_space<semaphore_mem>>)
    %dma_start3A_172 = tpu.memref_slice %arg4[%multiple_of3A_169] : memref<320000xi32, #tpu.memory_space<hbm>> -> memref<128xi32, #tpu.memory_space<hbm>>
    %dma_start3A_173 = tpu.memref_slice %arg4[%multiple_of3A_169] : memref<320000xi32, #tpu.memory_space<hbm>> -> memref<128xi32, #tpu.memory_space<hbm>>
    tpu.enqueue_dma source(%dma_start3A_173 : memref<128xi32, #tpu.memory_space<hbm>>) target(%arg12 : memref<128xi32, #tpu.memory_space<vmem>>) target_semaphore(%arg18 : memref<!tpu.dma_semaphore, #tpu.memory_space<semaphore_mem>>)
    %dma_wait3A_174 = arith.constant 0 : i32
    %dma_wait3A_175 = tpu.memref_slice %arg3[%dma_wait3A_174] : memref<320000xi32, #tpu.memory_space<hbm>> -> memref<128xi32, #tpu.memory_space<hbm>>
    %dma_wait3A_176 = arith.constant 0 : i32
    %dma_wait3A_177 = tpu.memref_slice %arg3[%dma_wait3A_176] : memref<320000xi32, #tpu.memory_space<hbm>> -> memref<128xi32, #tpu.memory_space<hbm>>
    tpu.wait_dma2 semaphore(%arg20 : memref<!tpu.dma_semaphore, #tpu.memory_space<semaphore_mem>>) src(%dma_wait3A_177 : memref<128xi32, #tpu.memory_space<hbm>>) dst(%arg10 : memref<128xi32, #tpu.memory_space<vmem>>)
    %dma_wait3A_178 = arith.constant 0 : i32
    %dma_wait3A_179 = tpu.memref_slice %arg4[%dma_wait3A_178] : memref<320000xi32, #tpu.memory_space<hbm>> -> memref<128xi32, #tpu.memory_space<hbm>>
    %dma_wait3A_180 = arith.constant 0 : i32
    %dma_wait3A_181 = tpu.memref_slice %arg4[%dma_wait3A_180] : memref<320000xi32, #tpu.memory_space<hbm>> -> memref<128xi32, #tpu.memory_space<hbm>>
    tpu.wait_dma2 semaphore(%arg20 : memref<!tpu.dma_semaphore, #tpu.memory_space<semaphore_mem>>) src(%dma_wait3A_181 : memref<128xi32, #tpu.memory_space<hbm>>) dst(%arg14 : memref<128xi32, #tpu.memory_space<vmem>>)
    %dma_start3A_182 = arith.constant 0 : i32
    %dma_start3A_183 = arith.constant 0 : i32
    %dma_start3A_184 = tpu.memref_slice %arg2[%dma_start3A_182, %dma_start3A_183] : memref<10000x128xf32, #tpu.memory_space<hbm>> -> memref<10000x128xf32, #tpu.memory_space<hbm>>
    tpu.enqueue_indirect_dma source(%dma_start3A_184 : memref<10000x128xf32, #tpu.memory_space<hbm>>) target(%arg16 : memref<128x128xf32, #tpu.memory_space<vmem>>) offsets(%arg10 : memref<128xi32, #tpu.memory_space<vmem>>) semaphore(%arg22 : memref<!tpu.dma_semaphore, #tpu.memory_space<semaphore_mem>>)
    %dma_wait3A_185 = arith.constant 0 : i32
    %dma_wait3A_186 = arith.constant 0 : i32
    %dma_wait3A_187 = tpu.memref_slice %arg2[%dma_wait3A_185, %dma_wait3A_186] : memref<10000x128xf32, #tpu.memory_space<hbm>> -> memref<10000x128xf32, #tpu.memory_space<hbm>>
    tpu.wait_indirect_dma semaphore(%arg21 : memref<!tpu.dma_semaphore, #tpu.memory_space<semaphore_mem>>) src(%dma_wait3A_187 : memref<10000x128xf32, #tpu.memory_space<hbm>>) dst(%arg15 : memref<128x128xf32, #tpu.memory_space<vmem>>)
    "tpu.region"() ({
      %run_scoped3A = tpu.sem_alloc : memref<!tpu.dma_semaphore, #tpu.memory_space<semaphore_mem>>
      %dma_start3A_228 = arith.constant 0 : i32
      %dma_start3A_229 = arith.constant 0 : i32
      %dma_start3A_230 = tpu.memref_slice %arg26[%dma_start3A_228, %dma_start3A_229] : memref<10000x128xf32, #tpu.memory_space<vmem_shared>> -> memref<10000x128xf32, #tpu.memory_space<vmem_shared>>
      tpu.enqueue_indirect_dma source(%arg15 : memref<128x128xf32, #tpu.memory_space<vmem>>) target(%dma_start3A_230 : memref<10000x128xf32, #tpu.memory_space<vmem_shared>>) offsets(%arg13 : memref<128xi32, #tpu.memory_space<vmem>>) semaphore(%run_scoped3A : memref<!tpu.dma_semaphore, #tpu.memory_space<semaphore_mem>>) {add = true}
      %dma_wait3A_231 = arith.constant 0 : i32
      %dma_wait3A_232 = arith.constant 0 : i32
      %dma_wait3A_233 = tpu.memref_slice %arg26[%dma_wait3A_231, %dma_wait3A_232] : memref<10000x128xf32, #tpu.memory_space<vmem_shared>> -> memref<10000x128xf32, #tpu.memory_space<vmem_shared>>
      tpu.wait_indirect_dma semaphore(%run_scoped3A : memref<!tpu.dma_semaphore, #tpu.memory_space<semaphore_mem>>) src(%arg15 : memref<128x128xf32, #tpu.memory_space<vmem>>) dst(%dma_wait3A_233 : memref<10000x128xf32, #tpu.memory_space<vmem_shared>>)
      tpu.yield
    }) : () -> ()
    %dma_wait3A_188 = arith.constant 0 : i32
    %dma_wait3A_189 = tpu.memref_slice %arg3[%dma_wait3A_188] : memref<320000xi32, #tpu.memory_space<hbm>> -> memref<128xi32, #tpu.memory_space<hbm>>
    %dma_wait3A_190 = arith.constant 0 : i32
    %dma_wait3A_191 = tpu.memref_slice %arg3[%dma_wait3A_190] : memref<320000xi32, #tpu.memory_space<hbm>> -> memref<128xi32, #tpu.memory_space<hbm>>
    tpu.wait_dma2 semaphore(%arg17 : memref<!tpu.dma_semaphore, #tpu.memory_space<semaphore_mem>>) src(%dma_wait3A_191 : memref<128xi32, #tpu.memory_space<hbm>>) dst(%arg7 : memref<128xi32, #tpu.memory_space<vmem>>)
    %dma_wait3A_192 = arith.constant 0 : i32
    %dma_wait3A_193 = tpu.memref_slice %arg4[%dma_wait3A_192] : memref<320000xi32, #tpu.memory_space<hbm>> -> memref<128xi32, #tpu.memory_space<hbm>>
    %dma_wait3A_194 = arith.constant 0 : i32
    %dma_wait3A_195 = tpu.memref_slice %arg4[%dma_wait3A_194] : memref<320000xi32, #tpu.memory_space<hbm>> -> memref<128xi32, #tpu.memory_space<hbm>>
    tpu.wait_dma2 semaphore(%arg17 : memref<!tpu.dma_semaphore, #tpu.memory_space<semaphore_mem>>) src(%dma_wait3A_195 : memref<128xi32, #tpu.memory_space<hbm>>) dst(%arg11 : memref<128xi32, #tpu.memory_space<vmem>>)
    %dma_start3A_196 = arith.constant 0 : i32
    %dma_start3A_197 = arith.constant 0 : i32
    %dma_start3A_198 = tpu.memref_slice %arg2[%dma_start3A_196, %dma_start3A_197] : memref<10000x128xf32, #tpu.memory_space<hbm>> -> memref<10000x128xf32, #tpu.memory_space<hbm>>
    tpu.enqueue_indirect_dma source(%dma_start3A_198 : memref<10000x128xf32, #tpu.memory_space<hbm>>) target(%arg15 : memref<128x128xf32, #tpu.memory_space<vmem>>) offsets(%arg7 : memref<128xi32, #tpu.memory_space<vmem>>) semaphore(%arg21 : memref<!tpu.dma_semaphore, #tpu.memory_space<semaphore_mem>>)
    %dma_wait3A_199 = arith.constant 0 : i32
    %dma_wait3A_200 = arith.constant 0 : i32
    %dma_wait3A_201 = tpu.memref_slice %arg2[%dma_wait3A_199, %dma_wait3A_200] : memref<10000x128xf32, #tpu.memory_space<hbm>> -> memref<10000x128xf32, #tpu.memory_space<hbm>>
    tpu.wait_indirect_dma semaphore(%arg22 : memref<!tpu.dma_semaphore, #tpu.memory_space<semaphore_mem>>) src(%dma_wait3A_201 : memref<10000x128xf32, #tpu.memory_space<hbm>>) dst(%arg16 : memref<128x128xf32, #tpu.memory_space<vmem>>)
    "tpu.region"() ({
      %run_scoped3A = tpu.sem_alloc : memref<!tpu.dma_semaphore, #tpu.memory_space<semaphore_mem>>
      %dma_start3A_228 = arith.constant 0 : i32
      %dma_start3A_229 = arith.constant 0 : i32
      %dma_start3A_230 = tpu.memref_slice %arg26[%dma_start3A_228, %dma_start3A_229] : memref<10000x128xf32, #tpu.memory_space<vmem_shared>> -> memref<10000x128xf32, #tpu.memory_space<vmem_shared>>
      tpu.enqueue_indirect_dma source(%arg16 : memref<128x128xf32, #tpu.memory_space<vmem>>) target(%dma_start3A_230 : memref<10000x128xf32, #tpu.memory_space<vmem_shared>>) offsets(%arg14 : memref<128xi32, #tpu.memory_space<vmem>>) semaphore(%run_scoped3A : memref<!tpu.dma_semaphore, #tpu.memory_space<semaphore_mem>>) {add = true}
      %dma_wait3A_231 = arith.constant 0 : i32
      %dma_wait3A_232 = arith.constant 0 : i32
      %dma_wait3A_233 = tpu.memref_slice %arg26[%dma_wait3A_231, %dma_wait3A_232] : memref<10000x128xf32, #tpu.memory_space<vmem_shared>> -> memref<10000x128xf32, #tpu.memory_space<vmem_shared>>
      tpu.wait_indirect_dma semaphore(%run_scoped3A : memref<!tpu.dma_semaphore, #tpu.memory_space<semaphore_mem>>) src(%arg16 : memref<128x128xf32, #tpu.memory_space<vmem>>) dst(%dma_wait3A_233 : memref<10000x128xf32, #tpu.memory_space<vmem_shared>>)
      tpu.yield
    }) : () -> ()
    %dma_wait3A_202 = arith.constant 0 : i32
    %dma_wait3A_203 = tpu.memref_slice %arg3[%dma_wait3A_202] : memref<320000xi32, #tpu.memory_space<hbm>> -> memref<128xi32, #tpu.memory_space<hbm>>
    %dma_wait3A_204 = arith.constant 0 : i32
    %dma_wait3A_205 = tpu.memref_slice %arg3[%dma_wait3A_204] : memref<320000xi32, #tpu.memory_space<hbm>> -> memref<128xi32, #tpu.memory_space<hbm>>
    tpu.wait_dma2 semaphore(%arg18 : memref<!tpu.dma_semaphore, #tpu.memory_space<semaphore_mem>>) src(%dma_wait3A_205 : memref<128xi32, #tpu.memory_space<hbm>>) dst(%arg8 : memref<128xi32, #tpu.memory_space<vmem>>)
    %dma_wait3A_206 = arith.constant 0 : i32
    %dma_wait3A_207 = tpu.memref_slice %arg4[%dma_wait3A_206] : memref<320000xi32, #tpu.memory_space<hbm>> -> memref<128xi32, #tpu.memory_space<hbm>>
    %dma_wait3A_208 = arith.constant 0 : i32
    %dma_wait3A_209 = tpu.memref_slice %arg4[%dma_wait3A_208] : memref<320000xi32, #tpu.memory_space<hbm>> -> memref<128xi32, #tpu.memory_space<hbm>>
    tpu.wait_dma2 semaphore(%arg18 : memref<!tpu.dma_semaphore, #tpu.memory_space<semaphore_mem>>) src(%dma_wait3A_209 : memref<128xi32, #tpu.memory_space<hbm>>) dst(%arg12 : memref<128xi32, #tpu.memory_space<vmem>>)
    %dma_start3A_210 = arith.constant 0 : i32
    %dma_start3A_211 = arith.constant 0 : i32
    %dma_start3A_212 = tpu.memref_slice %arg2[%dma_start3A_210, %dma_start3A_211] : memref<10000x128xf32, #tpu.memory_space<hbm>> -> memref<10000x128xf32, #tpu.memory_space<hbm>>
    tpu.enqueue_indirect_dma source(%dma_start3A_212 : memref<10000x128xf32, #tpu.memory_space<hbm>>) target(%arg16 : memref<128x128xf32, #tpu.memory_space<vmem>>) offsets(%arg8 : memref<128xi32, #tpu.memory_space<vmem>>) semaphore(%arg22 : memref<!tpu.dma_semaphore, #tpu.memory_space<semaphore_mem>>)
    %dma_wait3A_213 = arith.constant 0 : i32
    %dma_wait3A_214 = arith.constant 0 : i32
    %dma_wait3A_215 = tpu.memref_slice %arg2[%dma_wait3A_213, %dma_wait3A_214] : memref<10000x128xf32, #tpu.memory_space<hbm>> -> memref<10000x128xf32, #tpu.memory_space<hbm>>
    tpu.wait_indirect_dma semaphore(%arg21 : memref<!tpu.dma_semaphore, #tpu.memory_space<semaphore_mem>>) src(%dma_wait3A_215 : memref<10000x128xf32, #tpu.memory_space<hbm>>) dst(%arg15 : memref<128x128xf32, #tpu.memory_space<vmem>>)
    "tpu.region"() ({
      %run_scoped3A = tpu.sem_alloc : memref<!tpu.dma_semaphore, #tpu.memory_space<semaphore_mem>>
      %dma_start3A_228 = arith.constant 0 : i32
      %dma_start3A_229 = arith.constant 0 : i32
      %dma_start3A_230 = tpu.memref_slice %arg26[%dma_start3A_228, %dma_start3A_229] : memref<10000x128xf32, #tpu.memory_space<vmem_shared>> -> memref<10000x128xf32, #tpu.memory_space<vmem_shared>>
      tpu.enqueue_indirect_dma source(%arg15 : memref<128x128xf32, #tpu.memory_space<vmem>>) target(%dma_start3A_230 : memref<10000x128xf32, #tpu.memory_space<vmem_shared>>) offsets(%arg11 : memref<128xi32, #tpu.memory_space<vmem>>) semaphore(%run_scoped3A : memref<!tpu.dma_semaphore, #tpu.memory_space<semaphore_mem>>) {add = true}
      %dma_wait3A_231 = arith.constant 0 : i32
      %dma_wait3A_232 = arith.constant 0 : i32
      %dma_wait3A_233 = tpu.memref_slice %arg26[%dma_wait3A_231, %dma_wait3A_232] : memref<10000x128xf32, #tpu.memory_space<vmem_shared>> -> memref<10000x128xf32, #tpu.memory_space<vmem_shared>>
      tpu.wait_indirect_dma semaphore(%run_scoped3A : memref<!tpu.dma_semaphore, #tpu.memory_space<semaphore_mem>>) src(%arg15 : memref<128x128xf32, #tpu.memory_space<vmem>>) dst(%dma_wait3A_233 : memref<10000x128xf32, #tpu.memory_space<vmem_shared>>)
      tpu.yield
    }) : () -> ()
    %dma_wait3A_216 = arith.constant 0 : i32
    %dma_wait3A_217 = arith.constant 0 : i32
    %dma_wait3A_218 = tpu.memref_slice %arg2[%dma_wait3A_216, %dma_wait3A_217] : memref<10000x128xf32, #tpu.memory_space<hbm>> -> memref<10000x128xf32, #tpu.memory_space<hbm>>
    tpu.wait_indirect_dma semaphore(%arg22 : memref<!tpu.dma_semaphore, #tpu.memory_space<semaphore_mem>>) src(%dma_wait3A_218 : memref<10000x128xf32, #tpu.memory_space<hbm>>) dst(%arg16 : memref<128x128xf32, #tpu.memory_space<vmem>>)
    "tpu.region"() ({
      %run_scoped3A = tpu.sem_alloc : memref<!tpu.dma_semaphore, #tpu.memory_space<semaphore_mem>>
      %dma_start3A_228 = arith.constant 0 : i32
      %dma_start3A_229 = arith.constant 0 : i32
      %dma_start3A_230 = tpu.memref_slice %arg26[%dma_start3A_228, %dma_start3A_229] : memref<10000x128xf32, #tpu.memory_space<vmem_shared>> -> memref<10000x128xf32, #tpu.memory_space<vmem_shared>>
      tpu.enqueue_indirect_dma source(%arg16 : memref<128x128xf32, #tpu.memory_space<vmem>>) target(%dma_start3A_230 : memref<10000x128xf32, #tpu.memory_space<vmem_shared>>) offsets(%arg12 : memref<128xi32, #tpu.memory_space<vmem>>) semaphore(%run_scoped3A : memref<!tpu.dma_semaphore, #tpu.memory_space<semaphore_mem>>) {add = true}
      %dma_wait3A_231 = arith.constant 0 : i32
      %dma_wait3A_232 = arith.constant 0 : i32
      %dma_wait3A_233 = tpu.memref_slice %arg26[%dma_wait3A_231, %dma_wait3A_232] : memref<10000x128xf32, #tpu.memory_space<vmem_shared>> -> memref<10000x128xf32, #tpu.memory_space<vmem_shared>>
      tpu.wait_indirect_dma semaphore(%run_scoped3A : memref<!tpu.dma_semaphore, #tpu.memory_space<semaphore_mem>>) src(%arg16 : memref<128x128xf32, #tpu.memory_space<vmem>>) dst(%dma_wait3A_233 : memref<10000x128xf32, #tpu.memory_space<vmem_shared>>)
      tpu.yield
    }) : () -> ()
    %add3A_219 = arith.constant 9984 : i32
    %add3A_220 = arith.addi %mul3A_6, %add3A_219 : i32
    %multiple_of3A_221 = tpu.assume_multiple %add3A_220, 8 : i32
    "tpu.region"() ({
      %run_scoped3A = tpu.sem_alloc : memref<!tpu.dma_semaphore, #tpu.memory_space<semaphore_mem>>
      %dma_start3A_228 = tpu.memref_slice %arg3[%multiple_of3A_221] : memref<320000xi32, #tpu.memory_space<hbm>> -> memref<16xi32, #tpu.memory_space<hbm>>
      %dma_start3A_229 = tpu.memref_slice %arg3[%multiple_of3A_221] : memref<320000xi32, #tpu.memory_space<hbm>> -> memref<16xi32, #tpu.memory_space<hbm>>
      tpu.enqueue_dma source(%dma_start3A_229 : memref<16xi32, #tpu.memory_space<hbm>>) target(%arg23 : memref<16xi32, #tpu.memory_space<vmem>>) target_semaphore(%run_scoped3A : memref<!tpu.dma_semaphore, #tpu.memory_space<semaphore_mem>>)
      %dma_wait3A_230 = tpu.memref_slice %arg3[%multiple_of3A_221] : memref<320000xi32, #tpu.memory_space<hbm>> -> memref<16xi32, #tpu.memory_space<hbm>>
      %dma_wait3A_231 = tpu.memref_slice %arg3[%multiple_of3A_221] : memref<320000xi32, #tpu.memory_space<hbm>> -> memref<16xi32, #tpu.memory_space<hbm>>
      tpu.wait_dma2 semaphore(%run_scoped3A : memref<!tpu.dma_semaphore, #tpu.memory_space<semaphore_mem>>) src(%dma_wait3A_231 : memref<16xi32, #tpu.memory_space<hbm>>) dst(%arg23 : memref<16xi32, #tpu.memory_space<vmem>>)
      tpu.yield
    }) : () -> ()
    "tpu.region"() ({
      %run_scoped3A = tpu.sem_alloc : memref<!tpu.dma_semaphore, #tpu.memory_space<semaphore_mem>>
      %dma_start3A_228 = tpu.memref_slice %arg4[%multiple_of3A_221] : memref<320000xi32, #tpu.memory_space<hbm>> -> memref<16xi32, #tpu.memory_space<hbm>>
      %dma_start3A_229 = tpu.memref_slice %arg4[%multiple_of3A_221] : memref<320000xi32, #tpu.memory_space<hbm>> -> memref<16xi32, #tpu.memory_space<hbm>>
      tpu.enqueue_dma source(%dma_start3A_229 : memref<16xi32, #tpu.memory_space<hbm>>) target(%arg24 : memref<16xi32, #tpu.memory_space<vmem>>) target_semaphore(%run_scoped3A : memref<!tpu.dma_semaphore, #tpu.memory_space<semaphore_mem>>)
      %dma_wait3A_230 = tpu.memref_slice %arg4[%multiple_of3A_221] : memref<320000xi32, #tpu.memory_space<hbm>> -> memref<16xi32, #tpu.memory_space<hbm>>
      %dma_wait3A_231 = tpu.memref_slice %arg4[%multiple_of3A_221] : memref<320000xi32, #tpu.memory_space<hbm>> -> memref<16xi32, #tpu.memory_space<hbm>>
      tpu.wait_dma2 semaphore(%run_scoped3A : memref<!tpu.dma_semaphore, #tpu.memory_space<semaphore_mem>>) src(%dma_wait3A_231 : memref<16xi32, #tpu.memory_space<hbm>>) dst(%arg24 : memref<16xi32, #tpu.memory_space<vmem>>)
      tpu.yield
    }) : () -> ()
    "tpu.region"() ({
      %run_scoped3A = tpu.sem_alloc : memref<!tpu.dma_semaphore, #tpu.memory_space<semaphore_mem>>
      %dma_start3A_228 = arith.constant 0 : i32
      %dma_start3A_229 = arith.constant 0 : i32
      %dma_start3A_230 = tpu.memref_slice %arg2[%dma_start3A_228, %dma_start3A_229] : memref<10000x128xf32, #tpu.memory_space<hbm>> -> memref<10000x128xf32, #tpu.memory_space<hbm>>
      tpu.enqueue_indirect_dma source(%dma_start3A_230 : memref<10000x128xf32, #tpu.memory_space<hbm>>) target(%arg25 : memref<16x128xf32, #tpu.memory_space<vmem>>) offsets(%arg23 : memref<16xi32, #tpu.memory_space<vmem>>) semaphore(%run_scoped3A : memref<!tpu.dma_semaphore, #tpu.memory_space<semaphore_mem>>)
      %dma_wait3A_231 = arith.constant 0 : i32
      %dma_wait3A_232 = arith.constant 0 : i32
      %dma_wait3A_233 = tpu.memref_slice %arg2[%dma_wait3A_231, %dma_wait3A_232] : memref<10000x128xf32, #tpu.memory_space<hbm>> -> memref<10000x128xf32, #tpu.memory_space<hbm>>
      tpu.wait_indirect_dma semaphore(%run_scoped3A : memref<!tpu.dma_semaphore, #tpu.memory_space<semaphore_mem>>) src(%dma_wait3A_233 : memref<10000x128xf32, #tpu.memory_space<hbm>>) dst(%arg25 : memref<16x128xf32, #tpu.memory_space<vmem>>)
      tpu.yield
    }) : () -> ()
    "tpu.region"() ({
      %run_scoped3A = tpu.sem_alloc : memref<!tpu.dma_semaphore, #tpu.memory_space<semaphore_mem>>
      %dma_start3A_228 = arith.constant 0 : i32
      %dma_start3A_229 = arith.constant 0 : i32
      %dma_start3A_230 = tpu.memref_slice %arg26[%dma_start3A_228, %dma_start3A_229] : memref<10000x128xf32, #tpu.memory_space<vmem_shared>> -> memref<10000x128xf32, #tpu.memory_space<vmem_shared>>
      tpu.enqueue_indirect_dma source(%arg25 : memref<16x128xf32, #tpu.memory_space<vmem>>) target(%dma_start3A_230 : memref<10000x128xf32, #tpu.memory_space<vmem_shared>>) offsets(%arg24 : memref<16xi32, #tpu.memory_space<vmem>>) semaphore(%run_scoped3A : memref<!tpu.dma_semaphore, #tpu.memory_space<semaphore_mem>>) {add = true}
      %dma_wait3A_231 = arith.constant 0 : i32
      %dma_wait3A_232 = arith.constant 0 : i32
      %dma_wait3A_233 = tpu.memref_slice %arg26[%dma_wait3A_231, %dma_wait3A_232] : memref<10000x128xf32, #tpu.memory_space<vmem_shared>> -> memref<10000x128xf32, #tpu.memory_space<vmem_shared>>
      tpu.wait_indirect_dma semaphore(%run_scoped3A : memref<!tpu.dma_semaphore, #tpu.memory_space<semaphore_mem>>) src(%arg25 : memref<16x128xf32, #tpu.memory_space<vmem>>) dst(%dma_wait3A_233 : memref<10000x128xf32, #tpu.memory_space<vmem_shared>>)
      tpu.yield
    }) : () -> ()
    %barrier3A_222 = arith.constant 0 : index
    tpu.barrier barrier_id(%barrier3A_222)
    "tpu.region"() ({
      %run_scoped3A = tpu.sem_alloc : memref<!tpu.dma_semaphore, #tpu.memory_space<semaphore_mem>>
      %dma_start3A_228 = arith.constant 0 : i32
      %dma_start3A_229 = tpu.memref_slice %arg6[%arg0, %multiple_of3A, %dma_start3A_228] : memref<2x10000x128xf32, #tpu.memory_space<hbm>> -> memref<1x624x128xf32, #tpu.memory_space<hbm>>
      %dma_start3A_230 = tpu.memref_squeeze %dma_start3A_229 : memref<1x624x128xf32, #tpu.memory_space<hbm>> -> memref<624x128xf32, #tpu.memory_space<hbm>>
      %dma_start3A_231 = arith.constant 0 : i32
      %dma_start3A_232 = tpu.memref_slice %arg26[%multiple_of3A, %dma_start3A_231] : memref<10000x128xf32, #tpu.memory_space<vmem_shared>> -> memref<624x128xf32, #tpu.memory_space<vmem_shared>>
      tpu.enqueue_dma source(%dma_start3A_232 : memref<624x128xf32, #tpu.memory_space<vmem_shared>>) target(%dma_start3A_230 : memref<624x128xf32, #tpu.memory_space<hbm>>) target_semaphore(%run_scoped3A : memref<!tpu.dma_semaphore, #tpu.memory_space<semaphore_mem>>)
      %dma_wait3A_233 = arith.constant 0 : i32
      %dma_wait3A_234 = tpu.memref_slice %arg6[%arg0, %multiple_of3A, %dma_wait3A_233] : memref<2x10000x128xf32, #tpu.memory_space<hbm>> -> memref<1x624x128xf32, #tpu.memory_space<hbm>>
      %dma_wait3A_235 = tpu.memref_squeeze %dma_wait3A_234 : memref<1x624x128xf32, #tpu.memory_space<hbm>> -> memref<624x128xf32, #tpu.memory_space<hbm>>
      %dma_wait3A_236 = arith.constant 0 : i32
      %dma_wait3A_237 = tpu.memref_slice %arg26[%multiple_of3A, %dma_wait3A_236] : memref<10000x128xf32, #tpu.memory_space<vmem_shared>> -> memref<624x128xf32, #tpu.memory_space<vmem_shared>>
      tpu.wait_dma2 semaphore(%run_scoped3A : memref<!tpu.dma_semaphore, #tpu.memory_space<semaphore_mem>>) src(%dma_wait3A_237 : memref<624x128xf32, #tpu.memory_space<vmem_shared>>) dst(%dma_wait3A_235 : memref<624x128xf32, #tpu.memory_space<hbm>>)
      tpu.yield
    }) : () -> ()
    %eq3A_223 = arith.constant 0 : i32
    %eq3A_224 = arith.cmpi eq, %arg1, %eq3A_223 : i32
    %convert_element_type3A_225 = arith.extui %eq3A_224 : i1 to i32
    %cond3A_226 = arith.constant 0 : i32
    %cond3A_227 = arith.cmpi ne, %convert_element_type3A_225, %cond3A_226 : i32
    scf.if %cond3A_227 {
      "tpu.region"() ({
        %run_scoped3A = tpu.sem_alloc : memref<!tpu.dma_semaphore, #tpu.memory_space<semaphore_mem>>
        %dma_start3A_228 = arith.constant 9984 : i32
        %dma_start3A_229 = arith.constant 0 : i32
        %dma_start3A_230 = tpu.memref_slice %arg6[%arg0, %dma_start3A_228, %dma_start3A_229] : memref<2x10000x128xf32, #tpu.memory_space<hbm>> -> memref<1x16x128xf32, #tpu.memory_space<hbm>>
        %dma_start3A_231 = tpu.memref_squeeze %dma_start3A_230 : memref<1x16x128xf32, #tpu.memory_space<hbm>> -> memref<16x128xf32, #tpu.memory_space<hbm>>
        %dma_start3A_232 = arith.constant 9984 : i32
        %dma_start3A_233 = arith.constant 0 : i32
        %dma_start3A_234 = tpu.memref_slice %arg26[%dma_start3A_232, %dma_start3A_233] : memref<10000x128xf32, #tpu.memory_space<vmem_shared>> -> memref<16x128xf32, #tpu.memory_space<vmem_shared>>
        tpu.enqueue_dma source(%dma_start3A_234 : memref<16x128xf32, #tpu.memory_space<vmem_shared>>) target(%dma_start3A_231 : memref<16x128xf32, #tpu.memory_space<hbm>>) target_semaphore(%run_scoped3A : memref<!tpu.dma_semaphore, #tpu.memory_space<semaphore_mem>>)
        %dma_wait3A_235 = arith.constant 9984 : i32
        %dma_wait3A_236 = arith.constant 0 : i32
        %dma_wait3A_237 = tpu.memref_slice %arg6[%arg0, %dma_wait3A_235, %dma_wait3A_236] : memref<2x10000x128xf32, #tpu.memory_space<hbm>> -> memref<1x16x128xf32, #tpu.memory_space<hbm>>
        %dma_wait3A_238 = tpu.memref_squeeze %dma_wait3A_237 : memref<1x16x128xf32, #tpu.memory_space<hbm>> -> memref<16x128xf32, #tpu.memory_space<hbm>>
        %dma_wait3A_239 = arith.constant 9984 : i32
        %dma_wait3A_240 = arith.constant 0 : i32
        %dma_wait3A_241 = tpu.memref_slice %arg26[%dma_wait3A_239, %dma_wait3A_240] : memref<10000x128xf32, #tpu.memory_space<vmem_shared>> -> memref<16x128xf32, #tpu.memory_space<vmem_shared>>
        tpu.wait_dma2 semaphore(%run_scoped3A : memref<!tpu.dma_semaphore, #tpu.memory_space<semaphore_mem>>) src(%dma_wait3A_241 : memref<16x128xf32, #tpu.memory_space<vmem_shared>>) dst(%dma_wait3A_238 : memref<16x128xf32, #tpu.memory_space<hbm>>)
        tpu.yield
      }) : () -> ()
    } else {
    }
    return
  }
}

#map = affine_map<(d0, d1) -> (0, 0)>
#map1 = affine_map<(d0, d1) -> (0)>
#map2 = affine_map<(d0, d1) -> (0, 0, 0)>
module attributes {stable_mosaic.version = 14 : i64} {
  func.func @k(%arg0: i32, %arg1: i32, %arg2: memref<10000x128xf32, #tpu.memory_space<hbm>>, %arg3: memref<320000xi32, #tpu.memory_space<hbm>>, %arg4: memref<320000xi32, #tpu.memory_space<hbm>>, %arg5: memref<10000x128xf32, #tpu.memory_space<hbm>>, %arg6: memref<2x10000x128xf32, #tpu.memory_space<hbm>>, %arg7: memref<128xi32, #tpu.memory_space<vmem>>, %arg8: memref<128xi32, #tpu.memory_space<vmem>>, %arg9: memref<128xi32, #tpu.memory_space<vmem>>, %arg10: memref<128xi32, #tpu.memory_space<vmem>>, %arg11: memref<128xi32, #tpu.memory_space<vmem>>, %arg12: memref<128xi32, #tpu.memory_space<vmem>>, %arg13: memref<128xi32, #tpu.memory_space<vmem>>, %arg14: memref<128xi32, #tpu.memory_space<vmem>>, %arg15: memref<128x128xf32, #tpu.memory_space<vmem>>, %arg16: memref<128x128xf32, #tpu.memory_space<vmem>>, %arg17: memref<!tpu.dma_semaphore, #tpu.memory_space<semaphore_mem>>, %arg18: memref<!tpu.dma_semaphore, #tpu.memory_space<semaphore_mem>>, %arg19: memref<!tpu.dma_semaphore, #tpu.memory_space<semaphore_mem>>, %arg20: memref<!tpu.dma_semaphore, #tpu.memory_space<semaphore_mem>>, %arg21: memref<!tpu.dma_semaphore, #tpu.memory_space<semaphore_mem>>, %arg22: memref<!tpu.dma_semaphore, #tpu.memory_space<semaphore_mem>>, %arg23: memref<16xi32, #tpu.memory_space<vmem>>, %arg24: memref<16xi32, #tpu.memory_space<vmem>>, %arg25: memref<16x128xf32, #tpu.memory_space<vmem>>, %arg26: memref<10000x128xf32, #tpu.memory_space<vmem_shared>>) attributes {dimension_semantics = [#tpu.dimension_semantics<core_parallel>, #tpu.dimension_semantics<subcore_parallel>], iteration_bounds = array<i64: 2, 16>, scalar_prefetch = 0 : i64, scratch_operands = 20 : i64, tpu.core_type = #tpu.core_type<sc_vector_subcore>, window_params = [{transform_indices = #map}, {transform_indices = #map1}, {transform_indices = #map1}, {transform_indices = #map}, {transform_indices = #map2}]} {
    %mul3A = arith.constant 16 : i32
    %mul3A_0 = arith.muli %arg0, %mul3A : i32
    %add3A = arith.addi %mul3A_0, %arg1 : i32
    %mul3A_1 = arith.constant 624 : i32
    %mul3A_2 = arith.muli %arg1, %mul3A_1 : i32
    %multiple_of3A = tpu.assume_multiple %mul3A_2, 8 : i32
    "tpu.region"() ({
      %run_scoped3A = tpu.sem_alloc : memref<!tpu.dma_semaphore, #tpu.memory_space<semaphore_mem>>
      %dma_start3A_228 = arith.constant 0 : i32
      %dma_start3A_229 = tpu.memref_slice %arg26[%multiple_of3A, %dma_start3A_228] : memref<10000x128xf32, #tpu.memory_space<vmem_shared>> -> memref<624x128xf32, #tpu.memory_space<vmem_shared>>
      %dma_start3A_230 = arith.constant 0 : i32
      %dma_start3A_231 = tpu.memref_slice %arg5[%multiple_of3A, %dma_start3A_230] : memref<10000x128xf32, #tpu.memory_space<hbm>> -> memref<624x128xf32, #tpu.memory_space<hbm>>
      tpu.enqueue_dma source(%dma_start3A_231 : memref<624x128xf32, #tpu.memory_space<hbm>>) target(%dma_start3A_229 : memref<624x128xf32, #tpu.memory_space<vmem_shared>>) target_semaphore(%run_scoped3A : memref<!tpu.dma_semaphore, #tpu.memory_space<semaphore_mem>>)
      %dma_wait3A_232 = arith.constant 0 : i32
      %dma_wait3A_233 = tpu.memref_slice %arg26[%multiple_of3A, %dma_wait3A_232] : memref<10000x128xf32, #tpu.memory_space<vmem_shared>> -> memref<624x128xf32, #tpu.memory_space<vmem_shared>>
      %dma_wait3A_234 = arith.constant 0 : i32
      %dma_wait3A_235 = tpu.memref_slice %arg5[%multiple_of3A, %dma_wait3A_234] : memref<10000x128xf32, #tpu.memory_space<hbm>> -> memref<624x128xf32, #tpu.memory_space<hbm>>
      tpu.wait_dma2 semaphore(%run_scoped3A : memref<!tpu.dma_semaphore, #tpu.memory_space<semaphore_mem>>) src(%dma_wait3A_235 : memref<624x128xf32, #tpu.memory_space<hbm>>) dst(%dma_wait3A_233 : memref<624x128xf32, #tpu.memory_space<vmem_shared>>)
      tpu.yield
    }) : () -> ()
    %eq3A = arith.constant 0 : i32
    %eq3A_3 = arith.cmpi eq, %arg1, %eq3A : i32
    %convert_element_type3A = arith.extui %eq3A_3 : i1 to i32
    %cond3A = arith.constant 0 : i32
    %cond3A_4 = arith.cmpi ne, %convert_element_type3A, %cond3A : i32
    scf.if %cond3A_4 {
      "tpu.region"() ({
        %run_scoped3A = tpu.sem_alloc : memref<!tpu.dma_semaphore, #tpu.memory_space<semaphore_mem>>
        %dma_start3A_228 = arith.constant 9984 : i32
        %dma_start3A_229 = arith.constant 0 : i32
        %dma_start3A_230 = tpu.memref_slice %arg26[%dma_start3A_228, %dma_start3A_229] : memref<10000x128xf32, #tpu.memory_space<vmem_shared>> -> memref<16x128xf32, #tpu.memory_space<vmem_shared>>
        %dma_start3A_231 = arith.constant 9984 : i32
        %dma_start3A_232 = arith.constant 0 : i32
        %dma_start3A_233 = tpu.memref_slice %arg5[%dma_start3A_231, %dma_start3A_232] : memref<10000x128xf32, #tpu.memory_space<hbm>> -> memref<16x128xf32, #tpu.memory_space<hbm>>
        tpu.enqueue_dma source(%dma_start3A_233 : memref<16x128xf32, #tpu.memory_space<hbm>>) target(%dma_start3A_230 : memref<16x128xf32, #tpu.memory_space<vmem_shared>>) target_semaphore(%run_scoped3A : memref<!tpu.dma_semaphore, #tpu.memory_space<semaphore_mem>>)
        %dma_wait3A_234 = arith.constant 9984 : i32
        %dma_wait3A_235 = arith.constant 0 : i32
        %dma_wait3A_236 = tpu.memref_slice %arg26[%dma_wait3A_234, %dma_wait3A_235] : memref<10000x128xf32, #tpu.memory_space<vmem_shared>> -> memref<16x128xf32, #tpu.memory_space<vmem_shared>>
        %dma_wait3A_237 = arith.constant 9984 : i32
        %dma_wait3A_238 = arith.constant 0 : i32
        %dma_wait3A_239 = tpu.memref_slice %arg5[%dma_wait3A_237, %dma_wait3A_238] : memref<10000x128xf32, #tpu.memory_space<hbm>> -> memref<16x128xf32, #tpu.memory_space<hbm>>
        tpu.wait_dma2 semaphore(%run_scoped3A : memref<!tpu.dma_semaphore, #tpu.memory_space<semaphore_mem>>) src(%dma_wait3A_239 : memref<16x128xf32, #tpu.memory_space<hbm>>) dst(%dma_wait3A_236 : memref<16x128xf32, #tpu.memory_space<vmem_shared>>)
        tpu.yield
      }) : () -> ()
    } else {
    }
    %barrier3A = arith.constant 0 : index
    tpu.barrier barrier_id(%barrier3A)
    %mul3A_5 = arith.constant 10000 : i32
    %mul3A_6 = arith.muli %add3A, %mul3A_5 : i32
    %add3A_7 = arith.constant 0 : i32
    %add3A_8 = arith.addi %mul3A_6, %add3A_7 : i32
    %multiple_of3A_9 = tpu.assume_multiple %add3A_8, 8 : i32
    %dma_start3A = tpu.memref_slice %arg3[%multiple_of3A_9] : memref<320000xi32, #tpu.memory_space<hbm>> -> memref<128xi32, #tpu.memory_space<hbm>>
    %dma_start3A_10 = tpu.memref_slice %arg3[%multiple_of3A_9] : memref<320000xi32, #tpu.memory_space<hbm>> -> memref<128xi32, #tpu.memory_space<hbm>>
    tpu.enqueue_dma source(%dma_start3A_10 : memref<128xi32, #tpu.memory_space<hbm>>) target(%arg7 : memref<128xi32, #tpu.memory_space<vmem>>) target_semaphore(%arg17 : memref<!tpu.dma_semaphore, #tpu.memory_space<semaphore_mem>>)
    %dma_start3A_11 = tpu.memref_slice %arg4[%multiple_of3A_9] : memref<320000xi32, #tpu.memory_space<hbm>> -> memref<128xi32, #tpu.memory_space<hbm>>
    %dma_start3A_12 = tpu.memref_slice %arg4[%multiple_of3A_9] : memref<320000xi32, #tpu.memory_space<hbm>> -> memref<128xi32, #tpu.memory_space<hbm>>
    tpu.enqueue_dma source(%dma_start3A_12 : memref<128xi32, #tpu.memory_space<hbm>>) target(%arg11 : memref<128xi32, #tpu.memory_space<vmem>>) target_semaphore(%arg17 : memref<!tpu.dma_semaphore, #tpu.memory_space<semaphore_mem>>)
    %add3A_13 = arith.constant 128 : i32
    %add3A_14 = arith.addi %mul3A_6, %add3A_13 : i32
    %multiple_of3A_15 = tpu.assume_multiple %add3A_14, 8 : i32
    %dma_start3A_16 = tpu.memref_slice %arg3[%multiple_of3A_15] : memref<320000xi32, #tpu.memory_space<hbm>> -> memref<128xi32, #tpu.memory_space<hbm>>
    %dma_start3A_17 = tpu.memref_slice %arg3[%multiple_of3A_15] : memref<320000xi32, #tpu.memory_space<hbm>> -> memref<128xi32, #tpu.memory_space<hbm>>
    tpu.enqueue_dma source(%dma_start3A_17 : memref<128xi32, #tpu.memory_space<hbm>>) target(%arg8 : memref<128xi32, #tpu.memory_space<vmem>>) target_semaphore(%arg18 : memref<!tpu.dma_semaphore, #tpu.memory_space<semaphore_mem>>)
    %dma_start3A_18 = tpu.memref_slice %arg4[%multiple_of3A_15] : memref<320000xi32, #tpu.memory_space<hbm>> -> memref<128xi32, #tpu.memory_space<hbm>>
    %dma_start3A_19 = tpu.memref_slice %arg4[%multiple_of3A_15] : memref<320000xi32, #tpu.memory_space<hbm>> -> memref<128xi32, #tpu.memory_space<hbm>>
    tpu.enqueue_dma source(%dma_start3A_19 : memref<128xi32, #tpu.memory_space<hbm>>) target(%arg12 : memref<128xi32, #tpu.memory_space<vmem>>) target_semaphore(%arg18 : memref<!tpu.dma_semaphore, #tpu.memory_space<semaphore_mem>>)
    %add3A_20 = arith.constant 256 : i32
    %add3A_21 = arith.addi %mul3A_6, %add3A_20 : i32
    %multiple_of3A_22 = tpu.assume_multiple %add3A_21, 8 : i32
    %dma_start3A_23 = tpu.memref_slice %arg3[%multiple_of3A_22] : memref<320000xi32, #tpu.memory_space<hbm>> -> memref<128xi32, #tpu.memory_space<hbm>>
    %dma_start3A_24 = tpu.memref_slice %arg3[%multiple_of3A_22] : memref<320000xi32, #tpu.memory_space<hbm>> -> memref<128xi32, #tpu.memory_space<hbm>>
    tpu.enqueue_dma source(%dma_start3A_24 : memref<128xi32, #tpu.memory_space<hbm>>) target(%arg9 : memref<128xi32, #tpu.memory_space<vmem>>) target_semaphore(%arg19 : memref<!tpu.dma_semaphore, #tpu.memory_space<semaphore_mem>>)
    %dma_start3A_25 = tpu.memref_slice %arg4[%multiple_of3A_22] : memref<320000xi32, #tpu.memory_space<hbm>> -> memref<128xi32, #tpu.memory_space<hbm>>
    %dma_start3A_26 = tpu.memref_slice %arg4[%multiple_of3A_22] : memref<320000xi32, #tpu.memory_space<hbm>> -> memref<128xi32, #tpu.memory_space<hbm>>
    tpu.enqueue_dma source(%dma_start3A_26 : memref<128xi32, #tpu.memory_space<hbm>>) target(%arg13 : memref<128xi32, #tpu.memory_space<vmem>>) target_semaphore(%arg19 : memref<!tpu.dma_semaphore, #tpu.memory_space<semaphore_mem>>)
    %add3A_27 = arith.constant 384 : i32
    %add3A_28 = arith.addi %mul3A_6, %add3A_27 : i32
    %multiple_of3A_29 = tpu.assume_multiple %add3A_28, 8 : i32
    %dma_start3A_30 = tpu.memref_slice %arg3[%multiple_of3A_29] : memref<320000xi32, #tpu.memory_space<hbm>> -> memref<128xi32, #tpu.memory_space<hbm>>
    %dma_start3A_31 = tpu.memref_slice %arg3[%multiple_of3A_29] : memref<320000xi32, #tpu.memory_space<hbm>> -> memref<128xi32, #tpu.memory_space<hbm>>
    tpu.enqueue_dma source(%dma_start3A_31 : memref<128xi32, #tpu.memory_space<hbm>>) target(%arg10 : memref<128xi32, #tpu.memory_space<vmem>>) target_semaphore(%arg20 : memref<!tpu.dma_semaphore, #tpu.memory_space<semaphore_mem>>)
    %dma_start3A_32 = tpu.memref_slice %arg4[%multiple_of3A_29] : memref<320000xi32, #tpu.memory_space<hbm>> -> memref<128xi32, #tpu.memory_space<hbm>>
    %dma_start3A_33 = tpu.memref_slice %arg4[%multiple_of3A_29] : memref<320000xi32, #tpu.memory_space<hbm>> -> memref<128xi32, #tpu.memory_space<hbm>>
    tpu.enqueue_dma source(%dma_start3A_33 : memref<128xi32, #tpu.memory_space<hbm>>) target(%arg14 : memref<128xi32, #tpu.memory_space<vmem>>) target_semaphore(%arg20 : memref<!tpu.dma_semaphore, #tpu.memory_space<semaphore_mem>>)
    %dma_wait3A = arith.constant 0 : i32
    %dma_wait3A_34 = tpu.memref_slice %arg3[%dma_wait3A] : memref<320000xi32, #tpu.memory_space<hbm>> -> memref<128xi32, #tpu.memory_space<hbm>>
    %dma_wait3A_35 = arith.constant 0 : i32
    %dma_wait3A_36 = tpu.memref_slice %arg3[%dma_wait3A_35] : memref<320000xi32, #tpu.memory_space<hbm>> -> memref<128xi32, #tpu.memory_space<hbm>>
    tpu.wait_dma2 semaphore(%arg17 : memref<!tpu.dma_semaphore, #tpu.memory_space<semaphore_mem>>) src(%dma_wait3A_36 : memref<128xi32, #tpu.memory_space<hbm>>) dst(%arg7 : memref<128xi32, #tpu.memory_space<vmem>>)
    %dma_wait3A_37 = arith.constant 0 : i32
    %dma_wait3A_38 = tpu.memref_slice %arg4[%dma_wait3A_37] : memref<320000xi32, #tpu.memory_space<hbm>> -> memref<128xi32, #tpu.memory_space<hbm>>
    %dma_wait3A_39 = arith.constant 0 : i32
    %dma_wait3A_40 = tpu.memref_slice %arg4[%dma_wait3A_39] : memref<320000xi32, #tpu.memory_space<hbm>> -> memref<128xi32, #tpu.memory_space<hbm>>
    tpu.wait_dma2 semaphore(%arg17 : memref<!tpu.dma_semaphore, #tpu.memory_space<semaphore_mem>>) src(%dma_wait3A_40 : memref<128xi32, #tpu.memory_space<hbm>>) dst(%arg11 : memref<128xi32, #tpu.memory_space<vmem>>)
    %dma_start3A_41 = arith.constant 0 : i32
    %dma_start3A_42 = arith.constant 0 : i32
    %dma_start3A_43 = tpu.memref_slice %arg2[%dma_start3A_41, %dma_start3A_42] : memref<10000x128xf32, #tpu.memory_space<hbm>> -> memref<10000x128xf32, #tpu.memory_space<hbm>>
    tpu.enqueue_indirect_dma source(%dma_start3A_43 : memref<10000x128xf32, #tpu.memory_space<hbm>>) target(%arg15 : memref<128x128xf32, #tpu.memory_space<vmem>>) offsets(%arg7 : memref<128xi32, #tpu.memory_space<vmem>>) semaphore(%arg21 : memref<!tpu.dma_semaphore, #tpu.memory_space<semaphore_mem>>)
    %scan3A = arith.constant 0 : i32
    %scan3A_44 = arith.constant 17 : i32
    %scan3A_45 = arith.addi %scan3A, %scan3A_44 : i32
    %scan3A_46 = arith.constant 1 : i32
    scf.for %scan3A_228 = %scan3A to %scan3A_45 step %scan3A_46  : i32 {
      %mul3A_229 = arith.constant 1 : i32
      %mul3A_230 = arith.muli %scan3A_228, %mul3A_229 : i32
      %add3A_231 = arith.constant 0 : i32
      %add3A_232 = arith.addi %add3A_231, %mul3A_230 : i32
      %mul3A_233 = arith.constant 4 : i32
      %mul3A_234 = arith.muli %mul3A_233, %add3A_232 : i32
      %dma_wait3A_235 = arith.constant 0 : i32
      %dma_wait3A_236 = tpu.memref_slice %arg3[%dma_wait3A_235] : memref<320000xi32, #tpu.memory_space<hbm>> -> memref<128xi32, #tpu.memory_space<hbm>>
      %dma_wait3A_237 = arith.constant 0 : i32
      %dma_wait3A_238 = tpu.memref_slice %arg3[%dma_wait3A_237] : memref<320000xi32, #tpu.memory_space<hbm>> -> memref<128xi32, #tpu.memory_space<hbm>>
      tpu.wait_dma2 semaphore(%arg18 : memref<!tpu.dma_semaphore, #tpu.memory_space<semaphore_mem>>) src(%dma_wait3A_238 : memref<128xi32, #tpu.memory_space<hbm>>) dst(%arg8 : memref<128xi32, #tpu.memory_space<vmem>>)
      %dma_wait3A_239 = arith.constant 0 : i32
      %dma_wait3A_240 = tpu.memref_slice %arg4[%dma_wait3A_239] : memref<320000xi32, #tpu.memory_space<hbm>> -> memref<128xi32, #tpu.memory_space<hbm>>
      %dma_wait3A_241 = arith.constant 0 : i32
      %dma_wait3A_242 = tpu.memref_slice %arg4[%dma_wait3A_241] : memref<320000xi32, #tpu.memory_space<hbm>> -> memref<128xi32, #tpu.memory_space<hbm>>
      tpu.wait_dma2 semaphore(%arg18 : memref<!tpu.dma_semaphore, #tpu.memory_space<semaphore_mem>>) src(%dma_wait3A_242 : memref<128xi32, #tpu.memory_space<hbm>>) dst(%arg12 : memref<128xi32, #tpu.memory_space<vmem>>)
      %dma_start3A_243 = arith.constant 0 : i32
      %dma_start3A_244 = arith.constant 0 : i32
      %dma_start3A_245 = tpu.memref_slice %arg2[%dma_start3A_243, %dma_start3A_244] : memref<10000x128xf32, #tpu.memory_space<hbm>> -> memref<10000x128xf32, #tpu.memory_space<hbm>>
      tpu.enqueue_indirect_dma source(%dma_start3A_245 : memref<10000x128xf32, #tpu.memory_space<hbm>>) target(%arg16 : memref<128x128xf32, #tpu.memory_space<vmem>>) offsets(%arg8 : memref<128xi32, #tpu.memory_space<vmem>>) semaphore(%arg22 : memref<!tpu.dma_semaphore, #tpu.memory_space<semaphore_mem>>)
      %dma_wait3A_246 = arith.constant 0 : i32
      %dma_wait3A_247 = arith.constant 0 : i32
      %dma_wait3A_248 = tpu.memref_slice %arg2[%dma_wait3A_246, %dma_wait3A_247] : memref<10000x128xf32, #tpu.memory_space<hbm>> -> memref<10000x128xf32, #tpu.memory_space<hbm>>
      tpu.wait_indirect_dma semaphore(%arg21 : memref<!tpu.dma_semaphore, #tpu.memory_space<semaphore_mem>>) src(%dma_wait3A_248 : memref<10000x128xf32, #tpu.memory_space<hbm>>) dst(%arg15 : memref<128x128xf32, #tpu.memory_space<vmem>>)
      "tpu.region"() ({
        %run_scoped3A = tpu.sem_alloc : memref<!tpu.dma_semaphore, #tpu.memory_space<semaphore_mem>>
        %dma_start3A_339 = arith.constant 0 : i32
        %dma_start3A_340 = arith.constant 0 : i32
        %dma_start3A_341 = tpu.memref_slice %arg26[%dma_start3A_339, %dma_start3A_340] : memref<10000x128xf32, #tpu.memory_space<vmem_shared>> -> memref<10000x128xf32, #tpu.memory_space<vmem_shared>>
        tpu.enqueue_indirect_dma source(%arg15 : memref<128x128xf32, #tpu.memory_space<vmem>>) target(%dma_start3A_341 : memref<10000x128xf32, #tpu.memory_space<vmem_shared>>) offsets(%arg11 : memref<128xi32, #tpu.memory_space<vmem>>) semaphore(%run_scoped3A : memref<!tpu.dma_semaphore, #tpu.memory_space<semaphore_mem>>) {add = true}
        %dma_wait3A_342 = arith.constant 0 : i32
        %dma_wait3A_343 = arith.constant 0 : i32
        %dma_wait3A_344 = tpu.memref_slice %arg26[%dma_wait3A_342, %dma_wait3A_343] : memref<10000x128xf32, #tpu.memory_space<vmem_shared>> -> memref<10000x128xf32, #tpu.memory_space<vmem_shared>>
        tpu.wait_indirect_dma semaphore(%run_scoped3A : memref<!tpu.dma_semaphore, #tpu.memory_space<semaphore_mem>>) src(%arg15 : memref<128x128xf32, #tpu.memory_space<vmem>>) dst(%dma_wait3A_344 : memref<10000x128xf32, #tpu.memory_space<vmem_shared>>)
        tpu.yield
      }) : () -> ()
      %add3A_249 = arith.constant 0 : i32
      %add3A_250 = arith.addi %mul3A_234, %add3A_249 : i32
      %add3A_251 = arith.constant 4 : i32
      %add3A_252 = arith.addi %add3A_250, %add3A_251 : i32
      %mul3A_253 = arith.constant 128 : i32
      %mul3A_254 = arith.muli %add3A_252, %mul3A_253 : i32
      %add3A_255 = arith.addi %mul3A_6, %mul3A_254 : i32
      %multiple_of3A_256 = tpu.assume_multiple %add3A_255, 8 : i32
      %dma_start3A_257 = tpu.memref_slice %arg3[%multiple_of3A_256] : memref<320000xi32, #tpu.memory_space<hbm>> -> memref<128xi32, #tpu.memory_space<hbm>>
      %dma_start3A_258 = tpu.memref_slice %arg3[%multiple_of3A_256] : memref<320000xi32, #tpu.memory_space<hbm>> -> memref<128xi32, #tpu.memory_space<hbm>>
      tpu.enqueue_dma source(%dma_start3A_258 : memref<128xi32, #tpu.memory_space<hbm>>) target(%arg7 : memref<128xi32, #tpu.memory_space<vmem>>) target_semaphore(%arg17 : memref<!tpu.dma_semaphore, #tpu.memory_space<semaphore_mem>>)
      %dma_start3A_259 = tpu.memref_slice %arg4[%multiple_of3A_256] : memref<320000xi32, #tpu.memory_space<hbm>> -> memref<128xi32, #tpu.memory_space<hbm>>
      %dma_start3A_260 = tpu.memref_slice %arg4[%multiple_of3A_256] : memref<320000xi32, #tpu.memory_space<hbm>> -> memref<128xi32, #tpu.memory_space<hbm>>
      tpu.enqueue_dma source(%dma_start3A_260 : memref<128xi32, #tpu.memory_space<hbm>>) target(%arg11 : memref<128xi32, #tpu.memory_space<vmem>>) target_semaphore(%arg17 : memref<!tpu.dma_semaphore, #tpu.memory_space<semaphore_mem>>)
      %dma_wait3A_261 = arith.constant 0 : i32
      %dma_wait3A_262 = tpu.memref_slice %arg3[%dma_wait3A_261] : memref<320000xi32, #tpu.memory_space<hbm>> -> memref<128xi32, #tpu.memory_space<hbm>>
      %dma_wait3A_263 = arith.constant 0 : i32
      %dma_wait3A_264 = tpu.memref_slice %arg3[%dma_wait3A_263] : memref<320000xi32, #tpu.memory_space<hbm>> -> memref<128xi32, #tpu.memory_space<hbm>>
      tpu.wait_dma2 semaphore(%arg19 : memref<!tpu.dma_semaphore, #tpu.memory_space<semaphore_mem>>) src(%dma_wait3A_264 : memref<128xi32, #tpu.memory_space<hbm>>) dst(%arg9 : memref<128xi32, #tpu.memory_space<vmem>>)
      %dma_wait3A_265 = arith.constant 0 : i32
      %dma_wait3A_266 = tpu.memref_slice %arg4[%dma_wait3A_265] : memref<320000xi32, #tpu.memory_space<hbm>> -> memref<128xi32, #tpu.memory_space<hbm>>
      %dma_wait3A_267 = arith.constant 0 : i32
      %dma_wait3A_268 = tpu.memref_slice %arg4[%dma_wait3A_267] : memref<320000xi32, #tpu.memory_space<hbm>> -> memref<128xi32, #tpu.memory_space<hbm>>
      tpu.wait_dma2 semaphore(%arg19 : memref<!tpu.dma_semaphore, #tpu.memory_space<semaphore_mem>>) src(%dma_wait3A_268 : memref<128xi32, #tpu.memory_space<hbm>>) dst(%arg13 : memref<128xi32, #tpu.memory_space<vmem>>)
      %dma_start3A_269 = arith.constant 0 : i32
      %dma_start3A_270 = arith.constant 0 : i32
      %dma_start3A_271 = tpu.memref_slice %arg2[%dma_start3A_269, %dma_start3A_270] : memref<10000x128xf32, #tpu.memory_space<hbm>> -> memref<10000x128xf32, #tpu.memory_space<hbm>>
      tpu.enqueue_indirect_dma source(%dma_start3A_271 : memref<10000x128xf32, #tpu.memory_space<hbm>>) target(%arg15 : memref<128x128xf32, #tpu.memory_space<vmem>>) offsets(%arg9 : memref<128xi32, #tpu.memory_space<vmem>>) semaphore(%arg21 : memref<!tpu.dma_semaphore, #tpu.memory_space<semaphore_mem>>)
      %dma_wait3A_272 = arith.constant 0 : i32
      %dma_wait3A_273 = arith.constant 0 : i32
      %dma_wait3A_274 = tpu.memref_slice %arg2[%dma_wait3A_272, %dma_wait3A_273] : memref<10000x128xf32, #tpu.memory_space<hbm>> -> memref<10000x128xf32, #tpu.memory_space<hbm>>
      tpu.wait_indirect_dma semaphore(%arg22 : memref<!tpu.dma_semaphore, #tpu.memory_space<semaphore_mem>>) src(%dma_wait3A_274 : memref<10000x128xf32, #tpu.memory_space<hbm>>) dst(%arg16 : memref<128x128xf32, #tpu.memory_space<vmem>>)
      "tpu.region"() ({
        %run_scoped3A = tpu.sem_alloc : memref<!tpu.dma_semaphore, #tpu.memory_space<semaphore_mem>>
        %dma_start3A_339 = arith.constant 0 : i32
        %dma_start3A_340 = arith.constant 0 : i32
        %dma_start3A_341 = tpu.memref_slice %arg26[%dma_start3A_339, %dma_start3A_340] : memref<10000x128xf32, #tpu.memory_space<vmem_shared>> -> memref<10000x128xf32, #tpu.memory_space<vmem_shared>>
        tpu.enqueue_indirect_dma source(%arg16 : memref<128x128xf32, #tpu.memory_space<vmem>>) target(%dma_start3A_341 : memref<10000x128xf32, #tpu.memory_space<vmem_shared>>) offsets(%arg12 : memref<128xi32, #tpu.memory_space<vmem>>) semaphore(%run_scoped3A : memref<!tpu.dma_semaphore, #tpu.memory_space<semaphore_mem>>) {add = true}
        %dma_wait3A_342 = arith.constant 0 : i32
        %dma_wait3A_343 = arith.constant 0 : i32
        %dma_wait3A_344 = tpu.memref_slice %arg26[%dma_wait3A_342, %dma_wait3A_343] : memref<10000x128xf32, #tpu.memory_space<vmem_shared>> -> memref<10000x128xf32, #tpu.memory_space<vmem_shared>>
        tpu.wait_indirect_dma semaphore(%run_scoped3A : memref<!tpu.dma_semaphore, #tpu.memory_space<semaphore_mem>>) src(%arg16 : memref<128x128xf32, #tpu.memory_space<vmem>>) dst(%dma_wait3A_344 : memref<10000x128xf32, #tpu.memory_space<vmem_shared>>)
        tpu.yield
      }) : () -> ()
      %add3A_275 = arith.constant 1 : i32
      %add3A_276 = arith.addi %mul3A_234, %add3A_275 : i32
      %add3A_277 = arith.constant 4 : i32
      %add3A_278 = arith.addi %add3A_276, %add3A_277 : i32
      %mul3A_279 = arith.constant 128 : i32
      %mul3A_280 = arith.muli %add3A_278, %mul3A_279 : i32
      %add3A_281 = arith.addi %mul3A_6, %mul3A_280 : i32
      %multiple_of3A_282 = tpu.assume_multiple %add3A_281, 8 : i32
      %dma_start3A_283 = tpu.memref_slice %arg3[%multiple_of3A_282] : memref<320000xi32, #tpu.memory_space<hbm>> -> memref<128xi32, #tpu.memory_space<hbm>>
      %dma_start3A_284 = tpu.memref_slice %arg3[%multiple_of3A_282] : memref<320000xi32, #tpu.memory_space<hbm>> -> memref<128xi32, #tpu.memory_space<hbm>>
      tpu.enqueue_dma source(%dma_start3A_284 : memref<128xi32, #tpu.memory_space<hbm>>) target(%arg8 : memref<128xi32, #tpu.memory_space<vmem>>) target_semaphore(%arg18 : memref<!tpu.dma_semaphore, #tpu.memory_space<semaphore_mem>>)
      %dma_start3A_285 = tpu.memref_slice %arg4[%multiple_of3A_282] : memref<320000xi32, #tpu.memory_space<hbm>> -> memref<128xi32, #tpu.memory_space<hbm>>
      %dma_start3A_286 = tpu.memref_slice %arg4[%multiple_of3A_282] : memref<320000xi32, #tpu.memory_space<hbm>> -> memref<128xi32, #tpu.memory_space<hbm>>
      tpu.enqueue_dma source(%dma_start3A_286 : memref<128xi32, #tpu.memory_space<hbm>>) target(%arg12 : memref<128xi32, #tpu.memory_space<vmem>>) target_semaphore(%arg18 : memref<!tpu.dma_semaphore, #tpu.memory_space<semaphore_mem>>)
      %dma_wait3A_287 = arith.constant 0 : i32
      %dma_wait3A_288 = tpu.memref_slice %arg3[%dma_wait3A_287] : memref<320000xi32, #tpu.memory_space<hbm>> -> memref<128xi32, #tpu.memory_space<hbm>>
      %dma_wait3A_289 = arith.constant 0 : i32
      %dma_wait3A_290 = tpu.memref_slice %arg3[%dma_wait3A_289] : memref<320000xi32, #tpu.memory_space<hbm>> -> memref<128xi32, #tpu.memory_space<hbm>>
      tpu.wait_dma2 semaphore(%arg20 : memref<!tpu.dma_semaphore, #tpu.memory_space<semaphore_mem>>) src(%dma_wait3A_290 : memref<128xi32, #tpu.memory_space<hbm>>) dst(%arg10 : memref<128xi32, #tpu.memory_space<vmem>>)
      %dma_wait3A_291 = arith.constant 0 : i32
      %dma_wait3A_292 = tpu.memref_slice %arg4[%dma_wait3A_291] : memref<320000xi32, #tpu.memory_space<hbm>> -> memref<128xi32, #tpu.memory_space<hbm>>
      %dma_wait3A_293 = arith.constant 0 : i32
      %dma_wait3A_294 = tpu.memref_slice %arg4[%dma_wait3A_293] : memref<320000xi32, #tpu.memory_space<hbm>> -> memref<128xi32, #tpu.memory_space<hbm>>
      tpu.wait_dma2 semaphore(%arg20 : memref<!tpu.dma_semaphore, #tpu.memory_space<semaphore_mem>>) src(%dma_wait3A_294 : memref<128xi32, #tpu.memory_space<hbm>>) dst(%arg14 : memref<128xi32, #tpu.memory_space<vmem>>)
      %dma_start3A_295 = arith.constant 0 : i32
      %dma_start3A_296 = arith.constant 0 : i32
      %dma_start3A_297 = tpu.memref_slice %arg2[%dma_start3A_295, %dma_start3A_296] : memref<10000x128xf32, #tpu.memory_space<hbm>> -> memref<10000x128xf32, #tpu.memory_space<hbm>>
      tpu.enqueue_indirect_dma source(%dma_start3A_297 : memref<10000x128xf32, #tpu.memory_space<hbm>>) target(%arg16 : memref<128x128xf32, #tpu.memory_space<vmem>>) offsets(%arg10 : memref<128xi32, #tpu.memory_space<vmem>>) semaphore(%arg22 : memref<!tpu.dma_semaphore, #tpu.memory_space<semaphore_mem>>)
      %dma_wait3A_298 = arith.constant 0 : i32
      %dma_wait3A_299 = arith.constant 0 : i32
      %dma_wait3A_300 = tpu.memref_slice %arg2[%dma_wait3A_298, %dma_wait3A_299] : memref<10000x128xf32, #tpu.memory_space<hbm>> -> memref<10000x128xf32, #tpu.memory_space<hbm>>
      tpu.wait_indirect_dma semaphore(%arg21 : memref<!tpu.dma_semaphore, #tpu.memory_space<semaphore_mem>>) src(%dma_wait3A_300 : memref<10000x128xf32, #tpu.memory_space<hbm>>) dst(%arg15 : memref<128x128xf32, #tpu.memory_space<vmem>>)
      "tpu.region"() ({
        %run_scoped3A = tpu.sem_alloc : memref<!tpu.dma_semaphore, #tpu.memory_space<semaphore_mem>>
        %dma_start3A_339 = arith.constant 0 : i32
        %dma_start3A_340 = arith.constant 0 : i32
        %dma_start3A_341 = tpu.memref_slice %arg26[%dma_start3A_339, %dma_start3A_340] : memref<10000x128xf32, #tpu.memory_space<vmem_shared>> -> memref<10000x128xf32, #tpu.memory_space<vmem_shared>>
        tpu.enqueue_indirect_dma source(%arg15 : memref<128x128xf32, #tpu.memory_space<vmem>>) target(%dma_start3A_341 : memref<10000x128xf32, #tpu.memory_space<vmem_shared>>) offsets(%arg13 : memref<128xi32, #tpu.memory_space<vmem>>) semaphore(%run_scoped3A : memref<!tpu.dma_semaphore, #tpu.memory_space<semaphore_mem>>) {add = true}
        %dma_wait3A_342 = arith.constant 0 : i32
        %dma_wait3A_343 = arith.constant 0 : i32
        %dma_wait3A_344 = tpu.memref_slice %arg26[%dma_wait3A_342, %dma_wait3A_343] : memref<10000x128xf32, #tpu.memory_space<vmem_shared>> -> memref<10000x128xf32, #tpu.memory_space<vmem_shared>>
        tpu.wait_indirect_dma semaphore(%run_scoped3A : memref<!tpu.dma_semaphore, #tpu.memory_space<semaphore_mem>>) src(%arg15 : memref<128x128xf32, #tpu.memory_space<vmem>>) dst(%dma_wait3A_344 : memref<10000x128xf32, #tpu.memory_space<vmem_shared>>)
        tpu.yield
      }) : () -> ()
      %add3A_301 = arith.constant 2 : i32
      %add3A_302 = arith.addi %mul3A_234, %add3A_301 : i32
      %add3A_303 = arith.constant 4 : i32
      %add3A_304 = arith.addi %add3A_302, %add3A_303 : i32
      %mul3A_305 = arith.constant 128 : i32
      %mul3A_306 = arith.muli %add3A_304, %mul3A_305 : i32
      %add3A_307 = arith.addi %mul3A_6, %mul3A_306 : i32
      %multiple_of3A_308 = tpu.assume_multiple %add3A_307, 8 : i32
      %dma_start3A_309 = tpu.memref_slice %arg3[%multiple_of3A_308] : memref<320000xi32, #tpu.memory_space<hbm>> -> memref<128xi32, #tpu.memory_space<hbm>>
      %dma_start3A_310 = tpu.memref_slice %arg3[%multiple_of3A_308] : memref<320000xi32, #tpu.memory_space<hbm>> -> memref<128xi32, #tpu.memory_space<hbm>>
      tpu.enqueue_dma source(%dma_start3A_310 : memref<128xi32, #tpu.memory_space<hbm>>) target(%arg9 : memref<128xi32, #tpu.memory_space<vmem>>) target_semaphore(%arg19 : memref<!tpu.dma_semaphore, #tpu.memory_space<semaphore_mem>>)
      %dma_start3A_311 = tpu.memref_slice %arg4[%multiple_of3A_308] : memref<320000xi32, #tpu.memory_space<hbm>> -> memref<128xi32, #tpu.memory_space<hbm>>
      %dma_start3A_312 = tpu.memref_slice %arg4[%multiple_of3A_308] : memref<320000xi32, #tpu.memory_space<hbm>> -> memref<128xi32, #tpu.memory_space<hbm>>
      tpu.enqueue_dma source(%dma_start3A_312 : memref<128xi32, #tpu.memory_space<hbm>>) target(%arg13 : memref<128xi32, #tpu.memory_space<vmem>>) target_semaphore(%arg19 : memref<!tpu.dma_semaphore, #tpu.memory_space<semaphore_mem>>)
      %dma_wait3A_313 = arith.constant 0 : i32
      %dma_wait3A_314 = tpu.memref_slice %arg3[%dma_wait3A_313] : memref<320000xi32, #tpu.memory_space<hbm>> -> memref<128xi32, #tpu.memory_space<hbm>>
      %dma_wait3A_315 = arith.constant 0 : i32
      %dma_wait3A_316 = tpu.memref_slice %arg3[%dma_wait3A_315] : memref<320000xi32, #tpu.memory_space<hbm>> -> memref<128xi32, #tpu.memory_space<hbm>>
      tpu.wait_dma2 semaphore(%arg17 : memref<!tpu.dma_semaphore, #tpu.memory_space<semaphore_mem>>) src(%dma_wait3A_316 : memref<128xi32, #tpu.memory_space<hbm>>) dst(%arg7 : memref<128xi32, #tpu.memory_space<vmem>>)
      %dma_wait3A_317 = arith.constant 0 : i32
      %dma_wait3A_318 = tpu.memref_slice %arg4[%dma_wait3A_317] : memref<320000xi32, #tpu.memory_space<hbm>> -> memref<128xi32, #tpu.memory_space<hbm>>
      %dma_wait3A_319 = arith.constant 0 : i32
      %dma_wait3A_320 = tpu.memref_slice %arg4[%dma_wait3A_319] : memref<320000xi32, #tpu.memory_space<hbm>> -> memref<128xi32, #tpu.memory_space<hbm>>
      tpu.wait_dma2 semaphore(%arg17 : memref<!tpu.dma_semaphore, #tpu.memory_space<semaphore_mem>>) src(%dma_wait3A_320 : memref<128xi32, #tpu.memory_space<hbm>>) dst(%arg11 : memref<128xi32, #tpu.memory_space<vmem>>)
      %dma_start3A_321 = arith.constant 0 : i32
      %dma_start3A_322 = arith.constant 0 : i32
      %dma_start3A_323 = tpu.memref_slice %arg2[%dma_start3A_321, %dma_start3A_322] : memref<10000x128xf32, #tpu.memory_space<hbm>> -> memref<10000x128xf32, #tpu.memory_space<hbm>>
      tpu.enqueue_indirect_dma source(%dma_start3A_323 : memref<10000x128xf32, #tpu.memory_space<hbm>>) target(%arg15 : memref<128x128xf32, #tpu.memory_space<vmem>>) offsets(%arg7 : memref<128xi32, #tpu.memory_space<vmem>>) semaphore(%arg21 : memref<!tpu.dma_semaphore, #tpu.memory_space<semaphore_mem>>)
      %dma_wait3A_324 = arith.constant 0 : i32
      %dma_wait3A_325 = arith.constant 0 : i32
      %dma_wait3A_326 = tpu.memref_slice %arg2[%dma_wait3A_324, %dma_wait3A_325] : memref<10000x128xf32, #tpu.memory_space<hbm>> -> memref<10000x128xf32, #tpu.memory_space<hbm>>
      tpu.wait_indirect_dma semaphore(%arg22 : memref<!tpu.dma_semaphore, #tpu.memory_space<semaphore_mem>>) src(%dma_wait3A_326 : memref<10000x128xf32, #tpu.memory_space<hbm>>) dst(%arg16 : memref<128x128xf32, #tpu.memory_space<vmem>>)
      "tpu.region"() ({
        %run_scoped3A = tpu.sem_alloc : memref<!tpu.dma_semaphore, #tpu.memory_space<semaphore_mem>>
        %dma_start3A_339 = arith.constant 0 : i32
        %dma_start3A_340 = arith.constant 0 : i32
        %dma_start3A_341 = tpu.memref_slice %arg26[%dma_start3A_339, %dma_start3A_340] : memref<10000x128xf32, #tpu.memory_space<vmem_shared>> -> memref<10000x128xf32, #tpu.memory_space<vmem_shared>>
        tpu.enqueue_indirect_dma source(%arg16 : memref<128x128xf32, #tpu.memory_space<vmem>>) target(%dma_start3A_341 : memref<10000x128xf32, #tpu.memory_space<vmem_shared>>) offsets(%arg14 : memref<128xi32, #tpu.memory_space<vmem>>) semaphore(%run_scoped3A : memref<!tpu.dma_semaphore, #tpu.memory_space<semaphore_mem>>) {add = true}
        %dma_wait3A_342 = arith.constant 0 : i32
        %dma_wait3A_343 = arith.constant 0 : i32
        %dma_wait3A_344 = tpu.memref_slice %arg26[%dma_wait3A_342, %dma_wait3A_343] : memref<10000x128xf32, #tpu.memory_space<vmem_shared>> -> memref<10000x128xf32, #tpu.memory_space<vmem_shared>>
        tpu.wait_indirect_dma semaphore(%run_scoped3A : memref<!tpu.dma_semaphore, #tpu.memory_space<semaphore_mem>>) src(%arg16 : memref<128x128xf32, #tpu.memory_space<vmem>>) dst(%dma_wait3A_344 : memref<10000x128xf32, #tpu.memory_space<vmem_shared>>)
        tpu.yield
      }) : () -> ()
      %add3A_327 = arith.constant 3 : i32
      %add3A_328 = arith.addi %mul3A_234, %add3A_327 : i32
      %add3A_329 = arith.constant 4 : i32
      %add3A_330 = arith.addi %add3A_328, %add3A_329 : i32
      %mul3A_331 = arith.constant 128 : i32
      %mul3A_332 = arith.muli %add3A_330, %mul3A_331 : i32
      %add3A_333 = arith.addi %mul3A_6, %mul3A_332 : i32
      %multiple_of3A_334 = tpu.assume_multiple %add3A_333, 8 : i32
      %dma_start3A_335 = tpu.memref_slice %arg3[%multiple_of3A_334] : memref<320000xi32, #tpu.memory_space<hbm>> -> memref<128xi32, #tpu.memory_space<hbm>>
      %dma_start3A_336 = tpu.memref_slice %arg3[%multiple_of3A_334] : memref<320000xi32, #tpu.memory_space<hbm>> -> memref<128xi32, #tpu.memory_space<hbm>>
      tpu.enqueue_dma source(%dma_start3A_336 : memref<128xi32, #tpu.memory_space<hbm>>) target(%arg10 : memref<128xi32, #tpu.memory_space<vmem>>) target_semaphore(%arg20 : memref<!tpu.dma_semaphore, #tpu.memory_space<semaphore_mem>>)
      %dma_start3A_337 = tpu.memref_slice %arg4[%multiple_of3A_334] : memref<320000xi32, #tpu.memory_space<hbm>> -> memref<128xi32, #tpu.memory_space<hbm>>
      %dma_start3A_338 = tpu.memref_slice %arg4[%multiple_of3A_334] : memref<320000xi32, #tpu.memory_space<hbm>> -> memref<128xi32, #tpu.memory_space<hbm>>
      tpu.enqueue_dma source(%dma_start3A_338 : memref<128xi32, #tpu.memory_space<hbm>>) target(%arg14 : memref<128xi32, #tpu.memory_space<vmem>>) target_semaphore(%arg20 : memref<!tpu.dma_semaphore, #tpu.memory_space<semaphore_mem>>)
    }
    %scan3A_47 = arith.constant 17 : i32
    %dma_wait3A_48 = arith.constant 0 : i32
    %dma_wait3A_49 = tpu.memref_slice %arg3[%dma_wait3A_48] : memref<320000xi32, #tpu.memory_space<hbm>> -> memref<128xi32, #tpu.memory_space<hbm>>
    %dma_wait3A_50 = arith.constant 0 : i32
    %dma_wait3A_51 = tpu.memref_slice %arg3[%dma_wait3A_50] : memref<320000xi32, #tpu.memory_space<hbm>> -> memref<128xi32, #tpu.memory_space<hbm>>
    tpu.wait_dma2 semaphore(%arg18 : memref<!tpu.dma_semaphore, #tpu.memory_space<semaphore_mem>>) src(%dma_wait3A_51 : memref<128xi32, #tpu.memory_space<hbm>>) dst(%arg8 : memref<128xi32, #tpu.memory_space<vmem>>)
    %dma_wait3A_52 = arith.constant 0 : i32
    %dma_wait3A_53 = tpu.memref_slice %arg4[%dma_wait3A_52] : memref<320000xi32, #tpu.memory_space<hbm>> -> memref<128xi32, #tpu.memory_space<hbm>>
    %dma_wait3A_54 = arith.constant 0 : i32
    %dma_wait3A_55 = tpu.memref_slice %arg4[%dma_wait3A_54] : memref<320000xi32, #tpu.memory_space<hbm>> -> memref<128xi32, #tpu.memory_space<hbm>>
    tpu.wait_dma2 semaphore(%arg18 : memref<!tpu.dma_semaphore, #tpu.memory_space<semaphore_mem>>) src(%dma_wait3A_55 : memref<128xi32, #tpu.memory_space<hbm>>) dst(%arg12 : memref<128xi32, #tpu.memory_space<vmem>>)
    %dma_start3A_56 = arith.constant 0 : i32
    %dma_start3A_57 = arith.constant 0 : i32
    %dma_start3A_58 = tpu.memref_slice %arg2[%dma_start3A_56, %dma_start3A_57] : memref<10000x128xf32, #tpu.memory_space<hbm>> -> memref<10000x128xf32, #tpu.memory_space<hbm>>
    tpu.enqueue_indirect_dma source(%dma_start3A_58 : memref<10000x128xf32, #tpu.memory_space<hbm>>) target(%arg16 : memref<128x128xf32, #tpu.memory_space<vmem>>) offsets(%arg8 : memref<128xi32, #tpu.memory_space<vmem>>) semaphore(%arg22 : memref<!tpu.dma_semaphore, #tpu.memory_space<semaphore_mem>>)
    %dma_wait3A_59 = arith.constant 0 : i32
    %dma_wait3A_60 = arith.constant 0 : i32
    %dma_wait3A_61 = tpu.memref_slice %arg2[%dma_wait3A_59, %dma_wait3A_60] : memref<10000x128xf32, #tpu.memory_space<hbm>> -> memref<10000x128xf32, #tpu.memory_space<hbm>>
    tpu.wait_indirect_dma semaphore(%arg21 : memref<!tpu.dma_semaphore, #tpu.memory_space<semaphore_mem>>) src(%dma_wait3A_61 : memref<10000x128xf32, #tpu.memory_space<hbm>>) dst(%arg15 : memref<128x128xf32, #tpu.memory_space<vmem>>)
    "tpu.region"() ({
      %run_scoped3A = tpu.sem_alloc : memref<!tpu.dma_semaphore, #tpu.memory_space<semaphore_mem>>
      %dma_start3A_228 = arith.constant 0 : i32
      %dma_start3A_229 = arith.constant 0 : i32
      %dma_start3A_230 = tpu.memref_slice %arg26[%dma_start3A_228, %dma_start3A_229] : memref<10000x128xf32, #tpu.memory_space<vmem_shared>> -> memref<10000x128xf32, #tpu.memory_space<vmem_shared>>
      tpu.enqueue_indirect_dma source(%arg15 : memref<128x128xf32, #tpu.memory_space<vmem>>) target(%dma_start3A_230 : memref<10000x128xf32, #tpu.memory_space<vmem_shared>>) offsets(%arg11 : memref<128xi32, #tpu.memory_space<vmem>>) semaphore(%run_scoped3A : memref<!tpu.dma_semaphore, #tpu.memory_space<semaphore_mem>>) {add = true}
      %dma_wait3A_231 = arith.constant 0 : i32
      %dma_wait3A_232 = arith.constant 0 : i32
      %dma_wait3A_233 = tpu.memref_slice %arg26[%dma_wait3A_231, %dma_wait3A_232] : memref<10000x128xf32, #tpu.memory_space<vmem_shared>> -> memref<10000x128xf32, #tpu.memory_space<vmem_shared>>
      tpu.wait_indirect_dma semaphore(%run_scoped3A : memref<!tpu.dma_semaphore, #tpu.memory_space<semaphore_mem>>) src(%arg15 : memref<128x128xf32, #tpu.memory_space<vmem>>) dst(%dma_wait3A_233 : memref<10000x128xf32, #tpu.memory_space<vmem_shared>>)
      tpu.yield
    }) : () -> ()
    %add3A_62 = arith.constant 9216 : i32
    %add3A_63 = arith.addi %mul3A_6, %add3A_62 : i32
    %multiple_of3A_64 = tpu.assume_multiple %add3A_63, 8 : i32
    %dma_start3A_65 = tpu.memref_slice %arg3[%multiple_of3A_64] : memref<320000xi32, #tpu.memory_space<hbm>> -> memref<128xi32, #tpu.memory_space<hbm>>
    %dma_start3A_66 = tpu.memref_slice %arg3[%multiple_of3A_64] : memref<320000xi32, #tpu.memory_space<hbm>> -> memref<128xi32, #tpu.memory_space<hbm>>
    tpu.enqueue_dma source(%dma_start3A_66 : memref<128xi32, #tpu.memory_space<hbm>>) target(%arg7 : memref<128xi32, #tpu.memory_space<vmem>>) target_semaphore(%arg17 : memref<!tpu.dma_semaphore, #tpu.memory_space<semaphore_mem>>)
    %dma_start3A_67 = tpu.memref_slice %arg4[%multiple_of3A_64] : memref<320000xi32, #tpu.memory_space<hbm>> -> memref<128xi32, #tpu.memory_space<hbm>>
    %dma_start3A_68 = tpu.memref_slice %arg4[%multiple_of3A_64] : memref<320000xi32, #tpu.memory_space<hbm>> -> memref<128xi32, #tpu.memory_space<hbm>>
    tpu.enqueue_dma source(%dma_start3A_68 : memref<128xi32, #tpu.memory_space<hbm>>) target(%arg11 : memref<128xi32, #tpu.memory_space<vmem>>) target_semaphore(%arg17 : memref<!tpu.dma_semaphore, #tpu.memory_space<semaphore_mem>>)
    %dma_wait3A_69 = arith.constant 0 : i32
    %dma_wait3A_70 = tpu.memref_slice %arg3[%dma_wait3A_69] : memref<320000xi32, #tpu.memory_space<hbm>> -> memref<128xi32, #tpu.memory_space<hbm>>
    %dma_wait3A_71 = arith.constant 0 : i32
    %dma_wait3A_72 = tpu.memref_slice %arg3[%dma_wait3A_71] : memref<320000xi32, #tpu.memory_space<hbm>> -> memref<128xi32, #tpu.memory_space<hbm>>
    tpu.wait_dma2 semaphore(%arg19 : memref<!tpu.dma_semaphore, #tpu.memory_space<semaphore_mem>>) src(%dma_wait3A_72 : memref<128xi32, #tpu.memory_space<hbm>>) dst(%arg9 : memref<128xi32, #tpu.memory_space<vmem>>)
    %dma_wait3A_73 = arith.constant 0 : i32
    %dma_wait3A_74 = tpu.memref_slice %arg4[%dma_wait3A_73] : memref<320000xi32, #tpu.memory_space<hbm>> -> memref<128xi32, #tpu.memory_space<hbm>>
    %dma_wait3A_75 = arith.constant 0 : i32
    %dma_wait3A_76 = tpu.memref_slice %arg4[%dma_wait3A_75] : memref<320000xi32, #tpu.memory_space<hbm>> -> memref<128xi32, #tpu.memory_space<hbm>>
    tpu.wait_dma2 semaphore(%arg19 : memref<!tpu.dma_semaphore, #tpu.memory_space<semaphore_mem>>) src(%dma_wait3A_76 : memref<128xi32, #tpu.memory_space<hbm>>) dst(%arg13 : memref<128xi32, #tpu.memory_space<vmem>>)
    %dma_start3A_77 = arith.constant 0 : i32
    %dma_start3A_78 = arith.constant 0 : i32
    %dma_start3A_79 = tpu.memref_slice %arg2[%dma_start3A_77, %dma_start3A_78] : memref<10000x128xf32, #tpu.memory_space<hbm>> -> memref<10000x128xf32, #tpu.memory_space<hbm>>
    tpu.enqueue_indirect_dma source(%dma_start3A_79 : memref<10000x128xf32, #tpu.memory_space<hbm>>) target(%arg15 : memref<128x128xf32, #tpu.memory_space<vmem>>) offsets(%arg9 : memref<128xi32, #tpu.memory_space<vmem>>) semaphore(%arg21 : memref<!tpu.dma_semaphore, #tpu.memory_space<semaphore_mem>>)
    %dma_wait3A_80 = arith.constant 0 : i32
    %dma_wait3A_81 = arith.constant 0 : i32
    %dma_wait3A_82 = tpu.memref_slice %arg2[%dma_wait3A_80, %dma_wait3A_81] : memref<10000x128xf32, #tpu.memory_space<hbm>> -> memref<10000x128xf32, #tpu.memory_space<hbm>>
    tpu.wait_indirect_dma semaphore(%arg22 : memref<!tpu.dma_semaphore, #tpu.memory_space<semaphore_mem>>) src(%dma_wait3A_82 : memref<10000x128xf32, #tpu.memory_space<hbm>>) dst(%arg16 : memref<128x128xf32, #tpu.memory_space<vmem>>)
    "tpu.region"() ({
      %run_scoped3A = tpu.sem_alloc : memref<!tpu.dma_semaphore, #tpu.memory_space<semaphore_mem>>
      %dma_start3A_228 = arith.constant 0 : i32
      %dma_start3A_229 = arith.constant 0 : i32
      %dma_start3A_230 = tpu.memref_slice %arg26[%dma_start3A_228, %dma_start3A_229] : memref<10000x128xf32, #tpu.memory_space<vmem_shared>> -> memref<10000x128xf32, #tpu.memory_space<vmem_shared>>
      tpu.enqueue_indirect_dma source(%arg16 : memref<128x128xf32, #tpu.memory_space<vmem>>) target(%dma_start3A_230 : memref<10000x128xf32, #tpu.memory_space<vmem_shared>>) offsets(%arg12 : memref<128xi32, #tpu.memory_space<vmem>>) semaphore(%run_scoped3A : memref<!tpu.dma_semaphore, #tpu.memory_space<semaphore_mem>>) {add = true}
      %dma_wait3A_231 = arith.constant 0 : i32
      %dma_wait3A_232 = arith.constant 0 : i32
      %dma_wait3A_233 = tpu.memref_slice %arg26[%dma_wait3A_231, %dma_wait3A_232] : memref<10000x128xf32, #tpu.memory_space<vmem_shared>> -> memref<10000x128xf32, #tpu.memory_space<vmem_shared>>
      tpu.wait_indirect_dma semaphore(%run_scoped3A : memref<!tpu.dma_semaphore, #tpu.memory_space<semaphore_mem>>) src(%arg16 : memref<128x128xf32, #tpu.memory_space<vmem>>) dst(%dma_wait3A_233 : memref<10000x128xf32, #tpu.memory_space<vmem_shared>>)
      tpu.yield
    }) : () -> ()
    %add3A_83 = arith.constant 9344 : i32
    %add3A_84 = arith.addi %mul3A_6, %add3A_83 : i32
    %multiple_of3A_85 = tpu.assume_multiple %add3A_84, 8 : i32
    %dma_start3A_86 = tpu.memref_slice %arg3[%multiple_of3A_85] : memref<320000xi32, #tpu.memory_space<hbm>> -> memref<128xi32, #tpu.memory_space<hbm>>
    %dma_start3A_87 = tpu.memref_slice %arg3[%multiple_of3A_85] : memref<320000xi32, #tpu.memory_space<hbm>> -> memref<128xi32, #tpu.memory_space<hbm>>
    tpu.enqueue_dma source(%dma_start3A_87 : memref<128xi32, #tpu.memory_space<hbm>>) target(%arg8 : memref<128xi32, #tpu.memory_space<vmem>>) target_semaphore(%arg18 : memref<!tpu.dma_semaphore, #tpu.memory_space<semaphore_mem>>)
    %dma_start3A_88 = tpu.memref_slice %arg4[%multiple_of3A_85] : memref<320000xi32, #tpu.memory_space<hbm>> -> memref<128xi32, #tpu.memory_space<hbm>>
    %dma_start3A_89 = tpu.memref_slice %arg4[%multiple_of3A_85] : memref<320000xi32, #tpu.memory_space<hbm>> -> memref<128xi32, #tpu.memory_space<hbm>>
    tpu.enqueue_dma source(%dma_start3A_89 : memref<128xi32, #tpu.memory_space<hbm>>) target(%arg12 : memref<128xi32, #tpu.memory_space<vmem>>) target_semaphore(%arg18 : memref<!tpu.dma_semaphore, #tpu.memory_space<semaphore_mem>>)
    %dma_wait3A_90 = arith.constant 0 : i32
    %dma_wait3A_91 = tpu.memref_slice %arg3[%dma_wait3A_90] : memref<320000xi32, #tpu.memory_space<hbm>> -> memref<128xi32, #tpu.memory_space<hbm>>
    %dma_wait3A_92 = arith.constant 0 : i32
    %dma_wait3A_93 = tpu.memref_slice %arg3[%dma_wait3A_92] : memref<320000xi32, #tpu.memory_space<hbm>> -> memref<128xi32, #tpu.memory_space<hbm>>
    tpu.wait_dma2 semaphore(%arg20 : memref<!tpu.dma_semaphore, #tpu.memory_space<semaphore_mem>>) src(%dma_wait3A_93 : memref<128xi32, #tpu.memory_space<hbm>>) dst(%arg10 : memref<128xi32, #tpu.memory_space<vmem>>)
    %dma_wait3A_94 = arith.constant 0 : i32
    %dma_wait3A_95 = tpu.memref_slice %arg4[%dma_wait3A_94] : memref<320000xi32, #tpu.memory_space<hbm>> -> memref<128xi32, #tpu.memory_space<hbm>>
    %dma_wait3A_96 = arith.constant 0 : i32
    %dma_wait3A_97 = tpu.memref_slice %arg4[%dma_wait3A_96] : memref<320000xi32, #tpu.memory_space<hbm>> -> memref<128xi32, #tpu.memory_space<hbm>>
    tpu.wait_dma2 semaphore(%arg20 : memref<!tpu.dma_semaphore, #tpu.memory_space<semaphore_mem>>) src(%dma_wait3A_97 : memref<128xi32, #tpu.memory_space<hbm>>) dst(%arg14 : memref<128xi32, #tpu.memory_space<vmem>>)
    %dma_start3A_98 = arith.constant 0 : i32
    %dma_start3A_99 = arith.constant 0 : i32
    %dma_start3A_100 = tpu.memref_slice %arg2[%dma_start3A_98, %dma_start3A_99] : memref<10000x128xf32, #tpu.memory_space<hbm>> -> memref<10000x128xf32, #tpu.memory_space<hbm>>
    tpu.enqueue_indirect_dma source(%dma_start3A_100 : memref<10000x128xf32, #tpu.memory_space<hbm>>) target(%arg16 : memref<128x128xf32, #tpu.memory_space<vmem>>) offsets(%arg10 : memref<128xi32, #tpu.memory_space<vmem>>) semaphore(%arg22 : memref<!tpu.dma_semaphore, #tpu.memory_space<semaphore_mem>>)
    %dma_wait3A_101 = arith.constant 0 : i32
    %dma_wait3A_102 = arith.constant 0 : i32
    %dma_wait3A_103 = tpu.memref_slice %arg2[%dma_wait3A_101, %dma_wait3A_102] : memref<10000x128xf32, #tpu.memory_space<hbm>> -> memref<10000x128xf32, #tpu.memory_space<hbm>>
    tpu.wait_indirect_dma semaphore(%arg21 : memref<!tpu.dma_semaphore, #tpu.memory_space<semaphore_mem>>) src(%dma_wait3A_103 : memref<10000x128xf32, #tpu.memory_space<hbm>>) dst(%arg15 : memref<128x128xf32, #tpu.memory_space<vmem>>)
    "tpu.region"() ({
      %run_scoped3A = tpu.sem_alloc : memref<!tpu.dma_semaphore, #tpu.memory_space<semaphore_mem>>
      %dma_start3A_228 = arith.constant 0 : i32
      %dma_start3A_229 = arith.constant 0 : i32
      %dma_start3A_230 = tpu.memref_slice %arg26[%dma_start3A_228, %dma_start3A_229] : memref<10000x128xf32, #tpu.memory_space<vmem_shared>> -> memref<10000x128xf32, #tpu.memory_space<vmem_shared>>
      tpu.enqueue_indirect_dma source(%arg15 : memref<128x128xf32, #tpu.memory_space<vmem>>) target(%dma_start3A_230 : memref<10000x128xf32, #tpu.memory_space<vmem_shared>>) offsets(%arg13 : memref<128xi32, #tpu.memory_space<vmem>>) semaphore(%run_scoped3A : memref<!tpu.dma_semaphore, #tpu.memory_space<semaphore_mem>>) {add = true}
      %dma_wait3A_231 = arith.constant 0 : i32
      %dma_wait3A_232 = arith.constant 0 : i32
      %dma_wait3A_233 = tpu.memref_slice %arg26[%dma_wait3A_231, %dma_wait3A_232] : memref<10000x128xf32, #tpu.memory_space<vmem_shared>> -> memref<10000x128xf32, #tpu.memory_space<vmem_shared>>
      tpu.wait_indirect_dma semaphore(%run_scoped3A : memref<!tpu.dma_semaphore, #tpu.memory_space<semaphore_mem>>) src(%arg15 : memref<128x128xf32, #tpu.memory_space<vmem>>) dst(%dma_wait3A_233 : memref<10000x128xf32, #tpu.memory_space<vmem_shared>>)
      tpu.yield
    }) : () -> ()
    %add3A_104 = arith.constant 9472 : i32
    %add3A_105 = arith.addi %mul3A_6, %add3A_104 : i32
    %multiple_of3A_106 = tpu.assume_multiple %add3A_105, 8 : i32
    %dma_start3A_107 = tpu.memref_slice %arg3[%multiple_of3A_106] : memref<320000xi32, #tpu.memory_space<hbm>> -> memref<128xi32, #tpu.memory_space<hbm>>
    %dma_start3A_108 = tpu.memref_slice %arg3[%multiple_of3A_106] : memref<320000xi32, #tpu.memory_space<hbm>> -> memref<128xi32, #tpu.memory_space<hbm>>
    tpu.enqueue_dma source(%dma_start3A_108 : memref<128xi32, #tpu.memory_space<hbm>>) target(%arg9 : memref<128xi32, #tpu.memory_space<vmem>>) target_semaphore(%arg19 : memref<!tpu.dma_semaphore, #tpu.memory_space<semaphore_mem>>)
    %dma_start3A_109 = tpu.memref_slice %arg4[%multiple_of3A_106] : memref<320000xi32, #tpu.memory_space<hbm>> -> memref<128xi32, #tpu.memory_space<hbm>>
    %dma_start3A_110 = tpu.memref_slice %arg4[%multiple_of3A_106] : memref<320000xi32, #tpu.memory_space<hbm>> -> memref<128xi32, #tpu.memory_space<hbm>>
    tpu.enqueue_dma source(%dma_start3A_110 : memref<128xi32, #tpu.memory_space<hbm>>) target(%arg13 : memref<128xi32, #tpu.memory_space<vmem>>) target_semaphore(%arg19 : memref<!tpu.dma_semaphore, #tpu.memory_space<semaphore_mem>>)
    %dma_wait3A_111 = arith.constant 0 : i32
    %dma_wait3A_112 = tpu.memref_slice %arg3[%dma_wait3A_111] : memref<320000xi32, #tpu.memory_space<hbm>> -> memref<128xi32, #tpu.memory_space<hbm>>
    %dma_wait3A_113 = arith.constant 0 : i32
    %dma_wait3A_114 = tpu.memref_slice %arg3[%dma_wait3A_113] : memref<320000xi32, #tpu.memory_space<hbm>> -> memref<128xi32, #tpu.memory_space<hbm>>
    tpu.wait_dma2 semaphore(%arg17 : memref<!tpu.dma_semaphore, #tpu.memory_space<semaphore_mem>>) src(%dma_wait3A_114 : memref<128xi32, #tpu.memory_space<hbm>>) dst(%arg7 : memref<128xi32, #tpu.memory_space<vmem>>)
    %dma_wait3A_115 = arith.constant 0 : i32
    %dma_wait3A_116 = tpu.memref_slice %arg4[%dma_wait3A_115] : memref<320000xi32, #tpu.memory_space<hbm>> -> memref<128xi32, #tpu.memory_space<hbm>>
    %dma_wait3A_117 = arith.constant 0 : i32
    %dma_wait3A_118 = tpu.memref_slice %arg4[%dma_wait3A_117] : memref<320000xi32, #tpu.memory_space<hbm>> -> memref<128xi32, #tpu.memory_space<hbm>>
    tpu.wait_dma2 semaphore(%arg17 : memref<!tpu.dma_semaphore, #tpu.memory_space<semaphore_mem>>) src(%dma_wait3A_118 : memref<128xi32, #tpu.memory_space<hbm>>) dst(%arg11 : memref<128xi32, #tpu.memory_space<vmem>>)
    %dma_start3A_119 = arith.constant 0 : i32
    %dma_start3A_120 = arith.constant 0 : i32
    %dma_start3A_121 = tpu.memref_slice %arg2[%dma_start3A_119, %dma_start3A_120] : memref<10000x128xf32, #tpu.memory_space<hbm>> -> memref<10000x128xf32, #tpu.memory_space<hbm>>
    tpu.enqueue_indirect_dma source(%dma_start3A_121 : memref<10000x128xf32, #tpu.memory_space<hbm>>) target(%arg15 : memref<128x128xf32, #tpu.memory_space<vmem>>) offsets(%arg7 : memref<128xi32, #tpu.memory_space<vmem>>) semaphore(%arg21 : memref<!tpu.dma_semaphore, #tpu.memory_space<semaphore_mem>>)
    %dma_wait3A_122 = arith.constant 0 : i32
    %dma_wait3A_123 = arith.constant 0 : i32
    %dma_wait3A_124 = tpu.memref_slice %arg2[%dma_wait3A_122, %dma_wait3A_123] : memref<10000x128xf32, #tpu.memory_space<hbm>> -> memref<10000x128xf32, #tpu.memory_space<hbm>>
    tpu.wait_indirect_dma semaphore(%arg22 : memref<!tpu.dma_semaphore, #tpu.memory_space<semaphore_mem>>) src(%dma_wait3A_124 : memref<10000x128xf32, #tpu.memory_space<hbm>>) dst(%arg16 : memref<128x128xf32, #tpu.memory_space<vmem>>)
    "tpu.region"() ({
      %run_scoped3A = tpu.sem_alloc : memref<!tpu.dma_semaphore, #tpu.memory_space<semaphore_mem>>
      %dma_start3A_228 = arith.constant 0 : i32
      %dma_start3A_229 = arith.constant 0 : i32
      %dma_start3A_230 = tpu.memref_slice %arg26[%dma_start3A_228, %dma_start3A_229] : memref<10000x128xf32, #tpu.memory_space<vmem_shared>> -> memref<10000x128xf32, #tpu.memory_space<vmem_shared>>
      tpu.enqueue_indirect_dma source(%arg16 : memref<128x128xf32, #tpu.memory_space<vmem>>) target(%dma_start3A_230 : memref<10000x128xf32, #tpu.memory_space<vmem_shared>>) offsets(%arg14 : memref<128xi32, #tpu.memory_space<vmem>>) semaphore(%run_scoped3A : memref<!tpu.dma_semaphore, #tpu.memory_space<semaphore_mem>>) {add = true}
      %dma_wait3A_231 = arith.constant 0 : i32
      %dma_wait3A_232 = arith.constant 0 : i32
      %dma_wait3A_233 = tpu.memref_slice %arg26[%dma_wait3A_231, %dma_wait3A_232] : memref<10000x128xf32, #tpu.memory_space<vmem_shared>> -> memref<10000x128xf32, #tpu.memory_space<vmem_shared>>
      tpu.wait_indirect_dma semaphore(%run_scoped3A : memref<!tpu.dma_semaphore, #tpu.memory_space<semaphore_mem>>) src(%arg16 : memref<128x128xf32, #tpu.memory_space<vmem>>) dst(%dma_wait3A_233 : memref<10000x128xf32, #tpu.memory_space<vmem_shared>>)
      tpu.yield
    }) : () -> ()
    %add3A_125 = arith.constant 9600 : i32
    %add3A_126 = arith.addi %mul3A_6, %add3A_125 : i32
    %multiple_of3A_127 = tpu.assume_multiple %add3A_126, 8 : i32
    %dma_start3A_128 = tpu.memref_slice %arg3[%multiple_of3A_127] : memref<320000xi32, #tpu.memory_space<hbm>> -> memref<128xi32, #tpu.memory_space<hbm>>
    %dma_start3A_129 = tpu.memref_slice %arg3[%multiple_of3A_127] : memref<320000xi32, #tpu.memory_space<hbm>> -> memref<128xi32, #tpu.memory_space<hbm>>
    tpu.enqueue_dma source(%dma_start3A_129 : memref<128xi32, #tpu.memory_space<hbm>>) target(%arg10 : memref<128xi32, #tpu.memory_space<vmem>>) target_semaphore(%arg20 : memref<!tpu.dma_semaphore, #tpu.memory_space<semaphore_mem>>)
    %dma_start3A_130 = tpu.memref_slice %arg4[%multiple_of3A_127] : memref<320000xi32, #tpu.memory_space<hbm>> -> memref<128xi32, #tpu.memory_space<hbm>>
    %dma_start3A_131 = tpu.memref_slice %arg4[%multiple_of3A_127] : memref<320000xi32, #tpu.memory_space<hbm>> -> memref<128xi32, #tpu.memory_space<hbm>>
    tpu.enqueue_dma source(%dma_start3A_131 : memref<128xi32, #tpu.memory_space<hbm>>) target(%arg14 : memref<128xi32, #tpu.memory_space<vmem>>) target_semaphore(%arg20 : memref<!tpu.dma_semaphore, #tpu.memory_space<semaphore_mem>>)
    %dma_wait3A_132 = arith.constant 0 : i32
    %dma_wait3A_133 = tpu.memref_slice %arg3[%dma_wait3A_132] : memref<320000xi32, #tpu.memory_space<hbm>> -> memref<128xi32, #tpu.memory_space<hbm>>
    %dma_wait3A_134 = arith.constant 0 : i32
    %dma_wait3A_135 = tpu.memref_slice %arg3[%dma_wait3A_134] : memref<320000xi32, #tpu.memory_space<hbm>> -> memref<128xi32, #tpu.memory_space<hbm>>
    tpu.wait_dma2 semaphore(%arg18 : memref<!tpu.dma_semaphore, #tpu.memory_space<semaphore_mem>>) src(%dma_wait3A_135 : memref<128xi32, #tpu.memory_space<hbm>>) dst(%arg8 : memref<128xi32, #tpu.memory_space<vmem>>)
    %dma_wait3A_136 = arith.constant 0 : i32
    %dma_wait3A_137 = tpu.memref_slice %arg4[%dma_wait3A_136] : memref<320000xi32, #tpu.memory_space<hbm>> -> memref<128xi32, #tpu.memory_space<hbm>>
    %dma_wait3A_138 = arith.constant 0 : i32
    %dma_wait3A_139 = tpu.memref_slice %arg4[%dma_wait3A_138] : memref<320000xi32, #tpu.memory_space<hbm>> -> memref<128xi32, #tpu.memory_space<hbm>>
    tpu.wait_dma2 semaphore(%arg18 : memref<!tpu.dma_semaphore, #tpu.memory_space<semaphore_mem>>) src(%dma_wait3A_139 : memref<128xi32, #tpu.memory_space<hbm>>) dst(%arg12 : memref<128xi32, #tpu.memory_space<vmem>>)
    %dma_start3A_140 = arith.constant 0 : i32
    %dma_start3A_141 = arith.constant 0 : i32
    %dma_start3A_142 = tpu.memref_slice %arg2[%dma_start3A_140, %dma_start3A_141] : memref<10000x128xf32, #tpu.memory_space<hbm>> -> memref<10000x128xf32, #tpu.memory_space<hbm>>
    tpu.enqueue_indirect_dma source(%dma_start3A_142 : memref<10000x128xf32, #tpu.memory_space<hbm>>) target(%arg16 : memref<128x128xf32, #tpu.memory_space<vmem>>) offsets(%arg8 : memref<128xi32, #tpu.memory_space<vmem>>) semaphore(%arg22 : memref<!tpu.dma_semaphore, #tpu.memory_space<semaphore_mem>>)
    %dma_wait3A_143 = arith.constant 0 : i32
    %dma_wait3A_144 = arith.constant 0 : i32
    %dma_wait3A_145 = tpu.memref_slice %arg2[%dma_wait3A_143, %dma_wait3A_144] : memref<10000x128xf32, #tpu.memory_space<hbm>> -> memref<10000x128xf32, #tpu.memory_space<hbm>>
    tpu.wait_indirect_dma semaphore(%arg21 : memref<!tpu.dma_semaphore, #tpu.memory_space<semaphore_mem>>) src(%dma_wait3A_145 : memref<10000x128xf32, #tpu.memory_space<hbm>>) dst(%arg15 : memref<128x128xf32, #tpu.memory_space<vmem>>)
    "tpu.region"() ({
      %run_scoped3A = tpu.sem_alloc : memref<!tpu.dma_semaphore, #tpu.memory_space<semaphore_mem>>
      %dma_start3A_228 = arith.constant 0 : i32
      %dma_start3A_229 = arith.constant 0 : i32
      %dma_start3A_230 = tpu.memref_slice %arg26[%dma_start3A_228, %dma_start3A_229] : memref<10000x128xf32, #tpu.memory_space<vmem_shared>> -> memref<10000x128xf32, #tpu.memory_space<vmem_shared>>
      tpu.enqueue_indirect_dma source(%arg15 : memref<128x128xf32, #tpu.memory_space<vmem>>) target(%dma_start3A_230 : memref<10000x128xf32, #tpu.memory_space<vmem_shared>>) offsets(%arg11 : memref<128xi32, #tpu.memory_space<vmem>>) semaphore(%run_scoped3A : memref<!tpu.dma_semaphore, #tpu.memory_space<semaphore_mem>>) {add = true}
      %dma_wait3A_231 = arith.constant 0 : i32
      %dma_wait3A_232 = arith.constant 0 : i32
      %dma_wait3A_233 = tpu.memref_slice %arg26[%dma_wait3A_231, %dma_wait3A_232] : memref<10000x128xf32, #tpu.memory_space<vmem_shared>> -> memref<10000x128xf32, #tpu.memory_space<vmem_shared>>
      tpu.wait_indirect_dma semaphore(%run_scoped3A : memref<!tpu.dma_semaphore, #tpu.memory_space<semaphore_mem>>) src(%arg15 : memref<128x128xf32, #tpu.memory_space<vmem>>) dst(%dma_wait3A_233 : memref<10000x128xf32, #tpu.memory_space<vmem_shared>>)
      tpu.yield
    }) : () -> ()
    %add3A_146 = arith.constant 9728 : i32
    %add3A_147 = arith.addi %mul3A_6, %add3A_146 : i32
    %multiple_of3A_148 = tpu.assume_multiple %add3A_147, 8 : i32
    %dma_start3A_149 = tpu.memref_slice %arg3[%multiple_of3A_148] : memref<320000xi32, #tpu.memory_space<hbm>> -> memref<128xi32, #tpu.memory_space<hbm>>
    %dma_start3A_150 = tpu.memref_slice %arg3[%multiple_of3A_148] : memref<320000xi32, #tpu.memory_space<hbm>> -> memref<128xi32, #tpu.memory_space<hbm>>
    tpu.enqueue_dma source(%dma_start3A_150 : memref<128xi32, #tpu.memory_space<hbm>>) target(%arg7 : memref<128xi32, #tpu.memory_space<vmem>>) target_semaphore(%arg17 : memref<!tpu.dma_semaphore, #tpu.memory_space<semaphore_mem>>)
    %dma_start3A_151 = tpu.memref_slice %arg4[%multiple_of3A_148] : memref<320000xi32, #tpu.memory_space<hbm>> -> memref<128xi32, #tpu.memory_space<hbm>>
    %dma_start3A_152 = tpu.memref_slice %arg4[%multiple_of3A_148] : memref<320000xi32, #tpu.memory_space<hbm>> -> memref<128xi32, #tpu.memory_space<hbm>>
    tpu.enqueue_dma source(%dma_start3A_152 : memref<128xi32, #tpu.memory_space<hbm>>) target(%arg11 : memref<128xi32, #tpu.memory_space<vmem>>) target_semaphore(%arg17 : memref<!tpu.dma_semaphore, #tpu.memory_space<semaphore_mem>>)
    %dma_wait3A_153 = arith.constant 0 : i32
    %dma_wait3A_154 = tpu.memref_slice %arg3[%dma_wait3A_153] : memref<320000xi32, #tpu.memory_space<hbm>> -> memref<128xi32, #tpu.memory_space<hbm>>
    %dma_wait3A_155 = arith.constant 0 : i32
    %dma_wait3A_156 = tpu.memref_slice %arg3[%dma_wait3A_155] : memref<320000xi32, #tpu.memory_space<hbm>> -> memref<128xi32, #tpu.memory_space<hbm>>
    tpu.wait_dma2 semaphore(%arg19 : memref<!tpu.dma_semaphore, #tpu.memory_space<semaphore_mem>>) src(%dma_wait3A_156 : memref<128xi32, #tpu.memory_space<hbm>>) dst(%arg9 : memref<128xi32, #tpu.memory_space<vmem>>)
    %dma_wait3A_157 = arith.constant 0 : i32
    %dma_wait3A_158 = tpu.memref_slice %arg4[%dma_wait3A_157] : memref<320000xi32, #tpu.memory_space<hbm>> -> memref<128xi32, #tpu.memory_space<hbm>>
    %dma_wait3A_159 = arith.constant 0 : i32
    %dma_wait3A_160 = tpu.memref_slice %arg4[%dma_wait3A_159] : memref<320000xi32, #tpu.memory_space<hbm>> -> memref<128xi32, #tpu.memory_space<hbm>>
    tpu.wait_dma2 semaphore(%arg19 : memref<!tpu.dma_semaphore, #tpu.memory_space<semaphore_mem>>) src(%dma_wait3A_160 : memref<128xi32, #tpu.memory_space<hbm>>) dst(%arg13 : memref<128xi32, #tpu.memory_space<vmem>>)
    %dma_start3A_161 = arith.constant 0 : i32
    %dma_start3A_162 = arith.constant 0 : i32
    %dma_start3A_163 = tpu.memref_slice %arg2[%dma_start3A_161, %dma_start3A_162] : memref<10000x128xf32, #tpu.memory_space<hbm>> -> memref<10000x128xf32, #tpu.memory_space<hbm>>
    tpu.enqueue_indirect_dma source(%dma_start3A_163 : memref<10000x128xf32, #tpu.memory_space<hbm>>) target(%arg15 : memref<128x128xf32, #tpu.memory_space<vmem>>) offsets(%arg9 : memref<128xi32, #tpu.memory_space<vmem>>) semaphore(%arg21 : memref<!tpu.dma_semaphore, #tpu.memory_space<semaphore_mem>>)
    %dma_wait3A_164 = arith.constant 0 : i32
    %dma_wait3A_165 = arith.constant 0 : i32
    %dma_wait3A_166 = tpu.memref_slice %arg2[%dma_wait3A_164, %dma_wait3A_165] : memref<10000x128xf32, #tpu.memory_space<hbm>> -> memref<10000x128xf32, #tpu.memory_space<hbm>>
    tpu.wait_indirect_dma semaphore(%arg22 : memref<!tpu.dma_semaphore, #tpu.memory_space<semaphore_mem>>) src(%dma_wait3A_166 : memref<10000x128xf32, #tpu.memory_space<hbm>>) dst(%arg16 : memref<128x128xf32, #tpu.memory_space<vmem>>)
    "tpu.region"() ({
      %run_scoped3A = tpu.sem_alloc : memref<!tpu.dma_semaphore, #tpu.memory_space<semaphore_mem>>
      %dma_start3A_228 = arith.constant 0 : i32
      %dma_start3A_229 = arith.constant 0 : i32
      %dma_start3A_230 = tpu.memref_slice %arg26[%dma_start3A_228, %dma_start3A_229] : memref<10000x128xf32, #tpu.memory_space<vmem_shared>> -> memref<10000x128xf32, #tpu.memory_space<vmem_shared>>
      tpu.enqueue_indirect_dma source(%arg16 : memref<128x128xf32, #tpu.memory_space<vmem>>) target(%dma_start3A_230 : memref<10000x128xf32, #tpu.memory_space<vmem_shared>>) offsets(%arg12 : memref<128xi32, #tpu.memory_space<vmem>>) semaphore(%run_scoped3A : memref<!tpu.dma_semaphore, #tpu.memory_space<semaphore_mem>>) {add = true}
      %dma_wait3A_231 = arith.constant 0 : i32
      %dma_wait3A_232 = arith.constant 0 : i32
      %dma_wait3A_233 = tpu.memref_slice %arg26[%dma_wait3A_231, %dma_wait3A_232] : memref<10000x128xf32, #tpu.memory_space<vmem_shared>> -> memref<10000x128xf32, #tpu.memory_space<vmem_shared>>
      tpu.wait_indirect_dma semaphore(%run_scoped3A : memref<!tpu.dma_semaphore, #tpu.memory_space<semaphore_mem>>) src(%arg16 : memref<128x128xf32, #tpu.memory_space<vmem>>) dst(%dma_wait3A_233 : memref<10000x128xf32, #tpu.memory_space<vmem_shared>>)
      tpu.yield
    }) : () -> ()
    %add3A_167 = arith.constant 9856 : i32
    %add3A_168 = arith.addi %mul3A_6, %add3A_167 : i32
    %multiple_of3A_169 = tpu.assume_multiple %add3A_168, 8 : i32
    %dma_start3A_170 = tpu.memref_slice %arg3[%multiple_of3A_169] : memref<320000xi32, #tpu.memory_space<hbm>> -> memref<128xi32, #tpu.memory_space<hbm>>
    %dma_start3A_171 = tpu.memref_slice %arg3[%multiple_of3A_169] : memref<320000xi32, #tpu.memory_space<hbm>> -> memref<128xi32, #tpu.memory_space<hbm>>
    tpu.enqueue_dma source(%dma_start3A_171 : memref<128xi32, #tpu.memory_space<hbm>>) target(%arg8 : memref<128xi32, #tpu.memory_space<vmem>>) target_semaphore(%arg18 : memref<!tpu.dma_semaphore, #tpu.memory_space<semaphore_mem>>)
    %dma_start3A_172 = tpu.memref_slice %arg4[%multiple_of3A_169] : memref<320000xi32, #tpu.memory_space<hbm>> -> memref<128xi32, #tpu.memory_space<hbm>>
    %dma_start3A_173 = tpu.memref_slice %arg4[%multiple_of3A_169] : memref<320000xi32, #tpu.memory_space<hbm>> -> memref<128xi32, #tpu.memory_space<hbm>>
    tpu.enqueue_dma source(%dma_start3A_173 : memref<128xi32, #tpu.memory_space<hbm>>) target(%arg12 : memref<128xi32, #tpu.memory_space<vmem>>) target_semaphore(%arg18 : memref<!tpu.dma_semaphore, #tpu.memory_space<semaphore_mem>>)
    %dma_wait3A_174 = arith.constant 0 : i32
    %dma_wait3A_175 = tpu.memref_slice %arg3[%dma_wait3A_174] : memref<320000xi32, #tpu.memory_space<hbm>> -> memref<128xi32, #tpu.memory_space<hbm>>
    %dma_wait3A_176 = arith.constant 0 : i32
    %dma_wait3A_177 = tpu.memref_slice %arg3[%dma_wait3A_176] : memref<320000xi32, #tpu.memory_space<hbm>> -> memref<128xi32, #tpu.memory_space<hbm>>
    tpu.wait_dma2 semaphore(%arg20 : memref<!tpu.dma_semaphore, #tpu.memory_space<semaphore_mem>>) src(%dma_wait3A_177 : memref<128xi32, #tpu.memory_space<hbm>>) dst(%arg10 : memref<128xi32, #tpu.memory_space<vmem>>)
    %dma_wait3A_178 = arith.constant 0 : i32
    %dma_wait3A_179 = tpu.memref_slice %arg4[%dma_wait3A_178] : memref<320000xi32, #tpu.memory_space<hbm>> -> memref<128xi32, #tpu.memory_space<hbm>>
    %dma_wait3A_180 = arith.constant 0 : i32
    %dma_wait3A_181 = tpu.memref_slice %arg4[%dma_wait3A_180] : memref<320000xi32, #tpu.memory_space<hbm>> -> memref<128xi32, #tpu.memory_space<hbm>>
    tpu.wait_dma2 semaphore(%arg20 : memref<!tpu.dma_semaphore, #tpu.memory_space<semaphore_mem>>) src(%dma_wait3A_181 : memref<128xi32, #tpu.memory_space<hbm>>) dst(%arg14 : memref<128xi32, #tpu.memory_space<vmem>>)
    %dma_start3A_182 = arith.constant 0 : i32
    %dma_start3A_183 = arith.constant 0 : i32
    %dma_start3A_184 = tpu.memref_slice %arg2[%dma_start3A_182, %dma_start3A_183] : memref<10000x128xf32, #tpu.memory_space<hbm>> -> memref<10000x128xf32, #tpu.memory_space<hbm>>
    tpu.enqueue_indirect_dma source(%dma_start3A_184 : memref<10000x128xf32, #tpu.memory_space<hbm>>) target(%arg16 : memref<128x128xf32, #tpu.memory_space<vmem>>) offsets(%arg10 : memref<128xi32, #tpu.memory_space<vmem>>) semaphore(%arg22 : memref<!tpu.dma_semaphore, #tpu.memory_space<semaphore_mem>>)
    %dma_wait3A_185 = arith.constant 0 : i32
    %dma_wait3A_186 = arith.constant 0 : i32
    %dma_wait3A_187 = tpu.memref_slice %arg2[%dma_wait3A_185, %dma_wait3A_186] : memref<10000x128xf32, #tpu.memory_space<hbm>> -> memref<10000x128xf32, #tpu.memory_space<hbm>>
    tpu.wait_indirect_dma semaphore(%arg21 : memref<!tpu.dma_semaphore, #tpu.memory_space<semaphore_mem>>) src(%dma_wait3A_187 : memref<10000x128xf32, #tpu.memory_space<hbm>>) dst(%arg15 : memref<128x128xf32, #tpu.memory_space<vmem>>)
    "tpu.region"() ({
      %run_scoped3A = tpu.sem_alloc : memref<!tpu.dma_semaphore, #tpu.memory_space<semaphore_mem>>
      %dma_start3A_228 = arith.constant 0 : i32
      %dma_start3A_229 = arith.constant 0 : i32
      %dma_start3A_230 = tpu.memref_slice %arg26[%dma_start3A_228, %dma_start3A_229] : memref<10000x128xf32, #tpu.memory_space<vmem_shared>> -> memref<10000x128xf32, #tpu.memory_space<vmem_shared>>
      tpu.enqueue_indirect_dma source(%arg15 : memref<128x128xf32, #tpu.memory_space<vmem>>) target(%dma_start3A_230 : memref<10000x128xf32, #tpu.memory_space<vmem_shared>>) offsets(%arg13 : memref<128xi32, #tpu.memory_space<vmem>>) semaphore(%run_scoped3A : memref<!tpu.dma_semaphore, #tpu.memory_space<semaphore_mem>>) {add = true}
      %dma_wait3A_231 = arith.constant 0 : i32
      %dma_wait3A_232 = arith.constant 0 : i32
      %dma_wait3A_233 = tpu.memref_slice %arg26[%dma_wait3A_231, %dma_wait3A_232] : memref<10000x128xf32, #tpu.memory_space<vmem_shared>> -> memref<10000x128xf32, #tpu.memory_space<vmem_shared>>
      tpu.wait_indirect_dma semaphore(%run_scoped3A : memref<!tpu.dma_semaphore, #tpu.memory_space<semaphore_mem>>) src(%arg15 : memref<128x128xf32, #tpu.memory_space<vmem>>) dst(%dma_wait3A_233 : memref<10000x128xf32, #tpu.memory_space<vmem_shared>>)
      tpu.yield
    }) : () -> ()
    %dma_wait3A_188 = arith.constant 0 : i32
    %dma_wait3A_189 = tpu.memref_slice %arg3[%dma_wait3A_188] : memref<320000xi32, #tpu.memory_space<hbm>> -> memref<128xi32, #tpu.memory_space<hbm>>
    %dma_wait3A_190 = arith.constant 0 : i32
    %dma_wait3A_191 = tpu.memref_slice %arg3[%dma_wait3A_190] : memref<320000xi32, #tpu.memory_space<hbm>> -> memref<128xi32, #tpu.memory_space<hbm>>
    tpu.wait_dma2 semaphore(%arg17 : memref<!tpu.dma_semaphore, #tpu.memory_space<semaphore_mem>>) src(%dma_wait3A_191 : memref<128xi32, #tpu.memory_space<hbm>>) dst(%arg7 : memref<128xi32, #tpu.memory_space<vmem>>)
    %dma_wait3A_192 = arith.constant 0 : i32
    %dma_wait3A_193 = tpu.memref_slice %arg4[%dma_wait3A_192] : memref<320000xi32, #tpu.memory_space<hbm>> -> memref<128xi32, #tpu.memory_space<hbm>>
    %dma_wait3A_194 = arith.constant 0 : i32
    %dma_wait3A_195 = tpu.memref_slice %arg4[%dma_wait3A_194] : memref<320000xi32, #tpu.memory_space<hbm>> -> memref<128xi32, #tpu.memory_space<hbm>>
    tpu.wait_dma2 semaphore(%arg17 : memref<!tpu.dma_semaphore, #tpu.memory_space<semaphore_mem>>) src(%dma_wait3A_195 : memref<128xi32, #tpu.memory_space<hbm>>) dst(%arg11 : memref<128xi32, #tpu.memory_space<vmem>>)
    %dma_start3A_196 = arith.constant 0 : i32
    %dma_start3A_197 = arith.constant 0 : i32
    %dma_start3A_198 = tpu.memref_slice %arg2[%dma_start3A_196, %dma_start3A_197] : memref<10000x128xf32, #tpu.memory_space<hbm>> -> memref<10000x128xf32, #tpu.memory_space<hbm>>
    tpu.enqueue_indirect_dma source(%dma_start3A_198 : memref<10000x128xf32, #tpu.memory_space<hbm>>) target(%arg15 : memref<128x128xf32, #tpu.memory_space<vmem>>) offsets(%arg7 : memref<128xi32, #tpu.memory_space<vmem>>) semaphore(%arg21 : memref<!tpu.dma_semaphore, #tpu.memory_space<semaphore_mem>>)
    %dma_wait3A_199 = arith.constant 0 : i32
    %dma_wait3A_200 = arith.constant 0 : i32
    %dma_wait3A_201 = tpu.memref_slice %arg2[%dma_wait3A_199, %dma_wait3A_200] : memref<10000x128xf32, #tpu.memory_space<hbm>> -> memref<10000x128xf32, #tpu.memory_space<hbm>>
    tpu.wait_indirect_dma semaphore(%arg22 : memref<!tpu.dma_semaphore, #tpu.memory_space<semaphore_mem>>) src(%dma_wait3A_201 : memref<10000x128xf32, #tpu.memory_space<hbm>>) dst(%arg16 : memref<128x128xf32, #tpu.memory_space<vmem>>)
    "tpu.region"() ({
      %run_scoped3A = tpu.sem_alloc : memref<!tpu.dma_semaphore, #tpu.memory_space<semaphore_mem>>
      %dma_start3A_228 = arith.constant 0 : i32
      %dma_start3A_229 = arith.constant 0 : i32
      %dma_start3A_230 = tpu.memref_slice %arg26[%dma_start3A_228, %dma_start3A_229] : memref<10000x128xf32, #tpu.memory_space<vmem_shared>> -> memref<10000x128xf32, #tpu.memory_space<vmem_shared>>
      tpu.enqueue_indirect_dma source(%arg16 : memref<128x128xf32, #tpu.memory_space<vmem>>) target(%dma_start3A_230 : memref<10000x128xf32, #tpu.memory_space<vmem_shared>>) offsets(%arg14 : memref<128xi32, #tpu.memory_space<vmem>>) semaphore(%run_scoped3A : memref<!tpu.dma_semaphore, #tpu.memory_space<semaphore_mem>>) {add = true}
      %dma_wait3A_231 = arith.constant 0 : i32
      %dma_wait3A_232 = arith.constant 0 : i32
      %dma_wait3A_233 = tpu.memref_slice %arg26[%dma_wait3A_231, %dma_wait3A_232] : memref<10000x128xf32, #tpu.memory_space<vmem_shared>> -> memref<10000x128xf32, #tpu.memory_space<vmem_shared>>
      tpu.wait_indirect_dma semaphore(%run_scoped3A : memref<!tpu.dma_semaphore, #tpu.memory_space<semaphore_mem>>) src(%arg16 : memref<128x128xf32, #tpu.memory_space<vmem>>) dst(%dma_wait3A_233 : memref<10000x128xf32, #tpu.memory_space<vmem_shared>>)
      tpu.yield
    }) : () -> ()
    %dma_wait3A_202 = arith.constant 0 : i32
    %dma_wait3A_203 = tpu.memref_slice %arg3[%dma_wait3A_202] : memref<320000xi32, #tpu.memory_space<hbm>> -> memref<128xi32, #tpu.memory_space<hbm>>
    %dma_wait3A_204 = arith.constant 0 : i32
    %dma_wait3A_205 = tpu.memref_slice %arg3[%dma_wait3A_204] : memref<320000xi32, #tpu.memory_space<hbm>> -> memref<128xi32, #tpu.memory_space<hbm>>
    tpu.wait_dma2 semaphore(%arg18 : memref<!tpu.dma_semaphore, #tpu.memory_space<semaphore_mem>>) src(%dma_wait3A_205 : memref<128xi32, #tpu.memory_space<hbm>>) dst(%arg8 : memref<128xi32, #tpu.memory_space<vmem>>)
    %dma_wait3A_206 = arith.constant 0 : i32
    %dma_wait3A_207 = tpu.memref_slice %arg4[%dma_wait3A_206] : memref<320000xi32, #tpu.memory_space<hbm>> -> memref<128xi32, #tpu.memory_space<hbm>>
    %dma_wait3A_208 = arith.constant 0 : i32
    %dma_wait3A_209 = tpu.memref_slice %arg4[%dma_wait3A_208] : memref<320000xi32, #tpu.memory_space<hbm>> -> memref<128xi32, #tpu.memory_space<hbm>>
    tpu.wait_dma2 semaphore(%arg18 : memref<!tpu.dma_semaphore, #tpu.memory_space<semaphore_mem>>) src(%dma_wait3A_209 : memref<128xi32, #tpu.memory_space<hbm>>) dst(%arg12 : memref<128xi32, #tpu.memory_space<vmem>>)
    %dma_start3A_210 = arith.constant 0 : i32
    %dma_start3A_211 = arith.constant 0 : i32
    %dma_start3A_212 = tpu.memref_slice %arg2[%dma_start3A_210, %dma_start3A_211] : memref<10000x128xf32, #tpu.memory_space<hbm>> -> memref<10000x128xf32, #tpu.memory_space<hbm>>
    tpu.enqueue_indirect_dma source(%dma_start3A_212 : memref<10000x128xf32, #tpu.memory_space<hbm>>) target(%arg16 : memref<128x128xf32, #tpu.memory_space<vmem>>) offsets(%arg8 : memref<128xi32, #tpu.memory_space<vmem>>) semaphore(%arg22 : memref<!tpu.dma_semaphore, #tpu.memory_space<semaphore_mem>>)
    %dma_wait3A_213 = arith.constant 0 : i32
    %dma_wait3A_214 = arith.constant 0 : i32
    %dma_wait3A_215 = tpu.memref_slice %arg2[%dma_wait3A_213, %dma_wait3A_214] : memref<10000x128xf32, #tpu.memory_space<hbm>> -> memref<10000x128xf32, #tpu.memory_space<hbm>>
    tpu.wait_indirect_dma semaphore(%arg21 : memref<!tpu.dma_semaphore, #tpu.memory_space<semaphore_mem>>) src(%dma_wait3A_215 : memref<10000x128xf32, #tpu.memory_space<hbm>>) dst(%arg15 : memref<128x128xf32, #tpu.memory_space<vmem>>)
    "tpu.region"() ({
      %run_scoped3A = tpu.sem_alloc : memref<!tpu.dma_semaphore, #tpu.memory_space<semaphore_mem>>
      %dma_start3A_228 = arith.constant 0 : i32
      %dma_start3A_229 = arith.constant 0 : i32
      %dma_start3A_230 = tpu.memref_slice %arg26[%dma_start3A_228, %dma_start3A_229] : memref<10000x128xf32, #tpu.memory_space<vmem_shared>> -> memref<10000x128xf32, #tpu.memory_space<vmem_shared>>
      tpu.enqueue_indirect_dma source(%arg15 : memref<128x128xf32, #tpu.memory_space<vmem>>) target(%dma_start3A_230 : memref<10000x128xf32, #tpu.memory_space<vmem_shared>>) offsets(%arg11 : memref<128xi32, #tpu.memory_space<vmem>>) semaphore(%run_scoped3A : memref<!tpu.dma_semaphore, #tpu.memory_space<semaphore_mem>>) {add = true}
      %dma_wait3A_231 = arith.constant 0 : i32
      %dma_wait3A_232 = arith.constant 0 : i32
      %dma_wait3A_233 = tpu.memref_slice %arg26[%dma_wait3A_231, %dma_wait3A_232] : memref<10000x128xf32, #tpu.memory_space<vmem_shared>> -> memref<10000x128xf32, #tpu.memory_space<vmem_shared>>
      tpu.wait_indirect_dma semaphore(%run_scoped3A : memref<!tpu.dma_semaphore, #tpu.memory_space<semaphore_mem>>) src(%arg15 : memref<128x128xf32, #tpu.memory_space<vmem>>) dst(%dma_wait3A_233 : memref<10000x128xf32, #tpu.memory_space<vmem_shared>>)
      tpu.yield
    }) : () -> ()
    %dma_wait3A_216 = arith.constant 0 : i32
    %dma_wait3A_217 = arith.constant 0 : i32
    %dma_wait3A_218 = tpu.memref_slice %arg2[%dma_wait3A_216, %dma_wait3A_217] : memref<10000x128xf32, #tpu.memory_space<hbm>> -> memref<10000x128xf32, #tpu.memory_space<hbm>>
    tpu.wait_indirect_dma semaphore(%arg22 : memref<!tpu.dma_semaphore, #tpu.memory_space<semaphore_mem>>) src(%dma_wait3A_218 : memref<10000x128xf32, #tpu.memory_space<hbm>>) dst(%arg16 : memref<128x128xf32, #tpu.memory_space<vmem>>)
    "tpu.region"() ({
      %run_scoped3A = tpu.sem_alloc : memref<!tpu.dma_semaphore, #tpu.memory_space<semaphore_mem>>
      %dma_start3A_228 = arith.constant 0 : i32
      %dma_start3A_229 = arith.constant 0 : i32
      %dma_start3A_230 = tpu.memref_slice %arg26[%dma_start3A_228, %dma_start3A_229] : memref<10000x128xf32, #tpu.memory_space<vmem_shared>> -> memref<10000x128xf32, #tpu.memory_space<vmem_shared>>
      tpu.enqueue_indirect_dma source(%arg16 : memref<128x128xf32, #tpu.memory_space<vmem>>) target(%dma_start3A_230 : memref<10000x128xf32, #tpu.memory_space<vmem_shared>>) offsets(%arg12 : memref<128xi32, #tpu.memory_space<vmem>>) semaphore(%run_scoped3A : memref<!tpu.dma_semaphore, #tpu.memory_space<semaphore_mem>>) {add = true}
      %dma_wait3A_231 = arith.constant 0 : i32
      %dma_wait3A_232 = arith.constant 0 : i32
      %dma_wait3A_233 = tpu.memref_slice %arg26[%dma_wait3A_231, %dma_wait3A_232] : memref<10000x128xf32, #tpu.memory_space<vmem_shared>> -> memref<10000x128xf32, #tpu.memory_space<vmem_shared>>
      tpu.wait_indirect_dma semaphore(%run_scoped3A : memref<!tpu.dma_semaphore, #tpu.memory_space<semaphore_mem>>) src(%arg16 : memref<128x128xf32, #tpu.memory_space<vmem>>) dst(%dma_wait3A_233 : memref<10000x128xf32, #tpu.memory_space<vmem_shared>>)
      tpu.yield
    }) : () -> ()
    %add3A_219 = arith.constant 9984 : i32
    %add3A_220 = arith.addi %mul3A_6, %add3A_219 : i32
    %multiple_of3A_221 = tpu.assume_multiple %add3A_220, 8 : i32
    "tpu.region"() ({
      %run_scoped3A = tpu.sem_alloc : memref<!tpu.dma_semaphore, #tpu.memory_space<semaphore_mem>>
      %dma_start3A_228 = tpu.memref_slice %arg3[%multiple_of3A_221] : memref<320000xi32, #tpu.memory_space<hbm>> -> memref<16xi32, #tpu.memory_space<hbm>>
      %dma_start3A_229 = tpu.memref_slice %arg3[%multiple_of3A_221] : memref<320000xi32, #tpu.memory_space<hbm>> -> memref<16xi32, #tpu.memory_space<hbm>>
      tpu.enqueue_dma source(%dma_start3A_229 : memref<16xi32, #tpu.memory_space<hbm>>) target(%arg23 : memref<16xi32, #tpu.memory_space<vmem>>) target_semaphore(%run_scoped3A : memref<!tpu.dma_semaphore, #tpu.memory_space<semaphore_mem>>)
      %dma_wait3A_230 = tpu.memref_slice %arg3[%multiple_of3A_221] : memref<320000xi32, #tpu.memory_space<hbm>> -> memref<16xi32, #tpu.memory_space<hbm>>
      %dma_wait3A_231 = tpu.memref_slice %arg3[%multiple_of3A_221] : memref<320000xi32, #tpu.memory_space<hbm>> -> memref<16xi32, #tpu.memory_space<hbm>>
      tpu.wait_dma2 semaphore(%run_scoped3A : memref<!tpu.dma_semaphore, #tpu.memory_space<semaphore_mem>>) src(%dma_wait3A_231 : memref<16xi32, #tpu.memory_space<hbm>>) dst(%arg23 : memref<16xi32, #tpu.memory_space<vmem>>)
      tpu.yield
    }) : () -> ()
    "tpu.region"() ({
      %run_scoped3A = tpu.sem_alloc : memref<!tpu.dma_semaphore, #tpu.memory_space<semaphore_mem>>
      %dma_start3A_228 = tpu.memref_slice %arg4[%multiple_of3A_221] : memref<320000xi32, #tpu.memory_space<hbm>> -> memref<16xi32, #tpu.memory_space<hbm>>
      %dma_start3A_229 = tpu.memref_slice %arg4[%multiple_of3A_221] : memref<320000xi32, #tpu.memory_space<hbm>> -> memref<16xi32, #tpu.memory_space<hbm>>
      tpu.enqueue_dma source(%dma_start3A_229 : memref<16xi32, #tpu.memory_space<hbm>>) target(%arg24 : memref<16xi32, #tpu.memory_space<vmem>>) target_semaphore(%run_scoped3A : memref<!tpu.dma_semaphore, #tpu.memory_space<semaphore_mem>>)
      %dma_wait3A_230 = tpu.memref_slice %arg4[%multiple_of3A_221] : memref<320000xi32, #tpu.memory_space<hbm>> -> memref<16xi32, #tpu.memory_space<hbm>>
      %dma_wait3A_231 = tpu.memref_slice %arg4[%multiple_of3A_221] : memref<320000xi32, #tpu.memory_space<hbm>> -> memref<16xi32, #tpu.memory_space<hbm>>
      tpu.wait_dma2 semaphore(%run_scoped3A : memref<!tpu.dma_semaphore, #tpu.memory_space<semaphore_mem>>) src(%dma_wait3A_231 : memref<16xi32, #tpu.memory_space<hbm>>) dst(%arg24 : memref<16xi32, #tpu.memory_space<vmem>>)
      tpu.yield
    }) : () -> ()
    "tpu.region"() ({
      %run_scoped3A = tpu.sem_alloc : memref<!tpu.dma_semaphore, #tpu.memory_space<semaphore_mem>>
      %dma_start3A_228 = arith.constant 0 : i32
      %dma_start3A_229 = arith.constant 0 : i32
      %dma_start3A_230 = tpu.memref_slice %arg2[%dma_start3A_228, %dma_start3A_229] : memref<10000x128xf32, #tpu.memory_space<hbm>> -> memref<10000x128xf32, #tpu.memory_space<hbm>>
      tpu.enqueue_indirect_dma source(%dma_start3A_230 : memref<10000x128xf32, #tpu.memory_space<hbm>>) target(%arg25 : memref<16x128xf32, #tpu.memory_space<vmem>>) offsets(%arg23 : memref<16xi32, #tpu.memory_space<vmem>>) semaphore(%run_scoped3A : memref<!tpu.dma_semaphore, #tpu.memory_space<semaphore_mem>>)
      %dma_wait3A_231 = arith.constant 0 : i32
      %dma_wait3A_232 = arith.constant 0 : i32
      %dma_wait3A_233 = tpu.memref_slice %arg2[%dma_wait3A_231, %dma_wait3A_232] : memref<10000x128xf32, #tpu.memory_space<hbm>> -> memref<10000x128xf32, #tpu.memory_space<hbm>>
      tpu.wait_indirect_dma semaphore(%run_scoped3A : memref<!tpu.dma_semaphore, #tpu.memory_space<semaphore_mem>>) src(%dma_wait3A_233 : memref<10000x128xf32, #tpu.memory_space<hbm>>) dst(%arg25 : memref<16x128xf32, #tpu.memory_space<vmem>>)
      tpu.yield
    }) : () -> ()
    "tpu.region"() ({
      %run_scoped3A = tpu.sem_alloc : memref<!tpu.dma_semaphore, #tpu.memory_space<semaphore_mem>>
      %dma_start3A_228 = arith.constant 0 : i32
      %dma_start3A_229 = arith.constant 0 : i32
      %dma_start3A_230 = tpu.memref_slice %arg26[%dma_start3A_228, %dma_start3A_229] : memref<10000x128xf32, #tpu.memory_space<vmem_shared>> -> memref<10000x128xf32, #tpu.memory_space<vmem_shared>>
      tpu.enqueue_indirect_dma source(%arg25 : memref<16x128xf32, #tpu.memory_space<vmem>>) target(%dma_start3A_230 : memref<10000x128xf32, #tpu.memory_space<vmem_shared>>) offsets(%arg24 : memref<16xi32, #tpu.memory_space<vmem>>) semaphore(%run_scoped3A : memref<!tpu.dma_semaphore, #tpu.memory_space<semaphore_mem>>) {add = true}
      %dma_wait3A_231 = arith.constant 0 : i32
      %dma_wait3A_232 = arith.constant 0 : i32
      %dma_wait3A_233 = tpu.memref_slice %arg26[%dma_wait3A_231, %dma_wait3A_232] : memref<10000x128xf32, #tpu.memory_space<vmem_shared>> -> memref<10000x128xf32, #tpu.memory_space<vmem_shared>>
      tpu.wait_indirect_dma semaphore(%run_scoped3A : memref<!tpu.dma_semaphore, #tpu.memory_space<semaphore_mem>>) src(%arg25 : memref<16x128xf32, #tpu.memory_space<vmem>>) dst(%dma_wait3A_233 : memref<10000x128xf32, #tpu.memory_space<vmem_shared>>)
      tpu.yield
    }) : () -> ()
    %barrier3A_222 = arith.constant 0 : index
    tpu.barrier barrier_id(%barrier3A_222)
    "tpu.region"() ({
      %run_scoped3A = tpu.sem_alloc : memref<!tpu.dma_semaphore, #tpu.memory_space<semaphore_mem>>
      %dma_start3A_228 = arith.constant 0 : i32
      %dma_start3A_229 = tpu.memref_slice %arg6[%arg0, %multiple_of3A, %dma_start3A_228] : memref<2x10000x128xf32, #tpu.memory_space<hbm>> -> memref<1x624x128xf32, #tpu.memory_space<hbm>>
      %dma_start3A_230 = tpu.memref_squeeze %dma_start3A_229 : memref<1x624x128xf32, #tpu.memory_space<hbm>> -> memref<624x128xf32, #tpu.memory_space<hbm>>
      %dma_start3A_231 = arith.constant 0 : i32
      %dma_start3A_232 = tpu.memref_slice %arg26[%multiple_of3A, %dma_start3A_231] : memref<10000x128xf32, #tpu.memory_space<vmem_shared>> -> memref<624x128xf32, #tpu.memory_space<vmem_shared>>
      tpu.enqueue_dma source(%dma_start3A_232 : memref<624x128xf32, #tpu.memory_space<vmem_shared>>) target(%dma_start3A_230 : memref<624x128xf32, #tpu.memory_space<hbm>>) target_semaphore(%run_scoped3A : memref<!tpu.dma_semaphore, #tpu.memory_space<semaphore_mem>>)
      %dma_wait3A_233 = arith.constant 0 : i32
      %dma_wait3A_234 = tpu.memref_slice %arg6[%arg0, %multiple_of3A, %dma_wait3A_233] : memref<2x10000x128xf32, #tpu.memory_space<hbm>> -> memref<1x624x128xf32, #tpu.memory_space<hbm>>
      %dma_wait3A_235 = tpu.memref_squeeze %dma_wait3A_234 : memref<1x624x128xf32, #tpu.memory_space<hbm>> -> memref<624x128xf32, #tpu.memory_space<hbm>>
      %dma_wait3A_236 = arith.constant 0 : i32
      %dma_wait3A_237 = tpu.memref_slice %arg26[%multiple_of3A, %dma_wait3A_236] : memref<10000x128xf32, #tpu.memory_space<vmem_shared>> -> memref<624x128xf32, #tpu.memory_space<vmem_shared>>
      tpu.wait_dma2 semaphore(%run_scoped3A : memref<!tpu.dma_semaphore, #tpu.memory_space<semaphore_mem>>) src(%dma_wait3A_237 : memref<624x128xf32, #tpu.memory_space<vmem_shared>>) dst(%dma_wait3A_235 : memref<624x128xf32, #tpu.memory_space<hbm>>)
      tpu.yield
    }) : () -> ()
    %eq3A_223 = arith.constant 0 : i32
    %eq3A_224 = arith.cmpi eq, %arg1, %eq3A_223 : i32
    %convert_element_type3A_225 = arith.extui %eq3A_224 : i1 to i32
    %cond3A_226 = arith.constant 0 : i32
    %cond3A_227 = arith.cmpi ne, %convert_element_type3A_225, %cond3A_226 : i32
    scf.if %cond3A_227 {
      "tpu.region"() ({
        %run_scoped3A = tpu.sem_alloc : memref<!tpu.dma_semaphore, #tpu.memory_space<semaphore_mem>>
        %dma_start3A_228 = arith.constant 9984 : i32
        %dma_start3A_229 = arith.constant 0 : i32
        %dma_start3A_230 = tpu.memref_slice %arg6[%arg0, %dma_start3A_228, %dma_start3A_229] : memref<2x10000x128xf32, #tpu.memory_space<hbm>> -> memref<1x16x128xf32, #tpu.memory_space<hbm>>
        %dma_start3A_231 = tpu.memref_squeeze %dma_start3A_230 : memref<1x16x128xf32, #tpu.memory_space<hbm>> -> memref<16x128xf32, #tpu.memory_space<hbm>>
        %dma_start3A_232 = arith.constant 9984 : i32
        %dma_start3A_233 = arith.constant 0 : i32
        %dma_start3A_234 = tpu.memref_slice %arg26[%dma_start3A_232, %dma_start3A_233] : memref<10000x128xf32, #tpu.memory_space<vmem_shared>> -> memref<16x128xf32, #tpu.memory_space<vmem_shared>>
        tpu.enqueue_dma source(%dma_start3A_234 : memref<16x128xf32, #tpu.memory_space<vmem_shared>>) target(%dma_start3A_231 : memref<16x128xf32, #tpu.memory_space<hbm>>) target_semaphore(%run_scoped3A : memref<!tpu.dma_semaphore, #tpu.memory_space<semaphore_mem>>)
        %dma_wait3A_235 = arith.constant 9984 : i32
        %dma_wait3A_236 = arith.constant 0 : i32
        %dma_wait3A_237 = tpu.memref_slice %arg6[%arg0, %dma_wait3A_235, %dma_wait3A_236] : memref<2x10000x128xf32, #tpu.memory_space<hbm>> -> memref<1x16x128xf32, #tpu.memory_space<hbm>>
        %dma_wait3A_238 = tpu.memref_squeeze %dma_wait3A_237 : memref<1x16x128xf32, #tpu.memory_space<hbm>> -> memref<16x128xf32, #tpu.memory_space<hbm>>
        %dma_wait3A_239 = arith.constant 9984 : i32
        %dma_wait3A_240 = arith.constant 0 : i32
        %dma_wait3A_241 = tpu.memref_slice %arg26[%dma_wait3A_239, %dma_wait3A_240] : memref<10000x128xf32, #tpu.memory_space<vmem_shared>> -> memref<16x128xf32, #tpu.memory_space<vmem_shared>>
        tpu.wait_dma2 semaphore(%run_scoped3A : memref<!tpu.dma_semaphore, #tpu.memory_space<semaphore_mem>>) src(%dma_wait3A_241 : memref<16x128xf32, #tpu.memory_space<vmem_shared>>) dst(%dma_wait3A_238 : memref<16x128xf32, #tpu.memory_space<hbm>>)
        tpu.yield
      }) : () -> ()
    } else {
    }
    return
  }
}

#map = affine_map<(d0, d1) -> (0, 0)>
#map1 = affine_map<(d0, d1) -> (0)>
#map2 = affine_map<(d0, d1) -> (0, 0, 0)>
module attributes {stable_mosaic.version = 14 : i64} {
  func.func @k(%arg0: i32, %arg1: i32, %arg2: memref<10000x128xf32, #tpu.memory_space<hbm>>, %arg3: memref<10000x128xf32, #tpu.memory_space<hbm>>, %arg4: memref<320000xi32, #tpu.memory_space<hbm>>, %arg5: memref<320000xi32, #tpu.memory_space<hbm>>, %arg6: memref<512xi32, #tpu.memory_space<hbm>>, %arg7: memref<10000x128xf32, #tpu.memory_space<hbm>>, %arg8: memref<10000xi32, #tpu.memory_space<hbm>>, %arg9: memref<10112xi32, #tpu.memory_space<hbm>>, %arg10: memref<1024x128xf32, #tpu.memory_space<hbm>>, %arg11: memref<2x512x128xf32, #tpu.memory_space<hbm>>, %arg12: memref<512x128xf32, #tpu.memory_space<hbm>>, %arg13: memref<512x128xf32, #tpu.memory_space<hbm>>, %arg14: memref<10000xi32, #tpu.memory_space<vmem>>, %arg15: memref<512xi32, #tpu.memory_space<vmem>>, %arg16: memref<1024xi32, #tpu.memory_space<vmem>>, %arg17: memref<1024xi32, #tpu.memory_space<vmem>>, %arg18: memref<1024xi32, #tpu.memory_space<vmem>>, %arg19: memref<1024xi32, #tpu.memory_space<vmem>>, %arg20: memref<!tpu.dma_semaphore, #tpu.memory_space<semaphore_mem>>, %arg21: memref<!tpu.dma_semaphore, #tpu.memory_space<semaphore_mem>>, %arg22: memref<10112xi32, #tpu.memory_space<vmem>>, %arg23: memref<128xi32, #tpu.memory_space<vmem>>, %arg24: memref<128xi32, #tpu.memory_space<vmem>>, %arg25: memref<128x128xf32, #tpu.memory_space<vmem>>, %arg26: memref<32xi32, #tpu.memory_space<vmem>>, %arg27: memref<32x128xf32, #tpu.memory_space<vmem>>, %arg28: memref<32x128xf32, #tpu.memory_space<vmem>>, %arg29: memref<520x128xf32, #tpu.memory_space<vmem_shared>>) attributes {dimension_semantics = [#tpu.dimension_semantics<core_parallel>, #tpu.dimension_semantics<subcore_parallel>], iteration_bounds = array<i64: 2, 16>, scalar_prefetch = 0 : i64, scratch_operands = 16 : i64, tpu.core_type = #tpu.core_type<sc_vector_subcore>, window_params = [{transform_indices = #map}, {transform_indices = #map}, {transform_indices = #map1}, {transform_indices = #map1}, {transform_indices = #map1}, {transform_indices = #map}, {transform_indices = #map1}, {transform_indices = #map1}, {transform_indices = #map}, {transform_indices = #map2}, {transform_indices = #map}, {transform_indices = #map}]} {
    %mul3A = arith.constant 16 : i32
    %mul3A_0 = arith.muli %arg0, %mul3A : i32
    %add3A = arith.addi %mul3A_0, %arg1 : i32
    "tpu.region"() ({
      %run_scoped3A = tpu.sem_alloc : memref<!tpu.dma_semaphore, #tpu.memory_space<semaphore_mem>>
      tpu.enqueue_dma source(%arg8 : memref<10000xi32, #tpu.memory_space<hbm>>) target(%arg14 : memref<10000xi32, #tpu.memory_space<vmem>>) target_semaphore(%run_scoped3A : memref<!tpu.dma_semaphore, #tpu.memory_space<semaphore_mem>>)
      tpu.wait_dma2 semaphore(%run_scoped3A : memref<!tpu.dma_semaphore, #tpu.memory_space<semaphore_mem>>) src(%arg8 : memref<10000xi32, #tpu.memory_space<hbm>>) dst(%arg14 : memref<10000xi32, #tpu.memory_space<vmem>>)
      tpu.yield
    }) : () -> ()
    "tpu.region"() ({
      %run_scoped3A = tpu.sem_alloc : memref<!tpu.dma_semaphore, #tpu.memory_space<semaphore_mem>>
      tpu.enqueue_dma source(%arg9 : memref<10112xi32, #tpu.memory_space<hbm>>) target(%arg22 : memref<10112xi32, #tpu.memory_space<vmem>>) target_semaphore(%run_scoped3A : memref<!tpu.dma_semaphore, #tpu.memory_space<semaphore_mem>>)
      tpu.wait_dma2 semaphore(%run_scoped3A : memref<!tpu.dma_semaphore, #tpu.memory_space<semaphore_mem>>) src(%arg9 : memref<10112xi32, #tpu.memory_space<hbm>>) dst(%arg22 : memref<10112xi32, #tpu.memory_space<vmem>>)
      tpu.yield
    }) : () -> ()
    "tpu.region"() ({
      %run_scoped3A = tpu.sem_alloc : memref<!tpu.dma_semaphore, #tpu.memory_space<semaphore_mem>>
      tpu.enqueue_dma source(%arg6 : memref<512xi32, #tpu.memory_space<hbm>>) target(%arg15 : memref<512xi32, #tpu.memory_space<vmem>>) target_semaphore(%run_scoped3A : memref<!tpu.dma_semaphore, #tpu.memory_space<semaphore_mem>>)
      tpu.wait_dma2 semaphore(%run_scoped3A : memref<!tpu.dma_semaphore, #tpu.memory_space<semaphore_mem>>) src(%arg6 : memref<512xi32, #tpu.memory_space<hbm>>) dst(%arg15 : memref<512xi32, #tpu.memory_space<vmem>>)
      tpu.yield
    }) : () -> ()
    %get3A = arith.constant 0 : index
    %get3A_1 = tpu.vector_load %arg15[%get3A] {strides = array<i32>} : memref<512xi32, #tpu.memory_space<vmem>>, vector<16xi32>,
    %iota3A = tpu.iota {dimensions = array<i32: 0>} : vector<16xi32>
    %add3A_2 = arith.constant 1 : i32
    %add3A_3 = vector.broadcast %add3A_2 : i32 to vector<16xi32>
    %add3A_4 = arith.addi %iota3A, %add3A_3 : vector<16xi32>
    tpu.vector_store_idx %arg14[%get3A_1], %add3A_4 : memref<10000xi32, #tpu.memory_space<vmem>>[vector<16xi32>], vector<16xi32>,
    %get3A_5 = arith.constant 16 : index
    %get3A_6 = tpu.vector_load %arg15[%get3A_5] {strides = array<i32>} : memref<512xi32, #tpu.memory_space<vmem>>, vector<16xi32>,
    %iota3A_7 = tpu.iota {dimensions = array<i32: 0>} : vector<16xi32>
    %add3A_8 = arith.constant 17 : i32
    %add3A_9 = vector.broadcast %add3A_8 : i32 to vector<16xi32>
    %add3A_10 = arith.addi %iota3A_7, %add3A_9 : vector<16xi32>
    tpu.vector_store_idx %arg14[%get3A_6], %add3A_10 : memref<10000xi32, #tpu.memory_space<vmem>>[vector<16xi32>], vector<16xi32>,
    %get3A_11 = arith.constant 32 : index
    %get3A_12 = tpu.vector_load %arg15[%get3A_11] {strides = array<i32>} : memref<512xi32, #tpu.memory_space<vmem>>, vector<16xi32>,
    %iota3A_13 = tpu.iota {dimensions = array<i32: 0>} : vector<16xi32>
    %add3A_14 = arith.constant 33 : i32
    %add3A_15 = vector.broadcast %add3A_14 : i32 to vector<16xi32>
    %add3A_16 = arith.addi %iota3A_13, %add3A_15 : vector<16xi32>
    tpu.vector_store_idx %arg14[%get3A_12], %add3A_16 : memref<10000xi32, #tpu.memory_space<vmem>>[vector<16xi32>], vector<16xi32>,
    %get3A_17 = arith.constant 48 : index
    %get3A_18 = tpu.vector_load %arg15[%get3A_17] {strides = array<i32>} : memref<512xi32, #tpu.memory_space<vmem>>, vector<16xi32>,
    %iota3A_19 = tpu.iota {dimensions = array<i32: 0>} : vector<16xi32>
    %add3A_20 = arith.constant 49 : i32
    %add3A_21 = vector.broadcast %add3A_20 : i32 to vector<16xi32>
    %add3A_22 = arith.addi %iota3A_19, %add3A_21 : vector<16xi32>
    tpu.vector_store_idx %arg14[%get3A_18], %add3A_22 : memref<10000xi32, #tpu.memory_space<vmem>>[vector<16xi32>], vector<16xi32>,
    %get3A_23 = arith.constant 64 : index
    %get3A_24 = tpu.vector_load %arg15[%get3A_23] {strides = array<i32>} : memref<512xi32, #tpu.memory_space<vmem>>, vector<16xi32>,
    %iota3A_25 = tpu.iota {dimensions = array<i32: 0>} : vector<16xi32>
    %add3A_26 = arith.constant 65 : i32
    %add3A_27 = vector.broadcast %add3A_26 : i32 to vector<16xi32>
    %add3A_28 = arith.addi %iota3A_25, %add3A_27 : vector<16xi32>
    tpu.vector_store_idx %arg14[%get3A_24], %add3A_28 : memref<10000xi32, #tpu.memory_space<vmem>>[vector<16xi32>], vector<16xi32>,
    %get3A_29 = arith.constant 80 : index
    %get3A_30 = tpu.vector_load %arg15[%get3A_29] {strides = array<i32>} : memref<512xi32, #tpu.memory_space<vmem>>, vector<16xi32>,
    %iota3A_31 = tpu.iota {dimensions = array<i32: 0>} : vector<16xi32>
    %add3A_32 = arith.constant 81 : i32
    %add3A_33 = vector.broadcast %add3A_32 : i32 to vector<16xi32>
    %add3A_34 = arith.addi %iota3A_31, %add3A_33 : vector<16xi32>
    tpu.vector_store_idx %arg14[%get3A_30], %add3A_34 : memref<10000xi32, #tpu.memory_space<vmem>>[vector<16xi32>], vector<16xi32>,
    %get3A_35 = arith.constant 96 : index
    %get3A_36 = tpu.vector_load %arg15[%get3A_35] {strides = array<i32>} : memref<512xi32, #tpu.memory_space<vmem>>, vector<16xi32>,
    %iota3A_37 = tpu.iota {dimensions = array<i32: 0>} : vector<16xi32>
    %add3A_38 = arith.constant 97 : i32
    %add3A_39 = vector.broadcast %add3A_38 : i32 to vector<16xi32>
    %add3A_40 = arith.addi %iota3A_37, %add3A_39 : vector<16xi32>
    tpu.vector_store_idx %arg14[%get3A_36], %add3A_40 : memref<10000xi32, #tpu.memory_space<vmem>>[vector<16xi32>], vector<16xi32>,
    %get3A_41 = arith.constant 112 : index
    %get3A_42 = tpu.vector_load %arg15[%get3A_41] {strides = array<i32>} : memref<512xi32, #tpu.memory_space<vmem>>, vector<16xi32>,
    %iota3A_43 = tpu.iota {dimensions = array<i32: 0>} : vector<16xi32>
    %add3A_44 = arith.constant 113 : i32
    %add3A_45 = vector.broadcast %add3A_44 : i32 to vector<16xi32>
    %add3A_46 = arith.addi %iota3A_43, %add3A_45 : vector<16xi32>
    tpu.vector_store_idx %arg14[%get3A_42], %add3A_46 : memref<10000xi32, #tpu.memory_space<vmem>>[vector<16xi32>], vector<16xi32>,
    %get3A_47 = arith.constant 128 : index
    %get3A_48 = tpu.vector_load %arg15[%get3A_47] {strides = array<i32>} : memref<512xi32, #tpu.memory_space<vmem>>, vector<16xi32>,
    %iota3A_49 = tpu.iota {dimensions = array<i32: 0>} : vector<16xi32>
    %add3A_50 = arith.constant 129 : i32
    %add3A_51 = vector.broadcast %add3A_50 : i32 to vector<16xi32>
    %add3A_52 = arith.addi %iota3A_49, %add3A_51 : vector<16xi32>
    tpu.vector_store_idx %arg14[%get3A_48], %add3A_52 : memref<10000xi32, #tpu.memory_space<vmem>>[vector<16xi32>], vector<16xi32>,
    %get3A_53 = arith.constant 144 : index
    %get3A_54 = tpu.vector_load %arg15[%get3A_53] {strides = array<i32>} : memref<512xi32, #tpu.memory_space<vmem>>, vector<16xi32>,
    %iota3A_55 = tpu.iota {dimensions = array<i32: 0>} : vector<16xi32>
    %add3A_56 = arith.constant 145 : i32
    %add3A_57 = vector.broadcast %add3A_56 : i32 to vector<16xi32>
    %add3A_58 = arith.addi %iota3A_55, %add3A_57 : vector<16xi32>
    tpu.vector_store_idx %arg14[%get3A_54], %add3A_58 : memref<10000xi32, #tpu.memory_space<vmem>>[vector<16xi32>], vector<16xi32>,
    %get3A_59 = arith.constant 160 : index
    %get3A_60 = tpu.vector_load %arg15[%get3A_59] {strides = array<i32>} : memref<512xi32, #tpu.memory_space<vmem>>, vector<16xi32>,
    %iota3A_61 = tpu.iota {dimensions = array<i32: 0>} : vector<16xi32>
    %add3A_62 = arith.constant 161 : i32
    %add3A_63 = vector.broadcast %add3A_62 : i32 to vector<16xi32>
    %add3A_64 = arith.addi %iota3A_61, %add3A_63 : vector<16xi32>
    tpu.vector_store_idx %arg14[%get3A_60], %add3A_64 : memref<10000xi32, #tpu.memory_space<vmem>>[vector<16xi32>], vector<16xi32>,
    %get3A_65 = arith.constant 176 : index
    %get3A_66 = tpu.vector_load %arg15[%get3A_65] {strides = array<i32>} : memref<512xi32, #tpu.memory_space<vmem>>, vector<16xi32>,
    %iota3A_67 = tpu.iota {dimensions = array<i32: 0>} : vector<16xi32>
    %add3A_68 = arith.constant 177 : i32
    %add3A_69 = vector.broadcast %add3A_68 : i32 to vector<16xi32>
    %add3A_70 = arith.addi %iota3A_67, %add3A_69 : vector<16xi32>
    tpu.vector_store_idx %arg14[%get3A_66], %add3A_70 : memref<10000xi32, #tpu.memory_space<vmem>>[vector<16xi32>], vector<16xi32>,
    %get3A_71 = arith.constant 192 : index
    %get3A_72 = tpu.vector_load %arg15[%get3A_71] {strides = array<i32>} : memref<512xi32, #tpu.memory_space<vmem>>, vector<16xi32>,
    %iota3A_73 = tpu.iota {dimensions = array<i32: 0>} : vector<16xi32>
    %add3A_74 = arith.constant 193 : i32
    %add3A_75 = vector.broadcast %add3A_74 : i32 to vector<16xi32>
    %add3A_76 = arith.addi %iota3A_73, %add3A_75 : vector<16xi32>
    tpu.vector_store_idx %arg14[%get3A_72], %add3A_76 : memref<10000xi32, #tpu.memory_space<vmem>>[vector<16xi32>], vector<16xi32>,
    %get3A_77 = arith.constant 208 : index
    %get3A_78 = tpu.vector_load %arg15[%get3A_77] {strides = array<i32>} : memref<512xi32, #tpu.memory_space<vmem>>, vector<16xi32>,
    %iota3A_79 = tpu.iota {dimensions = array<i32: 0>} : vector<16xi32>
    %add3A_80 = arith.constant 209 : i32
    %add3A_81 = vector.broadcast %add3A_80 : i32 to vector<16xi32>
    %add3A_82 = arith.addi %iota3A_79, %add3A_81 : vector<16xi32>
    tpu.vector_store_idx %arg14[%get3A_78], %add3A_82 : memref<10000xi32, #tpu.memory_space<vmem>>[vector<16xi32>], vector<16xi32>,
    %get3A_83 = arith.constant 224 : index
    %get3A_84 = tpu.vector_load %arg15[%get3A_83] {strides = array<i32>} : memref<512xi32, #tpu.memory_space<vmem>>, vector<16xi32>,
    %iota3A_85 = tpu.iota {dimensions = array<i32: 0>} : vector<16xi32>
    %add3A_86 = arith.constant 225 : i32
    %add3A_87 = vector.broadcast %add3A_86 : i32 to vector<16xi32>
    %add3A_88 = arith.addi %iota3A_85, %add3A_87 : vector<16xi32>
    tpu.vector_store_idx %arg14[%get3A_84], %add3A_88 : memref<10000xi32, #tpu.memory_space<vmem>>[vector<16xi32>], vector<16xi32>,
    %get3A_89 = arith.constant 240 : index
    %get3A_90 = tpu.vector_load %arg15[%get3A_89] {strides = array<i32>} : memref<512xi32, #tpu.memory_space<vmem>>, vector<16xi32>,
    %iota3A_91 = tpu.iota {dimensions = array<i32: 0>} : vector<16xi32>
    %add3A_92 = arith.constant 241 : i32
    %add3A_93 = vector.broadcast %add3A_92 : i32 to vector<16xi32>
    %add3A_94 = arith.addi %iota3A_91, %add3A_93 : vector<16xi32>
    tpu.vector_store_idx %arg14[%get3A_90], %add3A_94 : memref<10000xi32, #tpu.memory_space<vmem>>[vector<16xi32>], vector<16xi32>,
    %get3A_95 = arith.constant 256 : index
    %get3A_96 = tpu.vector_load %arg15[%get3A_95] {strides = array<i32>} : memref<512xi32, #tpu.memory_space<vmem>>, vector<16xi32>,
    %iota3A_97 = tpu.iota {dimensions = array<i32: 0>} : vector<16xi32>
    %add3A_98 = arith.constant 257 : i32
    %add3A_99 = vector.broadcast %add3A_98 : i32 to vector<16xi32>
    %add3A_100 = arith.addi %iota3A_97, %add3A_99 : vector<16xi32>
    tpu.vector_store_idx %arg14[%get3A_96], %add3A_100 : memref<10000xi32, #tpu.memory_space<vmem>>[vector<16xi32>], vector<16xi32>,
    %get3A_101 = arith.constant 272 : index
    %get3A_102 = tpu.vector_load %arg15[%get3A_101] {strides = array<i32>} : memref<512xi32, #tpu.memory_space<vmem>>, vector<16xi32>,
    %iota3A_103 = tpu.iota {dimensions = array<i32: 0>} : vector<16xi32>
    %add3A_104 = arith.constant 273 : i32
    %add3A_105 = vector.broadcast %add3A_104 : i32 to vector<16xi32>
    %add3A_106 = arith.addi %iota3A_103, %add3A_105 : vector<16xi32>
    tpu.vector_store_idx %arg14[%get3A_102], %add3A_106 : memref<10000xi32, #tpu.memory_space<vmem>>[vector<16xi32>], vector<16xi32>,
    %get3A_107 = arith.constant 288 : index
    %get3A_108 = tpu.vector_load %arg15[%get3A_107] {strides = array<i32>} : memref<512xi32, #tpu.memory_space<vmem>>, vector<16xi32>,
    %iota3A_109 = tpu.iota {dimensions = array<i32: 0>} : vector<16xi32>
    %add3A_110 = arith.constant 289 : i32
    %add3A_111 = vector.broadcast %add3A_110 : i32 to vector<16xi32>
    %add3A_112 = arith.addi %iota3A_109, %add3A_111 : vector<16xi32>
    tpu.vector_store_idx %arg14[%get3A_108], %add3A_112 : memref<10000xi32, #tpu.memory_space<vmem>>[vector<16xi32>], vector<16xi32>,
    %get3A_113 = arith.constant 304 : index
    %get3A_114 = tpu.vector_load %arg15[%get3A_113] {strides = array<i32>} : memref<512xi32, #tpu.memory_space<vmem>>, vector<16xi32>,
    %iota3A_115 = tpu.iota {dimensions = array<i32: 0>} : vector<16xi32>
    %add3A_116 = arith.constant 305 : i32
    %add3A_117 = vector.broadcast %add3A_116 : i32 to vector<16xi32>
    %add3A_118 = arith.addi %iota3A_115, %add3A_117 : vector<16xi32>
    tpu.vector_store_idx %arg14[%get3A_114], %add3A_118 : memref<10000xi32, #tpu.memory_space<vmem>>[vector<16xi32>], vector<16xi32>,
    %get3A_119 = arith.constant 320 : index
    %get3A_120 = tpu.vector_load %arg15[%get3A_119] {strides = array<i32>} : memref<512xi32, #tpu.memory_space<vmem>>, vector<16xi32>,
    %iota3A_121 = tpu.iota {dimensions = array<i32: 0>} : vector<16xi32>
    %add3A_122 = arith.constant 321 : i32
    %add3A_123 = vector.broadcast %add3A_122 : i32 to vector<16xi32>
    %add3A_124 = arith.addi %iota3A_121, %add3A_123 : vector<16xi32>
    tpu.vector_store_idx %arg14[%get3A_120], %add3A_124 : memref<10000xi32, #tpu.memory_space<vmem>>[vector<16xi32>], vector<16xi32>,
    %get3A_125 = arith.constant 336 : index
    %get3A_126 = tpu.vector_load %arg15[%get3A_125] {strides = array<i32>} : memref<512xi32, #tpu.memory_space<vmem>>, vector<16xi32>,
    %iota3A_127 = tpu.iota {dimensions = array<i32: 0>} : vector<16xi32>
    %add3A_128 = arith.constant 337 : i32
    %add3A_129 = vector.broadcast %add3A_128 : i32 to vector<16xi32>
    %add3A_130 = arith.addi %iota3A_127, %add3A_129 : vector<16xi32>
    tpu.vector_store_idx %arg14[%get3A_126], %add3A_130 : memref<10000xi32, #tpu.memory_space<vmem>>[vector<16xi32>], vector<16xi32>,
    %get3A_131 = arith.constant 352 : index
    %get3A_132 = tpu.vector_load %arg15[%get3A_131] {strides = array<i32>} : memref<512xi32, #tpu.memory_space<vmem>>, vector<16xi32>,
    %iota3A_133 = tpu.iota {dimensions = array<i32: 0>} : vector<16xi32>
    %add3A_134 = arith.constant 353 : i32
    %add3A_135 = vector.broadcast %add3A_134 : i32 to vector<16xi32>
    %add3A_136 = arith.addi %iota3A_133, %add3A_135 : vector<16xi32>
    tpu.vector_store_idx %arg14[%get3A_132], %add3A_136 : memref<10000xi32, #tpu.memory_space<vmem>>[vector<16xi32>], vector<16xi32>,
    %get3A_137 = arith.constant 368 : index
    %get3A_138 = tpu.vector_load %arg15[%get3A_137] {strides = array<i32>} : memref<512xi32, #tpu.memory_space<vmem>>, vector<16xi32>,
    %iota3A_139 = tpu.iota {dimensions = array<i32: 0>} : vector<16xi32>
    %add3A_140 = arith.constant 369 : i32
    %add3A_141 = vector.broadcast %add3A_140 : i32 to vector<16xi32>
    %add3A_142 = arith.addi %iota3A_139, %add3A_141 : vector<16xi32>
    tpu.vector_store_idx %arg14[%get3A_138], %add3A_142 : memref<10000xi32, #tpu.memory_space<vmem>>[vector<16xi32>], vector<16xi32>,
    %get3A_143 = arith.constant 384 : index
    %get3A_144 = tpu.vector_load %arg15[%get3A_143] {strides = array<i32>} : memref<512xi32, #tpu.memory_space<vmem>>, vector<16xi32>,
    %iota3A_145 = tpu.iota {dimensions = array<i32: 0>} : vector<16xi32>
    %add3A_146 = arith.constant 385 : i32
    %add3A_147 = vector.broadcast %add3A_146 : i32 to vector<16xi32>
    %add3A_148 = arith.addi %iota3A_145, %add3A_147 : vector<16xi32>
    tpu.vector_store_idx %arg14[%get3A_144], %add3A_148 : memref<10000xi32, #tpu.memory_space<vmem>>[vector<16xi32>], vector<16xi32>,
    %get3A_149 = arith.constant 400 : index
    %get3A_150 = tpu.vector_load %arg15[%get3A_149] {strides = array<i32>} : memref<512xi32, #tpu.memory_space<vmem>>, vector<16xi32>,
    %iota3A_151 = tpu.iota {dimensions = array<i32: 0>} : vector<16xi32>
    %add3A_152 = arith.constant 401 : i32
    %add3A_153 = vector.broadcast %add3A_152 : i32 to vector<16xi32>
    %add3A_154 = arith.addi %iota3A_151, %add3A_153 : vector<16xi32>
    tpu.vector_store_idx %arg14[%get3A_150], %add3A_154 : memref<10000xi32, #tpu.memory_space<vmem>>[vector<16xi32>], vector<16xi32>,
    %get3A_155 = arith.constant 416 : index
    %get3A_156 = tpu.vector_load %arg15[%get3A_155] {strides = array<i32>} : memref<512xi32, #tpu.memory_space<vmem>>, vector<16xi32>,
    %iota3A_157 = tpu.iota {dimensions = array<i32: 0>} : vector<16xi32>
    %add3A_158 = arith.constant 417 : i32
    %add3A_159 = vector.broadcast %add3A_158 : i32 to vector<16xi32>
    %add3A_160 = arith.addi %iota3A_157, %add3A_159 : vector<16xi32>
    tpu.vector_store_idx %arg14[%get3A_156], %add3A_160 : memref<10000xi32, #tpu.memory_space<vmem>>[vector<16xi32>], vector<16xi32>,
    %get3A_161 = arith.constant 432 : index
    %get3A_162 = tpu.vector_load %arg15[%get3A_161] {strides = array<i32>} : memref<512xi32, #tpu.memory_space<vmem>>, vector<16xi32>,
    %iota3A_163 = tpu.iota {dimensions = array<i32: 0>} : vector<16xi32>
    %add3A_164 = arith.constant 433 : i32
    %add3A_165 = vector.broadcast %add3A_164 : i32 to vector<16xi32>
    %add3A_166 = arith.addi %iota3A_163, %add3A_165 : vector<16xi32>
    tpu.vector_store_idx %arg14[%get3A_162], %add3A_166 : memref<10000xi32, #tpu.memory_space<vmem>>[vector<16xi32>], vector<16xi32>,
    %get3A_167 = arith.constant 448 : index
    %get3A_168 = tpu.vector_load %arg15[%get3A_167] {strides = array<i32>} : memref<512xi32, #tpu.memory_space<vmem>>, vector<16xi32>,
    %iota3A_169 = tpu.iota {dimensions = array<i32: 0>} : vector<16xi32>
    %add3A_170 = arith.constant 449 : i32
    %add3A_171 = vector.broadcast %add3A_170 : i32 to vector<16xi32>
    %add3A_172 = arith.addi %iota3A_169, %add3A_171 : vector<16xi32>
    tpu.vector_store_idx %arg14[%get3A_168], %add3A_172 : memref<10000xi32, #tpu.memory_space<vmem>>[vector<16xi32>], vector<16xi32>,
    %get3A_173 = arith.constant 464 : index
    %get3A_174 = tpu.vector_load %arg15[%get3A_173] {strides = array<i32>} : memref<512xi32, #tpu.memory_space<vmem>>, vector<16xi32>,
    %iota3A_175 = tpu.iota {dimensions = array<i32: 0>} : vector<16xi32>
    %add3A_176 = arith.constant 465 : i32
    %add3A_177 = vector.broadcast %add3A_176 : i32 to vector<16xi32>
    %add3A_178 = arith.addi %iota3A_175, %add3A_177 : vector<16xi32>
    tpu.vector_store_idx %arg14[%get3A_174], %add3A_178 : memref<10000xi32, #tpu.memory_space<vmem>>[vector<16xi32>], vector<16xi32>,
    %get3A_179 = arith.constant 480 : index
    %get3A_180 = tpu.vector_load %arg15[%get3A_179] {strides = array<i32>} : memref<512xi32, #tpu.memory_space<vmem>>, vector<16xi32>,
    %iota3A_181 = tpu.iota {dimensions = array<i32: 0>} : vector<16xi32>
    %add3A_182 = arith.constant 481 : i32
    %add3A_183 = vector.broadcast %add3A_182 : i32 to vector<16xi32>
    %add3A_184 = arith.addi %iota3A_181, %add3A_183 : vector<16xi32>
    tpu.vector_store_idx %arg14[%get3A_180], %add3A_184 : memref<10000xi32, #tpu.memory_space<vmem>>[vector<16xi32>], vector<16xi32>,
    %get3A_185 = arith.constant 496 : index
    %get3A_186 = tpu.vector_load %arg15[%get3A_185] {strides = array<i32>} : memref<512xi32, #tpu.memory_space<vmem>>, vector<16xi32>,
    %iota3A_187 = tpu.iota {dimensions = array<i32: 0>} : vector<16xi32>
    %add3A_188 = arith.constant 497 : i32
    %add3A_189 = vector.broadcast %add3A_188 : i32 to vector<16xi32>
    %add3A_190 = arith.addi %iota3A_187, %add3A_189 : vector<16xi32>
    tpu.vector_store_idx %arg14[%get3A_186], %add3A_190 : memref<10000xi32, #tpu.memory_space<vmem>>[vector<16xi32>], vector<16xi32>,
    %mul3A_191 = arith.constant 32 : i32
    %mul3A_192 = arith.muli %arg1, %mul3A_191 : i32
    %multiple_of3A = tpu.assume_multiple %mul3A_192, 8 : i32
    "tpu.region"() ({
      %run_scoped3A = tpu.sem_alloc : memref<!tpu.dma_semaphore, #tpu.memory_space<semaphore_mem>>
      %dma_start3A_498 = arith.constant 0 : i32
      %dma_start3A_499 = tpu.memref_slice %arg29[%multiple_of3A, %dma_start3A_498] : memref<520x128xf32, #tpu.memory_space<vmem_shared>> -> memref<32x128xf32, #tpu.memory_space<vmem_shared>>
      %dma_start3A_500 = arith.constant 0 : i32
      %dma_start3A_501 = tpu.memref_slice %arg7[%multiple_of3A, %dma_start3A_500] : memref<10000x128xf32, #tpu.memory_space<hbm>> -> memref<32x128xf32, #tpu.memory_space<hbm>>
      tpu.enqueue_dma source(%dma_start3A_501 : memref<32x128xf32, #tpu.memory_space<hbm>>) target(%dma_start3A_499 : memref<32x128xf32, #tpu.memory_space<vmem_shared>>) target_semaphore(%run_scoped3A : memref<!tpu.dma_semaphore, #tpu.memory_space<semaphore_mem>>)
      %dma_wait3A_502 = arith.constant 0 : i32
      %dma_wait3A_503 = tpu.memref_slice %arg29[%multiple_of3A, %dma_wait3A_502] : memref<520x128xf32, #tpu.memory_space<vmem_shared>> -> memref<32x128xf32, #tpu.memory_space<vmem_shared>>
      %dma_wait3A_504 = arith.constant 0 : i32
      %dma_wait3A_505 = tpu.memref_slice %arg7[%multiple_of3A, %dma_wait3A_504] : memref<10000x128xf32, #tpu.memory_space<hbm>> -> memref<32x128xf32, #tpu.memory_space<hbm>>
      tpu.wait_dma2 semaphore(%run_scoped3A : memref<!tpu.dma_semaphore, #tpu.memory_space<semaphore_mem>>) src(%dma_wait3A_505 : memref<32x128xf32, #tpu.memory_space<hbm>>) dst(%dma_wait3A_503 : memref<32x128xf32, #tpu.memory_space<vmem_shared>>)
      tpu.yield
    }) : () -> ()
    %eq3A = arith.constant 0 : i32
    %eq3A_193 = arith.cmpi eq, %arg1, %eq3A : i32
    %convert_element_type3A = arith.extui %eq3A_193 : i1 to i32
    %cond3A = arith.constant 0 : i32
    %cond3A_194 = arith.cmpi ne, %convert_element_type3A, %cond3A : i32
    scf.if %cond3A_194 {
      "tpu.region"() ({
        %run_scoped3A = tpu.sem_alloc : memref<!tpu.dma_semaphore, #tpu.memory_space<semaphore_mem>>
        %dma_start3A_498 = arith.constant 512 : i32
        %dma_start3A_499 = arith.constant 0 : i32
        %dma_start3A_500 = tpu.memref_slice %arg29[%dma_start3A_498, %dma_start3A_499] : memref<520x128xf32, #tpu.memory_space<vmem_shared>> -> memref<8x128xf32, #tpu.memory_space<vmem_shared>>
        %dma_start3A_501 = arith.constant 512 : i32
        %dma_start3A_502 = arith.constant 0 : i32
        %dma_start3A_503 = tpu.memref_slice %arg7[%dma_start3A_501, %dma_start3A_502] : memref<10000x128xf32, #tpu.memory_space<hbm>> -> memref<8x128xf32, #tpu.memory_space<hbm>>
        tpu.enqueue_dma source(%dma_start3A_503 : memref<8x128xf32, #tpu.memory_space<hbm>>) target(%dma_start3A_500 : memref<8x128xf32, #tpu.memory_space<vmem_shared>>) target_semaphore(%run_scoped3A : memref<!tpu.dma_semaphore, #tpu.memory_space<semaphore_mem>>)
        %dma_wait3A_504 = arith.constant 512 : i32
        %dma_wait3A_505 = arith.constant 0 : i32
        %dma_wait3A_506 = tpu.memref_slice %arg29[%dma_wait3A_504, %dma_wait3A_505] : memref<520x128xf32, #tpu.memory_space<vmem_shared>> -> memref<8x128xf32, #tpu.memory_space<vmem_shared>>
        %dma_wait3A_507 = arith.constant 512 : i32
        %dma_wait3A_508 = arith.constant 0 : i32
        %dma_wait3A_509 = tpu.memref_slice %arg7[%dma_wait3A_507, %dma_wait3A_508] : memref<10000x128xf32, #tpu.memory_space<hbm>> -> memref<8x128xf32, #tpu.memory_space<hbm>>
        tpu.wait_dma2 semaphore(%run_scoped3A : memref<!tpu.dma_semaphore, #tpu.memory_space<semaphore_mem>>) src(%dma_wait3A_509 : memref<8x128xf32, #tpu.memory_space<hbm>>) dst(%dma_wait3A_506 : memref<8x128xf32, #tpu.memory_space<vmem_shared>>)
        tpu.yield
      }) : () -> ()
    } else {
    }
    %barrier3A = arith.constant 0 : index
    tpu.barrier barrier_id(%barrier3A)
    %mul3A_195 = arith.constant 10000 : i32
    %mul3A_196 = arith.muli %add3A, %mul3A_195 : i32
    %add3A_197 = arith.constant 0 : i32
    %add3A_198 = arith.addi %mul3A_196, %add3A_197 : i32
    %multiple_of3A_199 = tpu.assume_multiple %add3A_198, 8 : i32
    %dma_start3A = tpu.memref_slice %arg4[%multiple_of3A_199] : memref<320000xi32, #tpu.memory_space<hbm>> -> memref<1024xi32, #tpu.memory_space<hbm>>
    %dma_start3A_200 = tpu.memref_slice %arg4[%multiple_of3A_199] : memref<320000xi32, #tpu.memory_space<hbm>> -> memref<1024xi32, #tpu.memory_space<hbm>>
    tpu.enqueue_dma source(%dma_start3A_200 : memref<1024xi32, #tpu.memory_space<hbm>>) target(%arg16 : memref<1024xi32, #tpu.memory_space<vmem>>) target_semaphore(%arg20 : memref<!tpu.dma_semaphore, #tpu.memory_space<semaphore_mem>>)
    %dma_start3A_201 = tpu.memref_slice %arg5[%multiple_of3A_199] : memref<320000xi32, #tpu.memory_space<hbm>> -> memref<1024xi32, #tpu.memory_space<hbm>>
    %dma_start3A_202 = tpu.memref_slice %arg5[%multiple_of3A_199] : memref<320000xi32, #tpu.memory_space<hbm>> -> memref<1024xi32, #tpu.memory_space<hbm>>
    tpu.enqueue_dma source(%dma_start3A_202 : memref<1024xi32, #tpu.memory_space<hbm>>) target(%arg18 : memref<1024xi32, #tpu.memory_space<vmem>>) target_semaphore(%arg20 : memref<!tpu.dma_semaphore, #tpu.memory_space<semaphore_mem>>)
    %add3A_203 = arith.constant 1024 : i32
    %add3A_204 = arith.addi %mul3A_196, %add3A_203 : i32
    %multiple_of3A_205 = tpu.assume_multiple %add3A_204, 8 : i32
    %dma_start3A_206 = tpu.memref_slice %arg4[%multiple_of3A_205] : memref<320000xi32, #tpu.memory_space<hbm>> -> memref<1024xi32, #tpu.memory_space<hbm>>
    %dma_start3A_207 = tpu.memref_slice %arg4[%multiple_of3A_205] : memref<320000xi32, #tpu.memory_space<hbm>> -> memref<1024xi32, #tpu.memory_space<hbm>>
    tpu.enqueue_dma source(%dma_start3A_207 : memref<1024xi32, #tpu.memory_space<hbm>>) target(%arg17 : memref<1024xi32, #tpu.memory_space<vmem>>) target_semaphore(%arg21 : memref<!tpu.dma_semaphore, #tpu.memory_space<semaphore_mem>>)
    %dma_start3A_208 = tpu.memref_slice %arg5[%multiple_of3A_205] : memref<320000xi32, #tpu.memory_space<hbm>> -> memref<1024xi32, #tpu.memory_space<hbm>>
    %dma_start3A_209 = tpu.memref_slice %arg5[%multiple_of3A_205] : memref<320000xi32, #tpu.memory_space<hbm>> -> memref<1024xi32, #tpu.memory_space<hbm>>
    tpu.enqueue_dma source(%dma_start3A_209 : memref<1024xi32, #tpu.memory_space<hbm>>) target(%arg19 : memref<1024xi32, #tpu.memory_space<vmem>>) target_semaphore(%arg21 : memref<!tpu.dma_semaphore, #tpu.memory_space<semaphore_mem>>)
    %dma_wait3A = arith.constant 0 : i32
    %dma_wait3A_210 = tpu.memref_slice %arg4[%dma_wait3A] : memref<320000xi32, #tpu.memory_space<hbm>> -> memref<1024xi32, #tpu.memory_space<hbm>>
    %dma_wait3A_211 = arith.constant 0 : i32
    %dma_wait3A_212 = tpu.memref_slice %arg4[%dma_wait3A_211] : memref<320000xi32, #tpu.memory_space<hbm>> -> memref<1024xi32, #tpu.memory_space<hbm>>
    tpu.wait_dma2 semaphore(%arg20 : memref<!tpu.dma_semaphore, #tpu.memory_space<semaphore_mem>>) src(%dma_wait3A_212 : memref<1024xi32, #tpu.memory_space<hbm>>) dst(%arg16 : memref<1024xi32, #tpu.memory_space<vmem>>)
    %dma_wait3A_213 = arith.constant 0 : i32
    %dma_wait3A_214 = tpu.memref_slice %arg5[%dma_wait3A_213] : memref<320000xi32, #tpu.memory_space<hbm>> -> memref<1024xi32, #tpu.memory_space<hbm>>
    %dma_wait3A_215 = arith.constant 0 : i32
    %dma_wait3A_216 = tpu.memref_slice %arg5[%dma_wait3A_215] : memref<320000xi32, #tpu.memory_space<hbm>> -> memref<1024xi32, #tpu.memory_space<hbm>>
    tpu.wait_dma2 semaphore(%arg20 : memref<!tpu.dma_semaphore, #tpu.memory_space<semaphore_mem>>) src(%dma_wait3A_216 : memref<1024xi32, #tpu.memory_space<hbm>>) dst(%arg18 : memref<1024xi32, #tpu.memory_space<vmem>>)
    %scan3A = arith.constant 0 : i32
    %scan3A_217 = arith.constant 0 : i32
    %scan3A_218 = arith.constant 64 : i32
    %scan3A_219 = arith.addi %scan3A_217, %scan3A_218 : i32
    %scan3A_220 = arith.constant 1 : i32
    %scan3A_221 = scf.for %scan3A_498 = %scan3A_217 to %scan3A_219 step %scan3A_220 iter_args(%scan3A_499 = %scan3A) -> (i32)  : i32 {
      %mul3A_500 = arith.constant 16 : i32
      %mul3A_501 = arith.muli %mul3A_500, %scan3A_498 : i32
      %get3A_502 = arith.index_cast %mul3A_501 : i32 to index
      %get3A_503 = tpu.vector_load %arg18[%get3A_502] {strides = array<i32>} : memref<1024xi32, #tpu.memory_space<vmem>>, vector<16xi32>,
      %mul3A_504 = arith.constant 16 : i32
      %mul3A_505 = arith.muli %mul3A_504, %scan3A_498 : i32
      %get3A_506 = arith.index_cast %mul3A_505 : i32 to index
      %get3A_507 = tpu.vector_load %arg16[%get3A_506] {strides = array<i32>} : memref<1024xi32, #tpu.memory_space<vmem>>, vector<16xi32>,
      %gather3A_508 = tpu.vector_load_idx %arg14[%get3A_503] : memref<10000xi32, #tpu.memory_space<vmem>>[vector<16xi32>], vector<16xi32>,
      %gt3A = arith.constant 0 : i32
      %gt3A_509 = vector.broadcast %gt3A : i32 to vector<16xi32>
      %gt3A_510 = arith.cmpi sgt, %gather3A_508, %gt3A_509 : vector<16xi32>
      %mul3A_511 = arith.constant 1024 : i32
      %mul3A_512 = vector.broadcast %mul3A_511 : i32 to vector<16xi32>
      %mul3A_513 = arith.muli %get3A_507, %mul3A_512 : vector<16xi32>
      %sub3A_514 = arith.constant 1 : i32
      %sub3A_515 = vector.broadcast %sub3A_514 : i32 to vector<16xi32>
      %sub3A_516 = arith.subi %gather3A_508, %sub3A_515 : vector<16xi32>
      %add3A_517 = arith.addi %mul3A_513, %sub3A_516 : vector<16xi32>
      %swap3A_518 = arith.index_cast %scan3A_499 : i32 to index
      %swap3A_519 = tpu.vector_load %arg22[%swap3A_518] masked %gt3A_510 {strides = array<i32>} : memref<10112xi32, #tpu.memory_space<vmem>>, vector<16xi32>, vector<16xi1>
      tpu.vector_store %arg22[%swap3A_518], %add3A_517 masked %gt3A_510 {strides = array<i32>} : memref<10112xi32, #tpu.memory_space<vmem>>, vector<16xi32>, vector<16xi1>
      %convert_element_type3A_520 = arith.extui %gt3A_510 : vector<16xi1> to vector<16xi32>
      %reduce_sum3A = arith.constant true
      %reduce_sum3A_521 = vector.broadcast %reduce_sum3A : i1 to vector<16xi1>
      %reduce_sum3A_522 = tpu.scan <sum>, %convert_element_type3A_520 masked %reduce_sum3A_521 : vector<16xi32>, vector<16xi1> -> vector<16xi32>
      %reduce_sum3A_523 = vector.extract %reduce_sum3A_522[15] : i32 from vector<16xi32>
      %add3A_524 = arith.addi %scan3A_499, %reduce_sum3A_523 : i32
      scf.yield %add3A_524 : i32
    }
    %scan3A_222 = arith.constant 64 : i32
    %add3A_223 = arith.constant 2048 : i32
    %add3A_224 = arith.addi %mul3A_196, %add3A_223 : i32
    %multiple_of3A_225 = tpu.assume_multiple %add3A_224, 8 : i32
    %dma_start3A_226 = tpu.memref_slice %arg4[%multiple_of3A_225] : memref<320000xi32, #tpu.memory_space<hbm>> -> memref<1024xi32, #tpu.memory_space<hbm>>
    %dma_start3A_227 = tpu.memref_slice %arg4[%multiple_of3A_225] : memref<320000xi32, #tpu.memory_space<hbm>> -> memref<1024xi32, #tpu.memory_space<hbm>>
    tpu.enqueue_dma source(%dma_start3A_227 : memref<1024xi32, #tpu.memory_space<hbm>>) target(%arg16 : memref<1024xi32, #tpu.memory_space<vmem>>) target_semaphore(%arg20 : memref<!tpu.dma_semaphore, #tpu.memory_space<semaphore_mem>>)
    %dma_start3A_228 = tpu.memref_slice %arg5[%multiple_of3A_225] : memref<320000xi32, #tpu.memory_space<hbm>> -> memref<1024xi32, #tpu.memory_space<hbm>>
    %dma_start3A_229 = tpu.memref_slice %arg5[%multiple_of3A_225] : memref<320000xi32, #tpu.memory_space<hbm>> -> memref<1024xi32, #tpu.memory_space<hbm>>
    tpu.enqueue_dma source(%dma_start3A_229 : memref<1024xi32, #tpu.memory_space<hbm>>) target(%arg18 : memref<1024xi32, #tpu.memory_space<vmem>>) target_semaphore(%arg20 : memref<!tpu.dma_semaphore, #tpu.memory_space<semaphore_mem>>)
    %dma_wait3A_230 = arith.constant 0 : i32
    %dma_wait3A_231 = tpu.memref_slice %arg4[%dma_wait3A_230] : memref<320000xi32, #tpu.memory_space<hbm>> -> memref<1024xi32, #tpu.memory_space<hbm>>
    %dma_wait3A_232 = arith.constant 0 : i32
    %dma_wait3A_233 = tpu.memref_slice %arg4[%dma_wait3A_232] : memref<320000xi32, #tpu.memory_space<hbm>> -> memref<1024xi32, #tpu.memory_space<hbm>>
    tpu.wait_dma2 semaphore(%arg21 : memref<!tpu.dma_semaphore, #tpu.memory_space<semaphore_mem>>) src(%dma_wait3A_233 : memref<1024xi32, #tpu.memory_space<hbm>>) dst(%arg17 : memref<1024xi32, #tpu.memory_space<vmem>>)
    %dma_wait3A_234 = arith.constant 0 : i32
    %dma_wait3A_235 = tpu.memref_slice %arg5[%dma_wait3A_234] : memref<320000xi32, #tpu.memory_space<hbm>> -> memref<1024xi32, #tpu.memory_space<hbm>>
    %dma_wait3A_236 = arith.constant 0 : i32
    %dma_wait3A_237 = tpu.memref_slice %arg5[%dma_wait3A_236] : memref<320000xi32, #tpu.memory_space<hbm>> -> memref<1024xi32, #tpu.memory_space<hbm>>
    tpu.wait_dma2 semaphore(%arg21 : memref<!tpu.dma_semaphore, #tpu.memory_space<semaphore_mem>>) src(%dma_wait3A_237 : memref<1024xi32, #tpu.memory_space<hbm>>) dst(%arg19 : memref<1024xi32, #tpu.memory_space<vmem>>)
    %scan3A_238 = arith.constant 0 : i32
    %scan3A_239 = arith.constant 64 : i32
    %scan3A_240 = arith.addi %scan3A_238, %scan3A_239 : i32
    %scan3A_241 = arith.constant 1 : i32
    %scan3A_242 = scf.for %scan3A_498 = %scan3A_238 to %scan3A_240 step %scan3A_241 iter_args(%scan3A_499 = %scan3A_221) -> (i32)  : i32 {
      %mul3A_500 = arith.constant 16 : i32
      %mul3A_501 = arith.muli %mul3A_500, %scan3A_498 : i32
      %get3A_502 = arith.index_cast %mul3A_501 : i32 to index
      %get3A_503 = tpu.vector_load %arg19[%get3A_502] {strides = array<i32>} : memref<1024xi32, #tpu.memory_space<vmem>>, vector<16xi32>,
      %mul3A_504 = arith.constant 16 : i32
      %mul3A_505 = arith.muli %mul3A_504, %scan3A_498 : i32
      %get3A_506 = arith.index_cast %mul3A_505 : i32 to index
      %get3A_507 = tpu.vector_load %arg17[%get3A_506] {strides = array<i32>} : memref<1024xi32, #tpu.memory_space<vmem>>, vector<16xi32>,
      %gather3A_508 = tpu.vector_load_idx %arg14[%get3A_503] : memref<10000xi32, #tpu.memory_space<vmem>>[vector<16xi32>], vector<16xi32>,
      %gt3A = arith.constant 0 : i32
      %gt3A_509 = vector.broadcast %gt3A : i32 to vector<16xi32>
      %gt3A_510 = arith.cmpi sgt, %gather3A_508, %gt3A_509 : vector<16xi32>
      %mul3A_511 = arith.constant 1024 : i32
      %mul3A_512 = vector.broadcast %mul3A_511 : i32 to vector<16xi32>
      %mul3A_513 = arith.muli %get3A_507, %mul3A_512 : vector<16xi32>
      %sub3A_514 = arith.constant 1 : i32
      %sub3A_515 = vector.broadcast %sub3A_514 : i32 to vector<16xi32>
      %sub3A_516 = arith.subi %gather3A_508, %sub3A_515 : vector<16xi32>
      %add3A_517 = arith.addi %mul3A_513, %sub3A_516 : vector<16xi32>
      %swap3A_518 = arith.index_cast %scan3A_499 : i32 to index
      %swap3A_519 = tpu.vector_load %arg22[%swap3A_518] masked %gt3A_510 {strides = array<i32>} : memref<10112xi32, #tpu.memory_space<vmem>>, vector<16xi32>, vector<16xi1>
      tpu.vector_store %arg22[%swap3A_518], %add3A_517 masked %gt3A_510 {strides = array<i32>} : memref<10112xi32, #tpu.memory_space<vmem>>, vector<16xi32>, vector<16xi1>
      %convert_element_type3A_520 = arith.extui %gt3A_510 : vector<16xi1> to vector<16xi32>
      %reduce_sum3A = arith.constant true
      %reduce_sum3A_521 = vector.broadcast %reduce_sum3A : i1 to vector<16xi1>
      %reduce_sum3A_522 = tpu.scan <sum>, %convert_element_type3A_520 masked %reduce_sum3A_521 : vector<16xi32>, vector<16xi1> -> vector<16xi32>
      %reduce_sum3A_523 = vector.extract %reduce_sum3A_522[15] : i32 from vector<16xi32>
      %add3A_524 = arith.addi %scan3A_499, %reduce_sum3A_523 : i32
      scf.yield %add3A_524 : i32
    }
    %scan3A_243 = arith.constant 64 : i32
    %add3A_244 = arith.constant 3072 : i32
    %add3A_245 = arith.addi %mul3A_196, %add3A_244 : i32
    %multiple_of3A_246 = tpu.assume_multiple %add3A_245, 8 : i32
    %dma_start3A_247 = tpu.memref_slice %arg4[%multiple_of3A_246] : memref<320000xi32, #tpu.memory_space<hbm>> -> memref<1024xi32, #tpu.memory_space<hbm>>
    %dma_start3A_248 = tpu.memref_slice %arg4[%multiple_of3A_246] : memref<320000xi32, #tpu.memory_space<hbm>> -> memref<1024xi32, #tpu.memory_space<hbm>>
    tpu.enqueue_dma source(%dma_start3A_248 : memref<1024xi32, #tpu.memory_space<hbm>>) target(%arg17 : memref<1024xi32, #tpu.memory_space<vmem>>) target_semaphore(%arg21 : memref<!tpu.dma_semaphore, #tpu.memory_space<semaphore_mem>>)
    %dma_start3A_249 = tpu.memref_slice %arg5[%multiple_of3A_246] : memref<320000xi32, #tpu.memory_space<hbm>> -> memref<1024xi32, #tpu.memory_space<hbm>>
    %dma_start3A_250 = tpu.memref_slice %arg5[%multiple_of3A_246] : memref<320000xi32, #tpu.memory_space<hbm>> -> memref<1024xi32, #tpu.memory_space<hbm>>
    tpu.enqueue_dma source(%dma_start3A_250 : memref<1024xi32, #tpu.memory_space<hbm>>) target(%arg19 : memref<1024xi32, #tpu.memory_space<vmem>>) target_semaphore(%arg21 : memref<!tpu.dma_semaphore, #tpu.memory_space<semaphore_mem>>)
    %dma_wait3A_251 = arith.constant 0 : i32
    %dma_wait3A_252 = tpu.memref_slice %arg4[%dma_wait3A_251] : memref<320000xi32, #tpu.memory_space<hbm>> -> memref<1024xi32, #tpu.memory_space<hbm>>
    %dma_wait3A_253 = arith.constant 0 : i32
    %dma_wait3A_254 = tpu.memref_slice %arg4[%dma_wait3A_253] : memref<320000xi32, #tpu.memory_space<hbm>> -> memref<1024xi32, #tpu.memory_space<hbm>>
    tpu.wait_dma2 semaphore(%arg20 : memref<!tpu.dma_semaphore, #tpu.memory_space<semaphore_mem>>) src(%dma_wait3A_254 : memref<1024xi32, #tpu.memory_space<hbm>>) dst(%arg16 : memref<1024xi32, #tpu.memory_space<vmem>>)
    %dma_wait3A_255 = arith.constant 0 : i32
    %dma_wait3A_256 = tpu.memref_slice %arg5[%dma_wait3A_255] : memref<320000xi32, #tpu.memory_space<hbm>> -> memref<1024xi32, #tpu.memory_space<hbm>>
    %dma_wait3A_257 = arith.constant 0 : i32
    %dma_wait3A_258 = tpu.memref_slice %arg5[%dma_wait3A_257] : memref<320000xi32, #tpu.memory_space<hbm>> -> memref<1024xi32, #tpu.memory_space<hbm>>
    tpu.wait_dma2 semaphore(%arg20 : memref<!tpu.dma_semaphore, #tpu.memory_space<semaphore_mem>>) src(%dma_wait3A_258 : memref<1024xi32, #tpu.memory_space<hbm>>) dst(%arg18 : memref<1024xi32, #tpu.memory_space<vmem>>)
    %scan3A_259 = arith.constant 0 : i32
    %scan3A_260 = arith.constant 64 : i32
    %scan3A_261 = arith.addi %scan3A_259, %scan3A_260 : i32
    %scan3A_262 = arith.constant 1 : i32
    %scan3A_263 = scf.for %scan3A_498 = %scan3A_259 to %scan3A_261 step %scan3A_262 iter_args(%scan3A_499 = %scan3A_242) -> (i32)  : i32 {
      %mul3A_500 = arith.constant 16 : i32
      %mul3A_501 = arith.muli %mul3A_500, %scan3A_498 : i32
      %get3A_502 = arith.index_cast %mul3A_501 : i32 to index
      %get3A_503 = tpu.vector_load %arg18[%get3A_502] {strides = array<i32>} : memref<1024xi32, #tpu.memory_space<vmem>>, vector<16xi32>,
      %mul3A_504 = arith.constant 16 : i32
      %mul3A_505 = arith.muli %mul3A_504, %scan3A_498 : i32
      %get3A_506 = arith.index_cast %mul3A_505 : i32 to index
      %get3A_507 = tpu.vector_load %arg16[%get3A_506] {strides = array<i32>} : memref<1024xi32, #tpu.memory_space<vmem>>, vector<16xi32>,
      %gather3A_508 = tpu.vector_load_idx %arg14[%get3A_503] : memref<10000xi32, #tpu.memory_space<vmem>>[vector<16xi32>], vector<16xi32>,
      %gt3A = arith.constant 0 : i32
      %gt3A_509 = vector.broadcast %gt3A : i32 to vector<16xi32>
      %gt3A_510 = arith.cmpi sgt, %gather3A_508, %gt3A_509 : vector<16xi32>
      %mul3A_511 = arith.constant 1024 : i32
      %mul3A_512 = vector.broadcast %mul3A_511 : i32 to vector<16xi32>
      %mul3A_513 = arith.muli %get3A_507, %mul3A_512 : vector<16xi32>
      %sub3A_514 = arith.constant 1 : i32
      %sub3A_515 = vector.broadcast %sub3A_514 : i32 to vector<16xi32>
      %sub3A_516 = arith.subi %gather3A_508, %sub3A_515 : vector<16xi32>
      %add3A_517 = arith.addi %mul3A_513, %sub3A_516 : vector<16xi32>
      %swap3A_518 = arith.index_cast %scan3A_499 : i32 to index
      %swap3A_519 = tpu.vector_load %arg22[%swap3A_518] masked %gt3A_510 {strides = array<i32>} : memref<10112xi32, #tpu.memory_space<vmem>>, vector<16xi32>, vector<16xi1>
      tpu.vector_store %arg22[%swap3A_518], %add3A_517 masked %gt3A_510 {strides = array<i32>} : memref<10112xi32, #tpu.memory_space<vmem>>, vector<16xi32>, vector<16xi1>
      %convert_element_type3A_520 = arith.extui %gt3A_510 : vector<16xi1> to vector<16xi32>
      %reduce_sum3A = arith.constant true
      %reduce_sum3A_521 = vector.broadcast %reduce_sum3A : i1 to vector<16xi1>
      %reduce_sum3A_522 = tpu.scan <sum>, %convert_element_type3A_520 masked %reduce_sum3A_521 : vector<16xi32>, vector<16xi1> -> vector<16xi32>
      %reduce_sum3A_523 = vector.extract %reduce_sum3A_522[15] : i32 from vector<16xi32>
      %add3A_524 = arith.addi %scan3A_499, %reduce_sum3A_523 : i32
      scf.yield %add3A_524 : i32
    }
    %scan3A_264 = arith.constant 64 : i32
    %add3A_265 = arith.constant 4096 : i32
    %add3A_266 = arith.addi %mul3A_196, %add3A_265 : i32
    %multiple_of3A_267 = tpu.assume_multiple %add3A_266, 8 : i32
    %dma_start3A_268 = tpu.memref_slice %arg4[%multiple_of3A_267] : memref<320000xi32, #tpu.memory_space<hbm>> -> memref<1024xi32, #tpu.memory_space<hbm>>
    %dma_start3A_269 = tpu.memref_slice %arg4[%multiple_of3A_267] : memref<320000xi32, #tpu.memory_space<hbm>> -> memref<1024xi32, #tpu.memory_space<hbm>>
    tpu.enqueue_dma source(%dma_start3A_269 : memref<1024xi32, #tpu.memory_space<hbm>>) target(%arg16 : memref<1024xi32, #tpu.memory_space<vmem>>) target_semaphore(%arg20 : memref<!tpu.dma_semaphore, #tpu.memory_space<semaphore_mem>>)
    %dma_start3A_270 = tpu.memref_slice %arg5[%multiple_of3A_267] : memref<320000xi32, #tpu.memory_space<hbm>> -> memref<1024xi32, #tpu.memory_space<hbm>>
    %dma_start3A_271 = tpu.memref_slice %arg5[%multiple_of3A_267] : memref<320000xi32, #tpu.memory_space<hbm>> -> memref<1024xi32, #tpu.memory_space<hbm>>
    tpu.enqueue_dma source(%dma_start3A_271 : memref<1024xi32, #tpu.memory_space<hbm>>) target(%arg18 : memref<1024xi32, #tpu.memory_space<vmem>>) target_semaphore(%arg20 : memref<!tpu.dma_semaphore, #tpu.memory_space<semaphore_mem>>)
    %dma_wait3A_272 = arith.constant 0 : i32
    %dma_wait3A_273 = tpu.memref_slice %arg4[%dma_wait3A_272] : memref<320000xi32, #tpu.memory_space<hbm>> -> memref<1024xi32, #tpu.memory_space<hbm>>
    %dma_wait3A_274 = arith.constant 0 : i32
    %dma_wait3A_275 = tpu.memref_slice %arg4[%dma_wait3A_274] : memref<320000xi32, #tpu.memory_space<hbm>> -> memref<1024xi32, #tpu.memory_space<hbm>>
    tpu.wait_dma2 semaphore(%arg21 : memref<!tpu.dma_semaphore, #tpu.memory_space<semaphore_mem>>) src(%dma_wait3A_275 : memref<1024xi32, #tpu.memory_space<hbm>>) dst(%arg17 : memref<1024xi32, #tpu.memory_space<vmem>>)
    %dma_wait3A_276 = arith.constant 0 : i32
    %dma_wait3A_277 = tpu.memref_slice %arg5[%dma_wait3A_276] : memref<320000xi32, #tpu.memory_space<hbm>> -> memref<1024xi32, #tpu.memory_space<hbm>>
    %dma_wait3A_278 = arith.constant 0 : i32
    %dma_wait3A_279 = tpu.memref_slice %arg5[%dma_wait3A_278] : memref<320000xi32, #tpu.memory_space<hbm>> -> memref<1024xi32, #tpu.memory_space<hbm>>
    tpu.wait_dma2 semaphore(%arg21 : memref<!tpu.dma_semaphore, #tpu.memory_space<semaphore_mem>>) src(%dma_wait3A_279 : memref<1024xi32, #tpu.memory_space<hbm>>) dst(%arg19 : memref<1024xi32, #tpu.memory_space<vmem>>)
    %scan3A_280 = arith.constant 0 : i32
    %scan3A_281 = arith.constant 64 : i32
    %scan3A_282 = arith.addi %scan3A_280, %scan3A_281 : i32
    %scan3A_283 = arith.constant 1 : i32
    %scan3A_284 = scf.for %scan3A_498 = %scan3A_280 to %scan3A_282 step %scan3A_283 iter_args(%scan3A_499 = %scan3A_263) -> (i32)  : i32 {
      %mul3A_500 = arith.constant 16 : i32
      %mul3A_501 = arith.muli %mul3A_500, %scan3A_498 : i32
      %get3A_502 = arith.index_cast %mul3A_501 : i32 to index
      %get3A_503 = tpu.vector_load %arg19[%get3A_502] {strides = array<i32>} : memref<1024xi32, #tpu.memory_space<vmem>>, vector<16xi32>,
      %mul3A_504 = arith.constant 16 : i32
      %mul3A_505 = arith.muli %mul3A_504, %scan3A_498 : i32
      %get3A_506 = arith.index_cast %mul3A_505 : i32 to index
      %get3A_507 = tpu.vector_load %arg17[%get3A_506] {strides = array<i32>} : memref<1024xi32, #tpu.memory_space<vmem>>, vector<16xi32>,
      %gather3A_508 = tpu.vector_load_idx %arg14[%get3A_503] : memref<10000xi32, #tpu.memory_space<vmem>>[vector<16xi32>], vector<16xi32>,
      %gt3A = arith.constant 0 : i32
      %gt3A_509 = vector.broadcast %gt3A : i32 to vector<16xi32>
      %gt3A_510 = arith.cmpi sgt, %gather3A_508, %gt3A_509 : vector<16xi32>
      %mul3A_511 = arith.constant 1024 : i32
      %mul3A_512 = vector.broadcast %mul3A_511 : i32 to vector<16xi32>
      %mul3A_513 = arith.muli %get3A_507, %mul3A_512 : vector<16xi32>
      %sub3A_514 = arith.constant 1 : i32
      %sub3A_515 = vector.broadcast %sub3A_514 : i32 to vector<16xi32>
      %sub3A_516 = arith.subi %gather3A_508, %sub3A_515 : vector<16xi32>
      %add3A_517 = arith.addi %mul3A_513, %sub3A_516 : vector<16xi32>
      %swap3A_518 = arith.index_cast %scan3A_499 : i32 to index
      %swap3A_519 = tpu.vector_load %arg22[%swap3A_518] masked %gt3A_510 {strides = array<i32>} : memref<10112xi32, #tpu.memory_space<vmem>>, vector<16xi32>, vector<16xi1>
      tpu.vector_store %arg22[%swap3A_518], %add3A_517 masked %gt3A_510 {strides = array<i32>} : memref<10112xi32, #tpu.memory_space<vmem>>, vector<16xi32>, vector<16xi1>
      %convert_element_type3A_520 = arith.extui %gt3A_510 : vector<16xi1> to vector<16xi32>
      %reduce_sum3A = arith.constant true
      %reduce_sum3A_521 = vector.broadcast %reduce_sum3A : i1 to vector<16xi1>
      %reduce_sum3A_522 = tpu.scan <sum>, %convert_element_type3A_520 masked %reduce_sum3A_521 : vector<16xi32>, vector<16xi1> -> vector<16xi32>
      %reduce_sum3A_523 = vector.extract %reduce_sum3A_522[15] : i32 from vector<16xi32>
      %add3A_524 = arith.addi %scan3A_499, %reduce_sum3A_523 : i32
      scf.yield %add3A_524 : i32
    }
    %scan3A_285 = arith.constant 64 : i32
    %add3A_286 = arith.constant 5120 : i32
    %add3A_287 = arith.addi %mul3A_196, %add3A_286 : i32
    %multiple_of3A_288 = tpu.assume_multiple %add3A_287, 8 : i32
    %dma_start3A_289 = tpu.memref_slice %arg4[%multiple_of3A_288] : memref<320000xi32, #tpu.memory_space<hbm>> -> memref<1024xi32, #tpu.memory_space<hbm>>
    %dma_start3A_290 = tpu.memref_slice %arg4[%multiple_of3A_288] : memref<320000xi32, #tpu.memory_space<hbm>> -> memref<1024xi32, #tpu.memory_space<hbm>>
    tpu.enqueue_dma source(%dma_start3A_290 : memref<1024xi32, #tpu.memory_space<hbm>>) target(%arg17 : memref<1024xi32, #tpu.memory_space<vmem>>) target_semaphore(%arg21 : memref<!tpu.dma_semaphore, #tpu.memory_space<semaphore_mem>>)
    %dma_start3A_291 = tpu.memref_slice %arg5[%multiple_of3A_288] : memref<320000xi32, #tpu.memory_space<hbm>> -> memref<1024xi32, #tpu.memory_space<hbm>>
    %dma_start3A_292 = tpu.memref_slice %arg5[%multiple_of3A_288] : memref<320000xi32, #tpu.memory_space<hbm>> -> memref<1024xi32, #tpu.memory_space<hbm>>
    tpu.enqueue_dma source(%dma_start3A_292 : memref<1024xi32, #tpu.memory_space<hbm>>) target(%arg19 : memref<1024xi32, #tpu.memory_space<vmem>>) target_semaphore(%arg21 : memref<!tpu.dma_semaphore, #tpu.memory_space<semaphore_mem>>)
    %dma_wait3A_293 = arith.constant 0 : i32
    %dma_wait3A_294 = tpu.memref_slice %arg4[%dma_wait3A_293] : memref<320000xi32, #tpu.memory_space<hbm>> -> memref<1024xi32, #tpu.memory_space<hbm>>
    %dma_wait3A_295 = arith.constant 0 : i32
    %dma_wait3A_296 = tpu.memref_slice %arg4[%dma_wait3A_295] : memref<320000xi32, #tpu.memory_space<hbm>> -> memref<1024xi32, #tpu.memory_space<hbm>>
    tpu.wait_dma2 semaphore(%arg20 : memref<!tpu.dma_semaphore, #tpu.memory_space<semaphore_mem>>) src(%dma_wait3A_296 : memref<1024xi32, #tpu.memory_space<hbm>>) dst(%arg16 : memref<1024xi32, #tpu.memory_space<vmem>>)
    %dma_wait3A_297 = arith.constant 0 : i32
    %dma_wait3A_298 = tpu.memref_slice %arg5[%dma_wait3A_297] : memref<320000xi32, #tpu.memory_space<hbm>> -> memref<1024xi32, #tpu.memory_space<hbm>>
    %dma_wait3A_299 = arith.constant 0 : i32
    %dma_wait3A_300 = tpu.memref_slice %arg5[%dma_wait3A_299] : memref<320000xi32, #tpu.memory_space<hbm>> -> memref<1024xi32, #tpu.memory_space<hbm>>
    tpu.wait_dma2 semaphore(%arg20 : memref<!tpu.dma_semaphore, #tpu.memory_space<semaphore_mem>>) src(%dma_wait3A_300 : memref<1024xi32, #tpu.memory_space<hbm>>) dst(%arg18 : memref<1024xi32, #tpu.memory_space<vmem>>)
    %scan3A_301 = arith.constant 0 : i32
    %scan3A_302 = arith.constant 64 : i32
    %scan3A_303 = arith.addi %scan3A_301, %scan3A_302 : i32
    %scan3A_304 = arith.constant 1 : i32
    %scan3A_305 = scf.for %scan3A_498 = %scan3A_301 to %scan3A_303 step %scan3A_304 iter_args(%scan3A_499 = %scan3A_284) -> (i32)  : i32 {
      %mul3A_500 = arith.constant 16 : i32
      %mul3A_501 = arith.muli %mul3A_500, %scan3A_498 : i32
      %get3A_502 = arith.index_cast %mul3A_501 : i32 to index
      %get3A_503 = tpu.vector_load %arg18[%get3A_502] {strides = array<i32>} : memref<1024xi32, #tpu.memory_space<vmem>>, vector<16xi32>,
      %mul3A_504 = arith.constant 16 : i32
      %mul3A_505 = arith.muli %mul3A_504, %scan3A_498 : i32
      %get3A_506 = arith.index_cast %mul3A_505 : i32 to index
      %get3A_507 = tpu.vector_load %arg16[%get3A_506] {strides = array<i32>} : memref<1024xi32, #tpu.memory_space<vmem>>, vector<16xi32>,
      %gather3A_508 = tpu.vector_load_idx %arg14[%get3A_503] : memref<10000xi32, #tpu.memory_space<vmem>>[vector<16xi32>], vector<16xi32>,
      %gt3A = arith.constant 0 : i32
      %gt3A_509 = vector.broadcast %gt3A : i32 to vector<16xi32>
      %gt3A_510 = arith.cmpi sgt, %gather3A_508, %gt3A_509 : vector<16xi32>
      %mul3A_511 = arith.constant 1024 : i32
      %mul3A_512 = vector.broadcast %mul3A_511 : i32 to vector<16xi32>
      %mul3A_513 = arith.muli %get3A_507, %mul3A_512 : vector<16xi32>
      %sub3A_514 = arith.constant 1 : i32
      %sub3A_515 = vector.broadcast %sub3A_514 : i32 to vector<16xi32>
      %sub3A_516 = arith.subi %gather3A_508, %sub3A_515 : vector<16xi32>
      %add3A_517 = arith.addi %mul3A_513, %sub3A_516 : vector<16xi32>
      %swap3A_518 = arith.index_cast %scan3A_499 : i32 to index
      %swap3A_519 = tpu.vector_load %arg22[%swap3A_518] masked %gt3A_510 {strides = array<i32>} : memref<10112xi32, #tpu.memory_space<vmem>>, vector<16xi32>, vector<16xi1>
      tpu.vector_store %arg22[%swap3A_518], %add3A_517 masked %gt3A_510 {strides = array<i32>} : memref<10112xi32, #tpu.memory_space<vmem>>, vector<16xi32>, vector<16xi1>
      %convert_element_type3A_520 = arith.extui %gt3A_510 : vector<16xi1> to vector<16xi32>
      %reduce_sum3A = arith.constant true
      %reduce_sum3A_521 = vector.broadcast %reduce_sum3A : i1 to vector<16xi1>
      %reduce_sum3A_522 = tpu.scan <sum>, %convert_element_type3A_520 masked %reduce_sum3A_521 : vector<16xi32>, vector<16xi1> -> vector<16xi32>
      %reduce_sum3A_523 = vector.extract %reduce_sum3A_522[15] : i32 from vector<16xi32>
      %add3A_524 = arith.addi %scan3A_499, %reduce_sum3A_523 : i32
      scf.yield %add3A_524 : i32
    }
    %scan3A_306 = arith.constant 64 : i32
    %add3A_307 = arith.constant 6144 : i32
    %add3A_308 = arith.addi %mul3A_196, %add3A_307 : i32
    %multiple_of3A_309 = tpu.assume_multiple %add3A_308, 8 : i32
    %dma_start3A_310 = tpu.memref_slice %arg4[%multiple_of3A_309] : memref<320000xi32, #tpu.memory_space<hbm>> -> memref<1024xi32, #tpu.memory_space<hbm>>
    %dma_start3A_311 = tpu.memref_slice %arg4[%multiple_of3A_309] : memref<320000xi32, #tpu.memory_space<hbm>> -> memref<1024xi32, #tpu.memory_space<hbm>>
    tpu.enqueue_dma source(%dma_start3A_311 : memref<1024xi32, #tpu.memory_space<hbm>>) target(%arg16 : memref<1024xi32, #tpu.memory_space<vmem>>) target_semaphore(%arg20 : memref<!tpu.dma_semaphore, #tpu.memory_space<semaphore_mem>>)
    %dma_start3A_312 = tpu.memref_slice %arg5[%multiple_of3A_309] : memref<320000xi32, #tpu.memory_space<hbm>> -> memref<1024xi32, #tpu.memory_space<hbm>>
    %dma_start3A_313 = tpu.memref_slice %arg5[%multiple_of3A_309] : memref<320000xi32, #tpu.memory_space<hbm>> -> memref<1024xi32, #tpu.memory_space<hbm>>
    tpu.enqueue_dma source(%dma_start3A_313 : memref<1024xi32, #tpu.memory_space<hbm>>) target(%arg18 : memref<1024xi32, #tpu.memory_space<vmem>>) target_semaphore(%arg20 : memref<!tpu.dma_semaphore, #tpu.memory_space<semaphore_mem>>)
    %dma_wait3A_314 = arith.constant 0 : i32
    %dma_wait3A_315 = tpu.memref_slice %arg4[%dma_wait3A_314] : memref<320000xi32, #tpu.memory_space<hbm>> -> memref<1024xi32, #tpu.memory_space<hbm>>
    %dma_wait3A_316 = arith.constant 0 : i32
    %dma_wait3A_317 = tpu.memref_slice %arg4[%dma_wait3A_316] : memref<320000xi32, #tpu.memory_space<hbm>> -> memref<1024xi32, #tpu.memory_space<hbm>>
    tpu.wait_dma2 semaphore(%arg21 : memref<!tpu.dma_semaphore, #tpu.memory_space<semaphore_mem>>) src(%dma_wait3A_317 : memref<1024xi32, #tpu.memory_space<hbm>>) dst(%arg17 : memref<1024xi32, #tpu.memory_space<vmem>>)
    %dma_wait3A_318 = arith.constant 0 : i32
    %dma_wait3A_319 = tpu.memref_slice %arg5[%dma_wait3A_318] : memref<320000xi32, #tpu.memory_space<hbm>> -> memref<1024xi32, #tpu.memory_space<hbm>>
    %dma_wait3A_320 = arith.constant 0 : i32
    %dma_wait3A_321 = tpu.memref_slice %arg5[%dma_wait3A_320] : memref<320000xi32, #tpu.memory_space<hbm>> -> memref<1024xi32, #tpu.memory_space<hbm>>
    tpu.wait_dma2 semaphore(%arg21 : memref<!tpu.dma_semaphore, #tpu.memory_space<semaphore_mem>>) src(%dma_wait3A_321 : memref<1024xi32, #tpu.memory_space<hbm>>) dst(%arg19 : memref<1024xi32, #tpu.memory_space<vmem>>)
    %scan3A_322 = arith.constant 0 : i32
    %scan3A_323 = arith.constant 64 : i32
    %scan3A_324 = arith.addi %scan3A_322, %scan3A_323 : i32
    %scan3A_325 = arith.constant 1 : i32
    %scan3A_326 = scf.for %scan3A_498 = %scan3A_322 to %scan3A_324 step %scan3A_325 iter_args(%scan3A_499 = %scan3A_305) -> (i32)  : i32 {
      %mul3A_500 = arith.constant 16 : i32
      %mul3A_501 = arith.muli %mul3A_500, %scan3A_498 : i32
      %get3A_502 = arith.index_cast %mul3A_501 : i32 to index
      %get3A_503 = tpu.vector_load %arg19[%get3A_502] {strides = array<i32>} : memref<1024xi32, #tpu.memory_space<vmem>>, vector<16xi32>,
      %mul3A_504 = arith.constant 16 : i32
      %mul3A_505 = arith.muli %mul3A_504, %scan3A_498 : i32
      %get3A_506 = arith.index_cast %mul3A_505 : i32 to index
      %get3A_507 = tpu.vector_load %arg17[%get3A_506] {strides = array<i32>} : memref<1024xi32, #tpu.memory_space<vmem>>, vector<16xi32>,
      %gather3A_508 = tpu.vector_load_idx %arg14[%get3A_503] : memref<10000xi32, #tpu.memory_space<vmem>>[vector<16xi32>], vector<16xi32>,
      %gt3A = arith.constant 0 : i32
      %gt3A_509 = vector.broadcast %gt3A : i32 to vector<16xi32>
      %gt3A_510 = arith.cmpi sgt, %gather3A_508, %gt3A_509 : vector<16xi32>
      %mul3A_511 = arith.constant 1024 : i32
      %mul3A_512 = vector.broadcast %mul3A_511 : i32 to vector<16xi32>
      %mul3A_513 = arith.muli %get3A_507, %mul3A_512 : vector<16xi32>
      %sub3A_514 = arith.constant 1 : i32
      %sub3A_515 = vector.broadcast %sub3A_514 : i32 to vector<16xi32>
      %sub3A_516 = arith.subi %gather3A_508, %sub3A_515 : vector<16xi32>
      %add3A_517 = arith.addi %mul3A_513, %sub3A_516 : vector<16xi32>
      %swap3A_518 = arith.index_cast %scan3A_499 : i32 to index
      %swap3A_519 = tpu.vector_load %arg22[%swap3A_518] masked %gt3A_510 {strides = array<i32>} : memref<10112xi32, #tpu.memory_space<vmem>>, vector<16xi32>, vector<16xi1>
      tpu.vector_store %arg22[%swap3A_518], %add3A_517 masked %gt3A_510 {strides = array<i32>} : memref<10112xi32, #tpu.memory_space<vmem>>, vector<16xi32>, vector<16xi1>
      %convert_element_type3A_520 = arith.extui %gt3A_510 : vector<16xi1> to vector<16xi32>
      %reduce_sum3A = arith.constant true
      %reduce_sum3A_521 = vector.broadcast %reduce_sum3A : i1 to vector<16xi1>
      %reduce_sum3A_522 = tpu.scan <sum>, %convert_element_type3A_520 masked %reduce_sum3A_521 : vector<16xi32>, vector<16xi1> -> vector<16xi32>
      %reduce_sum3A_523 = vector.extract %reduce_sum3A_522[15] : i32 from vector<16xi32>
      %add3A_524 = arith.addi %scan3A_499, %reduce_sum3A_523 : i32
      scf.yield %add3A_524 : i32
    }
    %scan3A_327 = arith.constant 64 : i32
    %add3A_328 = arith.constant 7168 : i32
    %add3A_329 = arith.addi %mul3A_196, %add3A_328 : i32
    %multiple_of3A_330 = tpu.assume_multiple %add3A_329, 8 : i32
    %dma_start3A_331 = tpu.memref_slice %arg4[%multiple_of3A_330] : memref<320000xi32, #tpu.memory_space<hbm>> -> memref<1024xi32, #tpu.memory_space<hbm>>
    %dma_start3A_332 = tpu.memref_slice %arg4[%multiple_of3A_330] : memref<320000xi32, #tpu.memory_space<hbm>> -> memref<1024xi32, #tpu.memory_space<hbm>>
    tpu.enqueue_dma source(%dma_start3A_332 : memref<1024xi32, #tpu.memory_space<hbm>>) target(%arg17 : memref<1024xi32, #tpu.memory_space<vmem>>) target_semaphore(%arg21 : memref<!tpu.dma_semaphore, #tpu.memory_space<semaphore_mem>>)
    %dma_start3A_333 = tpu.memref_slice %arg5[%multiple_of3A_330] : memref<320000xi32, #tpu.memory_space<hbm>> -> memref<1024xi32, #tpu.memory_space<hbm>>
    %dma_start3A_334 = tpu.memref_slice %arg5[%multiple_of3A_330] : memref<320000xi32, #tpu.memory_space<hbm>> -> memref<1024xi32, #tpu.memory_space<hbm>>
    tpu.enqueue_dma source(%dma_start3A_334 : memref<1024xi32, #tpu.memory_space<hbm>>) target(%arg19 : memref<1024xi32, #tpu.memory_space<vmem>>) target_semaphore(%arg21 : memref<!tpu.dma_semaphore, #tpu.memory_space<semaphore_mem>>)
    %dma_wait3A_335 = arith.constant 0 : i32
    %dma_wait3A_336 = tpu.memref_slice %arg4[%dma_wait3A_335] : memref<320000xi32, #tpu.memory_space<hbm>> -> memref<1024xi32, #tpu.memory_space<hbm>>
    %dma_wait3A_337 = arith.constant 0 : i32
    %dma_wait3A_338 = tpu.memref_slice %arg4[%dma_wait3A_337] : memref<320000xi32, #tpu.memory_space<hbm>> -> memref<1024xi32, #tpu.memory_space<hbm>>
    tpu.wait_dma2 semaphore(%arg20 : memref<!tpu.dma_semaphore, #tpu.memory_space<semaphore_mem>>) src(%dma_wait3A_338 : memref<1024xi32, #tpu.memory_space<hbm>>) dst(%arg16 : memref<1024xi32, #tpu.memory_space<vmem>>)
    %dma_wait3A_339 = arith.constant 0 : i32
    %dma_wait3A_340 = tpu.memref_slice %arg5[%dma_wait3A_339] : memref<320000xi32, #tpu.memory_space<hbm>> -> memref<1024xi32, #tpu.memory_space<hbm>>
    %dma_wait3A_341 = arith.constant 0 : i32
    %dma_wait3A_342 = tpu.memref_slice %arg5[%dma_wait3A_341] : memref<320000xi32, #tpu.memory_space<hbm>> -> memref<1024xi32, #tpu.memory_space<hbm>>
    tpu.wait_dma2 semaphore(%arg20 : memref<!tpu.dma_semaphore, #tpu.memory_space<semaphore_mem>>) src(%dma_wait3A_342 : memref<1024xi32, #tpu.memory_space<hbm>>) dst(%arg18 : memref<1024xi32, #tpu.memory_space<vmem>>)
    %scan3A_343 = arith.constant 0 : i32
    %scan3A_344 = arith.constant 64 : i32
    %scan3A_345 = arith.addi %scan3A_343, %scan3A_344 : i32
    %scan3A_346 = arith.constant 1 : i32
    %scan3A_347 = scf.for %scan3A_498 = %scan3A_343 to %scan3A_345 step %scan3A_346 iter_args(%scan3A_499 = %scan3A_326) -> (i32)  : i32 {
      %mul3A_500 = arith.constant 16 : i32
      %mul3A_501 = arith.muli %mul3A_500, %scan3A_498 : i32
      %get3A_502 = arith.index_cast %mul3A_501 : i32 to index
      %get3A_503 = tpu.vector_load %arg18[%get3A_502] {strides = array<i32>} : memref<1024xi32, #tpu.memory_space<vmem>>, vector<16xi32>,
      %mul3A_504 = arith.constant 16 : i32
      %mul3A_505 = arith.muli %mul3A_504, %scan3A_498 : i32
      %get3A_506 = arith.index_cast %mul3A_505 : i32 to index
      %get3A_507 = tpu.vector_load %arg16[%get3A_506] {strides = array<i32>} : memref<1024xi32, #tpu.memory_space<vmem>>, vector<16xi32>,
      %gather3A_508 = tpu.vector_load_idx %arg14[%get3A_503] : memref<10000xi32, #tpu.memory_space<vmem>>[vector<16xi32>], vector<16xi32>,
      %gt3A = arith.constant 0 : i32
      %gt3A_509 = vector.broadcast %gt3A : i32 to vector<16xi32>
      %gt3A_510 = arith.cmpi sgt, %gather3A_508, %gt3A_509 : vector<16xi32>
      %mul3A_511 = arith.constant 1024 : i32
      %mul3A_512 = vector.broadcast %mul3A_511 : i32 to vector<16xi32>
      %mul3A_513 = arith.muli %get3A_507, %mul3A_512 : vector<16xi32>
      %sub3A_514 = arith.constant 1 : i32
      %sub3A_515 = vector.broadcast %sub3A_514 : i32 to vector<16xi32>
      %sub3A_516 = arith.subi %gather3A_508, %sub3A_515 : vector<16xi32>
      %add3A_517 = arith.addi %mul3A_513, %sub3A_516 : vector<16xi32>
      %swap3A_518 = arith.index_cast %scan3A_499 : i32 to index
      %swap3A_519 = tpu.vector_load %arg22[%swap3A_518] masked %gt3A_510 {strides = array<i32>} : memref<10112xi32, #tpu.memory_space<vmem>>, vector<16xi32>, vector<16xi1>
      tpu.vector_store %arg22[%swap3A_518], %add3A_517 masked %gt3A_510 {strides = array<i32>} : memref<10112xi32, #tpu.memory_space<vmem>>, vector<16xi32>, vector<16xi1>
      %convert_element_type3A_520 = arith.extui %gt3A_510 : vector<16xi1> to vector<16xi32>
      %reduce_sum3A = arith.constant true
      %reduce_sum3A_521 = vector.broadcast %reduce_sum3A : i1 to vector<16xi1>
      %reduce_sum3A_522 = tpu.scan <sum>, %convert_element_type3A_520 masked %reduce_sum3A_521 : vector<16xi32>, vector<16xi1> -> vector<16xi32>
      %reduce_sum3A_523 = vector.extract %reduce_sum3A_522[15] : i32 from vector<16xi32>
      %add3A_524 = arith.addi %scan3A_499, %reduce_sum3A_523 : i32
      scf.yield %add3A_524 : i32
    }
    %scan3A_348 = arith.constant 64 : i32
    %add3A_349 = arith.constant 8192 : i32
    %add3A_350 = arith.addi %mul3A_196, %add3A_349 : i32
    %multiple_of3A_351 = tpu.assume_multiple %add3A_350, 8 : i32
    %dma_start3A_352 = tpu.memref_slice %arg4[%multiple_of3A_351] : memref<320000xi32, #tpu.memory_space<hbm>> -> memref<1024xi32, #tpu.memory_space<hbm>>
    %dma_start3A_353 = tpu.memref_slice %arg4[%multiple_of3A_351] : memref<320000xi32, #tpu.memory_space<hbm>> -> memref<1024xi32, #tpu.memory_space<hbm>>
    tpu.enqueue_dma source(%dma_start3A_353 : memref<1024xi32, #tpu.memory_space<hbm>>) target(%arg16 : memref<1024xi32, #tpu.memory_space<vmem>>) target_semaphore(%arg20 : memref<!tpu.dma_semaphore, #tpu.memory_space<semaphore_mem>>)
    %dma_start3A_354 = tpu.memref_slice %arg5[%multiple_of3A_351] : memref<320000xi32, #tpu.memory_space<hbm>> -> memref<1024xi32, #tpu.memory_space<hbm>>
    %dma_start3A_355 = tpu.memref_slice %arg5[%multiple_of3A_351] : memref<320000xi32, #tpu.memory_space<hbm>> -> memref<1024xi32, #tpu.memory_space<hbm>>
    tpu.enqueue_dma source(%dma_start3A_355 : memref<1024xi32, #tpu.memory_space<hbm>>) target(%arg18 : memref<1024xi32, #tpu.memory_space<vmem>>) target_semaphore(%arg20 : memref<!tpu.dma_semaphore, #tpu.memory_space<semaphore_mem>>)
    %dma_wait3A_356 = arith.constant 0 : i32
    %dma_wait3A_357 = tpu.memref_slice %arg4[%dma_wait3A_356] : memref<320000xi32, #tpu.memory_space<hbm>> -> memref<1024xi32, #tpu.memory_space<hbm>>
    %dma_wait3A_358 = arith.constant 0 : i32
    %dma_wait3A_359 = tpu.memref_slice %arg4[%dma_wait3A_358] : memref<320000xi32, #tpu.memory_space<hbm>> -> memref<1024xi32, #tpu.memory_space<hbm>>
    tpu.wait_dma2 semaphore(%arg21 : memref<!tpu.dma_semaphore, #tpu.memory_space<semaphore_mem>>) src(%dma_wait3A_359 : memref<1024xi32, #tpu.memory_space<hbm>>) dst(%arg17 : memref<1024xi32, #tpu.memory_space<vmem>>)
    %dma_wait3A_360 = arith.constant 0 : i32
    %dma_wait3A_361 = tpu.memref_slice %arg5[%dma_wait3A_360] : memref<320000xi32, #tpu.memory_space<hbm>> -> memref<1024xi32, #tpu.memory_space<hbm>>
    %dma_wait3A_362 = arith.constant 0 : i32
    %dma_wait3A_363 = tpu.memref_slice %arg5[%dma_wait3A_362] : memref<320000xi32, #tpu.memory_space<hbm>> -> memref<1024xi32, #tpu.memory_space<hbm>>
    tpu.wait_dma2 semaphore(%arg21 : memref<!tpu.dma_semaphore, #tpu.memory_space<semaphore_mem>>) src(%dma_wait3A_363 : memref<1024xi32, #tpu.memory_space<hbm>>) dst(%arg19 : memref<1024xi32, #tpu.memory_space<vmem>>)
    %scan3A_364 = arith.constant 0 : i32
    %scan3A_365 = arith.constant 64 : i32
    %scan3A_366 = arith.addi %scan3A_364, %scan3A_365 : i32
    %scan3A_367 = arith.constant 1 : i32
    %scan3A_368 = scf.for %scan3A_498 = %scan3A_364 to %scan3A_366 step %scan3A_367 iter_args(%scan3A_499 = %scan3A_347) -> (i32)  : i32 {
      %mul3A_500 = arith.constant 16 : i32
      %mul3A_501 = arith.muli %mul3A_500, %scan3A_498 : i32
      %get3A_502 = arith.index_cast %mul3A_501 : i32 to index
      %get3A_503 = tpu.vector_load %arg19[%get3A_502] {strides = array<i32>} : memref<1024xi32, #tpu.memory_space<vmem>>, vector<16xi32>,
      %mul3A_504 = arith.constant 16 : i32
      %mul3A_505 = arith.muli %mul3A_504, %scan3A_498 : i32
      %get3A_506 = arith.index_cast %mul3A_505 : i32 to index
      %get3A_507 = tpu.vector_load %arg17[%get3A_506] {strides = array<i32>} : memref<1024xi32, #tpu.memory_space<vmem>>, vector<16xi32>,
      %gather3A_508 = tpu.vector_load_idx %arg14[%get3A_503] : memref<10000xi32, #tpu.memory_space<vmem>>[vector<16xi32>], vector<16xi32>,
      %gt3A = arith.constant 0 : i32
      %gt3A_509 = vector.broadcast %gt3A : i32 to vector<16xi32>
      %gt3A_510 = arith.cmpi sgt, %gather3A_508, %gt3A_509 : vector<16xi32>
      %mul3A_511 = arith.constant 1024 : i32
      %mul3A_512 = vector.broadcast %mul3A_511 : i32 to vector<16xi32>
      %mul3A_513 = arith.muli %get3A_507, %mul3A_512 : vector<16xi32>
      %sub3A_514 = arith.constant 1 : i32
      %sub3A_515 = vector.broadcast %sub3A_514 : i32 to vector<16xi32>
      %sub3A_516 = arith.subi %gather3A_508, %sub3A_515 : vector<16xi32>
      %add3A_517 = arith.addi %mul3A_513, %sub3A_516 : vector<16xi32>
      %swap3A_518 = arith.index_cast %scan3A_499 : i32 to index
      %swap3A_519 = tpu.vector_load %arg22[%swap3A_518] masked %gt3A_510 {strides = array<i32>} : memref<10112xi32, #tpu.memory_space<vmem>>, vector<16xi32>, vector<16xi1>
      tpu.vector_store %arg22[%swap3A_518], %add3A_517 masked %gt3A_510 {strides = array<i32>} : memref<10112xi32, #tpu.memory_space<vmem>>, vector<16xi32>, vector<16xi1>
      %convert_element_type3A_520 = arith.extui %gt3A_510 : vector<16xi1> to vector<16xi32>
      %reduce_sum3A = arith.constant true
      %reduce_sum3A_521 = vector.broadcast %reduce_sum3A : i1 to vector<16xi1>
      %reduce_sum3A_522 = tpu.scan <sum>, %convert_element_type3A_520 masked %reduce_sum3A_521 : vector<16xi32>, vector<16xi1> -> vector<16xi32>
      %reduce_sum3A_523 = vector.extract %reduce_sum3A_522[15] : i32 from vector<16xi32>
      %add3A_524 = arith.addi %scan3A_499, %reduce_sum3A_523 : i32
      scf.yield %add3A_524 : i32
    }
    %scan3A_369 = arith.constant 64 : i32
    %add3A_370 = arith.constant 9216 : i32
    %add3A_371 = arith.addi %mul3A_196, %add3A_370 : i32
    %multiple_of3A_372 = tpu.assume_multiple %add3A_371, 8 : i32
    %dma_start3A_373 = arith.constant 0 : i32
    %dma_start3A_374 = tpu.memref_slice %arg17[%dma_start3A_373] : memref<1024xi32, #tpu.memory_space<vmem>> -> memref<784xi32, #tpu.memory_space<vmem>>
    %dma_start3A_375 = tpu.memref_slice %arg4[%multiple_of3A_372] : memref<320000xi32, #tpu.memory_space<hbm>> -> memref<784xi32, #tpu.memory_space<hbm>>
    %dma_start3A_376 = arith.constant 0 : i32
    %dma_start3A_377 = tpu.memref_slice %arg17[%dma_start3A_376] : memref<1024xi32, #tpu.memory_space<vmem>> -> memref<784xi32, #tpu.memory_space<vmem>>
    %dma_start3A_378 = tpu.memref_slice %arg4[%multiple_of3A_372] : memref<320000xi32, #tpu.memory_space<hbm>> -> memref<784xi32, #tpu.memory_space<hbm>>
    tpu.enqueue_dma source(%dma_start3A_378 : memref<784xi32, #tpu.memory_space<hbm>>) target(%dma_start3A_377 : memref<784xi32, #tpu.memory_space<vmem>>) target_semaphore(%arg21 : memref<!tpu.dma_semaphore, #tpu.memory_space<semaphore_mem>>)
    %dma_start3A_379 = arith.constant 0 : i32
    %dma_start3A_380 = tpu.memref_slice %arg19[%dma_start3A_379] : memref<1024xi32, #tpu.memory_space<vmem>> -> memref<784xi32, #tpu.memory_space<vmem>>
    %dma_start3A_381 = tpu.memref_slice %arg5[%multiple_of3A_372] : memref<320000xi32, #tpu.memory_space<hbm>> -> memref<784xi32, #tpu.memory_space<hbm>>
    %dma_start3A_382 = arith.constant 0 : i32
    %dma_start3A_383 = tpu.memref_slice %arg19[%dma_start3A_382] : memref<1024xi32, #tpu.memory_space<vmem>> -> memref<784xi32, #tpu.memory_space<vmem>>
    %dma_start3A_384 = tpu.memref_slice %arg5[%multiple_of3A_372] : memref<320000xi32, #tpu.memory_space<hbm>> -> memref<784xi32, #tpu.memory_space<hbm>>
    tpu.enqueue_dma source(%dma_start3A_384 : memref<784xi32, #tpu.memory_space<hbm>>) target(%dma_start3A_383 : memref<784xi32, #tpu.memory_space<vmem>>) target_semaphore(%arg21 : memref<!tpu.dma_semaphore, #tpu.memory_space<semaphore_mem>>)
    %dma_wait3A_385 = arith.constant 0 : i32
    %dma_wait3A_386 = tpu.memref_slice %arg4[%dma_wait3A_385] : memref<320000xi32, #tpu.memory_space<hbm>> -> memref<1024xi32, #tpu.memory_space<hbm>>
    %dma_wait3A_387 = arith.constant 0 : i32
    %dma_wait3A_388 = tpu.memref_slice %arg4[%dma_wait3A_387] : memref<320000xi32, #tpu.memory_space<hbm>> -> memref<1024xi32, #tpu.memory_space<hbm>>
    tpu.wait_dma2 semaphore(%arg20 : memref<!tpu.dma_semaphore, #tpu.memory_space<semaphore_mem>>) src(%dma_wait3A_388 : memref<1024xi32, #tpu.memory_space<hbm>>) dst(%arg16 : memref<1024xi32, #tpu.memory_space<vmem>>)
    %dma_wait3A_389 = arith.constant 0 : i32
    %dma_wait3A_390 = tpu.memref_slice %arg5[%dma_wait3A_389] : memref<320000xi32, #tpu.memory_space<hbm>> -> memref<1024xi32, #tpu.memory_space<hbm>>
    %dma_wait3A_391 = arith.constant 0 : i32
    %dma_wait3A_392 = tpu.memref_slice %arg5[%dma_wait3A_391] : memref<320000xi32, #tpu.memory_space<hbm>> -> memref<1024xi32, #tpu.memory_space<hbm>>
    tpu.wait_dma2 semaphore(%arg20 : memref<!tpu.dma_semaphore, #tpu.memory_space<semaphore_mem>>) src(%dma_wait3A_392 : memref<1024xi32, #tpu.memory_space<hbm>>) dst(%arg18 : memref<1024xi32, #tpu.memory_space<vmem>>)
    %scan3A_393 = arith.constant 0 : i32
    %scan3A_394 = arith.constant 64 : i32
    %scan3A_395 = arith.addi %scan3A_393, %scan3A_394 : i32
    %scan3A_396 = arith.constant 1 : i32
    %scan3A_397 = scf.for %scan3A_498 = %scan3A_393 to %scan3A_395 step %scan3A_396 iter_args(%scan3A_499 = %scan3A_368) -> (i32)  : i32 {
      %mul3A_500 = arith.constant 16 : i32
      %mul3A_501 = arith.muli %mul3A_500, %scan3A_498 : i32
      %get3A_502 = arith.index_cast %mul3A_501 : i32 to index
      %get3A_503 = tpu.vector_load %arg18[%get3A_502] {strides = array<i32>} : memref<1024xi32, #tpu.memory_space<vmem>>, vector<16xi32>,
      %mul3A_504 = arith.constant 16 : i32
      %mul3A_505 = arith.muli %mul3A_504, %scan3A_498 : i32
      %get3A_506 = arith.index_cast %mul3A_505 : i32 to index
      %get3A_507 = tpu.vector_load %arg16[%get3A_506] {strides = array<i32>} : memref<1024xi32, #tpu.memory_space<vmem>>, vector<16xi32>,
      %gather3A_508 = tpu.vector_load_idx %arg14[%get3A_503] : memref<10000xi32, #tpu.memory_space<vmem>>[vector<16xi32>], vector<16xi32>,
      %gt3A = arith.constant 0 : i32
      %gt3A_509 = vector.broadcast %gt3A : i32 to vector<16xi32>
      %gt3A_510 = arith.cmpi sgt, %gather3A_508, %gt3A_509 : vector<16xi32>
      %mul3A_511 = arith.constant 1024 : i32
      %mul3A_512 = vector.broadcast %mul3A_511 : i32 to vector<16xi32>
      %mul3A_513 = arith.muli %get3A_507, %mul3A_512 : vector<16xi32>
      %sub3A_514 = arith.constant 1 : i32
      %sub3A_515 = vector.broadcast %sub3A_514 : i32 to vector<16xi32>
      %sub3A_516 = arith.subi %gather3A_508, %sub3A_515 : vector<16xi32>
      %add3A_517 = arith.addi %mul3A_513, %sub3A_516 : vector<16xi32>
      %swap3A_518 = arith.index_cast %scan3A_499 : i32 to index
      %swap3A_519 = tpu.vector_load %arg22[%swap3A_518] masked %gt3A_510 {strides = array<i32>} : memref<10112xi32, #tpu.memory_space<vmem>>, vector<16xi32>, vector<16xi1>
      tpu.vector_store %arg22[%swap3A_518], %add3A_517 masked %gt3A_510 {strides = array<i32>} : memref<10112xi32, #tpu.memory_space<vmem>>, vector<16xi32>, vector<16xi1>
      %convert_element_type3A_520 = arith.extui %gt3A_510 : vector<16xi1> to vector<16xi32>
      %reduce_sum3A = arith.constant true
      %reduce_sum3A_521 = vector.broadcast %reduce_sum3A : i1 to vector<16xi1>
      %reduce_sum3A_522 = tpu.scan <sum>, %convert_element_type3A_520 masked %reduce_sum3A_521 : vector<16xi32>, vector<16xi1> -> vector<16xi32>
      %reduce_sum3A_523 = vector.extract %reduce_sum3A_522[15] : i32 from vector<16xi32>
      %add3A_524 = arith.addi %scan3A_499, %reduce_sum3A_523 : i32
      scf.yield %add3A_524 : i32
    }
    %scan3A_398 = arith.constant 64 : i32
    %dma_wait3A_399 = arith.constant 0 : i32
    %dma_wait3A_400 = tpu.memref_slice %arg17[%dma_wait3A_399] : memref<1024xi32, #tpu.memory_space<vmem>> -> memref<784xi32, #tpu.memory_space<vmem>>
    %dma_wait3A_401 = arith.constant 0 : i32
    %dma_wait3A_402 = tpu.memref_slice %arg4[%dma_wait3A_401] : memref<320000xi32, #tpu.memory_space<hbm>> -> memref<784xi32, #tpu.memory_space<hbm>>
    %dma_wait3A_403 = arith.constant 0 : i32
    %dma_wait3A_404 = tpu.memref_slice %arg17[%dma_wait3A_403] : memref<1024xi32, #tpu.memory_space<vmem>> -> memref<784xi32, #tpu.memory_space<vmem>>
    %dma_wait3A_405 = arith.constant 0 : i32
    %dma_wait3A_406 = tpu.memref_slice %arg4[%dma_wait3A_405] : memref<320000xi32, #tpu.memory_space<hbm>> -> memref<784xi32, #tpu.memory_space<hbm>>
    tpu.wait_dma2 semaphore(%arg21 : memref<!tpu.dma_semaphore, #tpu.memory_space<semaphore_mem>>) src(%dma_wait3A_406 : memref<784xi32, #tpu.memory_space<hbm>>) dst(%dma_wait3A_404 : memref<784xi32, #tpu.memory_space<vmem>>)
    %dma_wait3A_407 = arith.constant 0 : i32
    %dma_wait3A_408 = tpu.memref_slice %arg19[%dma_wait3A_407] : memref<1024xi32, #tpu.memory_space<vmem>> -> memref<784xi32, #tpu.memory_space<vmem>>
    %dma_wait3A_409 = arith.constant 0 : i32
    %dma_wait3A_410 = tpu.memref_slice %arg5[%dma_wait3A_409] : memref<320000xi32, #tpu.memory_space<hbm>> -> memref<784xi32, #tpu.memory_space<hbm>>
    %dma_wait3A_411 = arith.constant 0 : i32
    %dma_wait3A_412 = tpu.memref_slice %arg19[%dma_wait3A_411] : memref<1024xi32, #tpu.memory_space<vmem>> -> memref<784xi32, #tpu.memory_space<vmem>>
    %dma_wait3A_413 = arith.constant 0 : i32
    %dma_wait3A_414 = tpu.memref_slice %arg5[%dma_wait3A_413] : memref<320000xi32, #tpu.memory_space<hbm>> -> memref<784xi32, #tpu.memory_space<hbm>>
    tpu.wait_dma2 semaphore(%arg21 : memref<!tpu.dma_semaphore, #tpu.memory_space<semaphore_mem>>) src(%dma_wait3A_414 : memref<784xi32, #tpu.memory_space<hbm>>) dst(%dma_wait3A_412 : memref<784xi32, #tpu.memory_space<vmem>>)
    %scan3A_415 = arith.constant 0 : i32
    %scan3A_416 = arith.constant 49 : i32
    %scan3A_417 = arith.addi %scan3A_415, %scan3A_416 : i32
    %scan3A_418 = arith.constant 1 : i32
    %scan3A_419 = scf.for %scan3A_498 = %scan3A_415 to %scan3A_417 step %scan3A_418 iter_args(%scan3A_499 = %scan3A_397) -> (i32)  : i32 {
      %mul3A_500 = arith.constant 16 : i32
      %mul3A_501 = arith.muli %mul3A_500, %scan3A_498 : i32
      %get3A_502 = arith.index_cast %mul3A_501 : i32 to index
      %get3A_503 = tpu.vector_load %arg19[%get3A_502] {strides = array<i32>} : memref<1024xi32, #tpu.memory_space<vmem>>, vector<16xi32>,
      %mul3A_504 = arith.constant 16 : i32
      %mul3A_505 = arith.muli %mul3A_504, %scan3A_498 : i32
      %get3A_506 = arith.index_cast %mul3A_505 : i32 to index
      %get3A_507 = tpu.vector_load %arg17[%get3A_506] {strides = array<i32>} : memref<1024xi32, #tpu.memory_space<vmem>>, vector<16xi32>,
      %gather3A_508 = tpu.vector_load_idx %arg14[%get3A_503] : memref<10000xi32, #tpu.memory_space<vmem>>[vector<16xi32>], vector<16xi32>,
      %gt3A = arith.constant 0 : i32
      %gt3A_509 = vector.broadcast %gt3A : i32 to vector<16xi32>
      %gt3A_510 = arith.cmpi sgt, %gather3A_508, %gt3A_509 : vector<16xi32>
      %mul3A_511 = arith.constant 1024 : i32
      %mul3A_512 = vector.broadcast %mul3A_511 : i32 to vector<16xi32>
      %mul3A_513 = arith.muli %get3A_507, %mul3A_512 : vector<16xi32>
      %sub3A_514 = arith.constant 1 : i32
      %sub3A_515 = vector.broadcast %sub3A_514 : i32 to vector<16xi32>
      %sub3A_516 = arith.subi %gather3A_508, %sub3A_515 : vector<16xi32>
      %add3A_517 = arith.addi %mul3A_513, %sub3A_516 : vector<16xi32>
      %swap3A_518 = arith.index_cast %scan3A_499 : i32 to index
      %swap3A_519 = tpu.vector_load %arg22[%swap3A_518] masked %gt3A_510 {strides = array<i32>} : memref<10112xi32, #tpu.memory_space<vmem>>, vector<16xi32>, vector<16xi1>
      tpu.vector_store %arg22[%swap3A_518], %add3A_517 masked %gt3A_510 {strides = array<i32>} : memref<10112xi32, #tpu.memory_space<vmem>>, vector<16xi32>, vector<16xi1>
      %convert_element_type3A_520 = arith.extui %gt3A_510 : vector<16xi1> to vector<16xi32>
      %reduce_sum3A = arith.constant true
      %reduce_sum3A_521 = vector.broadcast %reduce_sum3A : i1 to vector<16xi1>
      %reduce_sum3A_522 = tpu.scan <sum>, %convert_element_type3A_520 masked %reduce_sum3A_521 : vector<16xi32>, vector<16xi1> -> vector<16xi32>
      %reduce_sum3A_523 = vector.extract %reduce_sum3A_522[15] : i32 from vector<16xi32>
      %add3A_524 = arith.addi %scan3A_499, %reduce_sum3A_523 : i32
      scf.yield %add3A_524 : i32
    }
    %scan3A_420 = arith.constant 49 : i32
    %add3A_421 = arith.constant 128 : i32
    %add3A_422 = arith.addi %scan3A_419, %add3A_421 : i32
    %sub3A = arith.constant 1 : i32
    %sub3A_423 = arith.subi %add3A_422, %sub3A : i32
    %jit3A = arith.constant 128 : i32
    %div3A = arith.divsi %sub3A_423, %jit3A : i32
    %sign3A = arith.constant 0 : i32
    %sign3A_424 = arith.cmpi sgt, %sub3A_423, %sign3A : i32
    %sign3A_425 = arith.extui %sign3A_424 : i1 to i32
    %sign3A_426 = arith.constant 0 : i32
    %sign3A_427 = arith.cmpi slt, %sub3A_423, %sign3A_426 : i32
    %sign3A_428 = arith.extui %sign3A_427 : i1 to i32
    %sign3A_429 = arith.subi %sign3A_425, %sign3A_428 : i32
    %sign3A_430 = arith.constant 0 : i32
    %sign3A_431 = arith.cmpi sgt, %jit3A, %sign3A_430 : i32
    %sign3A_432 = arith.extui %sign3A_431 : i1 to i32
    %sign3A_433 = arith.constant 0 : i32
    %sign3A_434 = arith.cmpi slt, %jit3A, %sign3A_433 : i32
    %sign3A_435 = arith.extui %sign3A_434 : i1 to i32
    %sign3A_436 = arith.subi %sign3A_432, %sign3A_435 : i32
    %ne3A = arith.cmpi ne, %sign3A_429, %sign3A_436 : i32
    %rem3A = arith.remsi %sub3A_423, %jit3A : i32
    %ne3A_437 = arith.constant 0 : i32
    %ne3A_438 = arith.cmpi ne, %rem3A, %ne3A_437 : i32
    %and3A = arith.andi %ne3A, %ne3A_438 : i1
    %sub3A_439 = arith.constant 1 : i32
    %sub3A_440 = arith.subi %div3A, %sub3A_439 : i32
    %select_n3A = arith.select %and3A, %sub3A_440, %div3A : i32
    %sub3A_441 = arith.constant 0 : i32
    %sub3A_442 = arith.subi %select_n3A, %sub3A_441 : i32
    %sub3A_443 = arith.constant 1 : i32
    %sub3A_444 = arith.constant 1 : i32
    %sub3A_445 = arith.subi %sub3A_443, %sub3A_444 : i32
    %add3A_446 = arith.addi %sub3A_442, %sub3A_445 : i32
    %div3A_447 = arith.constant 1 : i32
    %div3A_448 = arith.divsi %add3A_446, %div3A_447 : i32
    %while3A = arith.constant 1 : i32
    %while3A_449 = arith.constant 0 : i32
    %while3A_450 = arith.constant 0 : i32
    %while3A_451 = arith.subi %div3A_448, %while3A_450 : i32
    %while3A_452 = arith.addi %while3A_450, %while3A_451 : i32
    %while3A_453 = arith.constant 1 : i32
    %while3A_454 = arith.divsi %while3A_451, %while3A_453 : i32
    %while3A_455 = arith.muli %while3A_454, %while3A_453 : i32
    %while3A_456 = arith.addi %while3A_450, %while3A_455 : i32
    %while3A_457 = arith.constant 1 : i32
    scf.for %while3A_498 = %while3A_450 to %while3A_456 step %while3A_457  : i32 {
      %mul3A_499 = arith.muli %while3A_498, %while3A : i32
      %add3A_500 = arith.addi %while3A_449, %mul3A_499 : i32
      %mul3A_501 = arith.constant 128 : i32
      %mul3A_502 = arith.muli %add3A_500, %mul3A_501 : i32
      %add3A_503 = arith.constant 0 : i32
      %add3A_504 = arith.addi %mul3A_502, %add3A_503 : i32
      %get3A_505 = arith.index_cast %add3A_504 : i32 to index
      %get3A_506 = tpu.vector_load %arg22[%get3A_505] {strides = array<i32>} : memref<10112xi32, #tpu.memory_space<vmem>>, vector<16xi32>,
      %shift_right_arithmetic3A = arith.constant 10 : i32
      %shift_right_arithmetic3A_507 = vector.broadcast %shift_right_arithmetic3A : i32 to vector<16xi32>
      %shift_right_arithmetic3A_508 = arith.shrsi %get3A_506, %shift_right_arithmetic3A_507 : vector<16xi32>
      %swap3A_509 = arith.constant 0 : index
      %swap3A_510 = tpu.vector_load %arg23[%swap3A_509] {strides = array<i32>} : memref<128xi32, #tpu.memory_space<vmem>>, vector<16xi32>,
      tpu.vector_store %arg23[%swap3A_509], %shift_right_arithmetic3A_508 {strides = array<i32>} : memref<128xi32, #tpu.memory_space<vmem>>, vector<16xi32>,
      %and3A_511 = arith.constant 1023 : i32
      %and3A_512 = vector.broadcast %and3A_511 : i32 to vector<16xi32>
      %and3A_513 = arith.andi %get3A_506, %and3A_512 : vector<16xi32>
      %swap3A_514 = arith.constant 0 : index
      %swap3A_515 = tpu.vector_load %arg24[%swap3A_514] {strides = array<i32>} : memref<128xi32, #tpu.memory_space<vmem>>, vector<16xi32>,
      tpu.vector_store %arg24[%swap3A_514], %and3A_513 {strides = array<i32>} : memref<128xi32, #tpu.memory_space<vmem>>, vector<16xi32>,
      %add3A_516 = arith.constant 16 : i32
      %add3A_517 = arith.addi %mul3A_502, %add3A_516 : i32
      %get3A_518 = arith.index_cast %add3A_517 : i32 to index
      %get3A_519 = tpu.vector_load %arg22[%get3A_518] {strides = array<i32>} : memref<10112xi32, #tpu.memory_space<vmem>>, vector<16xi32>,
      %shift_right_arithmetic3A_520 = arith.constant 10 : i32
      %shift_right_arithmetic3A_521 = vector.broadcast %shift_right_arithmetic3A_520 : i32 to vector<16xi32>
      %shift_right_arithmetic3A_522 = arith.shrsi %get3A_519, %shift_right_arithmetic3A_521 : vector<16xi32>
      %swap3A_523 = arith.constant 16 : index
      %swap3A_524 = tpu.vector_load %arg23[%swap3A_523] {strides = array<i32>} : memref<128xi32, #tpu.memory_space<vmem>>, vector<16xi32>,
      tpu.vector_store %arg23[%swap3A_523], %shift_right_arithmetic3A_522 {strides = array<i32>} : memref<128xi32, #tpu.memory_space<vmem>>, vector<16xi32>,
      %and3A_525 = arith.constant 1023 : i32
      %and3A_526 = vector.broadcast %and3A_525 : i32 to vector<16xi32>
      %and3A_527 = arith.andi %get3A_519, %and3A_526 : vector<16xi32>
      %swap3A_528 = arith.constant 16 : index
      %swap3A_529 = tpu.vector_load %arg24[%swap3A_528] {strides = array<i32>} : memref<128xi32, #tpu.memory_space<vmem>>, vector<16xi32>,
      tpu.vector_store %arg24[%swap3A_528], %and3A_527 {strides = array<i32>} : memref<128xi32, #tpu.memory_space<vmem>>, vector<16xi32>,
      %add3A_530 = arith.constant 32 : i32
      %add3A_531 = arith.addi %mul3A_502, %add3A_530 : i32
      %get3A_532 = arith.index_cast %add3A_531 : i32 to index
      %get3A_533 = tpu.vector_load %arg22[%get3A_532] {strides = array<i32>} : memref<10112xi32, #tpu.memory_space<vmem>>, vector<16xi32>,
      %shift_right_arithmetic3A_534 = arith.constant 10 : i32
      %shift_right_arithmetic3A_535 = vector.broadcast %shift_right_arithmetic3A_534 : i32 to vector<16xi32>
      %shift_right_arithmetic3A_536 = arith.shrsi %get3A_533, %shift_right_arithmetic3A_535 : vector<16xi32>
      %swap3A_537 = arith.constant 32 : index
      %swap3A_538 = tpu.vector_load %arg23[%swap3A_537] {strides = array<i32>} : memref<128xi32, #tpu.memory_space<vmem>>, vector<16xi32>,
      tpu.vector_store %arg23[%swap3A_537], %shift_right_arithmetic3A_536 {strides = array<i32>} : memref<128xi32, #tpu.memory_space<vmem>>, vector<16xi32>,
      %and3A_539 = arith.constant 1023 : i32
      %and3A_540 = vector.broadcast %and3A_539 : i32 to vector<16xi32>
      %and3A_541 = arith.andi %get3A_533, %and3A_540 : vector<16xi32>
      %swap3A_542 = arith.constant 32 : index
      %swap3A_543 = tpu.vector_load %arg24[%swap3A_542] {strides = array<i32>} : memref<128xi32, #tpu.memory_space<vmem>>, vector<16xi32>,
      tpu.vector_store %arg24[%swap3A_542], %and3A_541 {strides = array<i32>} : memref<128xi32, #tpu.memory_space<vmem>>, vector<16xi32>,
      %add3A_544 = arith.constant 48 : i32
      %add3A_545 = arith.addi %mul3A_502, %add3A_544 : i32
      %get3A_546 = arith.index_cast %add3A_545 : i32 to index
      %get3A_547 = tpu.vector_load %arg22[%get3A_546] {strides = array<i32>} : memref<10112xi32, #tpu.memory_space<vmem>>, vector<16xi32>,
      %shift_right_arithmetic3A_548 = arith.constant 10 : i32
      %shift_right_arithmetic3A_549 = vector.broadcast %shift_right_arithmetic3A_548 : i32 to vector<16xi32>
      %shift_right_arithmetic3A_550 = arith.shrsi %get3A_547, %shift_right_arithmetic3A_549 : vector<16xi32>
      %swap3A_551 = arith.constant 48 : index
      %swap3A_552 = tpu.vector_load %arg23[%swap3A_551] {strides = array<i32>} : memref<128xi32, #tpu.memory_space<vmem>>, vector<16xi32>,
      tpu.vector_store %arg23[%swap3A_551], %shift_right_arithmetic3A_550 {strides = array<i32>} : memref<128xi32, #tpu.memory_space<vmem>>, vector<16xi32>,
      %and3A_553 = arith.constant 1023 : i32
      %and3A_554 = vector.broadcast %and3A_553 : i32 to vector<16xi32>
      %and3A_555 = arith.andi %get3A_547, %and3A_554 : vector<16xi32>
      %swap3A_556 = arith.constant 48 : index
      %swap3A_557 = tpu.vector_load %arg24[%swap3A_556] {strides = array<i32>} : memref<128xi32, #tpu.memory_space<vmem>>, vector<16xi32>,
      tpu.vector_store %arg24[%swap3A_556], %and3A_555 {strides = array<i32>} : memref<128xi32, #tpu.memory_space<vmem>>, vector<16xi32>,
      %add3A_558 = arith.constant 64 : i32
      %add3A_559 = arith.addi %mul3A_502, %add3A_558 : i32
      %get3A_560 = arith.index_cast %add3A_559 : i32 to index
      %get3A_561 = tpu.vector_load %arg22[%get3A_560] {strides = array<i32>} : memref<10112xi32, #tpu.memory_space<vmem>>, vector<16xi32>,
      %shift_right_arithmetic3A_562 = arith.constant 10 : i32
      %shift_right_arithmetic3A_563 = vector.broadcast %shift_right_arithmetic3A_562 : i32 to vector<16xi32>
      %shift_right_arithmetic3A_564 = arith.shrsi %get3A_561, %shift_right_arithmetic3A_563 : vector<16xi32>
      %swap3A_565 = arith.constant 64 : index
      %swap3A_566 = tpu.vector_load %arg23[%swap3A_565] {strides = array<i32>} : memref<128xi32, #tpu.memory_space<vmem>>, vector<16xi32>,
      tpu.vector_store %arg23[%swap3A_565], %shift_right_arithmetic3A_564 {strides = array<i32>} : memref<128xi32, #tpu.memory_space<vmem>>, vector<16xi32>,
      %and3A_567 = arith.constant 1023 : i32
      %and3A_568 = vector.broadcast %and3A_567 : i32 to vector<16xi32>
      %and3A_569 = arith.andi %get3A_561, %and3A_568 : vector<16xi32>
      %swap3A_570 = arith.constant 64 : index
      %swap3A_571 = tpu.vector_load %arg24[%swap3A_570] {strides = array<i32>} : memref<128xi32, #tpu.memory_space<vmem>>, vector<16xi32>,
      tpu.vector_store %arg24[%swap3A_570], %and3A_569 {strides = array<i32>} : memref<128xi32, #tpu.memory_space<vmem>>, vector<16xi32>,
      %add3A_572 = arith.constant 80 : i32
      %add3A_573 = arith.addi %mul3A_502, %add3A_572 : i32
      %get3A_574 = arith.index_cast %add3A_573 : i32 to index
      %get3A_575 = tpu.vector_load %arg22[%get3A_574] {strides = array<i32>} : memref<10112xi32, #tpu.memory_space<vmem>>, vector<16xi32>,
      %shift_right_arithmetic3A_576 = arith.constant 10 : i32
      %shift_right_arithmetic3A_577 = vector.broadcast %shift_right_arithmetic3A_576 : i32 to vector<16xi32>
      %shift_right_arithmetic3A_578 = arith.shrsi %get3A_575, %shift_right_arithmetic3A_577 : vector<16xi32>
      %swap3A_579 = arith.constant 80 : index
      %swap3A_580 = tpu.vector_load %arg23[%swap3A_579] {strides = array<i32>} : memref<128xi32, #tpu.memory_space<vmem>>, vector<16xi32>,
      tpu.vector_store %arg23[%swap3A_579], %shift_right_arithmetic3A_578 {strides = array<i32>} : memref<128xi32, #tpu.memory_space<vmem>>, vector<16xi32>,
      %and3A_581 = arith.constant 1023 : i32
      %and3A_582 = vector.broadcast %and3A_581 : i32 to vector<16xi32>
      %and3A_583 = arith.andi %get3A_575, %and3A_582 : vector<16xi32>
      %swap3A_584 = arith.constant 80 : index
      %swap3A_585 = tpu.vector_load %arg24[%swap3A_584] {strides = array<i32>} : memref<128xi32, #tpu.memory_space<vmem>>, vector<16xi32>,
      tpu.vector_store %arg24[%swap3A_584], %and3A_583 {strides = array<i32>} : memref<128xi32, #tpu.memory_space<vmem>>, vector<16xi32>,
      %add3A_586 = arith.constant 96 : i32
      %add3A_587 = arith.addi %mul3A_502, %add3A_586 : i32
      %get3A_588 = arith.index_cast %add3A_587 : i32 to index
      %get3A_589 = tpu.vector_load %arg22[%get3A_588] {strides = array<i32>} : memref<10112xi32, #tpu.memory_space<vmem>>, vector<16xi32>,
      %shift_right_arithmetic3A_590 = arith.constant 10 : i32
      %shift_right_arithmetic3A_591 = vector.broadcast %shift_right_arithmetic3A_590 : i32 to vector<16xi32>
      %shift_right_arithmetic3A_592 = arith.shrsi %get3A_589, %shift_right_arithmetic3A_591 : vector<16xi32>
      %swap3A_593 = arith.constant 96 : index
      %swap3A_594 = tpu.vector_load %arg23[%swap3A_593] {strides = array<i32>} : memref<128xi32, #tpu.memory_space<vmem>>, vector<16xi32>,
      tpu.vector_store %arg23[%swap3A_593], %shift_right_arithmetic3A_592 {strides = array<i32>} : memref<128xi32, #tpu.memory_space<vmem>>, vector<16xi32>,
      %and3A_595 = arith.constant 1023 : i32
      %and3A_596 = vector.broadcast %and3A_595 : i32 to vector<16xi32>
      %and3A_597 = arith.andi %get3A_589, %and3A_596 : vector<16xi32>
      %swap3A_598 = arith.constant 96 : index
      %swap3A_599 = tpu.vector_load %arg24[%swap3A_598] {strides = array<i32>} : memref<128xi32, #tpu.memory_space<vmem>>, vector<16xi32>,
      tpu.vector_store %arg24[%swap3A_598], %and3A_597 {strides = array<i32>} : memref<128xi32, #tpu.memory_space<vmem>>, vector<16xi32>,
      %add3A_600 = arith.constant 112 : i32
      %add3A_601 = arith.addi %mul3A_502, %add3A_600 : i32
      %get3A_602 = arith.index_cast %add3A_601 : i32 to index
      %get3A_603 = tpu.vector_load %arg22[%get3A_602] {strides = array<i32>} : memref<10112xi32, #tpu.memory_space<vmem>>, vector<16xi32>,
      %shift_right_arithmetic3A_604 = arith.constant 10 : i32
      %shift_right_arithmetic3A_605 = vector.broadcast %shift_right_arithmetic3A_604 : i32 to vector<16xi32>
      %shift_right_arithmetic3A_606 = arith.shrsi %get3A_603, %shift_right_arithmetic3A_605 : vector<16xi32>
      %swap3A_607 = arith.constant 112 : index
      %swap3A_608 = tpu.vector_load %arg23[%swap3A_607] {strides = array<i32>} : memref<128xi32, #tpu.memory_space<vmem>>, vector<16xi32>,
      tpu.vector_store %arg23[%swap3A_607], %shift_right_arithmetic3A_606 {strides = array<i32>} : memref<128xi32, #tpu.memory_space<vmem>>, vector<16xi32>,
      %and3A_609 = arith.constant 1023 : i32
      %and3A_610 = vector.broadcast %and3A_609 : i32 to vector<16xi32>
      %and3A_611 = arith.andi %get3A_603, %and3A_610 : vector<16xi32>
      %swap3A_612 = arith.constant 112 : index
      %swap3A_613 = tpu.vector_load %arg24[%swap3A_612] {strides = array<i32>} : memref<128xi32, #tpu.memory_space<vmem>>, vector<16xi32>,
      tpu.vector_store %arg24[%swap3A_612], %and3A_611 {strides = array<i32>} : memref<128xi32, #tpu.memory_space<vmem>>, vector<16xi32>,
      "tpu.region"() ({
        %run_scoped3A = tpu.sem_alloc : memref<!tpu.dma_semaphore, #tpu.memory_space<semaphore_mem>>
        %dma_start3A_614 = arith.constant 0 : i32
        %dma_start3A_615 = arith.constant 0 : i32
        %dma_start3A_616 = tpu.memref_slice %arg2[%dma_start3A_614, %dma_start3A_615] : memref<10000x128xf32, #tpu.memory_space<hbm>> -> memref<10000x128xf32, #tpu.memory_space<hbm>>
        tpu.enqueue_indirect_dma source(%dma_start3A_616 : memref<10000x128xf32, #tpu.memory_space<hbm>>) target(%arg25 : memref<128x128xf32, #tpu.memory_space<vmem>>) offsets(%arg23 : memref<128xi32, #tpu.memory_space<vmem>>) semaphore(%run_scoped3A : memref<!tpu.dma_semaphore, #tpu.memory_space<semaphore_mem>>)
        %dma_wait3A_617 = arith.constant 0 : i32
        %dma_wait3A_618 = arith.constant 0 : i32
        %dma_wait3A_619 = tpu.memref_slice %arg2[%dma_wait3A_617, %dma_wait3A_618] : memref<10000x128xf32, #tpu.memory_space<hbm>> -> memref<10000x128xf32, #tpu.memory_space<hbm>>
        tpu.wait_indirect_dma semaphore(%run_scoped3A : memref<!tpu.dma_semaphore, #tpu.memory_space<semaphore_mem>>) src(%dma_wait3A_619 : memref<10000x128xf32, #tpu.memory_space<hbm>>) dst(%arg25 : memref<128x128xf32, #tpu.memory_space<vmem>>)
        tpu.yield
      }) : () -> ()
      "tpu.region"() ({
        %run_scoped3A = tpu.sem_alloc : memref<!tpu.dma_semaphore, #tpu.memory_space<semaphore_mem>>
        %dma_start3A_614 = arith.constant 0 : i32
        %dma_start3A_615 = arith.constant 0 : i32
        %dma_start3A_616 = tpu.memref_slice %arg29[%dma_start3A_614, %dma_start3A_615] : memref<520x128xf32, #tpu.memory_space<vmem_shared>> -> memref<520x128xf32, #tpu.memory_space<vmem_shared>>
        tpu.enqueue_indirect_dma source(%arg25 : memref<128x128xf32, #tpu.memory_space<vmem>>) target(%dma_start3A_616 : memref<520x128xf32, #tpu.memory_space<vmem_shared>>) offsets(%arg24 : memref<128xi32, #tpu.memory_space<vmem>>) semaphore(%run_scoped3A : memref<!tpu.dma_semaphore, #tpu.memory_space<semaphore_mem>>) {add = true}
        %dma_wait3A_617 = arith.constant 0 : i32
        %dma_wait3A_618 = arith.constant 0 : i32
        %dma_wait3A_619 = tpu.memref_slice %arg29[%dma_wait3A_617, %dma_wait3A_618] : memref<520x128xf32, #tpu.memory_space<vmem_shared>> -> memref<520x128xf32, #tpu.memory_space<vmem_shared>>
        tpu.wait_indirect_dma semaphore(%run_scoped3A : memref<!tpu.dma_semaphore, #tpu.memory_space<semaphore_mem>>) src(%arg25 : memref<128x128xf32, #tpu.memory_space<vmem>>) dst(%dma_wait3A_619 : memref<520x128xf32, #tpu.memory_space<vmem_shared>>)
        tpu.yield
      }) : () -> ()
    }
    %while3A_458 = arith.constant 1 : i32
    scf.for %while3A_498 = %while3A_456 to %while3A_452 step %while3A_458  : i32 {
      %mul3A_499 = arith.muli %while3A_498, %while3A : i32
      %add3A_500 = arith.addi %while3A_449, %mul3A_499 : i32
      %mul3A_501 = arith.constant 128 : i32
      %mul3A_502 = arith.muli %add3A_500, %mul3A_501 : i32
      %add3A_503 = arith.constant 0 : i32
      %add3A_504 = arith.addi %mul3A_502, %add3A_503 : i32
      %get3A_505 = arith.index_cast %add3A_504 : i32 to index
      %get3A_506 = tpu.vector_load %arg22[%get3A_505] {strides = array<i32>} : memref<10112xi32, #tpu.memory_space<vmem>>, vector<16xi32>,
      %shift_right_arithmetic3A = arith.constant 10 : i32
      %shift_right_arithmetic3A_507 = vector.broadcast %shift_right_arithmetic3A : i32 to vector<16xi32>
      %shift_right_arithmetic3A_508 = arith.shrsi %get3A_506, %shift_right_arithmetic3A_507 : vector<16xi32>
      %swap3A_509 = arith.constant 0 : index
      %swap3A_510 = tpu.vector_load %arg23[%swap3A_509] {strides = array<i32>} : memref<128xi32, #tpu.memory_space<vmem>>, vector<16xi32>,
      tpu.vector_store %arg23[%swap3A_509], %shift_right_arithmetic3A_508 {strides = array<i32>} : memref<128xi32, #tpu.memory_space<vmem>>, vector<16xi32>,
      %and3A_511 = arith.constant 1023 : i32
      %and3A_512 = vector.broadcast %and3A_511 : i32 to vector<16xi32>
      %and3A_513 = arith.andi %get3A_506, %and3A_512 : vector<16xi32>
      %swap3A_514 = arith.constant 0 : index
      %swap3A_515 = tpu.vector_load %arg24[%swap3A_514] {strides = array<i32>} : memref<128xi32, #tpu.memory_space<vmem>>, vector<16xi32>,
      tpu.vector_store %arg24[%swap3A_514], %and3A_513 {strides = array<i32>} : memref<128xi32, #tpu.memory_space<vmem>>, vector<16xi32>,
      %add3A_516 = arith.constant 16 : i32
      %add3A_517 = arith.addi %mul3A_502, %add3A_516 : i32
      %get3A_518 = arith.index_cast %add3A_517 : i32 to index
      %get3A_519 = tpu.vector_load %arg22[%get3A_518] {strides = array<i32>} : memref<10112xi32, #tpu.memory_space<vmem>>, vector<16xi32>,
      %shift_right_arithmetic3A_520 = arith.constant 10 : i32
      %shift_right_arithmetic3A_521 = vector.broadcast %shift_right_arithmetic3A_520 : i32 to vector<16xi32>
      %shift_right_arithmetic3A_522 = arith.shrsi %get3A_519, %shift_right_arithmetic3A_521 : vector<16xi32>
      %swap3A_523 = arith.constant 16 : index
      %swap3A_524 = tpu.vector_load %arg23[%swap3A_523] {strides = array<i32>} : memref<128xi32, #tpu.memory_space<vmem>>, vector<16xi32>,
      tpu.vector_store %arg23[%swap3A_523], %shift_right_arithmetic3A_522 {strides = array<i32>} : memref<128xi32, #tpu.memory_space<vmem>>, vector<16xi32>,
      %and3A_525 = arith.constant 1023 : i32
      %and3A_526 = vector.broadcast %and3A_525 : i32 to vector<16xi32>
      %and3A_527 = arith.andi %get3A_519, %and3A_526 : vector<16xi32>
      %swap3A_528 = arith.constant 16 : index
      %swap3A_529 = tpu.vector_load %arg24[%swap3A_528] {strides = array<i32>} : memref<128xi32, #tpu.memory_space<vmem>>, vector<16xi32>,
      tpu.vector_store %arg24[%swap3A_528], %and3A_527 {strides = array<i32>} : memref<128xi32, #tpu.memory_space<vmem>>, vector<16xi32>,
      %add3A_530 = arith.constant 32 : i32
      %add3A_531 = arith.addi %mul3A_502, %add3A_530 : i32
      %get3A_532 = arith.index_cast %add3A_531 : i32 to index
      %get3A_533 = tpu.vector_load %arg22[%get3A_532] {strides = array<i32>} : memref<10112xi32, #tpu.memory_space<vmem>>, vector<16xi32>,
      %shift_right_arithmetic3A_534 = arith.constant 10 : i32
      %shift_right_arithmetic3A_535 = vector.broadcast %shift_right_arithmetic3A_534 : i32 to vector<16xi32>
      %shift_right_arithmetic3A_536 = arith.shrsi %get3A_533, %shift_right_arithmetic3A_535 : vector<16xi32>
      %swap3A_537 = arith.constant 32 : index
      %swap3A_538 = tpu.vector_load %arg23[%swap3A_537] {strides = array<i32>} : memref<128xi32, #tpu.memory_space<vmem>>, vector<16xi32>,
      tpu.vector_store %arg23[%swap3A_537], %shift_right_arithmetic3A_536 {strides = array<i32>} : memref<128xi32, #tpu.memory_space<vmem>>, vector<16xi32>,
      %and3A_539 = arith.constant 1023 : i32
      %and3A_540 = vector.broadcast %and3A_539 : i32 to vector<16xi32>
      %and3A_541 = arith.andi %get3A_533, %and3A_540 : vector<16xi32>
      %swap3A_542 = arith.constant 32 : index
      %swap3A_543 = tpu.vector_load %arg24[%swap3A_542] {strides = array<i32>} : memref<128xi32, #tpu.memory_space<vmem>>, vector<16xi32>,
      tpu.vector_store %arg24[%swap3A_542], %and3A_541 {strides = array<i32>} : memref<128xi32, #tpu.memory_space<vmem>>, vector<16xi32>,
      %add3A_544 = arith.constant 48 : i32
      %add3A_545 = arith.addi %mul3A_502, %add3A_544 : i32
      %get3A_546 = arith.index_cast %add3A_545 : i32 to index
      %get3A_547 = tpu.vector_load %arg22[%get3A_546] {strides = array<i32>} : memref<10112xi32, #tpu.memory_space<vmem>>, vector<16xi32>,
      %shift_right_arithmetic3A_548 = arith.constant 10 : i32
      %shift_right_arithmetic3A_549 = vector.broadcast %shift_right_arithmetic3A_548 : i32 to vector<16xi32>
      %shift_right_arithmetic3A_550 = arith.shrsi %get3A_547, %shift_right_arithmetic3A_549 : vector<16xi32>
      %swap3A_551 = arith.constant 48 : index
      %swap3A_552 = tpu.vector_load %arg23[%swap3A_551] {strides = array<i32>} : memref<128xi32, #tpu.memory_space<vmem>>, vector<16xi32>,
      tpu.vector_store %arg23[%swap3A_551], %shift_right_arithmetic3A_550 {strides = array<i32>} : memref<128xi32, #tpu.memory_space<vmem>>, vector<16xi32>,
      %and3A_553 = arith.constant 1023 : i32
      %and3A_554 = vector.broadcast %and3A_553 : i32 to vector<16xi32>
      %and3A_555 = arith.andi %get3A_547, %and3A_554 : vector<16xi32>
      %swap3A_556 = arith.constant 48 : index
      %swap3A_557 = tpu.vector_load %arg24[%swap3A_556] {strides = array<i32>} : memref<128xi32, #tpu.memory_space<vmem>>, vector<16xi32>,
      tpu.vector_store %arg24[%swap3A_556], %and3A_555 {strides = array<i32>} : memref<128xi32, #tpu.memory_space<vmem>>, vector<16xi32>,
      %add3A_558 = arith.constant 64 : i32
      %add3A_559 = arith.addi %mul3A_502, %add3A_558 : i32
      %get3A_560 = arith.index_cast %add3A_559 : i32 to index
      %get3A_561 = tpu.vector_load %arg22[%get3A_560] {strides = array<i32>} : memref<10112xi32, #tpu.memory_space<vmem>>, vector<16xi32>,
      %shift_right_arithmetic3A_562 = arith.constant 10 : i32
      %shift_right_arithmetic3A_563 = vector.broadcast %shift_right_arithmetic3A_562 : i32 to vector<16xi32>
      %shift_right_arithmetic3A_564 = arith.shrsi %get3A_561, %shift_right_arithmetic3A_563 : vector<16xi32>
      %swap3A_565 = arith.constant 64 : index
      %swap3A_566 = tpu.vector_load %arg23[%swap3A_565] {strides = array<i32>} : memref<128xi32, #tpu.memory_space<vmem>>, vector<16xi32>,
      tpu.vector_store %arg23[%swap3A_565], %shift_right_arithmetic3A_564 {strides = array<i32>} : memref<128xi32, #tpu.memory_space<vmem>>, vector<16xi32>,
      %and3A_567 = arith.constant 1023 : i32
      %and3A_568 = vector.broadcast %and3A_567 : i32 to vector<16xi32>
      %and3A_569 = arith.andi %get3A_561, %and3A_568 : vector<16xi32>
      %swap3A_570 = arith.constant 64 : index
      %swap3A_571 = tpu.vector_load %arg24[%swap3A_570] {strides = array<i32>} : memref<128xi32, #tpu.memory_space<vmem>>, vector<16xi32>,
      tpu.vector_store %arg24[%swap3A_570], %and3A_569 {strides = array<i32>} : memref<128xi32, #tpu.memory_space<vmem>>, vector<16xi32>,
      %add3A_572 = arith.constant 80 : i32
      %add3A_573 = arith.addi %mul3A_502, %add3A_572 : i32
      %get3A_574 = arith.index_cast %add3A_573 : i32 to index
      %get3A_575 = tpu.vector_load %arg22[%get3A_574] {strides = array<i32>} : memref<10112xi32, #tpu.memory_space<vmem>>, vector<16xi32>,
      %shift_right_arithmetic3A_576 = arith.constant 10 : i32
      %shift_right_arithmetic3A_577 = vector.broadcast %shift_right_arithmetic3A_576 : i32 to vector<16xi32>
      %shift_right_arithmetic3A_578 = arith.shrsi %get3A_575, %shift_right_arithmetic3A_577 : vector<16xi32>
      %swap3A_579 = arith.constant 80 : index
      %swap3A_580 = tpu.vector_load %arg23[%swap3A_579] {strides = array<i32>} : memref<128xi32, #tpu.memory_space<vmem>>, vector<16xi32>,
      tpu.vector_store %arg23[%swap3A_579], %shift_right_arithmetic3A_578 {strides = array<i32>} : memref<128xi32, #tpu.memory_space<vmem>>, vector<16xi32>,
      %and3A_581 = arith.constant 1023 : i32
      %and3A_582 = vector.broadcast %and3A_581 : i32 to vector<16xi32>
      %and3A_583 = arith.andi %get3A_575, %and3A_582 : vector<16xi32>
      %swap3A_584 = arith.constant 80 : index
      %swap3A_585 = tpu.vector_load %arg24[%swap3A_584] {strides = array<i32>} : memref<128xi32, #tpu.memory_space<vmem>>, vector<16xi32>,
      tpu.vector_store %arg24[%swap3A_584], %and3A_583 {strides = array<i32>} : memref<128xi32, #tpu.memory_space<vmem>>, vector<16xi32>,
      %add3A_586 = arith.constant 96 : i32
      %add3A_587 = arith.addi %mul3A_502, %add3A_586 : i32
      %get3A_588 = arith.index_cast %add3A_587 : i32 to index
      %get3A_589 = tpu.vector_load %arg22[%get3A_588] {strides = array<i32>} : memref<10112xi32, #tpu.memory_space<vmem>>, vector<16xi32>,
      %shift_right_arithmetic3A_590 = arith.constant 10 : i32
      %shift_right_arithmetic3A_591 = vector.broadcast %shift_right_arithmetic3A_590 : i32 to vector<16xi32>
      %shift_right_arithmetic3A_592 = arith.shrsi %get3A_589, %shift_right_arithmetic3A_591 : vector<16xi32>
      %swap3A_593 = arith.constant 96 : index
      %swap3A_594 = tpu.vector_load %arg23[%swap3A_593] {strides = array<i32>} : memref<128xi32, #tpu.memory_space<vmem>>, vector<16xi32>,
      tpu.vector_store %arg23[%swap3A_593], %shift_right_arithmetic3A_592 {strides = array<i32>} : memref<128xi32, #tpu.memory_space<vmem>>, vector<16xi32>,
      %and3A_595 = arith.constant 1023 : i32
      %and3A_596 = vector.broadcast %and3A_595 : i32 to vector<16xi32>
      %and3A_597 = arith.andi %get3A_589, %and3A_596 : vector<16xi32>
      %swap3A_598 = arith.constant 96 : index
      %swap3A_599 = tpu.vector_load %arg24[%swap3A_598] {strides = array<i32>} : memref<128xi32, #tpu.memory_space<vmem>>, vector<16xi32>,
      tpu.vector_store %arg24[%swap3A_598], %and3A_597 {strides = array<i32>} : memref<128xi32, #tpu.memory_space<vmem>>, vector<16xi32>,
      %add3A_600 = arith.constant 112 : i32
      %add3A_601 = arith.addi %mul3A_502, %add3A_600 : i32
      %get3A_602 = arith.index_cast %add3A_601 : i32 to index
      %get3A_603 = tpu.vector_load %arg22[%get3A_602] {strides = array<i32>} : memref<10112xi32, #tpu.memory_space<vmem>>, vector<16xi32>,
      %shift_right_arithmetic3A_604 = arith.constant 10 : i32
      %shift_right_arithmetic3A_605 = vector.broadcast %shift_right_arithmetic3A_604 : i32 to vector<16xi32>
      %shift_right_arithmetic3A_606 = arith.shrsi %get3A_603, %shift_right_arithmetic3A_605 : vector<16xi32>
      %swap3A_607 = arith.constant 112 : index
      %swap3A_608 = tpu.vector_load %arg23[%swap3A_607] {strides = array<i32>} : memref<128xi32, #tpu.memory_space<vmem>>, vector<16xi32>,
      tpu.vector_store %arg23[%swap3A_607], %shift_right_arithmetic3A_606 {strides = array<i32>} : memref<128xi32, #tpu.memory_space<vmem>>, vector<16xi32>,
      %and3A_609 = arith.constant 1023 : i32
      %and3A_610 = vector.broadcast %and3A_609 : i32 to vector<16xi32>
      %and3A_611 = arith.andi %get3A_603, %and3A_610 : vector<16xi32>
      %swap3A_612 = arith.constant 112 : index
      %swap3A_613 = tpu.vector_load %arg24[%swap3A_612] {strides = array<i32>} : memref<128xi32, #tpu.memory_space<vmem>>, vector<16xi32>,
      tpu.vector_store %arg24[%swap3A_612], %and3A_611 {strides = array<i32>} : memref<128xi32, #tpu.memory_space<vmem>>, vector<16xi32>,
      "tpu.region"() ({
        %run_scoped3A = tpu.sem_alloc : memref<!tpu.dma_semaphore, #tpu.memory_space<semaphore_mem>>
        %dma_start3A_614 = arith.constant 0 : i32
        %dma_start3A_615 = arith.constant 0 : i32
        %dma_start3A_616 = tpu.memref_slice %arg2[%dma_start3A_614, %dma_start3A_615] : memref<10000x128xf32, #tpu.memory_space<hbm>> -> memref<10000x128xf32, #tpu.memory_space<hbm>>
        tpu.enqueue_indirect_dma source(%dma_start3A_616 : memref<10000x128xf32, #tpu.memory_space<hbm>>) target(%arg25 : memref<128x128xf32, #tpu.memory_space<vmem>>) offsets(%arg23 : memref<128xi32, #tpu.memory_space<vmem>>) semaphore(%run_scoped3A : memref<!tpu.dma_semaphore, #tpu.memory_space<semaphore_mem>>)
        %dma_wait3A_617 = arith.constant 0 : i32
        %dma_wait3A_618 = arith.constant 0 : i32
        %dma_wait3A_619 = tpu.memref_slice %arg2[%dma_wait3A_617, %dma_wait3A_618] : memref<10000x128xf32, #tpu.memory_space<hbm>> -> memref<10000x128xf32, #tpu.memory_space<hbm>>
        tpu.wait_indirect_dma semaphore(%run_scoped3A : memref<!tpu.dma_semaphore, #tpu.memory_space<semaphore_mem>>) src(%dma_wait3A_619 : memref<10000x128xf32, #tpu.memory_space<hbm>>) dst(%arg25 : memref<128x128xf32, #tpu.memory_space<vmem>>)
        tpu.yield
      }) : () -> ()
      "tpu.region"() ({
        %run_scoped3A = tpu.sem_alloc : memref<!tpu.dma_semaphore, #tpu.memory_space<semaphore_mem>>
        %dma_start3A_614 = arith.constant 0 : i32
        %dma_start3A_615 = arith.constant 0 : i32
        %dma_start3A_616 = tpu.memref_slice %arg29[%dma_start3A_614, %dma_start3A_615] : memref<520x128xf32, #tpu.memory_space<vmem_shared>> -> memref<520x128xf32, #tpu.memory_space<vmem_shared>>
        tpu.enqueue_indirect_dma source(%arg25 : memref<128x128xf32, #tpu.memory_space<vmem>>) target(%dma_start3A_616 : memref<520x128xf32, #tpu.memory_space<vmem_shared>>) offsets(%arg24 : memref<128xi32, #tpu.memory_space<vmem>>) semaphore(%run_scoped3A : memref<!tpu.dma_semaphore, #tpu.memory_space<semaphore_mem>>) {add = true}
        %dma_wait3A_617 = arith.constant 0 : i32
        %dma_wait3A_618 = arith.constant 0 : i32
        %dma_wait3A_619 = tpu.memref_slice %arg29[%dma_wait3A_617, %dma_wait3A_618] : memref<520x128xf32, #tpu.memory_space<vmem_shared>> -> memref<520x128xf32, #tpu.memory_space<vmem_shared>>
        tpu.wait_indirect_dma semaphore(%run_scoped3A : memref<!tpu.dma_semaphore, #tpu.memory_space<semaphore_mem>>) src(%arg25 : memref<128x128xf32, #tpu.memory_space<vmem>>) dst(%dma_wait3A_619 : memref<520x128xf32, #tpu.memory_space<vmem_shared>>)
        tpu.yield
      }) : () -> ()
    }
    %barrier3A_459 = arith.constant 0 : index
    tpu.barrier barrier_id(%barrier3A_459)
    %mul3A_460 = arith.constant 512 : i32
    %mul3A_461 = arith.muli %arg0, %mul3A_460 : i32
    %add3A_462 = arith.addi %mul3A_461, %multiple_of3A : i32
    "tpu.region"() ({
      %run_scoped3A = tpu.sem_alloc : memref<!tpu.dma_semaphore, #tpu.memory_space<semaphore_mem>>
      %dma_start3A_498 = arith.constant 0 : i32
      %dma_start3A_499 = tpu.memref_slice %arg10[%add3A_462, %dma_start3A_498] : memref<1024x128xf32, #tpu.memory_space<hbm>> -> memref<32x128xf32, #tpu.memory_space<hbm>>
      %dma_start3A_500 = arith.constant 0 : i32
      %dma_start3A_501 = tpu.memref_slice %arg29[%multiple_of3A, %dma_start3A_500] : memref<520x128xf32, #tpu.memory_space<vmem_shared>> -> memref<32x128xf32, #tpu.memory_space<vmem_shared>>
      tpu.enqueue_dma source(%dma_start3A_501 : memref<32x128xf32, #tpu.memory_space<vmem_shared>>) target(%dma_start3A_499 : memref<32x128xf32, #tpu.memory_space<hbm>>) target_semaphore(%run_scoped3A : memref<!tpu.dma_semaphore, #tpu.memory_space<semaphore_mem>>)
      %dma_wait3A_502 = arith.constant 0 : i32
      %dma_wait3A_503 = tpu.memref_slice %arg10[%add3A_462, %dma_wait3A_502] : memref<1024x128xf32, #tpu.memory_space<hbm>> -> memref<32x128xf32, #tpu.memory_space<hbm>>
      %dma_wait3A_504 = arith.constant 0 : i32
      %dma_wait3A_505 = tpu.memref_slice %arg29[%multiple_of3A, %dma_wait3A_504] : memref<520x128xf32, #tpu.memory_space<vmem_shared>> -> memref<32x128xf32, #tpu.memory_space<vmem_shared>>
      tpu.wait_dma2 semaphore(%run_scoped3A : memref<!tpu.dma_semaphore, #tpu.memory_space<semaphore_mem>>) src(%dma_wait3A_505 : memref<32x128xf32, #tpu.memory_space<vmem_shared>>) dst(%dma_wait3A_503 : memref<32x128xf32, #tpu.memory_space<hbm>>)
      tpu.yield
    }) : () -> ()
    %barrier3A_463 = arith.constant 0 : index
    tpu.barrier barrier_id(%barrier3A_463)
    %mul3A_464 = arith.constant 32 : i32
    %mul3A_465 = arith.muli %arg1, %mul3A_464 : i32
    %multiple_of3A_466 = tpu.assume_multiple %mul3A_465, 8 : i32
    %add3A_467 = arith.constant 0 : i32
    %add3A_468 = arith.addi %multiple_of3A_466, %add3A_467 : i32
    %get3A_469 = arith.index_cast %add3A_468 : i32 to index
    %get3A_470 = tpu.vector_load %arg15[%get3A_469] {strides = array<i32>} : memref<512xi32, #tpu.memory_space<vmem>>, vector<16xi32>,
    %gather3A = tpu.vector_load_idx %arg14[%get3A_470] : memref<10000xi32, #tpu.memory_space<vmem>>[vector<16xi32>], vector<16xi32>,
    %sub3A_471 = arith.constant 1 : i32
    %sub3A_472 = vector.broadcast %sub3A_471 : i32 to vector<16xi32>
    %sub3A_473 = arith.subi %gather3A, %sub3A_472 : vector<16xi32>
    %mul3A_474 = arith.constant 512 : i32
    %mul3A_475 = arith.muli %arg0, %mul3A_474 : i32
    %add3A_476 = vector.broadcast %mul3A_475 : i32 to vector<16xi32>
    %add3A_477 = arith.addi %sub3A_473, %add3A_476 : vector<16xi32>
    %swap3A = arith.constant 0 : index
    %swap3A_478 = tpu.vector_load %arg26[%swap3A] {strides = array<i32>} : memref<32xi32, #tpu.memory_space<vmem>>, vector<16xi32>,
    tpu.vector_store %arg26[%swap3A], %add3A_477 {strides = array<i32>} : memref<32xi32, #tpu.memory_space<vmem>>, vector<16xi32>,
    %add3A_479 = arith.constant 16 : i32
    %add3A_480 = arith.addi %multiple_of3A_466, %add3A_479 : i32
    %get3A_481 = arith.index_cast %add3A_480 : i32 to index
    %get3A_482 = tpu.vector_load %arg15[%get3A_481] {strides = array<i32>} : memref<512xi32, #tpu.memory_space<vmem>>, vector<16xi32>,
    %gather3A_483 = tpu.vector_load_idx %arg14[%get3A_482] : memref<10000xi32, #tpu.memory_space<vmem>>[vector<16xi32>], vector<16xi32>,
    %sub3A_484 = arith.constant 1 : i32
    %sub3A_485 = vector.broadcast %sub3A_484 : i32 to vector<16xi32>
    %sub3A_486 = arith.subi %gather3A_483, %sub3A_485 : vector<16xi32>
    %mul3A_487 = arith.constant 512 : i32
    %mul3A_488 = arith.muli %arg0, %mul3A_487 : i32
    %add3A_489 = vector.broadcast %mul3A_488 : i32 to vector<16xi32>
    %add3A_490 = arith.addi %sub3A_486, %add3A_489 : vector<16xi32>
    %swap3A_491 = arith.constant 16 : index
    %swap3A_492 = tpu.vector_load %arg26[%swap3A_491] {strides = array<i32>} : memref<32xi32, #tpu.memory_space<vmem>>, vector<16xi32>,
    tpu.vector_store %arg26[%swap3A_491], %add3A_490 {strides = array<i32>} : memref<32xi32, #tpu.memory_space<vmem>>, vector<16xi32>,
    "tpu.region"() ({
      %run_scoped3A = tpu.sem_alloc : memref<!tpu.dma_semaphore, #tpu.memory_space<semaphore_mem>>
      %dma_start3A_498 = arith.constant 0 : i32
      %dma_start3A_499 = arith.constant 0 : i32
      %dma_start3A_500 = tpu.memref_slice %arg10[%dma_start3A_498, %dma_start3A_499] : memref<1024x128xf32, #tpu.memory_space<hbm>> -> memref<1024x128xf32, #tpu.memory_space<hbm>>
      tpu.enqueue_indirect_dma source(%dma_start3A_500 : memref<1024x128xf32, #tpu.memory_space<hbm>>) target(%arg27 : memref<32x128xf32, #tpu.memory_space<vmem>>) offsets(%arg26 : memref<32xi32, #tpu.memory_space<vmem>>) semaphore(%run_scoped3A : memref<!tpu.dma_semaphore, #tpu.memory_space<semaphore_mem>>)
      %dma_wait3A_501 = arith.constant 0 : i32
      %dma_wait3A_502 = arith.constant 0 : i32
      %dma_wait3A_503 = tpu.memref_slice %arg10[%dma_wait3A_501, %dma_wait3A_502] : memref<1024x128xf32, #tpu.memory_space<hbm>> -> memref<1024x128xf32, #tpu.memory_space<hbm>>
      tpu.wait_indirect_dma semaphore(%run_scoped3A : memref<!tpu.dma_semaphore, #tpu.memory_space<semaphore_mem>>) src(%dma_wait3A_503 : memref<1024x128xf32, #tpu.memory_space<hbm>>) dst(%arg27 : memref<32x128xf32, #tpu.memory_space<vmem>>)
      tpu.yield
    }) : () -> ()
    "tpu.region"() ({
      %run_scoped3A = tpu.sem_alloc : memref<!tpu.dma_semaphore, #tpu.memory_space<semaphore_mem>>
      %dma_start3A_498 = arith.constant 0 : i32
      %dma_start3A_499 = tpu.memref_slice %arg11[%arg0, %multiple_of3A_466, %dma_start3A_498] : memref<2x512x128xf32, #tpu.memory_space<hbm>> -> memref<1x32x128xf32, #tpu.memory_space<hbm>>
      %dma_start3A_500 = tpu.memref_squeeze %dma_start3A_499 : memref<1x32x128xf32, #tpu.memory_space<hbm>> -> memref<32x128xf32, #tpu.memory_space<hbm>>
      %dma_start3A_501 = arith.constant 0 : i32
      %dma_start3A_502 = tpu.memref_slice %arg11[%arg0, %multiple_of3A_466, %dma_start3A_501] : memref<2x512x128xf32, #tpu.memory_space<hbm>> -> memref<1x32x128xf32, #tpu.memory_space<hbm>>
      %dma_start3A_503 = tpu.memref_squeeze %dma_start3A_502 : memref<1x32x128xf32, #tpu.memory_space<hbm>> -> memref<32x128xf32, #tpu.memory_space<hbm>>
      tpu.enqueue_dma source(%arg27 : memref<32x128xf32, #tpu.memory_space<vmem>>) target(%dma_start3A_503 : memref<32x128xf32, #tpu.memory_space<hbm>>) target_semaphore(%run_scoped3A : memref<!tpu.dma_semaphore, #tpu.memory_space<semaphore_mem>>)
      %dma_wait3A_504 = arith.constant 0 : i32
      %dma_wait3A_505 = tpu.memref_slice %arg11[%arg0, %multiple_of3A_466, %dma_wait3A_504] : memref<2x512x128xf32, #tpu.memory_space<hbm>> -> memref<1x32x128xf32, #tpu.memory_space<hbm>>
      %dma_wait3A_506 = tpu.memref_squeeze %dma_wait3A_505 : memref<1x32x128xf32, #tpu.memory_space<hbm>> -> memref<32x128xf32, #tpu.memory_space<hbm>>
      %dma_wait3A_507 = arith.constant 0 : i32
      %dma_wait3A_508 = tpu.memref_slice %arg11[%arg0, %multiple_of3A_466, %dma_wait3A_507] : memref<2x512x128xf32, #tpu.memory_space<hbm>> -> memref<1x32x128xf32, #tpu.memory_space<hbm>>
      %dma_wait3A_509 = tpu.memref_squeeze %dma_wait3A_508 : memref<1x32x128xf32, #tpu.memory_space<hbm>> -> memref<32x128xf32, #tpu.memory_space<hbm>>
      tpu.wait_dma2 semaphore(%run_scoped3A : memref<!tpu.dma_semaphore, #tpu.memory_space<semaphore_mem>>) src(%arg27 : memref<32x128xf32, #tpu.memory_space<vmem>>) dst(%dma_wait3A_509 : memref<32x128xf32, #tpu.memory_space<hbm>>)
      tpu.yield
    }) : () -> ()
    %eq3A_493 = arith.constant 0 : i32
    %eq3A_494 = arith.cmpi eq, %arg0, %eq3A_493 : i32
    %convert_element_type3A_495 = arith.extui %eq3A_494 : i1 to i32
    %cond3A_496 = arith.constant 0 : i32
    %cond3A_497 = arith.cmpi ne, %convert_element_type3A_495, %cond3A_496 : i32
    scf.if %cond3A_497 {
      %mul3A_498 = arith.constant 32 : i32
      %mul3A_499 = arith.muli %arg1, %mul3A_498 : i32
      %multiple_of3A_500 = tpu.assume_multiple %mul3A_499, 8 : i32
      "tpu.region"() ({
        %run_scoped3A = tpu.sem_alloc : memref<!tpu.dma_semaphore, #tpu.memory_space<semaphore_mem>>
        %dma_start3A_501 = tpu.memref_slice %arg15[%multiple_of3A_500] : memref<512xi32, #tpu.memory_space<vmem>> -> memref<32xi32, #tpu.memory_space<vmem>>
        %dma_start3A_502 = arith.constant 0 : i32
        %dma_start3A_503 = arith.constant 0 : i32
        %dma_start3A_504 = tpu.memref_slice %arg3[%dma_start3A_502, %dma_start3A_503] : memref<10000x128xf32, #tpu.memory_space<hbm>> -> memref<10000x128xf32, #tpu.memory_space<hbm>>
        tpu.enqueue_indirect_dma source(%dma_start3A_504 : memref<10000x128xf32, #tpu.memory_space<hbm>>) target(%arg28 : memref<32x128xf32, #tpu.memory_space<vmem>>) offsets(%dma_start3A_501 : memref<32xi32, #tpu.memory_space<vmem>>) semaphore(%run_scoped3A : memref<!tpu.dma_semaphore, #tpu.memory_space<semaphore_mem>>)
        %dma_wait3A_505 = tpu.memref_slice %arg15[%multiple_of3A_500] : memref<512xi32, #tpu.memory_space<vmem>> -> memref<32xi32, #tpu.memory_space<vmem>>
        %dma_wait3A_506 = arith.constant 0 : i32
        %dma_wait3A_507 = arith.constant 0 : i32
        %dma_wait3A_508 = tpu.memref_slice %arg3[%dma_wait3A_506, %dma_wait3A_507] : memref<10000x128xf32, #tpu.memory_space<hbm>> -> memref<10000x128xf32, #tpu.memory_space<hbm>>
        tpu.wait_indirect_dma semaphore(%run_scoped3A : memref<!tpu.dma_semaphore, #tpu.memory_space<semaphore_mem>>) src(%dma_wait3A_508 : memref<10000x128xf32, #tpu.memory_space<hbm>>) dst(%arg28 : memref<32x128xf32, #tpu.memory_space<vmem>>)
        tpu.yield
      }) : () -> ()
      "tpu.region"() ({
        %run_scoped3A = tpu.sem_alloc : memref<!tpu.dma_semaphore, #tpu.memory_space<semaphore_mem>>
        %dma_start3A_501 = arith.constant 0 : i32
        %dma_start3A_502 = tpu.memref_slice %arg12[%multiple_of3A_500, %dma_start3A_501] : memref<512x128xf32, #tpu.memory_space<hbm>> -> memref<32x128xf32, #tpu.memory_space<hbm>>
        %dma_start3A_503 = arith.constant 0 : i32
        %dma_start3A_504 = tpu.memref_slice %arg12[%multiple_of3A_500, %dma_start3A_503] : memref<512x128xf32, #tpu.memory_space<hbm>> -> memref<32x128xf32, #tpu.memory_space<hbm>>
        tpu.enqueue_dma source(%arg28 : memref<32x128xf32, #tpu.memory_space<vmem>>) target(%dma_start3A_504 : memref<32x128xf32, #tpu.memory_space<hbm>>) target_semaphore(%run_scoped3A : memref<!tpu.dma_semaphore, #tpu.memory_space<semaphore_mem>>)
        %dma_wait3A_505 = arith.constant 0 : i32
        %dma_wait3A_506 = tpu.memref_slice %arg12[%multiple_of3A_500, %dma_wait3A_505] : memref<512x128xf32, #tpu.memory_space<hbm>> -> memref<32x128xf32, #tpu.memory_space<hbm>>
        %dma_wait3A_507 = arith.constant 0 : i32
        %dma_wait3A_508 = tpu.memref_slice %arg12[%multiple_of3A_500, %dma_wait3A_507] : memref<512x128xf32, #tpu.memory_space<hbm>> -> memref<32x128xf32, #tpu.memory_space<hbm>>
        tpu.wait_dma2 semaphore(%run_scoped3A : memref<!tpu.dma_semaphore, #tpu.memory_space<semaphore_mem>>) src(%arg28 : memref<32x128xf32, #tpu.memory_space<vmem>>) dst(%dma_wait3A_508 : memref<32x128xf32, #tpu.memory_space<hbm>>)
        tpu.yield
      }) : () -> ()
      "tpu.region"() ({
        %run_scoped3A = tpu.sem_alloc : memref<!tpu.dma_semaphore, #tpu.memory_space<semaphore_mem>>
        %dma_start3A_501 = tpu.memref_slice %arg15[%multiple_of3A_500] : memref<512xi32, #tpu.memory_space<vmem>> -> memref<32xi32, #tpu.memory_space<vmem>>
        %dma_start3A_502 = arith.constant 0 : i32
        %dma_start3A_503 = arith.constant 0 : i32
        %dma_start3A_504 = tpu.memref_slice %arg2[%dma_start3A_502, %dma_start3A_503] : memref<10000x128xf32, #tpu.memory_space<hbm>> -> memref<10000x128xf32, #tpu.memory_space<hbm>>
        tpu.enqueue_indirect_dma source(%dma_start3A_504 : memref<10000x128xf32, #tpu.memory_space<hbm>>) target(%arg28 : memref<32x128xf32, #tpu.memory_space<vmem>>) offsets(%dma_start3A_501 : memref<32xi32, #tpu.memory_space<vmem>>) semaphore(%run_scoped3A : memref<!tpu.dma_semaphore, #tpu.memory_space<semaphore_mem>>)
        %dma_wait3A_505 = tpu.memref_slice %arg15[%multiple_of3A_500] : memref<512xi32, #tpu.memory_space<vmem>> -> memref<32xi32, #tpu.memory_space<vmem>>
        %dma_wait3A_506 = arith.constant 0 : i32
        %dma_wait3A_507 = arith.constant 0 : i32
        %dma_wait3A_508 = tpu.memref_slice %arg2[%dma_wait3A_506, %dma_wait3A_507] : memref<10000x128xf32, #tpu.memory_space<hbm>> -> memref<10000x128xf32, #tpu.memory_space<hbm>>
        tpu.wait_indirect_dma semaphore(%run_scoped3A : memref<!tpu.dma_semaphore, #tpu.memory_space<semaphore_mem>>) src(%dma_wait3A_508 : memref<10000x128xf32, #tpu.memory_space<hbm>>) dst(%arg28 : memref<32x128xf32, #tpu.memory_space<vmem>>)
        tpu.yield
      }) : () -> ()
      "tpu.region"() ({
        %run_scoped3A = tpu.sem_alloc : memref<!tpu.dma_semaphore, #tpu.memory_space<semaphore_mem>>
        %dma_start3A_501 = arith.constant 0 : i32
        %dma_start3A_502 = tpu.memref_slice %arg13[%multiple_of3A_500, %dma_start3A_501] : memref<512x128xf32, #tpu.memory_space<hbm>> -> memref<32x128xf32, #tpu.memory_space<hbm>>
        %dma_start3A_503 = arith.constant 0 : i32
        %dma_start3A_504 = tpu.memref_slice %arg13[%multiple_of3A_500, %dma_start3A_503] : memref<512x128xf32, #tpu.memory_space<hbm>> -> memref<32x128xf32, #tpu.memory_space<hbm>>
        tpu.enqueue_dma source(%arg28 : memref<32x128xf32, #tpu.memory_space<vmem>>) target(%dma_start3A_504 : memref<32x128xf32, #tpu.memory_space<hbm>>) target_semaphore(%run_scoped3A : memref<!tpu.dma_semaphore, #tpu.memory_space<semaphore_mem>>)
        %dma_wait3A_505 = arith.constant 0 : i32
        %dma_wait3A_506 = tpu.memref_slice %arg13[%multiple_of3A_500, %dma_wait3A_505] : memref<512x128xf32, #tpu.memory_space<hbm>> -> memref<32x128xf32, #tpu.memory_space<hbm>>
        %dma_wait3A_507 = arith.constant 0 : i32
        %dma_wait3A_508 = tpu.memref_slice %arg13[%multiple_of3A_500, %dma_wait3A_507] : memref<512x128xf32, #tpu.memory_space<hbm>> -> memref<32x128xf32, #tpu.memory_space<hbm>>
        tpu.wait_dma2 semaphore(%run_scoped3A : memref<!tpu.dma_semaphore, #tpu.memory_space<semaphore_mem>>) src(%arg28 : memref<32x128xf32, #tpu.memory_space<vmem>>) dst(%dma_wait3A_508 : memref<32x128xf32, #tpu.memory_space<hbm>>)
        tpu.yield
      }) : () -> ()
    } else {
    }
    return
  }
}

module attributes {stable_mosaic.version = 14 : i64} {
  func.func @body(%arg0: i32, %arg1: memref<1000x128xf32, #tpu.memory_space<vmem>>, %arg2: memref<128x128xf32, #tpu.memory_space<vmem>>, %arg3: memref<1x128xf32, #tpu.memory_space<vmem>>, %arg4: memref<1000x128xf32, #tpu.memory_space<vmem>>) attributes {dimension_semantics = [#tpu.dimension_semantics<arbitrary>], iteration_bounds = array<i64: 10>, scalar_prefetch = 0 : i64, scratch_operands = 0 : i64, tpu.core_type = #tpu.core_type<tc>, window_params = [{transform_indices = @transform_0, window_bounds = array<i64: 1000, 128>}, {pipeline_mode = #tpu.pipeline_mode<synchronous>, transform_indices = @transform_1, window_bounds = array<i64: 128, 128>}, {pipeline_mode = #tpu.pipeline_mode<synchronous>, transform_indices = @transform_2, window_bounds = array<i64: 1, 128>}, {transform_indices = @transform_3, window_bounds = array<i64: 1000, 128>}]} {
    %get3A = arith.constant 0 : index
    %get3A_0 = arith.constant 0 : index
    %get3A_1 = vector.load %arg1[%get3A, %get3A_0] : memref<1000x128xf32, #tpu.memory_space<vmem>>, vector<1000x128xf32>
    %get3A_2 = arith.constant 0 : index
    %get3A_3 = arith.constant 0 : index
    %get3A_4 = vector.load %arg2[%get3A_2, %get3A_3] : memref<128x128xf32, #tpu.memory_space<vmem>>, vector<128x128xf32>
    %dot_general3A = arith.constant dense<0.000000e+00> : vector<1000x128xf32>
    %dot_general3A_5 = tpu.matmul %get3A_1, %get3A_4, %dot_general3A {dimension_numbers = #tpu.dot_dimension_numbers<[1], [0], [0], [1], [0, 0, 1, 1], [], []>, transpose_lhs_hint = false} : vector<1000x128xf32>, vector<128x128xf32>, vector<1000x128xf32> -> vector<1000x128xf32>
    %get3A_6 = arith.constant 0 : index
    %get3A_7 = arith.constant 0 : index
    %get3A_8 = vector.load %arg3[%get3A_6, %get3A_7] : memref<1x128xf32, #tpu.memory_space<vmem>>, vector<1x128xf32>
    %add3A = vector.broadcast %get3A_8 : vector<1x128xf32> to vector<1000x128xf32>
    %add3A_9 = arith.addf %dot_general3A_5, %add3A : vector<1000x128xf32>
    %swap3A = arith.constant 0 : index
    %swap3A_10 = arith.constant 0 : index
    %swap3A_11 = vector.load %arg4[%swap3A, %swap3A_10] : memref<1000x128xf32, #tpu.memory_space<vmem>>, vector<1000x128xf32>
    tpu.vector_store %arg4[%swap3A, %swap3A_10], %add3A_9 {strides = array<i32>} : memref<1000x128xf32, #tpu.memory_space<vmem>>, vector<1000x128xf32>,
    return
  }
  func.func @transform_0(%arg0: i32) -> (i32, i32) {
    %c0_i32 = arith.constant 0 : i32
    %c0_i32_0 = arith.constant 0 : i32
    return %arg0, %c0_i32 : i32, i32
  }
  func.func @transform_1(%arg0: i32) -> (i32, i32) {
    %c0_i32 = arith.constant 0 : i32
    %c0_i32_0 = arith.constant 0 : i32
    %c0_i32_1 = arith.constant 0 : i32
    return %c0_i32, %c0_i32_0 : i32, i32
  }
  func.func @transform_2(%arg0: i32) -> (i32, i32) {
    %c0_i32 = arith.constant 0 : i32
    %c0_i32_0 = arith.constant 0 : i32
    %c0_i32_1 = arith.constant 0 : i32
    return %c0_i32, %c0_i32_0 : i32, i32
  }
  func.func @transform_3(%arg0: i32) -> (i32, i32) {
    %c0_i32 = arith.constant 0 : i32
    %c0_i32_0 = arith.constant 0 : i32
    return %arg0, %c0_i32 : i32, i32
  }
}

module attributes {stable_mosaic.version = 14 : i64} {
  func.func @body(%arg0: i32, %arg1: memref<1000x128xf32, #tpu.memory_space<vmem>>, %arg2: memref<1x1000x128xf32, #tpu.memory_space<vmem>>, %arg3: memref<1x1000x128xf32, #tpu.memory_space<vmem>>, %arg4: memref<128x128xf32, #tpu.memory_space<vmem>>, %arg5: memref<1x128xf32, #tpu.memory_space<vmem>>, %arg6: memref<1000x128xf32, #tpu.memory_space<vmem>>, %arg7: memref<1000x128xf32, #tpu.memory_space<vmem>>) attributes {dimension_semantics = [#tpu.dimension_semantics<arbitrary>], iteration_bounds = array<i64: 10>, scalar_prefetch = 0 : i64, scratch_operands = 0 : i64, tpu.core_type = #tpu.core_type<tc>, window_params = [{transform_indices = @transform_0, window_bounds = array<i64: 1000, 128>}, {transform_indices = @transform_1, window_bounds = array<i64: 1, 1000, 128>}, {transform_indices = @transform_2, window_bounds = array<i64: 1, 1000, 128>}, {pipeline_mode = #tpu.pipeline_mode<synchronous>, transform_indices = @transform_3, window_bounds = array<i64: 128, 128>}, {pipeline_mode = #tpu.pipeline_mode<synchronous>, transform_indices = @transform_4, window_bounds = array<i64: 1, 128>}, {transform_indices = @transform_5, window_bounds = array<i64: 1000, 128>}, {transform_indices = @transform_6, window_bounds = array<i64: 1000, 128>}]} {
    %get3A = arith.constant 0 : index
    %get3A_0 = arith.constant 0 : index
    %get3A_1 = vector.load %arg1[%get3A, %get3A_0] : memref<1000x128xf32, #tpu.memory_space<vmem>>, vector<1000x128xf32>
    %get3A_2 = arith.constant 0 : index
    %get3A_3 = arith.constant 0 : index
    %get3A_4 = arith.constant 0 : index
    %get3A_5 = vector.load %arg2[%get3A_2, %get3A_3, %get3A_4] : memref<1x1000x128xf32, #tpu.memory_space<vmem>>, vector<1x1000x128xf32>
    %get3A_6 = vector.shape_cast %get3A_5 : vector<1x1000x128xf32> to vector<1000x128xf32>
    %add3A = arith.addf %get3A_1, %get3A_6 : vector<1000x128xf32>
    %get3A_7 = arith.constant 0 : index
    %get3A_8 = arith.constant 0 : index
    %get3A_9 = arith.constant 0 : index
    %get3A_10 = vector.load %arg3[%get3A_7, %get3A_8, %get3A_9] : memref<1x1000x128xf32, #tpu.memory_space<vmem>>, vector<1x1000x128xf32>
    %get3A_11 = vector.shape_cast %get3A_10 : vector<1x1000x128xf32> to vector<1000x128xf32>
    %add3A_12 = arith.addf %add3A, %get3A_11 : vector<1000x128xf32>
    %swap3A = arith.constant 0 : index
    %swap3A_13 = arith.constant 0 : index
    %swap3A_14 = vector.load %arg6[%swap3A, %swap3A_13] : memref<1000x128xf32, #tpu.memory_space<vmem>>, vector<1000x128xf32>
    tpu.vector_store %arg6[%swap3A, %swap3A_13], %add3A_12 {strides = array<i32>} : memref<1000x128xf32, #tpu.memory_space<vmem>>, vector<1000x128xf32>,
    %get3A_15 = arith.constant 0 : index
    %get3A_16 = arith.constant 0 : index
    %get3A_17 = vector.load %arg4[%get3A_15, %get3A_16] : memref<128x128xf32, #tpu.memory_space<vmem>>, vector<128x128xf32>
    %dot_general3A = arith.constant dense<0.000000e+00> : vector<1000x128xf32>
    %dot_general3A_18 = tpu.matmul %add3A_12, %get3A_17, %dot_general3A {dimension_numbers = #tpu.dot_dimension_numbers<[1], [0], [0], [1], [0, 0, 1, 1], [], []>, transpose_lhs_hint = false} : vector<1000x128xf32>, vector<128x128xf32>, vector<1000x128xf32> -> vector<1000x128xf32>
    %get3A_19 = arith.constant 0 : index
    %get3A_20 = arith.constant 0 : index
    %get3A_21 = vector.load %arg5[%get3A_19, %get3A_20] : memref<1x128xf32, #tpu.memory_space<vmem>>, vector<1x128xf32>
    %add3A_22 = vector.broadcast %get3A_21 : vector<1x128xf32> to vector<1000x128xf32>
    %add3A_23 = arith.addf %dot_general3A_18, %add3A_22 : vector<1000x128xf32>
    %max3A = arith.constant 0.000000e+00 : f32
    %max3A_24 = vector.broadcast %max3A : f32 to vector<1000x128xf32>
    %max3A_25 = arith.maximumf %add3A_23, %max3A_24 : vector<1000x128xf32>
    %swap3A_26 = arith.constant 0 : index
    %swap3A_27 = arith.constant 0 : index
    %swap3A_28 = vector.load %arg7[%swap3A_26, %swap3A_27] : memref<1000x128xf32, #tpu.memory_space<vmem>>, vector<1000x128xf32>
    tpu.vector_store %arg7[%swap3A_26, %swap3A_27], %max3A_25 {strides = array<i32>} : memref<1000x128xf32, #tpu.memory_space<vmem>>, vector<1000x128xf32>,
    return
  }
  func.func @transform_0(%arg0: i32) -> (i32, i32) {
    %c0_i32 = arith.constant 0 : i32
    %c0_i32_0 = arith.constant 0 : i32
    return %arg0, %c0_i32 : i32, i32
  }
  func.func @transform_1(%arg0: i32) -> (i32, i32, i32) {
    %c0_i32 = arith.constant 0 : i32
    %c0_i32_0 = arith.constant 0 : i32
    %c0_i32_1 = arith.constant 0 : i32
    return %c0_i32, %arg0, %c0_i32_0 : i32, i32, i32
  }
  func.func @transform_2(%arg0: i32) -> (i32, i32, i32) {
    %c1_i32 = arith.constant 1 : i32
    %c0_i32 = arith.constant 0 : i32
    %c0_i32_0 = arith.constant 0 : i32
    return %c1_i32, %arg0, %c0_i32 : i32, i32, i32
  }
  func.func @transform_3(%arg0: i32) -> (i32, i32) {
    %c0_i32 = arith.constant 0 : i32
    %c0_i32_0 = arith.constant 0 : i32
    %c0_i32_1 = arith.constant 0 : i32
    return %c0_i32, %c0_i32_0 : i32, i32
  }
  func.func @transform_4(%arg0: i32) -> (i32, i32) {
    %c0_i32 = arith.constant 0 : i32
    %c0_i32_0 = arith.constant 0 : i32
    %c0_i32_1 = arith.constant 0 : i32
    return %c0_i32, %c0_i32_0 : i32, i32
  }
  func.func @transform_5(%arg0: i32) -> (i32, i32) {
    %c0_i32 = arith.constant 0 : i32
    %c0_i32_0 = arith.constant 0 : i32
    return %arg0, %c0_i32 : i32, i32
  }
  func.func @transform_6(%arg0: i32) -> (i32, i32) {
    %c0_i32 = arith.constant 0 : i32
    %c0_i32_0 = arith.constant 0 : i32
    return %arg0, %c0_i32 : i32, i32
  }
}

module attributes {stable_mosaic.version = 14 : i64} {
  func.func @body(%arg0: i32, %arg1: memref<1000x128xf32, #tpu.memory_space<vmem>>, %arg2: memref<1000x128xf32, #tpu.memory_space<vmem>>, %arg3: memref<1x1000x128xf32, #tpu.memory_space<vmem>>, %arg4: memref<1x1000x128xf32, #tpu.memory_space<vmem>>, %arg5: memref<128x128xf32, #tpu.memory_space<vmem>>, %arg6: memref<128x128xf32, #tpu.memory_space<vmem>>, %arg7: memref<1x128xf32, #tpu.memory_space<vmem>>, %arg8: memref<1000x128xf32, #tpu.memory_space<vmem>>) attributes {dimension_semantics = [#tpu.dimension_semantics<arbitrary>], iteration_bounds = array<i64: 10>, scalar_prefetch = 0 : i64, scratch_operands = 0 : i64, tpu.core_type = #tpu.core_type<tc>, window_params = [{transform_indices = @transform_0, window_bounds = array<i64: 1000, 128>}, {transform_indices = @transform_1, window_bounds = array<i64: 1000, 128>}, {transform_indices = @transform_2, window_bounds = array<i64: 1, 1000, 128>}, {transform_indices = @transform_3, window_bounds = array<i64: 1, 1000, 128>}, {pipeline_mode = #tpu.pipeline_mode<synchronous>, transform_indices = @transform_4, window_bounds = array<i64: 128, 128>}, {pipeline_mode = #tpu.pipeline_mode<synchronous>, transform_indices = @transform_5, window_bounds = array<i64: 128, 128>}, {pipeline_mode = #tpu.pipeline_mode<synchronous>, transform_indices = @transform_6, window_bounds = array<i64: 1, 128>}, {transform_indices = @transform_7, window_bounds = array<i64: 1000, 128>}]} {
    %get3A = arith.constant 0 : index
    %get3A_0 = arith.constant 0 : index
    %get3A_1 = vector.load %arg2[%get3A, %get3A_0] : memref<1000x128xf32, #tpu.memory_space<vmem>>, vector<1000x128xf32>
    %get3A_2 = arith.constant 0 : index
    %get3A_3 = arith.constant 0 : index
    %get3A_4 = arith.constant 0 : index
    %get3A_5 = vector.load %arg3[%get3A_2, %get3A_3, %get3A_4] : memref<1x1000x128xf32, #tpu.memory_space<vmem>>, vector<1x1000x128xf32>
    %get3A_6 = vector.shape_cast %get3A_5 : vector<1x1000x128xf32> to vector<1000x128xf32>
    %add3A = arith.addf %get3A_1, %get3A_6 : vector<1000x128xf32>
    %get3A_7 = arith.constant 0 : index
    %get3A_8 = arith.constant 0 : index
    %get3A_9 = arith.constant 0 : index
    %get3A_10 = vector.load %arg4[%get3A_7, %get3A_8, %get3A_9] : memref<1x1000x128xf32, #tpu.memory_space<vmem>>, vector<1x1000x128xf32>
    %get3A_11 = vector.shape_cast %get3A_10 : vector<1x1000x128xf32> to vector<1000x128xf32>
    %add3A_12 = arith.addf %add3A, %get3A_11 : vector<1000x128xf32>
    %get3A_13 = arith.constant 0 : index
    %get3A_14 = arith.constant 0 : index
    %get3A_15 = vector.load %arg1[%get3A_13, %get3A_14] : memref<1000x128xf32, #tpu.memory_space<vmem>>, vector<1000x128xf32>
    %get3A_16 = arith.constant 0 : index
    %get3A_17 = arith.constant 0 : index
    %get3A_18 = vector.load %arg5[%get3A_16, %get3A_17] : memref<128x128xf32, #tpu.memory_space<vmem>>, vector<128x128xf32>
    %dot_general3A = arith.constant dense<0.000000e+00> : vector<1000x128xf32>
    %dot_general3A_19 = tpu.matmul %get3A_15, %get3A_18, %dot_general3A {dimension_numbers = #tpu.dot_dimension_numbers<[1], [0], [0], [1], [0, 0, 1, 1], [], []>, transpose_lhs_hint = false} : vector<1000x128xf32>, vector<128x128xf32>, vector<1000x128xf32> -> vector<1000x128xf32>
    %get3A_20 = arith.constant 0 : index
    %get3A_21 = arith.constant 0 : index
    %get3A_22 = vector.load %arg6[%get3A_20, %get3A_21] : memref<128x128xf32, #tpu.memory_space<vmem>>, vector<128x128xf32>
    %dot_general3A_23 = arith.constant dense<0.000000e+00> : vector<1000x128xf32>
    %dot_general3A_24 = tpu.matmul %add3A_12, %get3A_22, %dot_general3A_23 {dimension_numbers = #tpu.dot_dimension_numbers<[1], [0], [0], [1], [0, 0, 1, 1], [], []>, transpose_lhs_hint = false} : vector<1000x128xf32>, vector<128x128xf32>, vector<1000x128xf32> -> vector<1000x128xf32>
    %add3A_25 = arith.addf %dot_general3A_19, %dot_general3A_24 : vector<1000x128xf32>
    %get3A_26 = arith.constant 0 : index
    %get3A_27 = arith.constant 0 : index
    %get3A_28 = vector.load %arg7[%get3A_26, %get3A_27] : memref<1x128xf32, #tpu.memory_space<vmem>>, vector<1x128xf32>
    %add3A_29 = vector.broadcast %get3A_28 : vector<1x128xf32> to vector<1000x128xf32>
    %add3A_30 = arith.addf %add3A_25, %add3A_29 : vector<1000x128xf32>
    %max3A = arith.constant 0.000000e+00 : f32
    %max3A_31 = vector.broadcast %max3A : f32 to vector<1000x128xf32>
    %max3A_32 = arith.maximumf %add3A_30, %max3A_31 : vector<1000x128xf32>
    %swap3A = arith.constant 0 : index
    %swap3A_33 = arith.constant 0 : index
    %swap3A_34 = vector.load %arg8[%swap3A, %swap3A_33] : memref<1000x128xf32, #tpu.memory_space<vmem>>, vector<1000x128xf32>
    tpu.vector_store %arg8[%swap3A, %swap3A_33], %max3A_32 {strides = array<i32>} : memref<1000x128xf32, #tpu.memory_space<vmem>>, vector<1000x128xf32>,
    return
  }
  func.func @transform_0(%arg0: i32) -> (i32, i32) {
    %c0_i32 = arith.constant 0 : i32
    %c0_i32_0 = arith.constant 0 : i32
    return %arg0, %c0_i32 : i32, i32
  }
  func.func @transform_1(%arg0: i32) -> (i32, i32) {
    %c0_i32 = arith.constant 0 : i32
    %c0_i32_0 = arith.constant 0 : i32
    return %arg0, %c0_i32 : i32, i32
  }
  func.func @transform_2(%arg0: i32) -> (i32, i32, i32) {
    %c0_i32 = arith.constant 0 : i32
    %c0_i32_0 = arith.constant 0 : i32
    %c0_i32_1 = arith.constant 0 : i32
    return %c0_i32, %arg0, %c0_i32_0 : i32, i32, i32
  }
  func.func @transform_3(%arg0: i32) -> (i32, i32, i32) {
    %c1_i32 = arith.constant 1 : i32
    %c0_i32 = arith.constant 0 : i32
    %c0_i32_0 = arith.constant 0 : i32
    return %c1_i32, %arg0, %c0_i32 : i32, i32, i32
  }
  func.func @transform_4(%arg0: i32) -> (i32, i32) {
    %c0_i32 = arith.constant 0 : i32
    %c0_i32_0 = arith.constant 0 : i32
    %c0_i32_1 = arith.constant 0 : i32
    return %c0_i32, %c0_i32_0 : i32, i32
  }
  func.func @transform_5(%arg0: i32) -> (i32, i32) {
    %c0_i32 = arith.constant 0 : i32
    %c0_i32_0 = arith.constant 0 : i32
    %c0_i32_1 = arith.constant 0 : i32
    return %c0_i32, %c0_i32_0 : i32, i32
  }
  func.func @transform_6(%arg0: i32) -> (i32, i32) {
    %c0_i32 = arith.constant 0 : i32
    %c0_i32_0 = arith.constant 0 : i32
    %c0_i32_1 = arith.constant 0 : i32
    return %c0_i32, %c0_i32_0 : i32, i32
  }
  func.func @transform_7(%arg0: i32) -> (i32, i32) {
    %c0_i32 = arith.constant 0 : i32
    %c0_i32_0 = arith.constant 0 : i32
    return %arg0, %c0_i32 : i32, i32
  }
}

module attributes {stable_mosaic.version = 14 : i64} {
  func.func @body(%arg0: i32, %arg1: memref<512x128xf32, #tpu.memory_space<vmem>>, %arg2: memref<512x128xf32, #tpu.memory_space<vmem>>, %arg3: memref<1x512x128xf32, #tpu.memory_space<vmem>>, %arg4: memref<1x512x128xf32, #tpu.memory_space<vmem>>, %arg5: memref<128x128xf32, #tpu.memory_space<vmem>>, %arg6: memref<128x128xf32, #tpu.memory_space<vmem>>, %arg7: memref<1x128xf32, #tpu.memory_space<vmem>>, %arg8: memref<128x128xf32, #tpu.memory_space<vmem>>, %arg9: memref<1x128xf32, #tpu.memory_space<vmem>>, %arg10: memref<128x1xf32, #tpu.memory_space<vmem>>, %arg11: memref<1x1xf32, #tpu.memory_space<vmem>>, %arg12: memref<512x1xf32, #tpu.memory_space<vmem>>) attributes {dimension_semantics = [#tpu.dimension_semantics<arbitrary>], iteration_bounds = array<i64: 1>, scalar_prefetch = 0 : i64, scratch_operands = 0 : i64, tpu.core_type = #tpu.core_type<tc>, window_params = [{pipeline_mode = #tpu.pipeline_mode<synchronous>, transform_indices = @transform_0, window_bounds = array<i64: 512, 128>}, {pipeline_mode = #tpu.pipeline_mode<synchronous>, transform_indices = @transform_1, window_bounds = array<i64: 512, 128>}, {transform_indices = @transform_2, window_bounds = array<i64: 1, 512, 128>}, {transform_indices = @transform_3, window_bounds = array<i64: 1, 512, 128>}, {pipeline_mode = #tpu.pipeline_mode<synchronous>, transform_indices = @transform_4, window_bounds = array<i64: 128, 128>}, {pipeline_mode = #tpu.pipeline_mode<synchronous>, transform_indices = @transform_5, window_bounds = array<i64: 128, 128>}, {pipeline_mode = #tpu.pipeline_mode<synchronous>, transform_indices = @transform_6, window_bounds = array<i64: 1, 128>}, {pipeline_mode = #tpu.pipeline_mode<synchronous>, transform_indices = @transform_7, window_bounds = array<i64: 128, 128>}, {pipeline_mode = #tpu.pipeline_mode<synchronous>, transform_indices = @transform_8, window_bounds = array<i64: 1, 128>}, {pipeline_mode = #tpu.pipeline_mode<synchronous>, transform_indices = @transform_9, window_bounds = array<i64: 128, 1>}, {pipeline_mode = #tpu.pipeline_mode<synchronous>, transform_indices = @transform_10, window_bounds = array<i64: 1, 1>}, {pipeline_mode = #tpu.pipeline_mode<synchronous>, transform_indices = @transform_11, window_bounds = array<i64: 512, 1>}]} {
    %get3A = arith.constant 0 : index
    %get3A_0 = arith.constant 0 : index
    %get3A_1 = vector.load %arg2[%get3A, %get3A_0] : memref<512x128xf32, #tpu.memory_space<vmem>>, vector<512x128xf32>
    %get3A_2 = arith.constant 0 : index
    %get3A_3 = arith.constant 0 : index
    %get3A_4 = arith.constant 0 : index
    %get3A_5 = vector.load %arg3[%get3A_2, %get3A_3, %get3A_4] : memref<1x512x128xf32, #tpu.memory_space<vmem>>, vector<1x512x128xf32>
    %get3A_6 = vector.shape_cast %get3A_5 : vector<1x512x128xf32> to vector<512x128xf32>
    %add3A = arith.addf %get3A_1, %get3A_6 : vector<512x128xf32>
    %get3A_7 = arith.constant 0 : index
    %get3A_8 = arith.constant 0 : index
    %get3A_9 = arith.constant 0 : index
    %get3A_10 = vector.load %arg4[%get3A_7, %get3A_8, %get3A_9] : memref<1x512x128xf32, #tpu.memory_space<vmem>>, vector<1x512x128xf32>
    %get3A_11 = vector.shape_cast %get3A_10 : vector<1x512x128xf32> to vector<512x128xf32>
    %add3A_12 = arith.addf %add3A, %get3A_11 : vector<512x128xf32>
    %get3A_13 = arith.constant 0 : index
    %get3A_14 = arith.constant 0 : index
    %get3A_15 = vector.load %arg1[%get3A_13, %get3A_14] : memref<512x128xf32, #tpu.memory_space<vmem>>, vector<512x128xf32>
    %get3A_16 = arith.constant 0 : index
    %get3A_17 = arith.constant 0 : index
    %get3A_18 = vector.load %arg5[%get3A_16, %get3A_17] : memref<128x128xf32, #tpu.memory_space<vmem>>, vector<128x128xf32>
    %dot_general3A = arith.constant dense<0.000000e+00> : vector<512x128xf32>
    %dot_general3A_19 = tpu.matmul %get3A_15, %get3A_18, %dot_general3A {dimension_numbers = #tpu.dot_dimension_numbers<[1], [0], [0], [1], [0, 0, 1, 1], [], []>, transpose_lhs_hint = false} : vector<512x128xf32>, vector<128x128xf32>, vector<512x128xf32> -> vector<512x128xf32>
    %get3A_20 = arith.constant 0 : index
    %get3A_21 = arith.constant 0 : index
    %get3A_22 = vector.load %arg6[%get3A_20, %get3A_21] : memref<128x128xf32, #tpu.memory_space<vmem>>, vector<128x128xf32>
    %dot_general3A_23 = arith.constant dense<0.000000e+00> : vector<512x128xf32>
    %dot_general3A_24 = tpu.matmul %add3A_12, %get3A_22, %dot_general3A_23 {dimension_numbers = #tpu.dot_dimension_numbers<[1], [0], [0], [1], [0, 0, 1, 1], [], []>, transpose_lhs_hint = false} : vector<512x128xf32>, vector<128x128xf32>, vector<512x128xf32> -> vector<512x128xf32>
    %add3A_25 = arith.addf %dot_general3A_19, %dot_general3A_24 : vector<512x128xf32>
    %get3A_26 = arith.constant 0 : index
    %get3A_27 = arith.constant 0 : index
    %get3A_28 = vector.load %arg7[%get3A_26, %get3A_27] : memref<1x128xf32, #tpu.memory_space<vmem>>, vector<1x128xf32>
    %add3A_29 = vector.broadcast %get3A_28 : vector<1x128xf32> to vector<512x128xf32>
    %add3A_30 = arith.addf %add3A_25, %add3A_29 : vector<512x128xf32>
    %max3A = arith.constant 0.000000e+00 : f32
    %max3A_31 = vector.broadcast %max3A : f32 to vector<512x128xf32>
    %max3A_32 = arith.maximumf %add3A_30, %max3A_31 : vector<512x128xf32>
    %get3A_33 = arith.constant 0 : index
    %get3A_34 = arith.constant 0 : index
    %get3A_35 = vector.load %arg8[%get3A_33, %get3A_34] : memref<128x128xf32, #tpu.memory_space<vmem>>, vector<128x128xf32>
    %dot_general3A_36 = arith.constant dense<0.000000e+00> : vector<512x128xf32>
    %dot_general3A_37 = tpu.matmul %max3A_32, %get3A_35, %dot_general3A_36 {dimension_numbers = #tpu.dot_dimension_numbers<[1], [0], [0], [1], [0, 0, 1, 1], [], []>, transpose_lhs_hint = false} : vector<512x128xf32>, vector<128x128xf32>, vector<512x128xf32> -> vector<512x128xf32>
    %get3A_38 = arith.constant 0 : index
    %get3A_39 = arith.constant 0 : index
    %get3A_40 = vector.load %arg9[%get3A_38, %get3A_39] : memref<1x128xf32, #tpu.memory_space<vmem>>, vector<1x128xf32>
    %add3A_41 = vector.broadcast %get3A_40 : vector<1x128xf32> to vector<512x128xf32>
    %add3A_42 = arith.addf %dot_general3A_37, %add3A_41 : vector<512x128xf32>
    %get3A_43 = arith.constant 0 : index
    %get3A_44 = arith.constant 0 : index
    %get3A_45 = vector.load %arg10[%get3A_43, %get3A_44] : memref<128x1xf32, #tpu.memory_space<vmem>>, vector<128x1xf32>
    %dot_general3A_46 = arith.constant dense<0.000000e+00> : vector<512x1xf32>
    %dot_general3A_47 = tpu.matmul %add3A_42, %get3A_45, %dot_general3A_46 {dimension_numbers = #tpu.dot_dimension_numbers<[1], [0], [0], [1], [0, 0, 1, 1], [], []>, transpose_lhs_hint = false} : vector<512x128xf32>, vector<128x1xf32>, vector<512x1xf32> -> vector<512x1xf32>
    %get3A_48 = arith.constant 0 : index
    %get3A_49 = arith.constant 0 : index
    %get3A_50 = vector.load %arg11[%get3A_48, %get3A_49] : memref<1x1xf32, #tpu.memory_space<vmem>>, vector<1x1xf32>
    %add3A_51 = vector.broadcast %get3A_50 : vector<1x1xf32> to vector<512x1xf32>
    %add3A_52 = arith.addf %dot_general3A_47, %add3A_51 : vector<512x1xf32>
    %swap3A = arith.constant 0 : index
    %swap3A_53 = arith.constant 0 : index
    %swap3A_54 = vector.load %arg12[%swap3A, %swap3A_53] : memref<512x1xf32, #tpu.memory_space<vmem>>, vector<512x1xf32>
    tpu.vector_store %arg12[%swap3A, %swap3A_53], %add3A_52 {strides = array<i32>} : memref<512x1xf32, #tpu.memory_space<vmem>>, vector<512x1xf32>,
    return
  }
  func.func @transform_0(%arg0: i32) -> (i32, i32) {
    %c0_i32 = arith.constant 0 : i32
    %c0_i32_0 = arith.constant 0 : i32
    %c0_i32_1 = arith.constant 0 : i32
    return %c0_i32, %c0_i32_0 : i32, i32
  }
  func.func @transform_1(%arg0: i32) -> (i32, i32) {
    %c0_i32 = arith.constant 0 : i32
    %c0_i32_0 = arith.constant 0 : i32
    %c0_i32_1 = arith.constant 0 : i32
    return %c0_i32, %c0_i32_0 : i32, i32
  }
  func.func @transform_2(%arg0: i32) -> (i32, i32, i32) {
    %c0_i32 = arith.constant 0 : i32
    %c0_i32_0 = arith.constant 0 : i32
    %c0_i32_1 = arith.constant 0 : i32
    %c0_i32_2 = arith.constant 0 : i32
    return %c0_i32, %c0_i32_0, %c0_i32_1 : i32, i32, i32
  }
  func.func @transform_3(%arg0: i32) -> (i32, i32, i32) {
    %c1_i32 = arith.constant 1 : i32
    %c0_i32 = arith.constant 0 : i32
    %c0_i32_0 = arith.constant 0 : i32
    %c0_i32_1 = arith.constant 0 : i32
    return %c1_i32, %c0_i32, %c0_i32_0 : i32, i32, i32
  }
  func.func @transform_4(%arg0: i32) -> (i32, i32) {
    %c0_i32 = arith.constant 0 : i32
    %c0_i32_0 = arith.constant 0 : i32
    %c0_i32_1 = arith.constant 0 : i32
    return %c0_i32, %c0_i32_0 : i32, i32
  }
  func.func @transform_5(%arg0: i32) -> (i32, i32) {
    %c0_i32 = arith.constant 0 : i32
    %c0_i32_0 = arith.constant 0 : i32
    %c0_i32_1 = arith.constant 0 : i32
    return %c0_i32, %c0_i32_0 : i32, i32
  }
  func.func @transform_6(%arg0: i32) -> (i32, i32) {
    %c0_i32 = arith.constant 0 : i32
    %c0_i32_0 = arith.constant 0 : i32
    %c0_i32_1 = arith.constant 0 : i32
    return %c0_i32, %c0_i32_0 : i32, i32
  }
  func.func @transform_7(%arg0: i32) -> (i32, i32) {
    %c0_i32 = arith.constant 0 : i32
    %c0_i32_0 = arith.constant 0 : i32
    %c0_i32_1 = arith.constant 0 : i32
    return %c0_i32, %c0_i32_0 : i32, i32
  }
  func.func @transform_8(%arg0: i32) -> (i32, i32) {
    %c0_i32 = arith.constant 0 : i32
    %c0_i32_0 = arith.constant 0 : i32
    %c0_i32_1 = arith.constant 0 : i32
    return %c0_i32, %c0_i32_0 : i32, i32
  }
  func.func @transform_9(%arg0: i32) -> (i32, i32) {
    %c0_i32 = arith.constant 0 : i32
    %c0_i32_0 = arith.constant 0 : i32
    %c0_i32_1 = arith.constant 0 : i32
    return %c0_i32, %c0_i32_0 : i32, i32
  }
  func.func @transform_10(%arg0: i32) -> (i32, i32) {
    %c0_i32 = arith.constant 0 : i32
    %c0_i32_0 = arith.constant 0 : i32
    %c0_i32_1 = arith.constant 0 : i32
    return %c0_i32, %c0_i32_0 : i32, i32
  }
  func.func @transform_11(%arg0: i32) -> (i32, i32) {
    %c0_i32 = arith.constant 0 : i32
    %c0_i32_0 = arith.constant 0 : i32
    %c0_i32_1 = arith.constant 0 : i32
    return %c0_i32, %c0_i32_0 : i32, i32
  }
}

</mosaic_0001>

<sc_bundles>
// kernel: kernel.12.cloned.1.call-start
scs
__scs_entry_jumppad:
0x0: {  	(pc) =	sbr.rel $0x88, $3  }
0x1: {  	(tag) =	ssettag $0x0;
	lr =	simm.s32 $0x1  }
0x2: {  	[smem:$0x3F92] =	sst lr;
	_ =	strace $0xD0000000  }
0x3: {  	_ = 	snop  }
0x4: {  	_ = 	snop  }
0x5: {  	_ = 	snop  }
0x6: {  	_ = 	snop  }
0x7: {  	_ = 	snop  }
__scs_overlays_trampoline_lowered:
0x8: {  	[smem:$0x3FA1] =	sst s0  }
0x9: {  	[smem:$0x3FA2] =	sst s1  }
0xa: {  	[smem:$0x3FA3] =	sst s2  }
0xb: {  	[smem:$0x3FA4] =	sst s3  }
0xc: {  	[smem:$0x3FA5] =	sst s4  }
0xd: {  	[smem:$0x3FA6] =	sst s5  }
0xe: {  	[smem:$0x3FA7] =	sst s6  }
0xf: {  	[smem:$0x3FA8] =	sst s7  }
0x10: {  	[smem:$0x3FA9] =	sst s8  }
0x11: {  	[smem:$0x3FAA] =	sst s9;
	s0 =	simm.s32 @!p0 $0x0  }
0x12: {  	s1 =	sld [smem:$0x3F90];
	s0 =	simm.s32 @p0 $0x1  }
0x13: {  	[smem:$0x3FAB] =	sst s0;
	s0 =	simm.s32 @!p1 $0x0  }
0x14: {  	s2 =	sld [smem:$0x3F8F];
	s0 =	simm.s32 @p1 $0x1  }
0x15: {  	[smem:$0x3FAC] =	sst s0;
	s0 =	simm.s32 @!p2 $0x0  }
0x16: {  	s3 =	sld [smem:$0x3FDB];
	s0 =	simm.s32 @p2 $0x1  }
0x17: {  	s4 =	simm.s32 $0x1BF5;
	[smem:$0x3FAE] =	sst s0  }
0x18: {  	s0 =	sld [smem:$0x3F91];
	_ =	swait.ge [sflag:s4], $0x0  }
0x19: {  	s7 =	sld [smem:$0x3F92]  }
0x1a: {  	s8 =	sadd.s32 $0xFFFFE003, lr  }
0x1b: {  	s9 =	sadd.s32 $0xFFFFFEF7, lr;
	s5 =	simm.s32 $0xFFFFFFFF;
	p2 =	slt.u32 s8, $0xFFFFF086  }
0x1c: {  	p1 =	slt.u32 s9, $0xF7A;
	s5 =	simm.s32 @!p2 $0x0  }
0x1d: {  	s5 =	simm.s32 @p1 $0x1;
	p0 =	seq.s32 s7, s2  }
0x1e: {  	s7 =	smul.u32 @!p0 $0xF7A, s2;
	p2 =	seq.s32 @!p0 s5, $0x0  }
0x1f: {  	s9 =	smul.u32 $0xF7A, s1;
	s8 =	simm.s32 @!p0 $0x1BF5;
	p2 =	por !p2, p0  }
0x20: {  	[sflag:s8] =	ssyncset.s32 @!p0 $0xFFFFF086;
	s6 =	sadd.s32 @!p0 s3, s7;
	s7 =	simm.s32 @!p0 $0x108  }
0x21: {  	s3 =	sadd.s32 s3, s9;
	s6 =	sadd.s32 @!p0 $0x88, s6;
	s7 =	simm.s32 @p2 $0x1082  }
0x22: {  	[simem:s7], [sflag:s8] =	dma.local @!p0 [hbm:s6], $0xF7A  }
0x23: {  	s9 =	sor.u32 $0xD0000000, s2;
	s6 =	simm.s32 $0x108;
	_ =	swait.ge @!p0 [sflag:s8], $0x0  }
0x24: {  	s3 =	sadd.s32 $0x88, s3;
	s6 =	simm.s32 @!p1 $0x1082;
	[sflag:s4] =	ssyncset.s32 $0xFFFFF086  }
0x25: {  	[simem:s6], [sflag:s4] =	dma.local [hbm:s3], $0xF7A  }
0x26: {  	[smem:$0x3F92] =	sst s1;
	(tag) =	ssettag s2;
	_ =	strace s9  }
0x27: {  	s1 =	sld [smem:$0x3FA2]  }
0x28: {  	s2 =	sld [smem:$0x3FA3]  }
0x29: {  	s4 =	sld [smem:$0x3FA5]  }
0x2a: {  	p0 =	seq.s32 s5, $0x0;
	s5 =	sld [smem:$0x3FA6]  }
0x2b: {  	s6 =	sld [smem:$0x3FA7]  }
0x2c: {  	s7 =	sld [smem:$0x3FA8]  }
0x2d: {  	s3 =	simm.s32 $0x108;
	s8 =	sld [smem:$0x3FA9]  }
0x2e: {  	s3 =	simm.s32 @!p0 $0x1082;
	s9 =	sld [smem:$0x3FAA]  }
0x2f: {  	lr =	sadd.s32 s0, s3;
	s0 =	sld [smem:$0x3FA1]  }
0x30: {  	s3 =	sld [smem:$0x3FA4]  }
0x31: {  	[smem:$0x3FAD] =	sst s10  }
0x32: {  	s10 =	sld [smem:$0x3FAB];
	_ =	sdelay $0x3  }
0x33: {  	p0 =	seq.s32 s10, $0x1;
	s10 =	sld [smem:$0x3FAD];
	_ =	sdelay $0x3  }
0x34: {  	[smem:$0x3FAD] =	sst s10  }
0x35: {  	s10 =	sld [smem:$0x3FAC];
	_ =	sdelay $0x3  }
0x36: {  	p1 =	seq.s32 s10, $0x1;
	s10 =	sld [smem:$0x3FAD];
	_ =	sdelay $0x3  }
0x37: {  	[smem:$0x3FAD] =	sst s10  }
0x38: {  	s10 =	sld [smem:$0x3FAE]  }
0x39: {  	_ = 	snop;
	(pc) =	sbr.ind lr, $3  }
0x3a: {  	_ = 	snop  }
0x3b: {  	_ = 	snop  }
0x3c: {  	p2 =	seq.s32 s10, $0x1;
	s10 =	sld [smem:$0x3FAD]  }
0x3d: {  	_ =	shalt  }
0x3e: {  	_ =	shalt  }
0x3f: {  	_ =	shalt  }
0x40: {  	_ =	shalt  }
0x41: {  	_ =	shalt  }
0x42: {  	_ =	shalt  }
0x43: {  	_ =	shalt  }
0x44: {  	_ =	shalt  }
0x45: {  	_ =	shalt  }
0x46: {  	_ =	shalt  }
0x47: {  	_ =	shalt  }
0x48: {  	_ =	shalt  }
0x49: {  	_ =	shalt  }
0x4a: {  	_ =	shalt  }
0x4b: {  	_ =	shalt  }
0x4c: {  	_ =	shalt  }
0x4d: {  	_ =	shalt  }
0x4e: {  	_ =	shalt  }
0x4f: {  	_ =	shalt  }
0x50: {  	_ =	shalt  }
0x51: {  	_ =	shalt  }
0x52: {  	_ =	shalt  }
0x53: {  	_ =	shalt  }
0x54: {  	_ =	shalt  }
0x55: {  	_ =	shalt  }
0x56: {  	_ =	shalt  }
0x57: {  	_ =	shalt  }
0x58: {  	_ =	shalt  }
0x59: {  	_ =	shalt  }
0x5a: {  	_ =	shalt  }
0x5b: {  	_ =	shalt  }
0x5c: {  	_ =	shalt  }
0x5d: {  	_ =	shalt  }
0x5e: {  	_ =	shalt  }
0x5f: {  	_ =	shalt  }
0x60: {  	_ =	shalt  }
0x61: {  	_ =	shalt  }
0x62: {  	_ =	shalt  }
0x63: {  	_ =	shalt  }
0x64: {  	_ =	shalt  }
0x65: {  	_ =	shalt  }
0x66: {  	_ =	shalt  }
0x67: {  	_ =	shalt  }
0x68: {  	_ =	shalt  }
0x69: {  	_ =	shalt  }
0x6a: {  	_ =	shalt  }
0x6b: {  	_ =	shalt  }
0x6c: {  	_ =	shalt  }
0x6d: {  	_ =	shalt  }
0x6e: {  	_ =	shalt  }
0x6f: {  	_ =	shalt  }
0x70: {  	_ =	shalt  }
0x71: {  	_ =	shalt  }
0x72: {  	_ =	shalt  }
0x73: {  	_ =	shalt  }
0x74: {  	_ =	shalt  }
0x75: {  	_ =	shalt  }
0x76: {  	_ =	shalt  }
0x77: {  	_ =	shalt  }
0x78: {  	_ =	shalt  }
0x79: {  	_ =	shalt  }
0x7a: {  	_ =	shalt  }
0x7b: {  	_ =	shalt  }
0x7c: {  	_ =	shalt  }
0x7d: {  	_ =	shalt  }
0x7e: {  	_ =	shalt  }
0x7f: {  	_ =	shalt  }
0x80: {  	_ =	shalt  }
0x81: {  	_ =	shalt  }
0x82: {  	_ =	shalt  }
0x83: {  	_ =	shalt  }
0x84: {  	_ =	shalt  }
0x85: {  	_ =	shalt  }
0x86: {  	_ =	shalt  }
0x87: {  	_ =	shalt  }
.Lfunc_end0:
.L_simem_size_0:
called_computation.1_lowered:
.L_overlay_start_0:
0x88: {  	s2 =	sld [smem:$0x3FD9]  }
0x89: {  	s3 =	sld [smem:$0x3FFE];
	_ =	sdelay $0x1  }
0x8a: {  	s1 =	srdreg.scid  }
0x8b: {  	s0 =	sand.u32 $0x1, s1  }
0x8c: {  	s16 =	sshll.u32 s0, $0xA;
	s2 =	sadd.s32 s3, s2  }
0x8d: {  	s2 =	sadd.s32 s2, s16  }
0x8e: {  	[smem:$0x3FB9] =	sst s2  }
0x8f: {  	_ = 	snop  }
0x90: {  	(tm) =	ssettm $0x1  }
0x91: {  	s17 =	sld [smem:$0x3FFB];
	_ =	sdelay $0x3  }
0x92: {  	_ =	strace s17  }
0x93: {  	s2 =	sld [smem:$0x3FFC];
	_ =	sdelay $0x3  }
0x94: {  	_ =	strace s2  }
0x95: {  	s2 =	sld [smem:$0x3FFD];
	_ =	sdelay $0x3  }
0x96: {  	_ =	strace s2  }
0x97: {  	_ =	strace $0x8FFFFFFF  }
0x98: {  	s18 =	sld [smem:$0x3FDB];
	_ =	sdelay $0x1  }
0x99: {  	s19 =	simm.s32 $_scs_section_size  }
0x9a: {  	s4 =	simm.s32 $_size__tile_overlayer_lowered;
	s5 =	simm.s32 $_tile_overlayer_lowered  }
0x9b: {  	s22 =	simm.s32 $0x1BFF;
	s21 =	sshll.u32 s5, $0x1;
	s2 =	sadd.s32 s19, s18  }
0x9c: {  	s6 =	simm.s32 $0x0;
	s20 =	sshll.u32 s4, $0x1;
	s4 =	sadd.s32 s21, s2  }
0x9d: {  	[timem:s6], [sflag:s22] =	dma.local [hbm:s4], s20  }
0x9e: {  	_ =	swait.ge [sflag:s22], s20  }
0x9f: {  	s3 =	ssub.s32 $0x0, s20;
	[sflag:s22] =	ssyncset.done $0x0  }
0xa0: {  	[sflag:s22] =	ssyncadd.s32 s3;
	_ =	sdelay $0x1  }
0xa1: {  	s23 =	simm.s32 $0x1B8B  }
0xa2: {  	_ =	swait.ge [sflag:s23], $0x1  }
0xa3: {  	[sflag:s23] =	ssyncset.done $0x0  }
0xa4: {  	s25 =	simm.s32 $0x1B8E;
	s24 =	sld [smem:$0x3FFE];
	[sflag:s23] =	ssyncadd.s32 $0xFFFFFFFF  }
0xa5: {  	s26 =	simm.s32 $execute0_lowered;
	[smem:$0x3FD2] =	sst s25  }
0xa6: {  	s4 =	sshll.u32 s26, $0x1;
	_ =	strace $0x80000049;
	[dreg:$0x1] =	wrdreg $0xFFFFFFFF  }
0xa7: {  	s28 =	simm.s32 $_size_execute0_lowered;
	s2 =	sadd.s32 s2, s4;
	[dreg:$0x0] =	wrdreg $0x0  }
0xa8: {  	s4 =	sshll.u32 s28, $0x1;
	[dreg:$0x2] =	wrdreg s2  }
0xa9: {  	[dreg:$0x3] =	wrdreg s4  }
0xaa: {  	[dreg:$0x4] =	wrdreg $0xC0  }
0xab: {  	_ =	task [dreg:s6], $0x5FFFF  }
0xac: {  	[dreg:$0x1] =	wrdreg $0xFFFFFFFF  }
0xad: {  	[dreg:$0x0] =	wrdreg $0x60  }
0xae: {  	[dreg:$0x2] =	wrdreg s24  }
0xaf: {  	[dreg:$0x3] =	wrdreg $0x8D000  }
0xb0: {  	[dreg:$0x4] =	wrdreg $0x9  }
0xb1: {  	_ =	task.clear_ibuf [dreg:s6], $0x5FFFF;
	_ =	strace $0x90000049  }
0xb2: {  	s29 =	simm.s32 $0x9;
	_ =	strace $0x8000004B  }
0xb3: {  	_ =	swait.ge [sflag:s29], $0x1  }
0xb4: {  	[sflag:s29] =	ssyncadd.s32 $0xFFFFFFFF  }
0xb5: {  	_ =	strace $0x9000004B  }
0xb6: {  	_ =	sfence  }
0xb7: {  	s30 =	sld [smem:$0x0];
	_ =	sdelay $0x2  }
0xb8: {  	s31 =	sshll.u32 s1, $0xD;
	s1 =	sshrl.u32 s1, $0x2  }
0xb9: {  	s3 =	sand.u32 $0x4000, s31;
	s1 =	sadd.s32 s1, s30  }
0xba: {  	s0 =	sor.u32 s3, s0;
	s1 =	sshll.u32 s1, $0x11  }
0xbb: {  	s0 =	sor.u32 s1, s0  }
0xbc: {  	s0 =	sadd.s32 $0x8F2B, s0  }
0xbd: {  	[sflag:s0] =	ssyncadd.remote.s32 $0x1  }
0xbe: {  	_ =	sfence.sel $0xFFFF  }
0xbf: {  	[dreg:$0x0] =	wrdreg $0xFFFFFFFF;
	(pc) =	sbr.abs _section_cstart, $3  }
0xc0: {  	[dreg:$0x1] =	wrdreg $0xFFFFFFFF  }
0xc1: {  	_ =	task.clear_ibuf [dreg:s6], $0x2FFFF;
	_ =	strace $0x9FFFFFFF  }
0xc2: {  	(tm) =	ssettm $0x7FFFFFFF  }
0xc3: {  	_ =	shalt  }
tec
execute0_lowered:
.L_overlay_start_1:
0x0: {  	(tag) =	ssettag $0x1  }
0x1: {  	s7 =	rddreg [dreg:$0x0]  }
0x2: {  	s1 =	rddreg [dreg:$0x1];
	s2 =	simm.s32 $0x0;
	s6 =	stileid.u32  }
0x3: {  	s0 =	srdreg.scid;
	s28 =	simm.s32 $0x4;
	[smem:$0x7FF] =	sst s2  }
0x4: {  	s3 =	sadd.s32 $0x17400, s7;
	s9 =	smul.u32 $0x13800, s6;
	s4 =	sadd.s32 $0xD600, s7  }
0x5: {  	s5 =	sadd.s32 $0x3800, s7;
	s10 =	sand.u32 $0x1, s0;
	s11 =	smul.u32 $0x4E000, s6  }
0x6: {  	s14 =	sadd.s32 $0x8CA00, s7;
	s21 =	sshll.u32 s6, $0x6;
	s15 =	smul.u32 $0x2710, s6  }
0x7: {  	p0 =	sne.s32 s6, $0x0;
	_ =	strace $0x8000004A;
	s20 =	smul.u32 $0x27100, s10  }
0x8: {  	s8 =	sshll.u32 s10, $0x4;
	s18 =	ssub.s32 $0x2, s10;
	s10 =	smul.u32 $0x138800, s10  }
0x9: {  	s17 =	sshrl.u32 s9, $0x3;
	s8 =	sor.u32 s6, s8;
	s13 =	sshrl.u32 s18, $0x1  }
0xa: {  	s11 =	sshrl.u32 s11, $0x2;
	s12 =	sadd.s32 s17, s7;
	s8 =	smul.u32 $0x2710, s8  }
0xb: {  	s0 =	ssub.s32 s18, s13;
	s11 =	sadd.s32 s11, s1;
	s7 =	sadd.s32 $0x65600, s7  }
0xc: {  	s9 =	sadd.s32 s9, s10;
	[dreg:$0x9] =	wrdreg s11;
	s19 =	sadd.s32 $0x3E600, s12  }
0xd: {  	[dreg:$0xb] =	wrdreg s7;
	s12 =	sadd.s32 s15, s20;
	s0 =	smax.u32 s0, $0x1  }
0xe: {  	[dreg:$0xa] =	wrdreg s19;
	s11 =	sshrl.u32 s8, $0x3;
	s8 =	sor.u32 $0x1C07, s21  }
0xf: {  	s15 =	sadd.s32 $0x380, s12;
	s16 =	sadd.s32 $0x300, s12;
	s22 =	sadd.s32 $0x10, s11  }
0x10: {  	s19 =	sadd.s32 $0x280, s12;
	[smem:$0x7FC] =	sst s0;
	s23 =	sadd.s32 s4, s22  }
0x11: {  	s25 =	sadd.s32 $0x20, s11;
	s24 =	sadd.s32 s5, s22;
	[dreg:$0xc] =	wrdreg s23  }
0x12: {  	s29 =	sadd.s32 $0x30, s11;
	s26 =	sadd.s32 s4, s25;
	[dreg:$0xd] =	wrdreg s24  }
0x13: {  	s31 =	sshrl.u32 s15, $0x3;
	s7 =	sadd.s32 s5, s25;
	[dreg:$0xe] =	wrdreg s26  }
0x14: {  	s17 =	sshrl.u32 s16, $0x3;
	s30 =	sadd.s32 s4, s29;
	[dreg:$0xf] =	wrdreg s7  }
0x15: {  	s21 =	sshrl.u32 s19, $0x3;
	s15 =	sadd.s32 s31, s5;
	[dreg:$0x10] =	wrdreg s30  }
0x16: {  	s19 =	sadd.s32 $0x4C0, s11;
	s18 =	sadd.s32 s17, s5;
	[dreg:$0x3] =	wrdreg s15  }
0x17: {  	s20 =	sadd.s32 s17, s4;
	s13 =	sadd.s32 s5, s29;
	[dreg:$0x5] =	wrdreg s18  }
0x18: {  	s22 =	sadd.s32 s21, s5;
	s29 =	sshrl.u32 s10, $0x3;
	[dreg:$0x11] =	wrdreg s13  }
0x19: {  	s17 =	sadd.s32 $0x4B0, s11;
	s10 =	sadd.s32 $0x200, s12;
	[dreg:$0x6] =	wrdreg s20  }
0x1a: {  	s12 =	simm.s32 $0x7;
	s7 =	sadd.s32 s31, s4;
	[dreg:$0x7] =	wrdreg s22  }
0x1b: {  	s23 =	sadd.s32 $0x480, s11;
	s30 =	sadd.s32 s21, s4;
	[dreg:$0x4] =	wrdreg s7  }
0x1c: {  	s26 =	sshrl.u32 s9, $0x3;
	s18 =	sadd.s32 s4, s17;
	[dreg:$0x8] =	wrdreg s30  }
0x1d: {  	s31 =	sadd.s32 $0x490, s11;
	s9 =	sadd.s32 s5, s17;
	[dreg:$0x19] =	wrdreg s18  }
0x1e: {  	s20 =	sadd.s32 s4, s19;
	s21 =	sadd.s32 $0x4D0, s11;
	[dreg:$0x1a] =	wrdreg s9  }
0x1f: {  	s17 =	simm.s32 $0x300;
	s24 =	sadd.s32 s4, s23;
	[dreg:$0x1b] =	wrdreg s20  }
0x20: {  	s25 =	sadd.s32 s5, s23;
	s7 =	sadd.s32 s14, s26;
	[dreg:$0x12] =	wrdreg s24  }
0x21: {  	s13 =	sadd.s32 s4, s31;
	s15 =	sadd.s32 s5, s31;
	[dreg:$0x13] =	wrdreg s25  }
0x22: {  	s22 =	sadd.s32 s4, s21;
	s23 =	sadd.s32 s5, s21;
	[dreg:$0x14] =	wrdreg s7  }
0x23: {  	s26 =	sadd.s32 $0x4E0, s11;
	s31 =	sadd.s32 $0x138000, s1;
	[dreg:$0x15] =	wrdreg s13  }
0x24: {  	s18 =	simm.s32 $0x180;
	s20 =	simm.s32 $0x1;
	[dreg:$0x16] =	wrdreg s15  }
0x25: {  	s21 =	simm.s32 $0x400;
	s7 =	sadd.s32 s14, s29;
	[dreg:$0x1d] =	wrdreg s22  }
0x26: {  	s14 =	sadd.s32 $0x4A0, s11;
	[dreg:$0x1e] =	wrdreg s23;
	s24 =	sadd.s32 s4, s11  }
0x27: {  	s25 =	sadd.s32 s5, s11;
	s29 =	sadd.s32 s4, s26;
	[smem:$0x7FD] =	sst s31  }
0x28: {  	s13 =	simm.s32 $0x200;
	s15 =	simm.s32 $0x280;
	[dreg:$0x1f] =	wrdreg s24  }
0x29: {  	s22 =	simm.s32 $0x2;
	s23 =	simm.s32 $0x4400;
	[smem:$0x7F8] =	sst s25  }
0x2a: {  	s16 =	sadd.s32 s4, s14;
	s6 =	sadd.s32 s5, s14;
	[smem:$0x7F9] =	sst s29  }
0x2b: {  	s30 =	sadd.s32 $0x27000, s7;
	s14 =	simm.s32 $0x80;
	[dreg:$0x17] =	wrdreg s16  }
0x2c: {  	s24 =	simm.s32 $0x5;
	s25 =	simm.s32 $0x3;
	[dreg:$0x18] =	wrdreg s6  }
0x2d: {  	s6 =	sadd.s32 s5, s19;
	[smem:$0x7FB] =	sst s30;
	s16 =	simm.s32 $0x100  }
0x2e: {  	s19 =	simm.s32 $0x380;
	[dreg:$0x1c] =	wrdreg s6;
	s6 =	sadd.s32 s5, s26  }
0x2f: {  	s26 =	simm.s32 $0x6;
	[smem:$0x7FA] =	sst s6;
	s6 =	simm.s32 $0x0  }
.LBB2_1:
0x30: {  	s0 =	rddreg [dreg:$0x9]  }
0x31: {  	s9 =	rddreg [dreg:$0xa];
	s7 =	sshrl.u32 s0, $0x3  }
0x32: {  	[spmem:s7], [sflag:s8] =	dma.local [hbm:s9], $0x2700  }
0x33: {  	_ =	swait.ge [sflag:s12], $0x2700  }
0x34: {  	s0 =	sld [smem:$0x7FD];
	_ =	sdelay $0x1  }
0x35: {  	s11 =	simm.s32 @!p0 $0x7;
	[sflag:s12] =	ssyncset.done $0x0  }
0x36: {  	[sflag:s12] =	ssyncadd.s32 $0xFFFFD900;
	s9 =	sshrl.u32 @!p0 s0, $0x3;
	s0 =	rddreg [dreg:$0xb]  }
0x37: {  	[spmem:s9], [sflag:s8] =	dma.local @!p0 [hbm:s0], $0x100  }
0x38: {  	_ =	swait.ge @!p0 [sflag:s11], $0x100  }
0x39: {  	[sflag:s11] =	ssyncset.done @!p0 $0x0  }
0x3a: {  	[sflag:s11] =	ssyncadd.s32 @!p0 $0xFFFFFF00  }
0x3b: {  	[bflag:$0x0] =	sbarrier.arrive $0xFFFF  }
0x3c: {  	s11 =	rddreg [dreg:$0x1f]  }
0x3d: {  	s31 =	sld [smem:$0x7F8]  }
0x3e: {  	[tilespmem:s2], [sflag:$0x1] =	stream.linear.gather [hbm4b:s11+s2], $0x80, $0x38;
	[tilespmem:$0x1C580] =	vst v63  }
0x3f: {  	_ = 	snop  }
0x40: {  	[tilespmem:s13], [sflag:$0x1] =	stream.linear.gather [hbm4b:s31+s2], $0x80, $0x38;
	[tilespmem:$0x1C580] =	vst v63  }
0x41: {  	s11 =	rddreg [dreg:$0xc]  }
0x42: {  	[tilespmem:s14], [sflag:$0x2] =	stream.linear.gather [hbm4b:s11+s2], $0x80, $0x38;
	[tilespmem:$0x1C580] =	vst v63  }
0x43: {  	s31 =	rddreg [dreg:$0xd]  }
0x44: {  	[tilespmem:s15], [sflag:$0x2] =	stream.linear.gather [hbm4b:s31+s2], $0x80, $0x38;
	[tilespmem:$0x1C580] =	vst v63  }
0x45: {  	s11 =	rddreg [dreg:$0xe]  }
0x46: {  	[tilespmem:s16], [sflag:$0x3] =	stream.linear.gather [hbm4b:s11+s2], $0x80, $0x38;
	[tilespmem:$0x1C580] =	vst v63  }
0x47: {  	s31 =	rddreg [dreg:$0xf]  }
0x48: {  	[tilespmem:s17], [sflag:$0x3] =	stream.linear.gather [hbm4b:s31+s2], $0x80, $0x38;
	[tilespmem:$0x1C580] =	vst v63  }
0x49: {  	s11 =	rddreg [dreg:$0x10]  }
0x4a: {  	[tilespmem:s18], [sflag:$0x4] =	stream.linear.gather [hbm4b:s11+s2], $0x80, $0x38;
	[tilespmem:$0x1C580] =	vst v63  }
0x4b: {  	s31 =	rddreg [dreg:$0x11]  }
0x4c: {  	[tilespmem:s19], [sflag:$0x4] =	stream.linear.gather [hbm4b:s31+s2], $0x80, $0x38;
	[tilespmem:$0x1C580] =	vst v63  }
0x4d: {  	_ =	swait.ge [sflag:s20], $0x80  }
0x4e: {  	[sflag:s20] =	ssyncset.done $0x0  }
0x4f: {  	[sflag:s20] =	ssyncadd.s32 $0xFFFFFF80  }
0x50: {  	_ =	swait.ge [sflag:s20], $0x80  }
0x51: {  	[sflag:s20] =	ssyncset.done $0x0  }
0x52: {  	[sflag:s20] =	ssyncadd.s32 $0xFFFFFF80  }
0x53: {  	[tilespmem:s21], [sflag:$0x5] =	stream.indirect.gather [hbm4b:s3+s14], $0x80, s2, s14, $0xb8;
	[tilespmem:$0x1C580] =	vst v63  }
0x54: {  	_ =	swait.ge [sflag:s22], $0x80  }
0x55: {  	[sflag:s22] =	ssyncset.done $0x0  }
0x56: {  	[sflag:s22] =	ssyncadd.s32 $0xFFFFFF80  }
0x57: {  	_ =	swait.ge [sflag:s22], $0x80  }
0x58: {  	[sflag:s22] =	ssyncset.done $0x0  }
0x59: {  	[sflag:s22] =	ssyncadd.s32 $0xFFFFFF80  }
0x5a: {  	[tilespmem:s23], [sflag:$0x6] =	stream.indirect.gather [hbm4b:s3+s14], $0x80, s14, s14, $0xb8;
	[tilespmem:$0x1C580] =	vst v63  }
0x5b: {  	_ =	swait.ge [sflag:s24], $0x4000  }
0x5c: {  	[sflag:s24] =	ssyncset.done $0x0  }
0x5d: {  	[sflag:s24] =	ssyncadd.s32 $0xFFFFC000  }
0x5e: {  	[spmem:s1] =	stream.indirect.scatter.add.f32 [tilespmem:s21], [sflag:$0x7], $0x80, s13, s14, $0xb8;
	[tilespmem:$0x1C580] =	vst v63  }
0x5f: {  	_ =	swait.ge [sflag:s12], $0x4000  }
0x60: {  	s0 =	sshrl.u32 s10, $0x3;
	[sflag:s12] =	ssyncset.done $0x0  }
0x61: {  	s29 =	sadd.s32 s4, s0;
	[sflag:s12] =	ssyncadd.s32 $0xFFFFC000  }
0x62: {  	[tilespmem:s2], [sflag:$0x1] =	stream.linear.gather [hbm4b:s29+s2], $0x80, $0x38;
	[tilespmem:$0x1C580] =	vst v63  }
0x63: {  	s11 =	sadd.s32 s5, s0  }
0x64: {  	[tilespmem:s13], [sflag:$0x1] =	stream.linear.gather [hbm4b:s11+s2], $0x80, $0x38;
	[tilespmem:$0x1C580] =	vst v63  }
0x65: {  	_ =	swait.ge [sflag:s25], $0x80  }
0x66: {  	[sflag:s25] =	ssyncset.done $0x0  }
0x67: {  	[sflag:s25] =	ssyncadd.s32 $0xFFFFFF80  }
0x68: {  	_ =	swait.ge [sflag:s25], $0x80  }
0x69: {  	[sflag:s25] =	ssyncset.done $0x0  }
0x6a: {  	[sflag:s25] =	ssyncadd.s32 $0xFFFFFF80  }
0x6b: {  	[tilespmem:s21], [sflag:$0x5] =	stream.indirect.gather [hbm4b:s3+s14], $0x80, s16, s14, $0xb8;
	[tilespmem:$0x1C580] =	vst v63  }
0x6c: {  	_ =	swait.ge [sflag:s26], $0x4000  }
0x6d: {  	[sflag:s26] =	ssyncset.done $0x0  }
0x6e: {  	[sflag:s26] =	ssyncadd.s32 $0xFFFFC000  }
0x6f: {  	[spmem:s1] =	stream.indirect.scatter.add.f32 [tilespmem:s23], [sflag:$0x7], $0x80, s15, s14, $0xb8;
	[tilespmem:$0x1C580] =	vst v63  }
0x70: {  	_ =	swait.ge [sflag:s12], $0x4000  }
0x71: {  	s31 =	rddreg [dreg:$0x8];
	[sflag:s12] =	ssyncset.done $0x0  }
0x72: {  	s29 =	rddreg [dreg:$0x7];
	[sflag:s12] =	ssyncadd.s32 $0xFFFFC000;
	s11 =	sadd.s32 $0x0, s31  }
0x73: {  	[tilespmem:s14], [sflag:$0x2] =	stream.linear.gather [hbm4b:s11+s2], $0x80, $0x38;
	[tilespmem:$0x1C580] =	vst v63  }
0x74: {  	s0 =	sadd.s32 $0x0, s29  }
0x75: {  	[tilespmem:s15], [sflag:$0x2] =	stream.linear.gather [hbm4b:s0+s2], $0x80, $0x38;
	[tilespmem:$0x1C580] =	vst v63  }
0x76: {  	_ =	swait.ge [sflag:s28], $0x80  }
0x77: {  	[sflag:s28] =	ssyncset.done $0x0  }
0x78: {  	[sflag:s28] =	ssyncadd.s32 $0xFFFFFF80  }
0x79: {  	_ =	swait.ge [sflag:s28], $0x80  }
0x7a: {  	[sflag:s28] =	ssyncset.done $0x0  }
0x7b: {  	[sflag:s28] =	ssyncadd.s32 $0xFFFFFF80  }
0x7c: {  	[tilespmem:s23], [sflag:$0x6] =	stream.indirect.gather [hbm4b:s3+s14], $0x80, s18, s14, $0xb8;
	[tilespmem:$0x1C580] =	vst v63  }
0x7d: {  	_ =	swait.ge [sflag:s24], $0x4000  }
0x7e: {  	[sflag:s24] =	ssyncset.done $0x0  }
0x7f: {  	[sflag:s24] =	ssyncadd.s32 $0xFFFFC000  }
0x80: {  	[spmem:s1] =	stream.indirect.scatter.add.f32 [tilespmem:s21], [sflag:$0x7], $0x80, s17, s14, $0xb8;
	[tilespmem:$0x1C580] =	vst v63  }
0x81: {  	_ =	swait.ge [sflag:s12], $0x4000  }
0x82: {  	s31 =	rddreg [dreg:$0x6];
	[sflag:s12] =	ssyncset.done $0x0  }
0x83: {  	s29 =	rddreg [dreg:$0x5];
	[sflag:s12] =	ssyncadd.s32 $0xFFFFC000;
	s11 =	sadd.s32 $0x0, s31  }
0x84: {  	[tilespmem:s16], [sflag:$0x3] =	stream.linear.gather [hbm4b:s11+s2], $0x80, $0x38;
	[tilespmem:$0x1C580] =	vst v63  }
0x85: {  	s0 =	sadd.s32 $0x0, s29  }
0x86: {  	[tilespmem:s17], [sflag:$0x3] =	stream.linear.gather [hbm4b:s0+s2], $0x80, $0x38;
	[tilespmem:$0x1C580] =	vst v63  }
0x87: {  	_ =	swait.ge [sflag:s20], $0x80  }
0x88: {  	[sflag:s20] =	ssyncset.done $0x0  }
0x89: {  	[sflag:s20] =	ssyncadd.s32 $0xFFFFFF80  }
0x8a: {  	_ =	swait.ge [sflag:s20], $0x80  }
0x8b: {  	[sflag:s20] =	ssyncset.done $0x0  }
0x8c: {  	[sflag:s20] =	ssyncadd.s32 $0xFFFFFF80  }
0x8d: {  	[tilespmem:s21], [sflag:$0x5] =	stream.indirect.gather [hbm4b:s3+s14], $0x80, s2, s14, $0xb8;
	[tilespmem:$0x1C580] =	vst v63  }
0x8e: {  	_ =	swait.ge [sflag:s26], $0x4000  }
0x8f: {  	[sflag:s26] =	ssyncset.done $0x0  }
0x90: {  	[sflag:s26] =	ssyncadd.s32 $0xFFFFC000  }
0x91: {  	[spmem:s1] =	stream.indirect.scatter.add.f32 [tilespmem:s23], [sflag:$0x7], $0x80, s19, s14, $0xb8;
	[tilespmem:$0x1C580] =	vst v63  }
0x92: {  	_ =	swait.ge [sflag:s12], $0x4000  }
0x93: {  	s31 =	rddreg [dreg:$0x4];
	[sflag:s12] =	ssyncset.done $0x0  }
0x94: {  	s29 =	rddreg [dreg:$0x3];
	[sflag:s12] =	ssyncadd.s32 $0xFFFFC000;
	s11 =	sadd.s32 $0x0, s31  }
0x95: {  	[tilespmem:s18], [sflag:$0x4] =	stream.linear.gather [hbm4b:s11+s2], $0x80, $0x38;
	[tilespmem:$0x1C580] =	vst v63  }
0x96: {  	s30 =	sadd.s32 $0x0, s29;
	s29 =	sadd.s32 $0x200, s10;
	s11 =	simm.s32 $0x40  }
.LBB2_2:
0x97: {  	[tilespmem:s19], [sflag:$0x4] =	stream.linear.gather [hbm4b:s30+s2], $0x80, $0x38;
	[tilespmem:$0x1C580] =	vst v63  }
0x98: {  	_ =	swait.ge [sflag:s22], $0x80  }
0x99: {  	[sflag:s22] =	ssyncset.done $0x0  }
0x9a: {  	[sflag:s22] =	ssyncadd.s32 $0xFFFFFF80  }
0x9b: {  	_ =	swait.ge [sflag:s22], $0x80  }
0x9c: {  	[sflag:s22] =	ssyncset.done $0x0  }
0x9d: {  	[sflag:s22] =	ssyncadd.s32 $0xFFFFFF80  }
0x9e: {  	[tilespmem:s23], [sflag:$0x6] =	stream.indirect.gather [hbm4b:s3+s14], $0x80, s14, s14, $0xb8;
	[tilespmem:$0x1C580] =	vst v63  }
0x9f: {  	_ =	swait.ge [sflag:s24], $0x4000  }
0xa0: {  	[sflag:s24] =	ssyncset.done $0x0  }
0xa1: {  	[sflag:s24] =	ssyncadd.s32 $0xFFFFC000  }
0xa2: {  	[spmem:s1] =	stream.indirect.scatter.add.f32 [tilespmem:s21], [sflag:$0x7], $0x80, s13, s14, $0xb8;
	[tilespmem:$0x1C580] =	vst v63  }
0xa3: {  	_ =	swait.ge [sflag:s12], $0x4000  }
0xa4: {  	s31 =	sshrl.u32 s29, $0x3;
	[sflag:s12] =	ssyncset.done $0x0  }
0xa5: {  	s0 =	sadd.s32 s4, s31;
	[sflag:s12] =	ssyncadd.s32 $0xFFFFC000  }
0xa6: {  	[tilespmem:s2], [sflag:$0x1] =	stream.linear.gather [hbm4b:s0+s2], $0x80, $0x38;
	[tilespmem:$0x1C580] =	vst v63  }
0xa7: {  	s31 =	sadd.s32 s5, s31  }
0xa8: {  	[tilespmem:s13], [sflag:$0x1] =	stream.linear.gather [hbm4b:s31+s2], $0x80, $0x38;
	[tilespmem:$0x1C580] =	vst v63  }
0xa9: {  	_ =	swait.ge [sflag:s25], $0x80  }
0xaa: {  	[sflag:s25] =	ssyncset.done $0x0  }
0xab: {  	[sflag:s25] =	ssyncadd.s32 $0xFFFFFF80  }
0xac: {  	_ =	swait.ge [sflag:s25], $0x80  }
0xad: {  	[sflag:s25] =	ssyncset.done $0x0  }
0xae: {  	[sflag:s25] =	ssyncadd.s32 $0xFFFFFF80  }
0xaf: {  	[tilespmem:s21], [sflag:$0x5] =	stream.indirect.gather [hbm4b:s3+s14], $0x80, s16, s14, $0xb8;
	[tilespmem:$0x1C580] =	vst v63  }
0xb0: {  	_ =	swait.ge [sflag:s26], $0x4000  }
0xb1: {  	[sflag:s26] =	ssyncset.done $0x0  }
0xb2: {  	[sflag:s26] =	ssyncadd.s32 $0xFFFFC000  }
0xb3: {  	[spmem:s1] =	stream.indirect.scatter.add.f32 [tilespmem:s23], [sflag:$0x7], $0x80, s15, s14, $0xb8;
	[tilespmem:$0x1C580] =	vst v63  }
0xb4: {  	_ =	swait.ge [sflag:s12], $0x4000  }
0xb5: {  	s30 =	smov.u32 s11;
	s0 =	rddreg [dreg:$0x8];
	[sflag:s12] =	ssyncset.done $0x0  }
0xb6: {  	s31 =	rddreg [dreg:$0x7];
	[sflag:s12] =	ssyncadd.s32 $0xFFFFC000;
	s0 =	sadd.s32 s30, s0  }
0xb7: {  	[tilespmem:s14], [sflag:$0x2] =	stream.linear.gather [hbm4b:s0+s2], $0x80, $0x38;
	[tilespmem:$0x1C580] =	vst v63  }
0xb8: {  	s31 =	sadd.s32 s30, s31  }
0xb9: {  	[tilespmem:s15], [sflag:$0x2] =	stream.linear.gather [hbm4b:s31+s2], $0x80, $0x38;
	[tilespmem:$0x1C580] =	vst v63  }
0xba: {  	_ =	swait.ge [sflag:s28], $0x80  }
0xbb: {  	[sflag:s28] =	ssyncset.done $0x0  }
0xbc: {  	[sflag:s28] =	ssyncadd.s32 $0xFFFFFF80  }
0xbd: {  	_ =	swait.ge [sflag:s28], $0x80  }
0xbe: {  	[sflag:s28] =	ssyncset.done $0x0  }
0xbf: {  	[sflag:s28] =	ssyncadd.s32 $0xFFFFFF80  }
0xc0: {  	[tilespmem:s23], [sflag:$0x6] =	stream.indirect.gather [hbm4b:s3+s14], $0x80, s18, s14, $0xb8;
	[tilespmem:$0x1C580] =	vst v63  }
0xc1: {  	_ =	swait.ge [sflag:s24], $0x4000  }
0xc2: {  	[sflag:s24] =	ssyncset.done $0x0  }
0xc3: {  	[sflag:s24] =	ssyncadd.s32 $0xFFFFC000  }
0xc4: {  	[spmem:s1] =	stream.indirect.scatter.add.f32 [tilespmem:s21], [sflag:$0x7], $0x80, s17, s14, $0xb8;
	[tilespmem:$0x1C580] =	vst v63  }
0xc5: {  	_ =	swait.ge [sflag:s12], $0x4000  }
0xc6: {  	s0 =	rddreg [dreg:$0x6];
	[sflag:s12] =	ssyncset.done $0x0  }
0xc7: {  	s31 =	rddreg [dreg:$0x5];
	[sflag:s12] =	ssyncadd.s32 $0xFFFFC000;
	s0 =	sadd.s32 s30, s0  }
0xc8: {  	[tilespmem:s16], [sflag:$0x3] =	stream.linear.gather [hbm4b:s0+s2], $0x80, $0x38;
	[tilespmem:$0x1C580] =	vst v63  }
0xc9: {  	s31 =	sadd.s32 s30, s31  }
0xca: {  	[tilespmem:s17], [sflag:$0x3] =	stream.linear.gather [hbm4b:s31+s2], $0x80, $0x38;
	[tilespmem:$0x1C580] =	vst v63  }
0xcb: {  	_ =	swait.ge [sflag:s20], $0x80  }
0xcc: {  	[sflag:s20] =	ssyncset.done $0x0  }
0xcd: {  	[sflag:s20] =	ssyncadd.s32 $0xFFFFFF80  }
0xce: {  	_ =	swait.ge [sflag:s20], $0x80  }
0xcf: {  	[sflag:s20] =	ssyncset.done $0x0  }
0xd0: {  	[sflag:s20] =	ssyncadd.s32 $0xFFFFFF80  }
0xd1: {  	[tilespmem:s21], [sflag:$0x5] =	stream.indirect.gather [hbm4b:s3+s14], $0x80, s2, s14, $0xb8;
	[tilespmem:$0x1C580] =	vst v63  }
0xd2: {  	_ =	swait.ge [sflag:s26], $0x4000  }
0xd3: {  	[sflag:s26] =	ssyncset.done $0x0  }
0xd4: {  	p1 =	sne.s32 s11, $0x400;
	[sflag:s26] =	ssyncadd.s32 $0xFFFFC000  }
0xd5: {  	[spmem:s1] =	stream.indirect.scatter.add.f32 [tilespmem:s23], [sflag:$0x7], $0x80, s19, s14, $0xb8;
	[tilespmem:$0x1C580] =	vst v63  }
.Ltmp0:
0xd6: {  	_ =	swait.ge [sflag:s12], $0x4000;
	(pc) =	sbr.rel @p1 .LBB2_2-.Ltmp0, $4  }
0xd7: {  	s11 =	sadd.s32 $0x40, s11;
	s0 =	rddreg [dreg:$0x4]  }
0xd8: {  	s29 =	sadd.s32 $0x200, s29;
	s31 =	rddreg [dreg:$0x3];
	[sflag:s12] =	ssyncset.done $0x0  }
0xd9: {  	[sflag:s12] =	ssyncadd.s32 $0xFFFFC000;
	s0 =	sadd.s32 s30, s0;
	s30 =	sadd.s32 s30, s31  }
0xda: {  	[tilespmem:s18], [sflag:$0x4] =	stream.linear.gather [hbm4b:s0+s2], $0x80, $0x38;
	[tilespmem:$0x1C580] =	vst v63  }
0xdb: {  	[tilespmem:s19], [sflag:$0x4] =	stream.linear.gather [hbm4b:s30+s2], $0x80, $0x38;
	[tilespmem:$0x1C580] =	vst v63  }
0xdc: {  	_ =	swait.ge [sflag:s22], $0x80  }
0xdd: {  	[sflag:s22] =	ssyncset.done $0x0  }
0xde: {  	[sflag:s22] =	ssyncadd.s32 $0xFFFFFF80  }
0xdf: {  	_ =	swait.ge [sflag:s22], $0x80  }
0xe0: {  	[sflag:s22] =	ssyncset.done $0x0  }
0xe1: {  	[sflag:s22] =	ssyncadd.s32 $0xFFFFFF80  }
0xe2: {  	[tilespmem:s23], [sflag:$0x6] =	stream.indirect.gather [hbm4b:s3+s14], $0x80, s14, s14, $0xb8;
	[tilespmem:$0x1C580] =	vst v63  }
0xe3: {  	_ =	swait.ge [sflag:s24], $0x4000  }
0xe4: {  	[sflag:s24] =	ssyncset.done $0x0  }
0xe5: {  	[sflag:s24] =	ssyncadd.s32 $0xFFFFC000  }
0xe6: {  	[spmem:s1] =	stream.indirect.scatter.add.f32 [tilespmem:s21], [sflag:$0x7], $0x80, s13, s14, $0xb8;
	[tilespmem:$0x1C580] =	vst v63  }
0xe7: {  	_ =	swait.ge [sflag:s12], $0x4000  }
0xe8: {  	[sflag:s12] =	ssyncset.done $0x0  }
0xe9: {  	s0 =	rddreg [dreg:$0x12];
	[sflag:s12] =	ssyncadd.s32 $0xFFFFC000  }
0xea: {  	[tilespmem:s2], [sflag:$0x1] =	stream.linear.gather [hbm4b:s0+s2], $0x80, $0x38;
	[tilespmem:$0x1C580] =	vst v63  }
0xeb: {  	s30 =	rddreg [dreg:$0x13]  }
0xec: {  	[tilespmem:s13], [sflag:$0x1] =	stream.linear.gather [hbm4b:s30+s2], $0x80, $0x38;
	[tilespmem:$0x1C580] =	vst v63  }
0xed: {  	_ =	swait.ge [sflag:s25], $0x80  }
0xee: {  	[sflag:s25] =	ssyncset.done $0x0  }
0xef: {  	[sflag:s25] =	ssyncadd.s32 $0xFFFFFF80  }
0xf0: {  	_ =	swait.ge [sflag:s25], $0x80  }
0xf1: {  	[sflag:s25] =	ssyncset.done $0x0  }
0xf2: {  	[sflag:s25] =	ssyncadd.s32 $0xFFFFFF80  }
0xf3: {  	[tilespmem:s21], [sflag:$0x5] =	stream.indirect.gather [hbm4b:s3+s14], $0x80, s16, s14, $0xb8;
	[tilespmem:$0x1C580] =	vst v63  }
0xf4: {  	_ =	swait.ge [sflag:s26], $0x4000  }
0xf5: {  	[sflag:s26] =	ssyncset.done $0x0  }
0xf6: {  	[sflag:s26] =	ssyncadd.s32 $0xFFFFC000  }
0xf7: {  	[spmem:s1] =	stream.indirect.scatter.add.f32 [tilespmem:s23], [sflag:$0x7], $0x80, s15, s14, $0xb8;
	[tilespmem:$0x1C580] =	vst v63  }
0xf8: {  	_ =	swait.ge [sflag:s12], $0x4000  }
0xf9: {  	[sflag:s12] =	ssyncset.done $0x0  }
0xfa: {  	s31 =	rddreg [dreg:$0x15];
	[sflag:s12] =	ssyncadd.s32 $0xFFFFC000  }
0xfb: {  	[tilespmem:s14], [sflag:$0x2] =	stream.linear.gather [hbm4b:s31+s2], $0x80, $0x38;
	[tilespmem:$0x1C580] =	vst v63  }
0xfc: {  	s11 =	rddreg [dreg:$0x16]  }
0xfd: {  	[tilespmem:s15], [sflag:$0x2] =	stream.linear.gather [hbm4b:s11+s2], $0x80, $0x38;
	[tilespmem:$0x1C580] =	vst v63  }
0xfe: {  	_ =	swait.ge [sflag:s28], $0x80  }
0xff: {  	[sflag:s28] =	ssyncset.done $0x0  }
0x100: {  	[sflag:s28] =	ssyncadd.s32 $0xFFFFFF80  }
0x101: {  	_ =	swait.ge [sflag:s28], $0x80  }
0x102: {  	[sflag:s28] =	ssyncset.done $0x0  }
0x103: {  	[sflag:s28] =	ssyncadd.s32 $0xFFFFFF80  }
0x104: {  	[tilespmem:s23], [sflag:$0x6] =	stream.indirect.gather [hbm4b:s3+s14], $0x80, s18, s14, $0xb8;
	[tilespmem:$0x1C580] =	vst v63  }
0x105: {  	_ =	swait.ge [sflag:s24], $0x4000  }
0x106: {  	[sflag:s24] =	ssyncset.done $0x0  }
0x107: {  	[sflag:s24] =	ssyncadd.s32 $0xFFFFC000  }
0x108: {  	[spmem:s1] =	stream.indirect.scatter.add.f32 [tilespmem:s21], [sflag:$0x7], $0x80, s17, s14, $0xb8;
	[tilespmem:$0x1C580] =	vst v63  }
0x109: {  	_ =	swait.ge [sflag:s12], $0x4000  }
0x10a: {  	[sflag:s12] =	ssyncset.done $0x0  }
0x10b: {  	s29 =	rddreg [dreg:$0x17];
	[sflag:s12] =	ssyncadd.s32 $0xFFFFC000  }
0x10c: {  	[tilespmem:s16], [sflag:$0x3] =	stream.linear.gather [hbm4b:s29+s2], $0x80, $0x38;
	[tilespmem:$0x1C580] =	vst v63  }
0x10d: {  	s30 =	rddreg [dreg:$0x18]  }
0x10e: {  	[tilespmem:s17], [sflag:$0x3] =	stream.linear.gather [hbm4b:s30+s2], $0x80, $0x38;
	[tilespmem:$0x1C580] =	vst v63  }
0x10f: {  	_ =	swait.ge [sflag:s20], $0x80  }
0x110: {  	[sflag:s20] =	ssyncset.done $0x0  }
0x111: {  	[sflag:s20] =	ssyncadd.s32 $0xFFFFFF80  }
0x112: {  	_ =	swait.ge [sflag:s20], $0x80  }
0x113: {  	[sflag:s20] =	ssyncset.done $0x0  }
0x114: {  	[sflag:s20] =	ssyncadd.s32 $0xFFFFFF80  }
0x115: {  	[tilespmem:s21], [sflag:$0x5] =	stream.indirect.gather [hbm4b:s3+s14], $0x80, s2, s14, $0xb8;
	[tilespmem:$0x1C580] =	vst v63  }
0x116: {  	_ =	swait.ge [sflag:s26], $0x4000  }
0x117: {  	[sflag:s26] =	ssyncset.done $0x0  }
0x118: {  	[sflag:s26] =	ssyncadd.s32 $0xFFFFC000  }
0x119: {  	[spmem:s1] =	stream.indirect.scatter.add.f32 [tilespmem:s23], [sflag:$0x7], $0x80, s19, s14, $0xb8;
	[tilespmem:$0x1C580] =	vst v63  }
0x11a: {  	_ =	swait.ge [sflag:s12], $0x4000  }
0x11b: {  	[sflag:s12] =	ssyncset.done $0x0  }
0x11c: {  	s31 =	rddreg [dreg:$0x19];
	[sflag:s12] =	ssyncadd.s32 $0xFFFFC000  }
0x11d: {  	[tilespmem:s18], [sflag:$0x4] =	stream.linear.gather [hbm4b:s31+s2], $0x80, $0x38;
	[tilespmem:$0x1C580] =	vst v63  }
0x11e: {  	s11 =	rddreg [dreg:$0x1a]  }
0x11f: {  	[tilespmem:s19], [sflag:$0x4] =	stream.linear.gather [hbm4b:s11+s2], $0x80, $0x38;
	[tilespmem:$0x1C580] =	vst v63  }
0x120: {  	_ =	swait.ge [sflag:s22], $0x80  }
0x121: {  	[sflag:s22] =	ssyncset.done $0x0  }
0x122: {  	[sflag:s22] =	ssyncadd.s32 $0xFFFFFF80  }
0x123: {  	_ =	swait.ge [sflag:s22], $0x80  }
0x124: {  	[sflag:s22] =	ssyncset.done $0x0  }
0x125: {  	[sflag:s22] =	ssyncadd.s32 $0xFFFFFF80  }
0x126: {  	[tilespmem:s23], [sflag:$0x6] =	stream.indirect.gather [hbm4b:s3+s14], $0x80, s14, s14, $0xb8;
	[tilespmem:$0x1C580] =	vst v63  }
0x127: {  	_ =	swait.ge [sflag:s24], $0x4000  }
0x128: {  	[sflag:s24] =	ssyncset.done $0x0  }
0x129: {  	[sflag:s24] =	ssyncadd.s32 $0xFFFFC000  }
0x12a: {  	[spmem:s1] =	stream.indirect.scatter.add.f32 [tilespmem:s21], [sflag:$0x7], $0x80, s13, s14, $0xb8;
	[tilespmem:$0x1C580] =	vst v63  }
0x12b: {  	_ =	swait.ge [sflag:s12], $0x4000  }
0x12c: {  	[sflag:s12] =	ssyncset.done $0x0  }
0x12d: {  	s29 =	rddreg [dreg:$0x1b];
	[sflag:s12] =	ssyncadd.s32 $0xFFFFC000  }
0x12e: {  	[tilespmem:s2], [sflag:$0x1] =	stream.linear.gather [hbm4b:s29+s2], $0x80, $0x38;
	[tilespmem:$0x1C580] =	vst v63  }
0x12f: {  	s30 =	rddreg [dreg:$0x1c]  }
0x130: {  	[tilespmem:s13], [sflag:$0x1] =	stream.linear.gather [hbm4b:s30+s2], $0x80, $0x38;
	[tilespmem:$0x1C580] =	vst v63  }
0x131: {  	_ =	swait.ge [sflag:s25], $0x80  }
0x132: {  	[sflag:s25] =	ssyncset.done $0x0  }
0x133: {  	[sflag:s25] =	ssyncadd.s32 $0xFFFFFF80  }
0x134: {  	_ =	swait.ge [sflag:s25], $0x80  }
0x135: {  	[sflag:s25] =	ssyncset.done $0x0  }
0x136: {  	[sflag:s25] =	ssyncadd.s32 $0xFFFFFF80  }
0x137: {  	[tilespmem:s21], [sflag:$0x5] =	stream.indirect.gather [hbm4b:s3+s14], $0x80, s16, s14, $0xb8;
	[tilespmem:$0x1C580] =	vst v63  }
0x138: {  	_ =	swait.ge [sflag:s26], $0x4000  }
0x139: {  	[sflag:s26] =	ssyncset.done $0x0  }
0x13a: {  	[sflag:s26] =	ssyncadd.s32 $0xFFFFC000  }
0x13b: {  	[spmem:s1] =	stream.indirect.scatter.add.f32 [tilespmem:s23], [sflag:$0x7], $0x80, s15, s14, $0xb8;
	[tilespmem:$0x1C580] =	vst v63  }
0x13c: {  	_ =	swait.ge [sflag:s12], $0x4000  }
0x13d: {  	[sflag:s12] =	ssyncset.done $0x0  }
0x13e: {  	s31 =	rddreg [dreg:$0x1d];
	[sflag:s12] =	ssyncadd.s32 $0xFFFFC000  }
0x13f: {  	[tilespmem:s14], [sflag:$0x2] =	stream.linear.gather [hbm4b:s31+s2], $0x80, $0x38;
	[tilespmem:$0x1C580] =	vst v63  }
0x140: {  	s11 =	rddreg [dreg:$0x1e]  }
0x141: {  	[tilespmem:s15], [sflag:$0x2] =	stream.linear.gather [hbm4b:s11+s2], $0x80, $0x38;
	[tilespmem:$0x1C580] =	vst v63  }
0x142: {  	_ =	swait.ge [sflag:s28], $0x80  }
0x143: {  	[sflag:s28] =	ssyncset.done $0x0  }
0x144: {  	[sflag:s28] =	ssyncadd.s32 $0xFFFFFF80  }
0x145: {  	_ =	swait.ge [sflag:s28], $0x80  }
0x146: {  	[sflag:s28] =	ssyncset.done $0x0  }
0x147: {  	[sflag:s28] =	ssyncadd.s32 $0xFFFFFF80  }
0x148: {  	[tilespmem:s23], [sflag:$0x6] =	stream.indirect.gather [hbm4b:s3+s14], $0x80, s18, s14, $0xb8;
	[tilespmem:$0x1C580] =	vst v63  }
0x149: {  	_ =	swait.ge [sflag:s24], $0x4000  }
0x14a: {  	[sflag:s24] =	ssyncset.done $0x0  }
0x14b: {  	[sflag:s24] =	ssyncadd.s32 $0xFFFFC000  }
0x14c: {  	[spmem:s1] =	stream.indirect.scatter.add.f32 [tilespmem:s21], [sflag:$0x7], $0x80, s17, s14, $0xb8;
	[tilespmem:$0x1C580] =	vst v63  }
0x14d: {  	_ =	swait.ge [sflag:s12], $0x4000  }
0x14e: {  	[sflag:s12] =	ssyncset.done $0x0  }
0x14f: {  	[sflag:s12] =	ssyncadd.s32 $0xFFFFC000  }
0x150: {  	_ =	swait.ge [sflag:s20], $0x80  }
0x151: {  	[sflag:s20] =	ssyncset.done $0x0  }
0x152: {  	[sflag:s20] =	ssyncadd.s32 $0xFFFFFF80  }
0x153: {  	_ =	swait.ge [sflag:s20], $0x80  }
0x154: {  	[sflag:s20] =	ssyncset.done $0x0  }
0x155: {  	[sflag:s20] =	ssyncadd.s32 $0xFFFFFF80  }
0x156: {  	[tilespmem:s21], [sflag:$0x5] =	stream.indirect.gather [hbm4b:s3+s14], $0x80, s2, s14, $0xb8;
	[tilespmem:$0x1C580] =	vst v63  }
0x157: {  	_ =	swait.ge [sflag:s26], $0x4000  }
0x158: {  	[sflag:s26] =	ssyncset.done $0x0  }
0x159: {  	[sflag:s26] =	ssyncadd.s32 $0xFFFFC000  }
0x15a: {  	[spmem:s1] =	stream.indirect.scatter.add.f32 [tilespmem:s23], [sflag:$0x7], $0x80, s19, s14, $0xb8;
	[tilespmem:$0x1C580] =	vst v63  }
0x15b: {  	_ =	swait.ge [sflag:s12], $0x4000  }
0x15c: {  	[sflag:s12] =	ssyncset.done $0x0  }
0x15d: {  	[sflag:s12] =	ssyncadd.s32 $0xFFFFC000  }
0x15e: {  	_ =	swait.ge [sflag:s22], $0x80  }
0x15f: {  	[sflag:s22] =	ssyncset.done $0x0  }
0x160: {  	[sflag:s22] =	ssyncadd.s32 $0xFFFFFF80  }
0x161: {  	_ =	swait.ge [sflag:s22], $0x80  }
0x162: {  	[sflag:s22] =	ssyncset.done $0x0  }
0x163: {  	[sflag:s22] =	ssyncadd.s32 $0xFFFFFF80  }
0x164: {  	[tilespmem:s23], [sflag:$0x6] =	stream.indirect.gather [hbm4b:s3+s14], $0x80, s14, s14, $0xb8;
	[tilespmem:$0x1C580] =	vst v63  }
0x165: {  	_ =	swait.ge [sflag:s24], $0x4000  }
0x166: {  	[sflag:s24] =	ssyncset.done $0x0  }
0x167: {  	[sflag:s24] =	ssyncadd.s32 $0xFFFFC000  }
0x168: {  	[spmem:s1] =	stream.indirect.scatter.add.f32 [tilespmem:s21], [sflag:$0x7], $0x80, s13, s14, $0xb8;
	[tilespmem:$0x1C580] =	vst v63  }
0x169: {  	_ =	swait.ge [sflag:s12], $0x4000  }
0x16a: {  	[sflag:s12] =	ssyncset.done $0x0  }
0x16b: {  	[sflag:s12] =	ssyncadd.s32 $0xFFFFC000  }
0x16c: {  	_ =	swait.ge [sflag:s26], $0x4000  }
0x16d: {  	[sflag:s26] =	ssyncset.done $0x0  }
0x16e: {  	[sflag:s26] =	ssyncadd.s32 $0xFFFFC000  }
0x16f: {  	[spmem:s1] =	stream.indirect.scatter.add.f32 [tilespmem:s23], [sflag:$0x7], $0x80, s15, s14, $0xb8;
	[tilespmem:$0x1C580] =	vst v63  }
0x170: {  	_ =	swait.ge [sflag:s12], $0x4000  }
0x171: {  	s29 =	sld [smem:$0x7F9]  }
0x172: {  	[sflag:s12] =	ssyncset.done $0x0  }
0x173: {  	s11 =	simm.s32 $0x8400;
	[sflag:s12] =	ssyncadd.s32 $0xFFFFC000  }
0x174: {  	[tilespmem:s11], [sflag:$0x7] =	stream.linear.gather [hbm4b:s29+s2], $0x10, $0x38;
	[tilespmem:$0x1C580] =	vst v63  }
0x175: {  	_ =	swait.ge [sflag:s12], $0x10  }
0x176: {  	s30 =	sld [smem:$0x7FA]  }
0x177: {  	[sflag:s12] =	ssyncset.done $0x0  }
0x178: {  	s29 =	simm.s32 $0x8480;
	[sflag:s12] =	ssyncadd.s32 $0xFFFFFFF0  }
0x179: {  	[tilespmem:s29], [sflag:$0x7] =	stream.linear.gather [hbm4b:s30+s2], $0x10, $0x38;
	[tilespmem:$0x1C580] =	vst v63  }
0x17a: {  	_ =	swait.ge [sflag:s12], $0x10  }
0x17b: {  	[sflag:s12] =	ssyncset.done $0x0  }
0x17c: {  	s0 =	simm.s32 $0x10;
	s31 =	simm.s32 $0x8500;
	[sflag:s12] =	ssyncadd.s32 $0xFFFFFFF0  }
0x17d: {  	[tilespmem:s31], [sflag:$0x7] =	stream.indirect.gather [hbm4b:s3+s0], $0x80, s11, s0, $0xb8;
	[tilespmem:$0x1C580] =	vst v63  }
0x17e: {  	_ =	swait.ge [sflag:s12], $0x800  }
0x17f: {  	[sflag:s12] =	ssyncset.done $0x0  }
0x180: {  	[sflag:s12] =	ssyncadd.s32 $0xFFFFF800  }
0x181: {  	[spmem:s1] =	stream.indirect.scatter.add.f32 [tilespmem:s31], [sflag:$0x7], $0x80, s29, s0, $0xb8;
	[tilespmem:$0x1C580] =	vst v63  }
0x182: {  	_ =	swait.ge [sflag:s12], $0x800  }
0x183: {  	[sflag:s12] =	ssyncset.done $0x0  }
0x184: {  	[sflag:s12] =	ssyncadd.s32 $0xFFFFF800  }
0x185: {  	[bflag:$0x0] =	sbarrier.arrive $0xFFFF  }
0x186: {  	s30 =	rddreg [dreg:$0x14]  }
0x187: {  	[hbm:s30], [sflag:s8] =	dma.local [spmem:s7], $0x2700  }
0x188: {  	_ =	swait.ge [sflag:s12], $0x2700  }
0x189: {  	s0 =	sld [smem:$0x7FB]  }
0x18a: {  	[sflag:s12] =	ssyncset.done $0x0  }
0x18b: {  	[sflag:s12] =	ssyncadd.s32 $0xFFFFD900  }
0x18c: {  	[hbm:s0], [sflag:s8] =	dma.local @!p0 [spmem:s9], $0x100  }
0x18d: {  	s0 =	simm.s32 @!p0 $0x7  }
0x18e: {  	_ =	swait.ge @!p0 [sflag:s0], $0x100  }
0x18f: {  	s31 =	sld [smem:$0x7FC];
	_ =	sdelay $0x1  }
0x190: {  	s6 =	sadd.s32 $0x1, s6  }
0x191: {  	p1 =	sne.s32 s6, s31  }
.Ltmp1:
0x192: {  	_ = 	snop;
	(pc) =	sbr.rel @p1 .LBB2_1-.Ltmp1, $3  }
0x193: {  	_ =	sdelay $0x1  }
0x194: {  	[sflag:s0] =	ssyncset.done @!p0 $0x0  }
0x195: {  	[sflag:s0] =	ssyncadd.s32 @!p0 $0xFFFFFF00  }
0x196: {  	_ =	sfence.sel $0x180000  }
0x197: {  	[bflag:$0x0] =	sbarrier.arrive $0xFFFF  }
0x198: {  	_ =	strace $0x9000004A  }
0x199: {  	[bflag:$0x2] =	sbarrier.arrive $0xFFFF  }
0x19a: {  	s0 =	rddreg [dreg:$0x2]  }
0x19b: {  	s0 =	sadd.s32 @!p0 $0x100000, s0  }
0x19c: {  	[sflag:s0] =	ssyncadd.tile.s32 @!p0 $0x1;
	_ =	shalt  }
.Lfunc_end2:
_tile_overlayer_lowered:
.L_overlay_start_2:
0x19d: {  	(tag) =	ssettag $0x2  }
0x19e: {  	s0 =	rddreg [dreg:$0x0];
	s2 =	stileid.u32  }
0x19f: {  	s1 =	rddreg [dreg:$0x1];
	p0 =	sne.s32 s2, $0x0  }
0x1a0: {  	s3 =	rddreg [dreg:$0x2];
	[bflag:$0x3] =	sbarrier.arrive $0xFFFF;
	s2 =	simm.s32 @!p0 $0x1C07  }
0x1a1: {  	[timem:s3], [sflag:s2] =	dma.local @!p0 [hbm:s0], s1  }
0x1a2: {  	s0 =	simm.s32 @!p0 $0x7  }
0x1a3: {  	_ =	swait.ge @!p0 [sflag:s0], s1  }
0x1a4: {  	s1 =	ssub.s32 @!p0 $0x0, s1;
	[sflag:s0] =	ssyncset.done @!p0 $0x0  }
0x1a5: {  	[sflag:s0] =	ssyncadd.s32 @!p0 s1  }
0x1a6: {  	[bflag:$0x3] =	sbarrier.arrive $0xFFFF  }
0x1a7: {  	_ =	shalt  }

// kernel: kernel.15.cloned.1.call-start
scs
__scs_entry_jumppad:
0x0: {  	(pc) =	sbr.rel $0x88, $3  }
0x1: {  	(tag) =	ssettag $0x0;
	lr =	simm.s32 $0x1  }
0x2: {  	[smem:$0x3F92] =	sst lr;
	_ =	strace $0xD0000000  }
0x3: {  	_ = 	snop  }
0x4: {  	_ = 	snop  }
0x5: {  	_ = 	snop  }
0x6: {  	_ = 	snop  }
0x7: {  	_ = 	snop  }
__scs_overlays_trampoline_lowered:
0x8: {  	[smem:$0x3FA1] =	sst s0  }
0x9: {  	[smem:$0x3FA2] =	sst s1  }
0xa: {  	[smem:$0x3FA3] =	sst s2  }
0xb: {  	[smem:$0x3FA4] =	sst s3  }
0xc: {  	[smem:$0x3FA5] =	sst s4  }
0xd: {  	[smem:$0x3FA6] =	sst s5  }
0xe: {  	[smem:$0x3FA7] =	sst s6  }
0xf: {  	[smem:$0x3FA8] =	sst s7  }
0x10: {  	[smem:$0x3FA9] =	sst s8  }
0x11: {  	[smem:$0x3FAA] =	sst s9;
	s0 =	simm.s32 @!p0 $0x0  }
0x12: {  	s1 =	sld [smem:$0x3F90];
	s0 =	simm.s32 @p0 $0x1  }
0x13: {  	[smem:$0x3FAB] =	sst s0;
	s0 =	simm.s32 @!p1 $0x0  }
0x14: {  	s2 =	sld [smem:$0x3F8F];
	s0 =	simm.s32 @p1 $0x1  }
0x15: {  	[smem:$0x3FAC] =	sst s0;
	s0 =	simm.s32 @!p2 $0x0  }
0x16: {  	s3 =	sld [smem:$0x3FDB];
	s0 =	simm.s32 @p2 $0x1  }
0x17: {  	s4 =	simm.s32 $0x1BF5;
	[smem:$0x3FAE] =	sst s0  }
0x18: {  	s0 =	sld [smem:$0x3F91];
	_ =	swait.ge [sflag:s4], $0x0  }
0x19: {  	s7 =	sld [smem:$0x3F92]  }
0x1a: {  	s8 =	sadd.s32 $0xFFFFE003, lr  }
0x1b: {  	s9 =	sadd.s32 $0xFFFFFEF7, lr;
	s5 =	simm.s32 $0xFFFFFFFF;
	p2 =	slt.u32 s8, $0xFFFFF086  }
0x1c: {  	p1 =	slt.u32 s9, $0xF7A;
	s5 =	simm.s32 @!p2 $0x0  }
0x1d: {  	s5 =	simm.s32 @p1 $0x1;
	p0 =	seq.s32 s7, s2  }
0x1e: {  	s7 =	smul.u32 @!p0 $0xF7A, s2;
	p2 =	seq.s32 @!p0 s5, $0x0  }
0x1f: {  	s9 =	smul.u32 $0xF7A, s1;
	s8 =	simm.s32 @!p0 $0x1BF5;
	p2 =	por !p2, p0  }
0x20: {  	[sflag:s8] =	ssyncset.s32 @!p0 $0xFFFFF086;
	s6 =	sadd.s32 @!p0 s3, s7;
	s7 =	simm.s32 @!p0 $0x108  }
0x21: {  	s3 =	sadd.s32 s3, s9;
	s6 =	sadd.s32 @!p0 $0x88, s6;
	s7 =	simm.s32 @p2 $0x1082  }
0x22: {  	[simem:s7], [sflag:s8] =	dma.local @!p0 [hbm:s6], $0xF7A  }
0x23: {  	s9 =	sor.u32 $0xD0000000, s2;
	s6 =	simm.s32 $0x108;
	_ =	swait.ge @!p0 [sflag:s8], $0x0  }
0x24: {  	s3 =	sadd.s32 $0x88, s3;
	s6 =	simm.s32 @!p1 $0x1082;
	[sflag:s4] =	ssyncset.s32 $0xFFFFF086  }
0x25: {  	[simem:s6], [sflag:s4] =	dma.local [hbm:s3], $0xF7A  }
0x26: {  	[smem:$0x3F92] =	sst s1;
	(tag) =	ssettag s2;
	_ =	strace s9  }
0x27: {  	s1 =	sld [smem:$0x3FA2]  }
0x28: {  	s2 =	sld [smem:$0x3FA3]  }
0x29: {  	s4 =	sld [smem:$0x3FA5]  }
0x2a: {  	p0 =	seq.s32 s5, $0x0;
	s5 =	sld [smem:$0x3FA6]  }
0x2b: {  	s6 =	sld [smem:$0x3FA7]  }
0x2c: {  	s7 =	sld [smem:$0x3FA8]  }
0x2d: {  	s3 =	simm.s32 $0x108;
	s8 =	sld [smem:$0x3FA9]  }
0x2e: {  	s3 =	simm.s32 @!p0 $0x1082;
	s9 =	sld [smem:$0x3FAA]  }
0x2f: {  	lr =	sadd.s32 s0, s3;
	s0 =	sld [smem:$0x3FA1]  }
0x30: {  	s3 =	sld [smem:$0x3FA4]  }
0x31: {  	[smem:$0x3FAD] =	sst s10  }
0x32: {  	s10 =	sld [smem:$0x3FAB];
	_ =	sdelay $0x3  }
0x33: {  	p0 =	seq.s32 s10, $0x1;
	s10 =	sld [smem:$0x3FAD];
	_ =	sdelay $0x3  }
0x34: {  	[smem:$0x3FAD] =	sst s10  }
0x35: {  	s10 =	sld [smem:$0x3FAC];
	_ =	sdelay $0x3  }
0x36: {  	p1 =	seq.s32 s10, $0x1;
	s10 =	sld [smem:$0x3FAD];
	_ =	sdelay $0x3  }
0x37: {  	[smem:$0x3FAD] =	sst s10  }
0x38: {  	s10 =	sld [smem:$0x3FAE]  }
0x39: {  	_ = 	snop;
	(pc) =	sbr.ind lr, $3  }
0x3a: {  	_ = 	snop  }
0x3b: {  	_ = 	snop  }
0x3c: {  	p2 =	seq.s32 s10, $0x1;
	s10 =	sld [smem:$0x3FAD]  }
0x3d: {  	_ =	shalt  }
0x3e: {  	_ =	shalt  }
0x3f: {  	_ =	shalt  }
0x40: {  	_ =	shalt  }
0x41: {  	_ =	shalt  }
0x42: {  	_ =	shalt  }
0x43: {  	_ =	shalt  }
0x44: {  	_ =	shalt  }
0x45: {  	_ =	shalt  }
0x46: {  	_ =	shalt  }
0x47: {  	_ =	shalt  }
0x48: {  	_ =	shalt  }
0x49: {  	_ =	shalt  }
0x4a: {  	_ =	shalt  }
0x4b: {  	_ =	shalt  }
0x4c: {  	_ =	shalt  }
0x4d: {  	_ =	shalt  }
0x4e: {  	_ =	shalt  }
0x4f: {  	_ =	shalt  }
0x50: {  	_ =	shalt  }
0x51: {  	_ =	shalt  }
0x52: {  	_ =	shalt  }
0x53: {  	_ =	shalt  }
0x54: {  	_ =	shalt  }
0x55: {  	_ =	shalt  }
0x56: {  	_ =	shalt  }
0x57: {  	_ =	shalt  }
0x58: {  	_ =	shalt  }
0x59: {  	_ =	shalt  }
0x5a: {  	_ =	shalt  }
0x5b: {  	_ =	shalt  }
0x5c: {  	_ =	shalt  }
0x5d: {  	_ =	shalt  }
0x5e: {  	_ =	shalt  }
0x5f: {  	_ =	shalt  }
0x60: {  	_ =	shalt  }
0x61: {  	_ =	shalt  }
0x62: {  	_ =	shalt  }
0x63: {  	_ =	shalt  }
0x64: {  	_ =	shalt  }
0x65: {  	_ =	shalt  }
0x66: {  	_ =	shalt  }
0x67: {  	_ =	shalt  }
0x68: {  	_ =	shalt  }
0x69: {  	_ =	shalt  }
0x6a: {  	_ =	shalt  }
0x6b: {  	_ =	shalt  }
0x6c: {  	_ =	shalt  }
0x6d: {  	_ =	shalt  }
0x6e: {  	_ =	shalt  }
0x6f: {  	_ =	shalt  }
0x70: {  	_ =	shalt  }
0x71: {  	_ =	shalt  }
0x72: {  	_ =	shalt  }
0x73: {  	_ =	shalt  }
0x74: {  	_ =	shalt  }
0x75: {  	_ =	shalt  }
0x76: {  	_ =	shalt  }
0x77: {  	_ =	shalt  }
0x78: {  	_ =	shalt  }
0x79: {  	_ =	shalt  }
0x7a: {  	_ =	shalt  }
0x7b: {  	_ =	shalt  }
0x7c: {  	_ =	shalt  }
0x7d: {  	_ =	shalt  }
0x7e: {  	_ =	shalt  }
0x7f: {  	_ =	shalt  }
0x80: {  	_ =	shalt  }
0x81: {  	_ =	shalt  }
0x82: {  	_ =	shalt  }
0x83: {  	_ =	shalt  }
0x84: {  	_ =	shalt  }
0x85: {  	_ =	shalt  }
0x86: {  	_ =	shalt  }
0x87: {  	_ =	shalt  }
.Lfunc_end0:
.L_simem_size_0:
called_computation.2_lowered:
.L_overlay_start_0:
0x88: {  	s2 =	sld [smem:$0x3FD9]  }
0x89: {  	s3 =	sld [smem:$0x3FFE];
	_ =	sdelay $0x1  }
0x8a: {  	s1 =	srdreg.scid  }
0x8b: {  	s0 =	sand.u32 $0x1, s1  }
0x8c: {  	s17 =	sshll.u32 s0, $0xA;
	s2 =	sadd.s32 s3, s2  }
0x8d: {  	s2 =	sadd.s32 s2, s17  }
0x8e: {  	[smem:$0x3FB9] =	sst s2  }
0x8f: {  	_ = 	snop  }
0x90: {  	s2 =	sld [smem:$0x3FC7];
	(tm) =	ssettm $0x1  }
0x91: {  	s18 =	sld [smem:$0x3FFB];
	_ =	sdelay $0x3  }
0x92: {  	_ =	strace s18  }
0x93: {  	s3 =	sld [smem:$0x3FFC];
	_ =	sdelay $0x3  }
0x94: {  	_ =	strace s3  }
0x95: {  	s3 =	sld [smem:$0x3FFD];
	_ =	sdelay $0x3  }
0x96: {  	_ =	strace s3  }
0x97: {  	_ =	strace $0x8FFFFFFF  }
0x98: {  	s19 =	sld [smem:$0x3FDB];
	_ =	sdelay $0x1  }
0x99: {  	s4 =	simm.s32 $_scs_section_size  }
0x9a: {  	s5 =	simm.s32 $_size__tile_overlayer_lowered;
	s6 =	simm.s32 $_tile_overlayer_lowered  }
0x9b: {  	s22 =	simm.s32 $0x1BFF;
	s21 =	sshll.u32 s6, $0x1;
	s3 =	sadd.s32 s4, s19  }
0x9c: {  	s7 =	simm.s32 $0x0;
	s20 =	sshll.u32 s5, $0x1;
	s5 =	sadd.s32 s21, s3  }
0x9d: {  	[timem:s7], [sflag:s22] =	dma.local [hbm:s5], s20  }
0x9e: {  	_ =	swait.ge [sflag:s22], s20  }
0x9f: {  	s4 =	ssub.s32 $0x0, s20;
	[sflag:s22] =	ssyncset.done $0x0  }
0xa0: {  	[sflag:s22] =	ssyncadd.s32 s4;
	_ =	sdelay $0x1  }
0xa1: {  	s23 =	simm.s32 $0x1B8B  }
0xa2: {  	_ =	swait.ge [sflag:s23], $0x1  }
0xa3: {  	[sflag:s23] =	ssyncset.done $0x0  }
0xa4: {  	s25 =	simm.s32 $0x1B8E;
	s24 =	sld [smem:$0x3FFE];
	[sflag:s23] =	ssyncadd.s32 $0xFFFFFFFF  }
0xa5: {  	s26 =	simm.s32 $execute0_lowered;
	[smem:$0x3FD2] =	sst s25  }
0xa6: {  	s5 =	sshll.u32 s26, $0x1;
	_ =	strace $0x8000004C;
	[dreg:$0x1] =	wrdreg $0xFFFFFFFF  }
0xa7: {  	s28 =	simm.s32 $_size_execute0_lowered;
	s3 =	sadd.s32 s3, s5;
	[dreg:$0x0] =	wrdreg $0x0  }
0xa8: {  	s5 =	sshll.u32 s28, $0x1;
	[dreg:$0x2] =	wrdreg s3  }
0xa9: {  	[dreg:$0x3] =	wrdreg s5  }
0xaa: {  	[dreg:$0x4] =	wrdreg $0xC0  }
0xab: {  	_ =	task [dreg:s7], $0x5FFFF  }
0xac: {  	[dreg:$0x1] =	wrdreg $0xFFFFFFFF  }
0xad: {  	[dreg:$0x0] =	wrdreg $0x60  }
0xae: {  	[dreg:$0x2] =	wrdreg s24  }
0xaf: {  	[dreg:$0x3] =	wrdreg s2  }
0xb0: {  	[dreg:$0x4] =	wrdreg $0xC2800  }
0xb1: {  	[dreg:$0x5] =	wrdreg $0x9  }
0xb2: {  	_ =	task.clear_ibuf [dreg:s7], $0x6FFFF;
	_ =	strace $0x9000004C  }
0xb3: {  	s29 =	simm.s32 $0x9;
	_ =	strace $0x8000004E  }
0xb4: {  	_ =	swait.ge [sflag:s29], $0x1  }
0xb5: {  	[sflag:s29] =	ssyncadd.s32 $0xFFFFFFFF  }
0xb6: {  	_ =	strace $0x9000004E  }
0xb7: {  	_ =	sfence  }
0xb8: {  	s30 =	sld [smem:$0x0];
	_ =	sdelay $0x2  }
0xb9: {  	s31 =	sshll.u32 s1, $0xD;
	s1 =	sshrl.u32 s1, $0x2  }
0xba: {  	s3 =	sand.u32 $0x4000, s31;
	s1 =	sadd.s32 s1, s30  }
0xbb: {  	s0 =	sor.u32 s3, s0;
	s1 =	sshll.u32 s1, $0x11  }
0xbc: {  	s0 =	sor.u32 s1, s0  }
0xbd: {  	s0 =	sadd.s32 $0x8F2B, s0  }
0xbe: {  	[sflag:s0] =	ssyncadd.remote.s32 $0x1  }
0xbf: {  	_ =	sfence.sel $0xFFFF  }
0xc0: {  	[dreg:$0x0] =	wrdreg $0xFFFFFFFF;
	(pc) =	sbr.abs _section_cstart, $3  }
0xc1: {  	[dreg:$0x1] =	wrdreg $0xFFFFFFFF  }
0xc2: {  	_ =	task.clear_ibuf [dreg:s7], $0x2FFFF;
	_ =	strace $0x9FFFFFFF  }
0xc3: {  	(tm) =	ssettm $0x7FFFFFFF  }
tec
execute0_lowered:
.L_overlay_start_1:
0x0: {  	(tag) =	ssettag $0x1  }
0x1: {  	s0 =	srdreg.scid  }
0x2: {  	s1 =	sand.u32 $0x1, s0  }
0x3: {  	s9 =	stileid.u32;
	s0 =	rddreg [dreg:$0x0];
	s2 =	sshll.u32 s1, $0x4  }
0x4: {  	p1 =	sne.s32 s9, $0x0;
	s4 =	ssub.s32 $0x2, s1;
	s3 =	sor.u32 s9, s2  }
0x5: {  	s5 =	sadd.s32 $0xD600, s0;
	s8 =	sadd.s32 $0x3800, s0;
	s3 =	smul.u32 $0x2710, s3  }
0x6: {  	p0 =	sne.s32 s1, $0x0;
	s28 =	sadd.s32 $0x17400, s0;
	s6 =	sshrl.u32 s4, $0x1  }
0x7: {  	s2 =	simm.s32 $0x0;
	s7 =	ssub.s32 s4, s6;
	s3 =	sshrl.u32 s3, $0x3  }
0x8: {  	[smem:$0x7FF] =	sst s2;
	s7 =	smax.u32 s7, $0x1;
	s20 =	sadd.s32 s5, s3  }
0x9: {  	s19 =	sadd.s32 $0x80, s3;
	s17 =	sadd.s32 s8, s3;
	[dreg:$0x4] =	wrdreg s20  }
0xa: {  	s22 =	sadd.s32 $0x100, s3;
	s21 =	sadd.s32 s5, s19;
	[dreg:$0x15] =	wrdreg s17  }
0xb: {  	s23 =	sadd.s32 s5, s22;
	s6 =	sadd.s32 s8, s22;
	s22 =	rddreg [dreg:$0x2]  }
0xc: {  	s24 =	sadd.s32 $0x180, s3;
	s4 =	sadd.s32 s8, s19;
	[dreg:$0x5] =	wrdreg s21  }
0xd: {  	s26 =	sadd.s32 $0x200, s3;
	s30 =	sadd.s32 $0x280, s3;
	[dreg:$0x6] =	wrdreg s4  }
0xe: {  	s10 =	sadd.s32 $0x300, s3;
	s12 =	sadd.s32 $0x380, s3;
	[dreg:$0x7] =	wrdreg s23  }
0xf: {  	s14 =	sadd.s32 $0x400, s3;
	s25 =	sadd.s32 s5, s24;
	[dreg:$0x8] =	wrdreg s6  }
0x10: {  	s3 =	sadd.s32 $0x480, s3;
	s29 =	sadd.s32 s5, s26;
	[dreg:$0x9] =	wrdreg s25  }
0x11: {  	s31 =	sadd.s32 s5, s30;
	s11 =	sadd.s32 s5, s10;
	[dreg:$0xb] =	wrdreg s29  }
0x12: {  	s13 =	sadd.s32 s5, s12;
	s15 =	sadd.s32 s5, s14;
	[dreg:$0xd] =	wrdreg s31  }
0x13: {  	s16 =	sadd.s32 s8, s14;
	s18 =	sadd.s32 s5, s3;
	[dreg:$0xf] =	wrdreg s11  }
0x14: {  	s3 =	sadd.s32 s8, s3;
	s19 =	sshll.u32 s9, $0x9;
	[dreg:$0x11] =	wrdreg s13  }
0x15: {  	s20 =	sshll.u32 s1, $0x9;
	s1 =	sshll.u32 s1, $0xD;
	[dreg:$0x13] =	wrdreg s15  }
0x16: {  	s14 =	simm.s32 $0x3580;
	s17 =	simm.s32 $0x80;
	[dreg:$0x14] =	wrdreg s16  }
0x17: {  	s4 =	sadd.s32 s8, s24;
	s6 =	sadd.s32 s8, s26;
	[dreg:$0x16] =	wrdreg s18  }
0x18: {  	[dreg:$0x17] =	wrdreg s3;
	s21 =	sadd.s32 s19, s0;
	s25 =	sshll.u32 s9, $0x5  }
0x19: {  	s23 =	sshll.u32 s9, $0xC;
	s26 =	sadd.s32 $0x65800, s0;
	s29 =	sadd.s32 $0x8D000, s0  }
0x1a: {  	s11 =	simm.s32 $0x2980;
	s13 =	simm.s32 $0x2D80;
	s15 =	simm.s32 $0x1  }
0x1b: {  	v32 =	vlaneseq.u32;
	s16 =	simm.s32 $0x2;
	s18 =	simm.s32 $0x6100;
	[dreg:$0xa] =	wrdreg s4  }
0x1c: {  	v33 =	vimm.s32 $0x0;
	v1 =	vadd.s32 $0x1, v32;
	v2 =	vadd.s32 $0x11, v32;
	s19 =	simm.s32 $0x6200;
	[dreg:$0xc] =	wrdreg s6;
	s4 =	sadd.s32 s8, s30  }
0x1d: {  	v3 =	vadd.s32 $0x21, v32;
	v4 =	vadd.s32 $0x31, v32;
	v5 =	vadd.s32 $0x41, v32;
	s6 =	sadd.s32 s8, s10;
	s3 =	sadd.s32 s23, s22;
	s24 =	sor.u32 s25, s20  }
0x1e: {  	v6 =	vadd.s32 $0x51, v32;
	v7 =	vadd.s32 $0x61, v32;
	v0 =	vmov s20;
	s30 =	sadd.s32 $0x8CA00, s0;
	s20 =	sadd.s32 $0x8D600, s0;
	[dreg:$0xe] =	wrdreg s4  }
0x1f: {  	v8 =	vadd.s32 $0x71, v32;
	v9 =	vadd.s32 $0x81, v32;
	v10 =	vadd.s32 $0x91, v32;
	s0 =	sadd.s32 $0x40600, s0;
	[dreg:$0x10] =	wrdreg s6;
	s4 =	sadd.s32 s8, s12  }
0x20: {  	v11 =	vadd.s32 $0xA1, v32;
	v12 =	vadd.s32 $0xB1, v32;
	v13 =	vadd.s32 $0xC1, v32;
	s1 =	sadd.s32 s1, s21;
	s5 =	sadd.s32 $0x95600, s21;
	[dreg:$0x12] =	wrdreg s4  }
0x21: {  	v14 =	vadd.s32 $0xD1, v32;
	v15 =	vadd.s32 $0xE1, v32;
	v16 =	vadd.s32 $0xF1, v32;
	s9 =	sadd.s32 $0x2780, s25;
	_ =	strace $0x8000004D;
	[dreg:$0x18] =	wrdreg s3  }
0x22: {  	v17 =	vadd.s32 $0x101, v32;
	v18 =	vadd.s32 $0x111, v32;
	v19 =	vadd.s32 $0x121, v32;
	s10 =	simm.s32 $0x3;
	s23 =	simm.s32 $0xA280;
	[dreg:$0x19] =	wrdreg s26  }
.Ltmp0:
0x23: {  	v20 =	vadd.s32 $0x131, v32;
	v21 =	vadd.s32 $0x141, v32;
	v22 =	vadd.s32 $0x151, v32;
	s31 =	sshll.u32 s24, $0x4;
	[dreg:$0x1a] =	wrdreg s29;
	(pc) =	sbr.rel .LBB2_1-.Ltmp0, $4  }
0x24: {  	v23 =	vadd.s32 $0x161, v32;
	v24 =	vadd.s32 $0x171, v32;
	v25 =	vadd.s32 $0x181, v32;
	s6 =	sadd.s32 $0x97600, s21;
	s12 =	simm.s32 $0x3180;
	[dreg:$0x1b] =	wrdreg s30  }
0x25: {  	v26 =	vadd.s32 $0x191, v32;
	v27 =	vadd.s32 $0x1A1, v32;
	v28 =	vadd.s32 $0x1B1, v32;
	s24 =	simm.s32 $0x0;
	s4 =	sadd.s32 $0x3E600, s21;
	[dreg:$0x1c] =	wrdreg s0  }
0x26: {  	v29 =	vadd.s32 $0x1C1, v32;
	v30 =	vadd.s32 $0x1D1, v32;
	v0 =	vadd.s32 $0xFFFFFFFF, v0;
	s0 =	sadd.s32 s20, s31;
	s3 =	sadd.s32 $0x91600, s1;
	s1 =	sadd.s32 $0x10000, s22  }
0x27: {  	v31 =	vadd.s32 $0x1E1, v32;
	v32 =	vadd.s32 $0x1F1, v32;
	v0 =	vbroadcast v0, $0x0;
	s21 =	simm.s32 $0x6180;
	[dreg:$0x1d] =	wrdreg s0;
	s8 =	sshrl.u32 @!p1 s1, $0x3  }
.LBB2_24:
0x28: {  	[tilespmem:$0x61F0] =	vst v34  }
0x29: {  	[tilespmem:s19], [sflag:$0x3] =	stream.indirect.gather [hbm4b:s28+s17], $0x80, s18, s17, $0xb8;
	[tilespmem:$0xD2C0] =	vst v63  }
0x2a: {  	_ =	swait.ge [sflag:s10], $0x4000  }
0x2b: {  	[sflag:s10] =	ssyncset.done $0x0  }
0x2c: {  	[sflag:s10] =	ssyncadd.s32 $0xFFFFC000  }
0x2d: {  	[spmem:s22] =	stream.indirect.scatter.add.f32 [tilespmem:s19], [sflag:$0x3], $0x80, s21, s17, $0xb8;
	[tilespmem:$0xD2C0] =	vst v63  }
0x2e: {  	_ =	swait.ge [sflag:s10], $0x4000  }
0x2f: {  	[sflag:s10] =	ssyncset.done $0x0  }
0x30: {  	[sflag:s10] =	ssyncadd.s32 $0xFFFFC000  }
.LBB2_25:
0x31: {  	[bflag:$0x0] =	sbarrier.arrive $0xFFFF  }
0x32: {  	s0 =	rddreg [dreg:$0x1d]  }
0x33: {  	[hbm:s0], [sflag:s26] =	dma.local [spmem:s29], $0x200  }
0x34: {  	_ =	swait.ge [sflag:s10], $0x200  }
0x35: {  	[sflag:s10] =	ssyncset.done $0x0  }
0x36: {  	[sflag:s10] =	ssyncadd.s32 $0xFFFFFE00  }
0x37: {  	[bflag:$0x0] =	sbarrier.arrive $0xFFFF  }
0x38: {  	v34 =	vld [tilespmem:s25+$0x2780];
	_ =	sdelay $0x7  }
0x39: {  	v34 =	vld.idx.msk [tilespmem:v34+s2+$0x0], $0xffff;
	_ =	sdelay $0x4  }
0x3a: {  	v34 =	vadd.s32 v34, v0  }
0x3b: {  	[tilespmem:$0xA200] =	vst v34  }
0x3c: {  	v34 =	vld [tilespmem:s25+$0x2790];
	_ =	sdelay $0x7  }
0x3d: {  	v34 =	vld.idx.msk [tilespmem:v34+s2+$0x0], $0xffff;
	_ =	sdelay $0x4  }
0x3e: {  	v34 =	vadd.s32 v34, v0  }
0x3f: {  	s31 =	simm.s32 $0x20;
	s1 =	simm.s32 $0xA200;
	[tilespmem:$0xA210] =	vst v34  }
0x40: {  	[tilespmem:s23], [sflag:$0x3] =	stream.indirect.gather [hbm4b:s20+s31], $0x80, s1, s31, $0xb8;
	[tilespmem:$0xD2C0] =	vst v63  }
0x41: {  	_ =	swait.ge [sflag:s10], $0x1000  }
0x42: {  	[sflag:s10] =	ssyncset.done $0x0  }
0x43: {  	[sflag:s10] =	ssyncadd.s32 $0xFFFFF000  }
0x44: {  	[hbm4b:s3+s2] =	stream.linear.scatter [tilespmem:s23], [sflag:$0x3], $0x1000, $0x38;
	[tilespmem:$0xD2C0] =	vst v63  }
0x45: {  	_ =	swait.ge [sflag:s10], $0x1000  }
0x46: {  	s26 =	simm.s32 @!p0 $0xB280;
	s29 =	simm.s32 @!p0 $0x3;
	[sflag:s10] =	ssyncset.done $0x0  }
0x47: {  	s1 =	simm.s32 @!p0 $0x20;
	s0 =	rddreg [dreg:$0x19];
	[sflag:s10] =	ssyncadd.s32 $0xFFFFF000  }
0x48: {  	[tilespmem:s26], [sflag:$0x3] =	stream.indirect.gather @!p0 [hbm4b:s0+s1], $0x80, s9, s1, $0xb8;
	[tilespmem:$0xD2C0] =	vst v63  }
0x49: {  	_ =	swait.ge @!p0 [sflag:s29], $0x1000  }
0x4a: {  	[sflag:s29] =	ssyncset.done @!p0 $0x0  }
0x4b: {  	s30 =	simm.s32 @!p0 $0x0;
	[sflag:s29] =	ssyncadd.s32 @!p0 $0xFFFFF000  }
0x4c: {  	[hbm4b:s5+s30] =	stream.linear.scatter @!p0 [tilespmem:s26], [sflag:$0x3], $0x1000, $0x38;
	[tilespmem:$0xD2C0] =	vst v63  }
0x4d: {  	_ =	swait.ge @!p0 [sflag:s29], $0x1000  }
0x4e: {  	[sflag:s29] =	ssyncset.done @!p0 $0x0  }
0x4f: {  	[sflag:s29] =	ssyncadd.s32 @!p0 $0xFFFFF000  }
0x50: {  	[tilespmem:s26], [sflag:$0x3] =	stream.indirect.gather @!p0 [hbm4b:s28+s1], $0x80, s9, s1, $0xb8;
	[tilespmem:$0xD2C0] =	vst v63  }
0x51: {  	s24 =	sadd.s32 $0x1, s24;
	_ =	swait.ge @!p0 [sflag:s29], $0x1000  }
0x52: {  	p2 =	sne.s32 s24, s7;
	[sflag:s29] =	ssyncset.done @!p0 $0x0  }
.Ltmp1:
0x53: {  	[sflag:s29] =	ssyncadd.s32 @!p0 $0xFFFFF000;
	(pc) =	sbr.rel @!p2 .LBB2_26-.Ltmp1, $4  }
0x54: {  	[hbm4b:s6+s30] =	stream.linear.scatter @!p0 [tilespmem:s26], [sflag:$0x3], $0x1000, $0x38;
	[tilespmem:$0xD2C0] =	vst v63  }
0x55: {  	_ =	swait.ge @!p0 [sflag:s29], $0x1000  }
0x56: {  	[sflag:s29] =	ssyncset.done @!p0 $0x0  }
0x57: {  	[sflag:s29] =	ssyncadd.s32 @!p0 $0xFFFFF000  }
.LBB2_1:
0x58: {  	s0 =	rddreg [dreg:$0x1a]  }
0x59: {  	[tilespmem:s2], [sflag:$0x3] =	stream.linear.gather [hbm4b:s0+s2], $0x2780, $0x38;
	[tilespmem:$0xD2C0] =	vst v63  }
0x5a: {  	_ =	swait.ge [sflag:s10], $0x2780  }
0x5b: {  	[sflag:s10] =	ssyncset.done $0x0  }
0x5c: {  	s1 =	simm.s32 $0x3980;
	s26 =	rddreg [dreg:$0x1b];
	[sflag:s10] =	ssyncadd.s32 $0xFFFFD880  }
0x5d: {  	[tilespmem:s1], [sflag:$0x3] =	stream.linear.gather [hbm4b:s26+s2], $0x2780, $0x38;
	[tilespmem:$0xD2C0] =	vst v63  }
0x5e: {  	_ =	swait.ge [sflag:s10], $0x2780  }
0x5f: {  	[sflag:s10] =	ssyncset.done $0x0  }
0x60: {  	[sflag:s10] =	ssyncadd.s32 $0xFFFFD880  }
0x61: {  	s26 =	simm.s32 $0x2780;
	s0 =	rddreg [dreg:$0x1]  }
0x62: {  	[tilespmem:s26], [sflag:$0x3] =	stream.linear.gather [hbm4b:s0+s2], $0x200, $0x38;
	[tilespmem:$0xD2C0] =	vst v63  }
0x63: {  	_ =	swait.ge [sflag:s10], $0x200  }
0x64: {  	[sflag:s10] =	ssyncset.done $0x0  }
0x65: {  	[sflag:s10] =	ssyncadd.s32 $0xFFFFFE00  }
0x66: {  	v34 =	vld [tilespmem:$0x2780];
	_ =	sdelay $0x7  }
0x67: {  	[tilespmem:v34+s2+$0x0] =	vst.idx.msk $0xffff, v1  }
0x68: {  	v34 =	vld [tilespmem:$0x2790];
	_ =	sdelay $0x7  }
0x69: {  	[tilespmem:v34+s2+$0x0] =	vst.idx.msk $0xffff, v2  }
0x6a: {  	v34 =	vld [tilespmem:$0x27A0];
	_ =	sdelay $0x7  }
0x6b: {  	[tilespmem:v34+s2+$0x0] =	vst.idx.msk $0xffff, v3  }
0x6c: {  	v34 =	vld [tilespmem:$0x27B0];
	_ =	sdelay $0x7  }
0x6d: {  	[tilespmem:v34+s2+$0x0] =	vst.idx.msk $0xffff, v4  }
0x6e: {  	v34 =	vld [tilespmem:$0x27C0];
	_ =	sdelay $0x7  }
0x6f: {  	[tilespmem:v34+s2+$0x0] =	vst.idx.msk $0xffff, v5  }
0x70: {  	v34 =	vld [tilespmem:$0x27D0];
	_ =	sdelay $0x7  }
0x71: {  	[tilespmem:v34+s2+$0x0] =	vst.idx.msk $0xffff, v6  }
0x72: {  	v34 =	vld [tilespmem:$0x27E0];
	_ =	sdelay $0x7  }
0x73: {  	[tilespmem:v34+s2+$0x0] =	vst.idx.msk $0xffff, v7  }
0x74: {  	v34 =	vld [tilespmem:$0x27F0];
	_ =	sdelay $0x7  }
0x75: {  	[tilespmem:v34+s2+$0x0] =	vst.idx.msk $0xffff, v8  }
0x76: {  	v34 =	vld [tilespmem:$0x2800];
	_ =	sdelay $0x7  }
0x77: {  	[tilespmem:v34+s2+$0x0] =	vst.idx.msk $0xffff, v9  }
0x78: {  	v34 =	vld [tilespmem:$0x2810];
	_ =	sdelay $0x7  }
0x79: {  	[tilespmem:v34+s2+$0x0] =	vst.idx.msk $0xffff, v10  }
0x7a: {  	v34 =	vld [tilespmem:$0x2820];
	_ =	sdelay $0x7  }
0x7b: {  	[tilespmem:v34+s2+$0x0] =	vst.idx.msk $0xffff, v11  }
0x7c: {  	v34 =	vld [tilespmem:$0x2830];
	_ =	sdelay $0x7  }
0x7d: {  	[tilespmem:v34+s2+$0x0] =	vst.idx.msk $0xffff, v12  }
0x7e: {  	v34 =	vld [tilespmem:$0x2840];
	_ =	sdelay $0x7  }
0x7f: {  	[tilespmem:v34+s2+$0x0] =	vst.idx.msk $0xffff, v13  }
0x80: {  	v34 =	vld [tilespmem:$0x2850];
	_ =	sdelay $0x7  }
0x81: {  	[tilespmem:v34+s2+$0x0] =	vst.idx.msk $0xffff, v14  }
0x82: {  	v34 =	vld [tilespmem:$0x2860];
	_ =	sdelay $0x7  }
0x83: {  	[tilespmem:v34+s2+$0x0] =	vst.idx.msk $0xffff, v15  }
0x84: {  	v34 =	vld [tilespmem:$0x2870];
	_ =	sdelay $0x7  }
0x85: {  	[tilespmem:v34+s2+$0x0] =	vst.idx.msk $0xffff, v16  }
0x86: {  	v34 =	vld [tilespmem:$0x2880];
	_ =	sdelay $0x7  }
0x87: {  	[tilespmem:v34+s2+$0x0] =	vst.idx.msk $0xffff, v17  }
0x88: {  	v34 =	vld [tilespmem:$0x2890];
	_ =	sdelay $0x7  }
0x89: {  	[tilespmem:v34+s2+$0x0] =	vst.idx.msk $0xffff, v18  }
0x8a: {  	v34 =	vld [tilespmem:$0x28A0];
	_ =	sdelay $0x7  }
0x8b: {  	[tilespmem:v34+s2+$0x0] =	vst.idx.msk $0xffff, v19  }
0x8c: {  	v34 =	vld [tilespmem:$0x28B0];
	_ =	sdelay $0x7  }
0x8d: {  	[tilespmem:v34+s2+$0x0] =	vst.idx.msk $0xffff, v20  }
0x8e: {  	v34 =	vld [tilespmem:$0x28C0];
	_ =	sdelay $0x7  }
0x8f: {  	[tilespmem:v34+s2+$0x0] =	vst.idx.msk $0xffff, v21  }
0x90: {  	v34 =	vld [tilespmem:$0x28D0];
	_ =	sdelay $0x7  }
0x91: {  	[tilespmem:v34+s2+$0x0] =	vst.idx.msk $0xffff, v22  }
0x92: {  	v34 =	vld [tilespmem:$0x28E0];
	_ =	sdelay $0x7  }
0x93: {  	[tilespmem:v34+s2+$0x0] =	vst.idx.msk $0xffff, v23  }
0x94: {  	v34 =	vld [tilespmem:$0x28F0];
	_ =	sdelay $0x7  }
0x95: {  	[tilespmem:v34+s2+$0x0] =	vst.idx.msk $0xffff, v24  }
0x96: {  	v34 =	vld [tilespmem:$0x2900];
	_ =	sdelay $0x7  }
0x97: {  	[tilespmem:v34+s2+$0x0] =	vst.idx.msk $0xffff, v25  }
0x98: {  	v34 =	vld [tilespmem:$0x2910];
	_ =	sdelay $0x7  }
0x99: {  	[tilespmem:v34+s2+$0x0] =	vst.idx.msk $0xffff, v26  }
0x9a: {  	v34 =	vld [tilespmem:$0x2920];
	_ =	sdelay $0x7  }
0x9b: {  	[tilespmem:v34+s2+$0x0] =	vst.idx.msk $0xffff, v27  }
0x9c: {  	v34 =	vld [tilespmem:$0x2930];
	_ =	sdelay $0x7  }
0x9d: {  	[tilespmem:v34+s2+$0x0] =	vst.idx.msk $0xffff, v28  }
0x9e: {  	v34 =	vld [tilespmem:$0x2940];
	_ =	sdelay $0x7  }
0x9f: {  	[tilespmem:v34+s2+$0x0] =	vst.idx.msk $0xffff, v29  }
0xa0: {  	v34 =	vld [tilespmem:$0x2950];
	_ =	sdelay $0x7  }
0xa1: {  	[tilespmem:v34+s2+$0x0] =	vst.idx.msk $0xffff, v30  }
0xa2: {  	v34 =	vld [tilespmem:$0x2960];
	_ =	sdelay $0x7  }
0xa3: {  	[tilespmem:v34+s2+$0x0] =	vst.idx.msk $0xffff, v31  }
0xa4: {  	v34 =	vld [tilespmem:$0x2970];
	_ =	sdelay $0x4  }
0xa5: {  	s0 =	stileid.u32  }
0xa6: {  	s1 =	sshll.u32 s0, $0x6  }
0xa7: {  	s26 =	sor.u32 $0x1C03, s1;
	s1 =	rddreg [dreg:$0x18]  }
0xa8: {  	s29 =	sshrl.u32 s1, $0x3;
	[tilespmem:v34+s2+$0x0] =	vst.idx.msk $0xffff, v32  }
0xa9: {  	[spmem:s29], [sflag:s26] =	dma.local [hbm:s4], $0x200  }
0xaa: {  	_ =	swait.ge [sflag:s10], $0x200  }
0xab: {  	[sflag:s10] =	ssyncset.done $0x0  }
0xac: {  	s1 =	simm.s32 @!p1 $0x3;
	s0 =	rddreg [dreg:$0x1c];
	[sflag:s10] =	ssyncadd.s32 $0xFFFFFE00  }
0xad: {  	[spmem:s8], [sflag:s26] =	dma.local @!p1 [hbm:s0], $0x80  }
0xae: {  	_ =	swait.ge @!p1 [sflag:s1], $0x80  }
0xaf: {  	[sflag:s1] =	ssyncset.done @!p1 $0x0  }
0xb0: {  	[sflag:s1] =	ssyncadd.s32 @!p1 $0xFFFFFF80  }
0xb1: {  	[bflag:$0x0] =	sbarrier.arrive $0xFFFF  }
0xb2: {  	s0 =	rddreg [dreg:$0x4]  }
0xb3: {  	[tilespmem:s11], [sflag:$0x1] =	stream.linear.gather [hbm4b:s0+s2], $0x400, $0x38;
	[tilespmem:$0xD2C0] =	vst v63  }
0xb4: {  	s1 =	rddreg [dreg:$0x15]  }
0xb5: {  	[tilespmem:s12], [sflag:$0x1] =	stream.linear.gather [hbm4b:s1+s2], $0x400, $0x38;
	[tilespmem:$0xD2C0] =	vst v63  }
0xb6: {  	s0 =	rddreg [dreg:$0x5]  }
0xb7: {  	[tilespmem:s13], [sflag:$0x2] =	stream.linear.gather [hbm4b:s0+s2], $0x400, $0x38;
	[tilespmem:$0xD2C0] =	vst v63  }
0xb8: {  	s0 =	rddreg [dreg:$0x6]  }
0xb9: {  	[tilespmem:s14], [sflag:$0x2] =	stream.linear.gather [hbm4b:s0+s2], $0x400, $0x38;
	[tilespmem:$0xD2C0] =	vst v63  }
0xba: {  	_ =	swait.ge [sflag:s15], $0x400  }
0xbb: {  	[sflag:s15] =	ssyncset.done $0x0  }
0xbc: {  	[sflag:s15] =	ssyncadd.s32 $0xFFFFFC00  }
0xbd: {  	_ =	swait.ge [sflag:s15], $0x400  }
0xbe: {  	[sflag:s15] =	ssyncset.done $0x0  }
0xbf: {  	s0 =	simm.s32 $0x0;
	[sflag:s15] =	ssyncadd.s32 $0xFFFFFC00  }
0xc0: {  	v62 =	vld [tilespmem:s0+$0x3180];
	_ =	sdelay $0x7  }
0xc1: {  	v34 =	vld.idx.msk [tilespmem:v62+s2+$0x0], $0xffff;
	_ =	sdelay $0x2  }
0xc2: {  	v35 =	vld [tilespmem:s0+$0x2980];
	_ =	sdelay $0x1  }
0xc3: {  	vm0 =	vgt.s32 v34, $0x0  }
0xc4: {  	v63 =	vsel vm0, $0x1, v33  }
0xc5: {  	(xrf0) =	vadd.scan.msk.s32 $0xffff, v63  }
0xc6: {  	v35 =	vshll.u32 v35, $0xA  }
0xc7: {  	v34 =	vadd.s32 v35, v34  }
0xc8: {  	v34 =	vadd.s32 $0xFFFFFFFF, v34  }
0xc9: {  	s31 =	simm.s32 $0x80;
	s30 =	simm.s32 $0x0;
	s1 =	simm.s32 $0x10;
	[tilespmem:s2+$0x3980] =	vst.msk vm0, v34  }
.LBB2_2:
0xca: {  	p2 =	sne.s32 s31, $0xFC0;
	v34 =	vld [tilespmem:s1+$0x3180]  }
0xcb: {  	v35, _, _ =	vpop (xrf0)  }
0xcc: {  	(v2sf) =	vpush v35, $0xF;
	_ =	sdelay $0x4  }
0xcd: {  	v35 =	vld [tilespmem:s1+$0x2980]  }
0xce: {  	v34 =	vld.idx.msk [tilespmem:v34+s2+$0x0], $0xffff;
	_ =	sdelay $0x4  }
0xcf: {  	v35 =	vshll.u32 v35, $0xA  }
0xd0: {  	vm0 =	vgt.s32 v34, $0x0;
	v34 =	vadd.s32 v35, v34  }
0xd1: {  	v35 =	vsel vm0, $0x1, v33  }
.Ltmp2:
0xd2: {  	(xrf0) =	vadd.scan.msk.s32 $0xffff, v35;
	(pc) =	sbr.rel @p2 .LBB2_2-.Ltmp2, $4  }
0xd3: {  	s1 =	spop (v2sf)  }
0xd4: {  	v34 =	vadd.s32 $0xFFFFFFFF, v34;
	s30 =	sadd.s32 s30, s1  }
0xd5: {  	[tilespmem:s30+$0x3980] =	vst.msk vm0, v34  }
0xd6: {  	s1 =	sshra.s32 s31, $0x2;
	s31 =	sadd.s32 $0x40, s31  }
0xd7: {  	v34 =	vld [tilespmem:s1+$0x3180];
	_ =	sdelay $0x7  }
0xd8: {  	v34 =	vld.idx.msk [tilespmem:v34+s2+$0x0], $0xffff;
	_ =	sdelay $0x4  }
0xd9: {  	vm0 =	vgt.s32 v34, $0x0  }
0xda: {  	v35 =	vsel vm0, $0x1, v33  }
0xdb: {  	v58, _, _ =	vpop (xrf0);
	(xrf0) =	vadd.scan.msk.s32 $0xffff, v35  }
0xdc: {  	(v2sf) =	vpush v58, $0xF;
	_ =	sdelay $0x4  }
0xdd: {  	v59, _, _ =	vpop (xrf0)  }
0xde: {  	(v2sf) =	vpush v59, $0xF;
	_ =	sdelay $0x2  }
0xdf: {  	v60 =	vld [tilespmem:s1+$0x2980];
	_ =	sdelay $0x4  }
0xe0: {  	v35 =	vshll.u32 v60, $0xA  }
0xe1: {  	v34 =	vadd.s32 v35, v34;
	s0 =	spop (v2sf)  }
0xe2: {  	v34 =	vadd.s32 $0xFFFFFFFF, v34;
	s1 =	sadd.s32 s30, s0  }
0xe3: {  	s31 =	rddreg [dreg:$0x7];
	s30 =	simm.s32 $0x0;
	[tilespmem:s1+$0x3980] =	vst.msk vm0, v34  }
0xe4: {  	[tilespmem:s11], [sflag:$0x1] =	stream.linear.gather [hbm4b:s31+s30], $0x400, $0x38;
	[tilespmem:$0xD2C0] =	vst v63  }
0xe5: {  	s0 =	rddreg [dreg:$0x8]  }
0xe6: {  	[tilespmem:s12], [sflag:$0x1] =	stream.linear.gather [hbm4b:s0+s30], $0x400, $0x38;
	[tilespmem:$0xD2C0] =	vst v63  }
0xe7: {  	s31 =	spop (v2sf)  }
0xe8: {  	_ =	swait.ge [sflag:s16], $0x400  }
0xe9: {  	[sflag:s16] =	ssyncset.done $0x0  }
0xea: {  	[sflag:s16] =	ssyncadd.s32 $0xFFFFFC00  }
0xeb: {  	_ =	swait.ge [sflag:s16], $0x400  }
0xec: {  	[sflag:s16] =	ssyncset.done $0x0  }
0xed: {  	s30 =	simm.s32 $0x0;
	[sflag:s16] =	ssyncadd.s32 $0xFFFFFC00  }
0xee: {  	v61 =	vld [tilespmem:s30+$0x3580];
	_ =	sdelay $0x7  }
0xef: {  	v34 =	vld.idx.msk [tilespmem:v61+s2+$0x0], $0xffff;
	_ =	sdelay $0x2  }
0xf0: {  	v62 =	vld [tilespmem:s30+$0x2D80];
	_ =	sdelay $0x1  }
0xf1: {  	vm15 =	vgt.s32 v34, $0x0  }
0xf2: {  	v63 =	vsel vm15, $0x1, v33  }
0xf3: {  	(xrf0) =	vadd.scan.msk.s32 $0xffff, v63  }
0xf4: {  	v35 =	vshll.u32 v62, $0xA  }
0xf5: {  	v34 =	vadd.s32 v35, v34  }
0xf6: {  	s30 =	sadd.s32 s1, s31;
	v34 =	vadd.s32 $0xFFFFFFFF, v34  }
0xf7: {  	s1 =	simm.s32 $0x10;
	s31 =	simm.s32 $0x80;
	[tilespmem:s30+$0x3980] =	vst.msk vm15, v34  }
.LBB2_4:
0xf8: {  	p2 =	sne.s32 s31, $0xFC0;
	v34 =	vld [tilespmem:s1+$0x3580]  }
0xf9: {  	v35, _, _ =	vpop (xrf0)  }
0xfa: {  	(v2sf) =	vpush v35, $0xF;
	_ =	sdelay $0x4  }
0xfb: {  	v35 =	vld [tilespmem:s1+$0x2D80]  }
0xfc: {  	v34 =	vld.idx.msk [tilespmem:v34+s2+$0x0], $0xffff;
	_ =	sdelay $0x4  }
0xfd: {  	v35 =	vshll.u32 v35, $0xA  }
0xfe: {  	vm0 =	vgt.s32 v34, $0x0;
	v34 =	vadd.s32 v35, v34  }
0xff: {  	v35 =	vsel vm0, $0x1, v33  }
.Ltmp3:
0x100: {  	(xrf0) =	vadd.scan.msk.s32 $0xffff, v35;
	(pc) =	sbr.rel @p2 .LBB2_4-.Ltmp3, $4  }
0x101: {  	s1 =	spop (v2sf)  }
0x102: {  	v34 =	vadd.s32 $0xFFFFFFFF, v34;
	s30 =	sadd.s32 s30, s1  }
0x103: {  	[tilespmem:s30+$0x3980] =	vst.msk vm0, v34  }
0x104: {  	s1 =	sshra.s32 s31, $0x2;
	s31 =	sadd.s32 $0x40, s31  }
0x105: {  	v34 =	vld [tilespmem:s1+$0x3580];
	_ =	sdelay $0x7  }
0x106: {  	v34 =	vld.idx.msk [tilespmem:v34+s2+$0x0], $0xffff;
	_ =	sdelay $0x4  }
0x107: {  	vm0 =	vgt.s32 v34, $0x0  }
0x108: {  	v35 =	vsel vm0, $0x1, v33  }
0x109: {  	v58, _, _ =	vpop (xrf0);
	(xrf0) =	vadd.scan.msk.s32 $0xffff, v35  }
0x10a: {  	(v2sf) =	vpush v58, $0xF;
	_ =	sdelay $0x4  }
0x10b: {  	v59, _, _ =	vpop (xrf0)  }
0x10c: {  	(v2sf) =	vpush v59, $0xF;
	_ =	sdelay $0x2  }
0x10d: {  	v60 =	vld [tilespmem:s1+$0x2D80];
	_ =	sdelay $0x4  }
0x10e: {  	v35 =	vshll.u32 v60, $0xA  }
0x10f: {  	v34 =	vadd.s32 v35, v34;
	s0 =	spop (v2sf)  }
0x110: {  	v34 =	vadd.s32 $0xFFFFFFFF, v34;
	s1 =	sadd.s32 s30, s0  }
0x111: {  	s30 =	simm.s32 $0x0;
	s0 =	rddreg [dreg:$0x9];
	[tilespmem:s1+$0x3980] =	vst.msk vm0, v34  }
0x112: {  	[tilespmem:s13], [sflag:$0x2] =	stream.linear.gather [hbm4b:s0+s30], $0x400, $0x38;
	[tilespmem:$0xD2C0] =	vst v63  }
0x113: {  	s0 =	rddreg [dreg:$0xa]  }
0x114: {  	[tilespmem:s14], [sflag:$0x2] =	stream.linear.gather [hbm4b:s0+s30], $0x400, $0x38;
	[tilespmem:$0xD2C0] =	vst v63  }
0x115: {  	s31 =	spop (v2sf)  }
0x116: {  	_ =	swait.ge [sflag:s15], $0x400  }
0x117: {  	[sflag:s15] =	ssyncset.done $0x0  }
0x118: {  	[sflag:s15] =	ssyncadd.s32 $0xFFFFFC00  }
0x119: {  	_ =	swait.ge [sflag:s15], $0x400  }
0x11a: {  	[sflag:s15] =	ssyncset.done $0x0  }
0x11b: {  	s30 =	simm.s32 $0x0;
	[sflag:s15] =	ssyncadd.s32 $0xFFFFFC00  }
0x11c: {  	v61 =	vld [tilespmem:s30+$0x3180];
	_ =	sdelay $0x7  }
0x11d: {  	v34 =	vld.idx.msk [tilespmem:v61+s2+$0x0], $0xffff;
	_ =	sdelay $0x2  }
0x11e: {  	v62 =	vld [tilespmem:s30+$0x2980];
	_ =	sdelay $0x1  }
0x11f: {  	vm15 =	vgt.s32 v34, $0x0  }
0x120: {  	v63 =	vsel vm15, $0x1, v33  }
0x121: {  	(xrf0) =	vadd.scan.msk.s32 $0xffff, v63  }
0x122: {  	v35 =	vshll.u32 v62, $0xA  }
0x123: {  	v34 =	vadd.s32 v35, v34  }
0x124: {  	s30 =	sadd.s32 s1, s31;
	v34 =	vadd.s32 $0xFFFFFFFF, v34  }
0x125: {  	s1 =	simm.s32 $0x10;
	s31 =	simm.s32 $0x80;
	[tilespmem:s30+$0x3980] =	vst.msk vm15, v34  }
.LBB2_6:
0x126: {  	p2 =	sne.s32 s31, $0xFC0;
	v34 =	vld [tilespmem:s1+$0x3180]  }
0x127: {  	v35, _, _ =	vpop (xrf0)  }
0x128: {  	(v2sf) =	vpush v35, $0xF;
	_ =	sdelay $0x4  }
0x129: {  	v35 =	vld [tilespmem:s1+$0x2980]  }
0x12a: {  	v34 =	vld.idx.msk [tilespmem:v34+s2+$0x0], $0xffff;
	_ =	sdelay $0x4  }
0x12b: {  	v35 =	vshll.u32 v35, $0xA  }
0x12c: {  	vm0 =	vgt.s32 v34, $0x0;
	v34 =	vadd.s32 v35, v34  }
0x12d: {  	v35 =	vsel vm0, $0x1, v33  }
.Ltmp4:
0x12e: {  	(xrf0) =	vadd.scan.msk.s32 $0xffff, v35;
	(pc) =	sbr.rel @p2 .LBB2_6-.Ltmp4, $4  }
0x12f: {  	s1 =	spop (v2sf)  }
0x130: {  	v34 =	vadd.s32 $0xFFFFFFFF, v34;
	s30 =	sadd.s32 s30, s1  }
0x131: {  	[tilespmem:s30+$0x3980] =	vst.msk vm0, v34  }
0x132: {  	s1 =	sshra.s32 s31, $0x2;
	s31 =	sadd.s32 $0x40, s31  }
0x133: {  	v34 =	vld [tilespmem:s1+$0x3180];
	_ =	sdelay $0x7  }
0x134: {  	v34 =	vld.idx.msk [tilespmem:v34+s2+$0x0], $0xffff;
	_ =	sdelay $0x4  }
0x135: {  	vm0 =	vgt.s32 v34, $0x0  }
0x136: {  	v35 =	vsel vm0, $0x1, v33  }
0x137: {  	v58, _, _ =	vpop (xrf0);
	(xrf0) =	vadd.scan.msk.s32 $0xffff, v35  }
0x138: {  	(v2sf) =	vpush v58, $0xF;
	_ =	sdelay $0x4  }
0x139: {  	v59, _, _ =	vpop (xrf0)  }
0x13a: {  	(v2sf) =	vpush v59, $0xF;
	_ =	sdelay $0x2  }
0x13b: {  	v60 =	vld [tilespmem:s1+$0x2980];
	_ =	sdelay $0x4  }
0x13c: {  	v35 =	vshll.u32 v60, $0xA  }
0x13d: {  	v34 =	vadd.s32 v35, v34;
	s0 =	spop (v2sf)  }
0x13e: {  	v34 =	vadd.s32 $0xFFFFFFFF, v34;
	s1 =	sadd.s32 s30, s0  }
0x13f: {  	s30 =	simm.s32 $0x0;
	s0 =	rddreg [dreg:$0xb];
	[tilespmem:s1+$0x3980] =	vst.msk vm0, v34  }
0x140: {  	[tilespmem:s11], [sflag:$0x1] =	stream.linear.gather [hbm4b:s0+s30], $0x400, $0x38;
	[tilespmem:$0xD2C0] =	vst v63  }
0x141: {  	s0 =	rddreg [dreg:$0xc]  }
0x142: {  	[tilespmem:s12], [sflag:$0x1] =	stream.linear.gather [hbm4b:s0+s30], $0x400, $0x38;
	[tilespmem:$0xD2C0] =	vst v63  }
0x143: {  	s31 =	spop (v2sf)  }
0x144: {  	_ =	swait.ge [sflag:s16], $0x400  }
0x145: {  	[sflag:s16] =	ssyncset.done $0x0  }
0x146: {  	[sflag:s16] =	ssyncadd.s32 $0xFFFFFC00  }
0x147: {  	_ =	swait.ge [sflag:s16], $0x400  }
0x148: {  	[sflag:s16] =	ssyncset.done $0x0  }
0x149: {  	s30 =	simm.s32 $0x0;
	[sflag:s16] =	ssyncadd.s32 $0xFFFFFC00  }
0x14a: {  	v61 =	vld [tilespmem:s30+$0x3580];
	_ =	sdelay $0x7  }
0x14b: {  	v34 =	vld.idx.msk [tilespmem:v61+s2+$0x0], $0xffff;
	_ =	sdelay $0x2  }
0x14c: {  	v62 =	vld [tilespmem:s30+$0x2D80];
	_ =	sdelay $0x1  }
0x14d: {  	vm15 =	vgt.s32 v34, $0x0  }
0x14e: {  	v63 =	vsel vm15, $0x1, v33  }
0x14f: {  	(xrf0) =	vadd.scan.msk.s32 $0xffff, v63  }
0x150: {  	v35 =	vshll.u32 v62, $0xA  }
0x151: {  	v34 =	vadd.s32 v35, v34  }
0x152: {  	s30 =	sadd.s32 s1, s31;
	v34 =	vadd.s32 $0xFFFFFFFF, v34  }
0x153: {  	s1 =	simm.s32 $0x10;
	s31 =	simm.s32 $0x80;
	[tilespmem:s30+$0x3980] =	vst.msk vm15, v34  }
.LBB2_8:
0x154: {  	p2 =	sne.s32 s31, $0xFC0;
	v34 =	vld [tilespmem:s1+$0x3580]  }
0x155: {  	v35, _, _ =	vpop (xrf0)  }
0x156: {  	(v2sf) =	vpush v35, $0xF;
	_ =	sdelay $0x4  }
0x157: {  	v35 =	vld [tilespmem:s1+$0x2D80]  }
0x158: {  	v34 =	vld.idx.msk [tilespmem:v34+s2+$0x0], $0xffff;
	_ =	sdelay $0x4  }
0x159: {  	v35 =	vshll.u32 v35, $0xA  }
0x15a: {  	vm0 =	vgt.s32 v34, $0x0;
	v34 =	vadd.s32 v35, v34  }
0x15b: {  	v35 =	vsel vm0, $0x1, v33  }
.Ltmp5:
0x15c: {  	(xrf0) =	vadd.scan.msk.s32 $0xffff, v35;
	(pc) =	sbr.rel @p2 .LBB2_8-.Ltmp5, $4  }
0x15d: {  	s1 =	spop (v2sf)  }
0x15e: {  	v34 =	vadd.s32 $0xFFFFFFFF, v34;
	s30 =	sadd.s32 s30, s1  }
0x15f: {  	[tilespmem:s30+$0x3980] =	vst.msk vm0, v34  }
0x160: {  	s1 =	sshra.s32 s31, $0x2;
	s31 =	sadd.s32 $0x40, s31  }
0x161: {  	v34 =	vld [tilespmem:s1+$0x3580];
	_ =	sdelay $0x7  }
0x162: {  	v34 =	vld.idx.msk [tilespmem:v34+s2+$0x0], $0xffff;
	_ =	sdelay $0x4  }
0x163: {  	vm0 =	vgt.s32 v34, $0x0  }
0x164: {  	v35 =	vsel vm0, $0x1, v33  }
0x165: {  	v58, _, _ =	vpop (xrf0);
	(xrf0) =	vadd.scan.msk.s32 $0xffff, v35  }
0x166: {  	(v2sf) =	vpush v58, $0xF;
	_ =	sdelay $0x4  }
0x167: {  	v59, _, _ =	vpop (xrf0)  }
0x168: {  	(v2sf) =	vpush v59, $0xF;
	_ =	sdelay $0x2  }
0x169: {  	v60 =	vld [tilespmem:s1+$0x2D80];
	_ =	sdelay $0x4  }
0x16a: {  	v35 =	vshll.u32 v60, $0xA  }
0x16b: {  	v34 =	vadd.s32 v35, v34;
	s0 =	spop (v2sf)  }
0x16c: {  	v34 =	vadd.s32 $0xFFFFFFFF, v34;
	s1 =	sadd.s32 s30, s0  }
0x16d: {  	s30 =	simm.s32 $0x0;
	s0 =	rddreg [dreg:$0xd];
	[tilespmem:s1+$0x3980] =	vst.msk vm0, v34  }
0x16e: {  	[tilespmem:s13], [sflag:$0x2] =	stream.linear.gather [hbm4b:s0+s30], $0x400, $0x38;
	[tilespmem:$0xD2C0] =	vst v63  }
0x16f: {  	s0 =	rddreg [dreg:$0xe]  }
0x170: {  	[tilespmem:s14], [sflag:$0x2] =	stream.linear.gather [hbm4b:s0+s30], $0x400, $0x38;
	[tilespmem:$0xD2C0] =	vst v63  }
0x171: {  	s31 =	spop (v2sf)  }
0x172: {  	_ =	swait.ge [sflag:s15], $0x400  }
0x173: {  	[sflag:s15] =	ssyncset.done $0x0  }
0x174: {  	[sflag:s15] =	ssyncadd.s32 $0xFFFFFC00  }
0x175: {  	_ =	swait.ge [sflag:s15], $0x400  }
0x176: {  	[sflag:s15] =	ssyncset.done $0x0  }
0x177: {  	s30 =	simm.s32 $0x0;
	[sflag:s15] =	ssyncadd.s32 $0xFFFFFC00  }
0x178: {  	v61 =	vld [tilespmem:s30+$0x3180];
	_ =	sdelay $0x7  }
0x179: {  	v34 =	vld.idx.msk [tilespmem:v61+s2+$0x0], $0xffff;
	_ =	sdelay $0x2  }
0x17a: {  	v62 =	vld [tilespmem:s30+$0x2980];
	_ =	sdelay $0x1  }
0x17b: {  	vm15 =	vgt.s32 v34, $0x0  }
0x17c: {  	v63 =	vsel vm15, $0x1, v33  }
0x17d: {  	(xrf0) =	vadd.scan.msk.s32 $0xffff, v63  }
0x17e: {  	v35 =	vshll.u32 v62, $0xA  }
0x17f: {  	v34 =	vadd.s32 v35, v34  }
0x180: {  	s30 =	sadd.s32 s1, s31;
	v34 =	vadd.s32 $0xFFFFFFFF, v34  }
0x181: {  	s1 =	simm.s32 $0x10;
	s31 =	simm.s32 $0x80;
	[tilespmem:s30+$0x3980] =	vst.msk vm15, v34  }
.LBB2_10:
0x182: {  	p2 =	sne.s32 s31, $0xFC0;
	v34 =	vld [tilespmem:s1+$0x3180]  }
0x183: {  	v35, _, _ =	vpop (xrf0)  }
0x184: {  	(v2sf) =	vpush v35, $0xF;
	_ =	sdelay $0x4  }
0x185: {  	v35 =	vld [tilespmem:s1+$0x2980]  }
0x186: {  	v34 =	vld.idx.msk [tilespmem:v34+s2+$0x0], $0xffff;
	_ =	sdelay $0x4  }
0x187: {  	v35 =	vshll.u32 v35, $0xA  }
0x188: {  	vm0 =	vgt.s32 v34, $0x0;
	v34 =	vadd.s32 v35, v34  }
0x189: {  	v35 =	vsel vm0, $0x1, v33  }
.Ltmp6:
0x18a: {  	(xrf0) =	vadd.scan.msk.s32 $0xffff, v35;
	(pc) =	sbr.rel @p2 .LBB2_10-.Ltmp6, $4  }
0x18b: {  	s1 =	spop (v2sf)  }
0x18c: {  	v34 =	vadd.s32 $0xFFFFFFFF, v34;
	s30 =	sadd.s32 s30, s1  }
0x18d: {  	[tilespmem:s30+$0x3980] =	vst.msk vm0, v34  }
0x18e: {  	s1 =	sshra.s32 s31, $0x2;
	s31 =	sadd.s32 $0x40, s31  }
0x18f: {  	v34 =	vld [tilespmem:s1+$0x3180];
	_ =	sdelay $0x7  }
0x190: {  	v34 =	vld.idx.msk [tilespmem:v34+s2+$0x0], $0xffff;
	_ =	sdelay $0x4  }
0x191: {  	vm0 =	vgt.s32 v34, $0x0  }
0x192: {  	v35 =	vsel vm0, $0x1, v33  }
0x193: {  	v58, _, _ =	vpop (xrf0);
	(xrf0) =	vadd.scan.msk.s32 $0xffff, v35  }
0x194: {  	(v2sf) =	vpush v58, $0xF;
	_ =	sdelay $0x4  }
0x195: {  	v59, _, _ =	vpop (xrf0)  }
0x196: {  	(v2sf) =	vpush v59, $0xF;
	_ =	sdelay $0x2  }
0x197: {  	v60 =	vld [tilespmem:s1+$0x2980];
	_ =	sdelay $0x4  }
0x198: {  	v35 =	vshll.u32 v60, $0xA  }
0x199: {  	v34 =	vadd.s32 v35, v34;
	s0 =	spop (v2sf)  }
0x19a: {  	v34 =	vadd.s32 $0xFFFFFFFF, v34;
	s1 =	sadd.s32 s30, s0  }
0x19b: {  	s30 =	simm.s32 $0x0;
	s0 =	rddreg [dreg:$0xf];
	[tilespmem:s1+$0x3980] =	vst.msk vm0, v34  }
0x19c: {  	[tilespmem:s11], [sflag:$0x1] =	stream.linear.gather [hbm4b:s0+s30], $0x400, $0x38;
	[tilespmem:$0xD2C0] =	vst v63  }
0x19d: {  	s0 =	rddreg [dreg:$0x10]  }
0x19e: {  	[tilespmem:s12], [sflag:$0x1] =	stream.linear.gather [hbm4b:s0+s30], $0x400, $0x38;
	[tilespmem:$0xD2C0] =	vst v63  }
0x19f: {  	s31 =	spop (v2sf)  }
0x1a0: {  	_ =	swait.ge [sflag:s16], $0x400  }
0x1a1: {  	[sflag:s16] =	ssyncset.done $0x0  }
0x1a2: {  	[sflag:s16] =	ssyncadd.s32 $0xFFFFFC00  }
0x1a3: {  	_ =	swait.ge [sflag:s16], $0x400  }
0x1a4: {  	[sflag:s16] =	ssyncset.done $0x0  }
0x1a5: {  	s30 =	simm.s32 $0x0;
	[sflag:s16] =	ssyncadd.s32 $0xFFFFFC00  }
0x1a6: {  	v61 =	vld [tilespmem:s30+$0x3580];
	_ =	sdelay $0x7  }
0x1a7: {  	v34 =	vld.idx.msk [tilespmem:v61+s2+$0x0], $0xffff;
	_ =	sdelay $0x2  }
0x1a8: {  	v62 =	vld [tilespmem:s30+$0x2D80];
	_ =	sdelay $0x1  }
0x1a9: {  	vm15 =	vgt.s32 v34, $0x0  }
0x1aa: {  	v63 =	vsel vm15, $0x1, v33  }
0x1ab: {  	(xrf0) =	vadd.scan.msk.s32 $0xffff, v63  }
0x1ac: {  	v35 =	vshll.u32 v62, $0xA  }
0x1ad: {  	v34 =	vadd.s32 v35, v34  }
0x1ae: {  	s30 =	sadd.s32 s1, s31;
	v34 =	vadd.s32 $0xFFFFFFFF, v34  }
0x1af: {  	s1 =	simm.s32 $0x10;
	s31 =	simm.s32 $0x80;
	[tilespmem:s30+$0x3980] =	vst.msk vm15, v34  }
.LBB2_12:
0x1b0: {  	p2 =	sne.s32 s31, $0xFC0;
	v34 =	vld [tilespmem:s1+$0x3580]  }
0x1b1: {  	v35, _, _ =	vpop (xrf0)  }
0x1b2: {  	(v2sf) =	vpush v35, $0xF;
	_ =	sdelay $0x4  }
0x1b3: {  	v35 =	vld [tilespmem:s1+$0x2D80]  }
0x1b4: {  	v34 =	vld.idx.msk [tilespmem:v34+s2+$0x0], $0xffff;
	_ =	sdelay $0x4  }
0x1b5: {  	v35 =	vshll.u32 v35, $0xA  }
0x1b6: {  	vm0 =	vgt.s32 v34, $0x0;
	v34 =	vadd.s32 v35, v34  }
0x1b7: {  	v35 =	vsel vm0, $0x1, v33  }
.Ltmp7:
0x1b8: {  	(xrf0) =	vadd.scan.msk.s32 $0xffff, v35;
	(pc) =	sbr.rel @p2 .LBB2_12-.Ltmp7, $4  }
0x1b9: {  	s1 =	spop (v2sf)  }
0x1ba: {  	v34 =	vadd.s32 $0xFFFFFFFF, v34;
	s30 =	sadd.s32 s30, s1  }
0x1bb: {  	[tilespmem:s30+$0x3980] =	vst.msk vm0, v34  }
0x1bc: {  	s1 =	sshra.s32 s31, $0x2;
	s31 =	sadd.s32 $0x40, s31  }
0x1bd: {  	v34 =	vld [tilespmem:s1+$0x3580];
	_ =	sdelay $0x7  }
0x1be: {  	v34 =	vld.idx.msk [tilespmem:v34+s2+$0x0], $0xffff;
	_ =	sdelay $0x4  }
0x1bf: {  	vm0 =	vgt.s32 v34, $0x0  }
0x1c0: {  	v35 =	vsel vm0, $0x1, v33  }
0x1c1: {  	v58, _, _ =	vpop (xrf0);
	(xrf0) =	vadd.scan.msk.s32 $0xffff, v35  }
0x1c2: {  	(v2sf) =	vpush v58, $0xF;
	_ =	sdelay $0x4  }
0x1c3: {  	v59, _, _ =	vpop (xrf0)  }
0x1c4: {  	(v2sf) =	vpush v59, $0xF;
	_ =	sdelay $0x2  }
0x1c5: {  	v60 =	vld [tilespmem:s1+$0x2D80];
	_ =	sdelay $0x4  }
0x1c6: {  	v35 =	vshll.u32 v60, $0xA  }
0x1c7: {  	v34 =	vadd.s32 v35, v34;
	s0 =	spop (v2sf)  }
0x1c8: {  	v34 =	vadd.s32 $0xFFFFFFFF, v34;
	s1 =	sadd.s32 s30, s0  }
0x1c9: {  	s30 =	simm.s32 $0x0;
	s0 =	rddreg [dreg:$0x11];
	[tilespmem:s1+$0x3980] =	vst.msk vm0, v34  }
0x1ca: {  	[tilespmem:s13], [sflag:$0x2] =	stream.linear.gather [hbm4b:s0+s30], $0x400, $0x38;
	[tilespmem:$0xD2C0] =	vst v63  }
0x1cb: {  	s0 =	rddreg [dreg:$0x12]  }
0x1cc: {  	[tilespmem:s14], [sflag:$0x2] =	stream.linear.gather [hbm4b:s0+s30], $0x400, $0x38;
	[tilespmem:$0xD2C0] =	vst v63  }
0x1cd: {  	s31 =	spop (v2sf)  }
0x1ce: {  	_ =	swait.ge [sflag:s15], $0x400  }
0x1cf: {  	[sflag:s15] =	ssyncset.done $0x0  }
0x1d0: {  	[sflag:s15] =	ssyncadd.s32 $0xFFFFFC00  }
0x1d1: {  	_ =	swait.ge [sflag:s15], $0x400  }
0x1d2: {  	[sflag:s15] =	ssyncset.done $0x0  }
0x1d3: {  	s30 =	simm.s32 $0x0;
	[sflag:s15] =	ssyncadd.s32 $0xFFFFFC00  }
0x1d4: {  	v61 =	vld [tilespmem:s30+$0x3180];
	_ =	sdelay $0x7  }
0x1d5: {  	v34 =	vld.idx.msk [tilespmem:v61+s2+$0x0], $0xffff;
	_ =	sdelay $0x2  }
0x1d6: {  	v62 =	vld [tilespmem:s30+$0x2980];
	_ =	sdelay $0x1  }
0x1d7: {  	vm15 =	vgt.s32 v34, $0x0  }
0x1d8: {  	v63 =	vsel vm15, $0x1, v33  }
0x1d9: {  	(xrf0) =	vadd.scan.msk.s32 $0xffff, v63  }
0x1da: {  	v35 =	vshll.u32 v62, $0xA  }
0x1db: {  	v34 =	vadd.s32 v35, v34  }
0x1dc: {  	s30 =	sadd.s32 s1, s31;
	v34 =	vadd.s32 $0xFFFFFFFF, v34  }
0x1dd: {  	s1 =	simm.s32 $0x10;
	s31 =	simm.s32 $0x80;
	[tilespmem:s30+$0x3980] =	vst.msk vm15, v34  }
.LBB2_14:
0x1de: {  	p2 =	sne.s32 s31, $0xFC0;
	v34 =	vld [tilespmem:s1+$0x3180]  }
0x1df: {  	v35, _, _ =	vpop (xrf0)  }
0x1e0: {  	(v2sf) =	vpush v35, $0xF;
	_ =	sdelay $0x4  }
0x1e1: {  	v35 =	vld [tilespmem:s1+$0x2980]  }
0x1e2: {  	v34 =	vld.idx.msk [tilespmem:v34+s2+$0x0], $0xffff;
	_ =	sdelay $0x4  }
0x1e3: {  	v35 =	vshll.u32 v35, $0xA  }
0x1e4: {  	vm0 =	vgt.s32 v34, $0x0;
	v34 =	vadd.s32 v35, v34  }
0x1e5: {  	v35 =	vsel vm0, $0x1, v33  }
.Ltmp8:
0x1e6: {  	(xrf0) =	vadd.scan.msk.s32 $0xffff, v35;
	(pc) =	sbr.rel @p2 .LBB2_14-.Ltmp8, $4  }
0x1e7: {  	s1 =	spop (v2sf)  }
0x1e8: {  	v34 =	vadd.s32 $0xFFFFFFFF, v34;
	s30 =	sadd.s32 s30, s1  }
0x1e9: {  	[tilespmem:s30+$0x3980] =	vst.msk vm0, v34  }
0x1ea: {  	s1 =	sshra.s32 s31, $0x2;
	s31 =	sadd.s32 $0x40, s31  }
0x1eb: {  	v34 =	vld [tilespmem:s1+$0x3180];
	_ =	sdelay $0x7  }
0x1ec: {  	v34 =	vld.idx.msk [tilespmem:v34+s2+$0x0], $0xffff;
	_ =	sdelay $0x4  }
0x1ed: {  	vm0 =	vgt.s32 v34, $0x0  }
0x1ee: {  	v35 =	vsel vm0, $0x1, v33  }
0x1ef: {  	v58, _, _ =	vpop (xrf0);
	(xrf0) =	vadd.scan.msk.s32 $0xffff, v35  }
0x1f0: {  	(v2sf) =	vpush v58, $0xF;
	_ =	sdelay $0x4  }
0x1f1: {  	v59, _, _ =	vpop (xrf0)  }
0x1f2: {  	(v2sf) =	vpush v59, $0xF;
	_ =	sdelay $0x2  }
0x1f3: {  	v60 =	vld [tilespmem:s1+$0x2980];
	_ =	sdelay $0x4  }
0x1f4: {  	v35 =	vshll.u32 v60, $0xA  }
0x1f5: {  	v34 =	vadd.s32 v35, v34;
	s0 =	spop (v2sf)  }
0x1f6: {  	v34 =	vadd.s32 $0xFFFFFFFF, v34;
	s1 =	sadd.s32 s30, s0  }
0x1f7: {  	s30 =	simm.s32 $0x0;
	s0 =	rddreg [dreg:$0x13];
	[tilespmem:s1+$0x3980] =	vst.msk vm0, v34  }
0x1f8: {  	[tilespmem:s11], [sflag:$0x1] =	stream.linear.gather [hbm4b:s0+s30], $0x400, $0x38;
	[tilespmem:$0xD2C0] =	vst v63  }
0x1f9: {  	s0 =	rddreg [dreg:$0x14]  }
0x1fa: {  	[tilespmem:s12], [sflag:$0x1] =	stream.linear.gather [hbm4b:s0+s30], $0x400, $0x38;
	[tilespmem:$0xD2C0] =	vst v63  }
0x1fb: {  	s31 =	spop (v2sf)  }
0x1fc: {  	_ =	swait.ge [sflag:s16], $0x400  }
0x1fd: {  	[sflag:s16] =	ssyncset.done $0x0  }
0x1fe: {  	[sflag:s16] =	ssyncadd.s32 $0xFFFFFC00  }
0x1ff: {  	_ =	swait.ge [sflag:s16], $0x400  }
0x200: {  	[sflag:s16] =	ssyncset.done $0x0  }
0x201: {  	s30 =	simm.s32 $0x0;
	[sflag:s16] =	ssyncadd.s32 $0xFFFFFC00  }
0x202: {  	v61 =	vld [tilespmem:s30+$0x3580];
	_ =	sdelay $0x7  }
0x203: {  	v34 =	vld.idx.msk [tilespmem:v61+s2+$0x0], $0xffff;
	_ =	sdelay $0x2  }
0x204: {  	v62 =	vld [tilespmem:s30+$0x2D80];
	_ =	sdelay $0x1  }
0x205: {  	vm15 =	vgt.s32 v34, $0x0  }
0x206: {  	v63 =	vsel vm15, $0x1, v33  }
0x207: {  	(xrf0) =	vadd.scan.msk.s32 $0xffff, v63  }
0x208: {  	v35 =	vshll.u32 v62, $0xA  }
0x209: {  	v34 =	vadd.s32 v35, v34  }
0x20a: {  	s30 =	sadd.s32 s1, s31;
	v34 =	vadd.s32 $0xFFFFFFFF, v34  }
0x20b: {  	s1 =	simm.s32 $0x10;
	s31 =	simm.s32 $0x80;
	[tilespmem:s30+$0x3980] =	vst.msk vm15, v34  }
.LBB2_16:
0x20c: {  	p2 =	sne.s32 s31, $0xFC0;
	v34 =	vld [tilespmem:s1+$0x3580]  }
0x20d: {  	v35, _, _ =	vpop (xrf0)  }
0x20e: {  	(v2sf) =	vpush v35, $0xF;
	_ =	sdelay $0x4  }
0x20f: {  	v35 =	vld [tilespmem:s1+$0x2D80]  }
0x210: {  	v34 =	vld.idx.msk [tilespmem:v34+s2+$0x0], $0xffff;
	_ =	sdelay $0x4  }
0x211: {  	v35 =	vshll.u32 v35, $0xA  }
0x212: {  	vm0 =	vgt.s32 v34, $0x0;
	v34 =	vadd.s32 v35, v34  }
0x213: {  	v35 =	vsel vm0, $0x1, v33  }
.Ltmp9:
0x214: {  	(xrf0) =	vadd.scan.msk.s32 $0xffff, v35;
	(pc) =	sbr.rel @p2 .LBB2_16-.Ltmp9, $4  }
0x215: {  	s1 =	spop (v2sf)  }
0x216: {  	v34 =	vadd.s32 $0xFFFFFFFF, v34;
	s30 =	sadd.s32 s30, s1  }
0x217: {  	[tilespmem:s30+$0x3980] =	vst.msk vm0, v34  }
0x218: {  	s1 =	sshra.s32 s31, $0x2;
	s31 =	sadd.s32 $0x40, s31  }
0x219: {  	v34 =	vld [tilespmem:s1+$0x3580];
	_ =	sdelay $0x7  }
0x21a: {  	v34 =	vld.idx.msk [tilespmem:v34+s2+$0x0], $0xffff;
	_ =	sdelay $0x4  }
0x21b: {  	vm0 =	vgt.s32 v34, $0x0  }
0x21c: {  	v35 =	vsel vm0, $0x1, v33  }
0x21d: {  	v58, _, _ =	vpop (xrf0);
	(xrf0) =	vadd.scan.msk.s32 $0xffff, v35  }
0x21e: {  	(v2sf) =	vpush v58, $0xF;
	_ =	sdelay $0x4  }
0x21f: {  	v59, _, _ =	vpop (xrf0)  }
0x220: {  	(v2sf) =	vpush v59, $0xF;
	_ =	sdelay $0x2  }
0x221: {  	v60 =	vld [tilespmem:s1+$0x2D80];
	_ =	sdelay $0x4  }
0x222: {  	v35 =	vshll.u32 v60, $0xA  }
0x223: {  	v34 =	vadd.s32 v35, v34;
	s0 =	spop (v2sf)  }
0x224: {  	v34 =	vadd.s32 $0xFFFFFFFF, v34;
	s1 =	sadd.s32 s30, s0  }
0x225: {  	s30 =	simm.s32 $0x0;
	s0 =	rddreg [dreg:$0x16];
	[tilespmem:s1+$0x3980] =	vst.msk vm0, v34  }
0x226: {  	[tilespmem:s13], [sflag:$0x2] =	stream.linear.gather [hbm4b:s0+s30], $0x310, $0x38;
	[tilespmem:$0xD2C0] =	vst v63  }
0x227: {  	s0 =	rddreg [dreg:$0x17]  }
0x228: {  	[tilespmem:s14], [sflag:$0x2] =	stream.linear.gather [hbm4b:s0+s30], $0x310, $0x38;
	[tilespmem:$0xD2C0] =	vst v63  }
0x229: {  	s31 =	spop (v2sf)  }
0x22a: {  	_ =	swait.ge [sflag:s15], $0x400  }
0x22b: {  	[sflag:s15] =	ssyncset.done $0x0  }
0x22c: {  	[sflag:s15] =	ssyncadd.s32 $0xFFFFFC00  }
0x22d: {  	_ =	swait.ge [sflag:s15], $0x400  }
0x22e: {  	[sflag:s15] =	ssyncset.done $0x0  }
0x22f: {  	s30 =	simm.s32 $0x0;
	[sflag:s15] =	ssyncadd.s32 $0xFFFFFC00  }
0x230: {  	v61 =	vld [tilespmem:s30+$0x3180];
	_ =	sdelay $0x7  }
0x231: {  	v34 =	vld.idx.msk [tilespmem:v61+s2+$0x0], $0xffff;
	_ =	sdelay $0x2  }
0x232: {  	v62 =	vld [tilespmem:s30+$0x2980];
	_ =	sdelay $0x1  }
0x233: {  	vm15 =	vgt.s32 v34, $0x0  }
0x234: {  	v63 =	vsel vm15, $0x1, v33  }
0x235: {  	(xrf0) =	vadd.scan.msk.s32 $0xffff, v63  }
0x236: {  	v35 =	vshll.u32 v62, $0xA  }
0x237: {  	v34 =	vadd.s32 v35, v34  }
0x238: {  	s30 =	sadd.s32 s1, s31;
	v34 =	vadd.s32 $0xFFFFFFFF, v34  }
0x239: {  	s1 =	simm.s32 $0x10;
	s31 =	simm.s32 $0x80;
	[tilespmem:s30+$0x3980] =	vst.msk vm15, v34  }
.LBB2_18:
0x23a: {  	p2 =	sne.s32 s31, $0xFC0;
	v34 =	vld [tilespmem:s1+$0x3180]  }
0x23b: {  	v35, _, _ =	vpop (xrf0)  }
0x23c: {  	(v2sf) =	vpush v35, $0xF;
	_ =	sdelay $0x4  }
0x23d: {  	v35 =	vld [tilespmem:s1+$0x2980]  }
0x23e: {  	v34 =	vld.idx.msk [tilespmem:v34+s2+$0x0], $0xffff;
	_ =	sdelay $0x4  }
0x23f: {  	v35 =	vshll.u32 v35, $0xA  }
0x240: {  	vm0 =	vgt.s32 v34, $0x0;
	v34 =	vadd.s32 v35, v34  }
0x241: {  	v35 =	vsel vm0, $0x1, v33  }
.Ltmp10:
0x242: {  	(xrf0) =	vadd.scan.msk.s32 $0xffff, v35;
	(pc) =	sbr.rel @p2 .LBB2_18-.Ltmp10, $4  }
0x243: {  	s1 =	spop (v2sf)  }
0x244: {  	v34 =	vadd.s32 $0xFFFFFFFF, v34;
	s30 =	sadd.s32 s30, s1  }
0x245: {  	[tilespmem:s30+$0x3980] =	vst.msk vm0, v34  }
0x246: {  	s1 =	sshra.s32 s31, $0x2;
	s31 =	sadd.s32 $0x40, s31  }
0x247: {  	v34 =	vld [tilespmem:s1+$0x3180];
	_ =	sdelay $0x7  }
0x248: {  	v34 =	vld.idx.msk [tilespmem:v34+s2+$0x0], $0xffff;
	_ =	sdelay $0x4  }
0x249: {  	vm0 =	vgt.s32 v34, $0x0  }
0x24a: {  	v35 =	vsel vm0, $0x1, v33  }
0x24b: {  	(xrf0) =	vadd.scan.msk.s32 $0xffff, v35;
	_ =	sdelay $0x3  }
0x24c: {  	v58, _, _ =	vpop (xrf0)  }
0x24d: {  	(v2sf) =	vpush v58, $0xF  }
0x24e: {  	v59, _, _ =	vpop (xrf0)  }
0x24f: {  	(v2sf) =	vpush v59, $0xF;
	_ =	sdelay $0x6  }
0x250: {  	v60 =	vld [tilespmem:s1+$0x2980];
	_ =	sdelay $0x4  }
0x251: {  	v35 =	vshll.u32 v60, $0xA  }
0x252: {  	v34 =	vadd.s32 v35, v34;
	s0 =	spop (v2sf)  }
0x253: {  	v34 =	vadd.s32 $0xFFFFFFFF, v34;
	s1 =	sadd.s32 s30, s0  }
0x254: {  	[tilespmem:s1+$0x3980] =	vst.msk vm0, v34;
	s30 =	spop (v2sf)  }
0x255: {  	_ =	swait.ge [sflag:s16], $0x310  }
0x256: {  	[sflag:s16] =	ssyncset.done $0x0  }
0x257: {  	[sflag:s16] =	ssyncadd.s32 $0xFFFFFCF0  }
0x258: {  	_ =	swait.ge [sflag:s16], $0x310  }
0x259: {  	[sflag:s16] =	ssyncset.done $0x0  }
0x25a: {  	s31 =	simm.s32 $0x0;
	[sflag:s16] =	ssyncadd.s32 $0xFFFFFCF0  }
0x25b: {  	v61 =	vld [tilespmem:s31+$0x3580];
	_ =	sdelay $0x7  }
0x25c: {  	v34 =	vld.idx.msk [tilespmem:v61+s2+$0x0], $0xffff;
	_ =	sdelay $0x2  }
0x25d: {  	v62 =	vld [tilespmem:s31+$0x2D80];
	_ =	sdelay $0x1  }
0x25e: {  	vm15 =	vgt.s32 v34, $0x0  }
0x25f: {  	v63 =	vsel vm15, $0x1, v33  }
0x260: {  	(xrf0) =	vadd.scan.msk.s32 $0xffff, v63  }
0x261: {  	v35 =	vshll.u32 v62, $0xA  }
0x262: {  	v34 =	vadd.s32 v35, v34  }
0x263: {  	s30 =	sadd.s32 s1, s30;
	v34 =	vadd.s32 $0xFFFFFFFF, v34  }
0x264: {  	s1 =	simm.s32 $0x10;
	s31 =	simm.s32 $0x80;
	[tilespmem:s30+$0x3980] =	vst.msk vm15, v34  }
.LBB2_20:
0x265: {  	p2 =	sne.s32 s31, $0xC00;
	v34 =	vld [tilespmem:s1+$0x3580]  }
0x266: {  	v35, _, _ =	vpop (xrf0)  }
0x267: {  	(v2sf) =	vpush v35, $0xF;
	_ =	sdelay $0x4  }
0x268: {  	v35 =	vld [tilespmem:s1+$0x2D80]  }
0x269: {  	v34 =	vld.idx.msk [tilespmem:v34+s2+$0x0], $0xffff;
	_ =	sdelay $0x4  }
0x26a: {  	v35 =	vshll.u32 v35, $0xA  }
0x26b: {  	vm0 =	vgt.s32 v34, $0x0;
	v34 =	vadd.s32 v35, v34  }
0x26c: {  	v35 =	vsel vm0, $0x1, v33  }
.Ltmp11:
0x26d: {  	(xrf0) =	vadd.scan.msk.s32 $0xffff, v35;
	(pc) =	sbr.rel @p2 .LBB2_20-.Ltmp11, $4  }
0x26e: {  	s1 =	spop (v2sf)  }
0x26f: {  	v34 =	vadd.s32 $0xFFFFFFFF, v34;
	s30 =	sadd.s32 s30, s1  }
0x270: {  	[tilespmem:s30+$0x3980] =	vst.msk vm0, v34  }
0x271: {  	s1 =	sshra.s32 s31, $0x2;
	s31 =	sadd.s32 $0x40, s31  }
0x272: {  	v34 =	vld [tilespmem:s1+$0x3580];
	_ =	sdelay $0x7  }
0x273: {  	v34 =	vld.idx.msk [tilespmem:v34+s2+$0x0], $0xffff;
	_ =	sdelay $0x4  }
0x274: {  	vm0 =	vgt.s32 v34, $0x0  }
0x275: {  	v35 =	vsel vm0, $0x1, v33  }
0x276: {  	(xrf0) =	vadd.scan.msk.s32 $0xffff, v35;
	_ =	sdelay $0x4  }
0x277: {  	v61, _, _ =	vpop (xrf0)  }
0x278: {  	(v2sf) =	vpush v61, $0xF;
	v62, _, _ =	vpop (xrf0)  }
0x279: {  	(v2sf) =	vpush v62, $0xF;
	_ =	sdelay $0xd  }
0x27a: {  	s31 =	spop (v2sf)  }
0x27b: {  	s30 =	sadd.s32 s30, s31;
	s31 =	spop (v2sf)  }
0x27c: {  	s31 =	sadd.s32 s30, s31  }
0x27d: {  	s0 =	sadd.s32 $0x7F, s31  }
0x27e: {  	s31 =	sand.u32 $0x7F, s0  }
0x27f: {  	p3 =	slt.s32 s0, $0x1;
	p2 =	sne.s32 s31, $0x0;
	s31 =	sshra.s32 s0, $0x1F  }
0x280: {  	s31 =	sshrl.u32 s31, $0x19;
	p2 =	por !p3, !p2  }
0x281: {  	v63 =	vld [tilespmem:s1+$0x2D80];
	s1 =	sadd.s32 s31, s0;
	p2 =	por !p2, !p2;
	s31 =	simm.s32 $0x1  }
0x282: {  	s1 =	sshra.s32 s1, $0x7;
	s31 =	simm.s32 @!p2 $0x0  }
0x283: {  	s31 =	ssub.s32 s1, s31  }
0x284: {  	p2 =	slt.s32 s31, $0x1  }
.Ltmp12:
0x285: {  	_ = 	snop;
	(pc) =	sbr.rel @p2 .LBB2_25-.Ltmp12, $4  }
0x286: {  	v35 =	vshll.u32 v63, $0xA  }
0x287: {  	v34 =	vadd.s32 v35, v34  }
0x288: {  	v34 =	vadd.s32 $0xFFFFFFFF, v34  }
0x289: {  	[tilespmem:s30+$0x3980] =	vst.msk vm0, v34;
	s30 =	simm.s32 $0x39C0  }
0x28a: {  	v34 =	vld [tilespmem:s30+$0xFFFFFFC0];
	_ =	sdelay $0x4  }
0x28b: {  	v35 =	vshra.s32 v34, $0xA  }
0x28c: {  	v34 =	vand.u32 $0x3FF, v34;
	[tilespmem:$0x6100] =	vst v35  }
0x28d: {  	[tilespmem:$0x6180] =	vst v34  }
0x28e: {  	v34 =	vld [tilespmem:s30+$0xFFFFFFD0];
	_ =	sdelay $0x4  }
0x28f: {  	v57 =	vshra.s32 v34, $0xA  }
0x290: {  	v34 =	vand.u32 $0x3FF, v34;
	[tilespmem:$0x6110] =	vst v57  }
0x291: {  	[tilespmem:$0x6190] =	vst v34  }
0x292: {  	v34 =	vld [tilespmem:s30+$0xFFFFFFE0];
	_ =	sdelay $0x4  }
0x293: {  	v58 =	vshra.s32 v34, $0xA  }
0x294: {  	v34 =	vand.u32 $0x3FF, v34;
	[tilespmem:$0x6120] =	vst v58  }
0x295: {  	[tilespmem:$0x61A0] =	vst v34  }
0x296: {  	v34 =	vld [tilespmem:s30+$0xFFFFFFF0];
	_ =	sdelay $0x4  }
0x297: {  	v59 =	vshra.s32 v34, $0xA  }
0x298: {  	v34 =	vand.u32 $0x3FF, v34;
	[tilespmem:$0x6130] =	vst v59  }
0x299: {  	[tilespmem:$0x61B0] =	vst v34  }
0x29a: {  	v34 =	vld [tilespmem:s30+$0x0];
	_ =	sdelay $0x4  }
0x29b: {  	v60 =	vshra.s32 v34, $0xA  }
0x29c: {  	v34 =	vand.u32 $0x3FF, v34;
	[tilespmem:$0x6140] =	vst v60  }
0x29d: {  	[tilespmem:$0x61C0] =	vst v34  }
0x29e: {  	v34 =	vld [tilespmem:s30+$0x10];
	_ =	sdelay $0x4  }
0x29f: {  	v61 =	vshra.s32 v34, $0xA  }
0x2a0: {  	v34 =	vand.u32 $0x3FF, v34;
	[tilespmem:$0x6150] =	vst v61  }
0x2a1: {  	[tilespmem:$0x61D0] =	vst v34  }
0x2a2: {  	v34 =	vld [tilespmem:s30+$0x20];
	_ =	sdelay $0x4  }
0x2a3: {  	v62 =	vshra.s32 v34, $0xA  }
0x2a4: {  	v34 =	vand.u32 $0x3FF, v34;
	[tilespmem:$0x6160] =	vst v62  }
0x2a5: {  	[tilespmem:$0x61E0] =	vst v34  }
0x2a6: {  	v34 =	vld [tilespmem:s30+$0x30]  }
0x2a7: {  	p2 =	sne.s32 s31, $0x1  }
.Ltmp13:
0x2a8: {  	_ = 	snop;
	(pc) =	sbr.rel @!p2 .LBB2_24-.Ltmp13, $3  }
0x2a9: {  	_ =	sdelay $0x1  }
0x2aa: {  	v63 =	vshra.s32 v34, $0xA  }
0x2ab: {  	s31 =	sadd.s32 $0xFFFFFFFF, s31;
	v34 =	vand.u32 $0x3FF, v34;
	[tilespmem:$0x6170] =	vst v63  }
.LBB2_23:
0x2ac: {  	p2 =	sne.s32 s31, $0x1;
	s31 =	sadd.s32 $0xFFFFFFFF, s31;
	[tilespmem:$0x61F0] =	vst v34;
	s30 =	sadd.s32 $0x80, s30  }
0x2ad: {  	[tilespmem:s19], [sflag:$0x3] =	stream.indirect.gather [hbm4b:s28+s17], $0x80, s18, s17, $0xb8;
	[tilespmem:$0xD2C0] =	vst v63  }
0x2ae: {  	_ =	swait.ge [sflag:s10], $0x4000  }
0x2af: {  	[sflag:s10] =	ssyncset.done $0x0  }
0x2b0: {  	[sflag:s10] =	ssyncadd.s32 $0xFFFFC000  }
0x2b1: {  	[spmem:s22] =	stream.indirect.scatter.add.f32 [tilespmem:s19], [sflag:$0x3], $0x80, s21, s17, $0xb8;
	[tilespmem:$0xD2C0] =	vst v63  }
0x2b2: {  	_ =	swait.ge [sflag:s10], $0x4000  }
0x2b3: {  	[sflag:s10] =	ssyncset.done $0x0  }
0x2b4: {  	[sflag:s10] =	ssyncadd.s32 $0xFFFFC000  }
0x2b5: {  	v34 =	vld [tilespmem:s30+$0xFFFFFFC0];
	_ =	sdelay $0x4  }
0x2b6: {  	v35 =	vshra.s32 v34, $0xA;
	v34 =	vand.u32 $0x3FF, v34  }
0x2b7: {  	[tilespmem:$0x6100] =	vst v35  }
0x2b8: {  	[tilespmem:$0x6180] =	vst v34  }
0x2b9: {  	v34 =	vld [tilespmem:s30+$0xFFFFFFD0];
	_ =	sdelay $0x4  }
0x2ba: {  	v35 =	vshra.s32 v34, $0xA;
	v34 =	vand.u32 $0x3FF, v34  }
0x2bb: {  	[tilespmem:$0x6110] =	vst v35  }
0x2bc: {  	[tilespmem:$0x6190] =	vst v34  }
0x2bd: {  	v34 =	vld [tilespmem:s30+$0xFFFFFFE0];
	_ =	sdelay $0x4  }
0x2be: {  	v35 =	vshra.s32 v34, $0xA;
	v34 =	vand.u32 $0x3FF, v34  }
0x2bf: {  	[tilespmem:$0x6120] =	vst v35  }
0x2c0: {  	[tilespmem:$0x61A0] =	vst v34  }
0x2c1: {  	v34 =	vld [tilespmem:s30+$0xFFFFFFF0];
	_ =	sdelay $0x4  }
0x2c2: {  	v35 =	vshra.s32 v34, $0xA;
	v34 =	vand.u32 $0x3FF, v34  }
0x2c3: {  	[tilespmem:$0x6130] =	vst v35  }
0x2c4: {  	[tilespmem:$0x61B0] =	vst v34  }
0x2c5: {  	v34 =	vld [tilespmem:s30+$0x0];
	_ =	sdelay $0x4  }
0x2c6: {  	v35 =	vshra.s32 v34, $0xA;
	v34 =	vand.u32 $0x3FF, v34  }
0x2c7: {  	[tilespmem:$0x6140] =	vst v35  }
0x2c8: {  	[tilespmem:$0x61C0] =	vst v34  }
0x2c9: {  	v34 =	vld [tilespmem:s30+$0x10];
	_ =	sdelay $0x4  }
0x2ca: {  	v35 =	vshra.s32 v34, $0xA;
	v34 =	vand.u32 $0x3FF, v34  }
0x2cb: {  	[tilespmem:$0x6150] =	vst v35  }
0x2cc: {  	[tilespmem:$0x61D0] =	vst v34  }
0x2cd: {  	v34 =	vld [tilespmem:s30+$0x20];
	_ =	sdelay $0x4  }
0x2ce: {  	v35 =	vshra.s32 v34, $0xA;
	v34 =	vand.u32 $0x3FF, v34  }
0x2cf: {  	[tilespmem:$0x6160] =	vst v35  }
0x2d0: {  	[tilespmem:$0x61E0] =	vst v34  }
0x2d1: {  	v34 =	vld [tilespmem:s30+$0x30];
	_ =	sdelay $0x1  }
.Ltmp14:
0x2d2: {  	(pc) =	sbr.rel @p2 .LBB2_23-.Ltmp14, $3  }
0x2d3: {  	_ =	sdelay $0x1  }
0x2d4: {  	v35 =	vshra.s32 v34, $0xA;
	v34 =	vand.u32 $0x3FF, v34  }
0x2d5: {  	[tilespmem:$0x6170] =	vst v35  }
.Ltmp15:
0x2d6: {  	_ = 	snop;
	(pc) =	sbr.rel .LBB2_24-.Ltmp15, $1  }
0x2d7: {  	_ =	sdelay $0x3  }
.LBB2_26:
0x2d8: {  	_ =	sfence.sel $0x180000  }
0x2d9: {  	[bflag:$0x0] =	sbarrier.arrive $0xFFFF  }
0x2da: {  	_ =	strace $0x9000004D  }
0x2db: {  	[bflag:$0x2] =	sbarrier.arrive $0xFFFF  }
0x2dc: {  	s0 =	rddreg [dreg:$0x3]  }
0x2dd: {  	s0 =	sadd.s32 @!p1 $0x100000, s0  }
0x2de: {  	[sflag:s0] =	ssyncadd.tile.s32 @!p1 $0x1;
	_ =	shalt  }
.Lfunc_end2:
_tile_overlayer_lowered:
.L_overlay_start_2:
0x2df: {  	(tag) =	ssettag $0x2  }
0x2e0: {  	s0 =	rddreg [dreg:$0x0];
	s2 =	stileid.u32  }
0x2e1: {  	s1 =	rddreg [dreg:$0x1];
	p0 =	sne.s32 s2, $0x0  }
0x2e2: {  	s3 =	rddreg [dreg:$0x2];
	[bflag:$0x3] =	sbarrier.arrive $0xFFFF;
	s2 =	simm.s32 @!p0 $0x1C03  }
0x2e3: {  	[timem:s3], [sflag:s2] =	dma.local @!p0 [hbm:s0], s1  }
0x2e4: {  	s0 =	simm.s32 @!p0 $0x3  }
0x2e5: {  	_ =	swait.ge @!p0 [sflag:s0], s1  }
0x2e6: {  	s1 =	ssub.s32 @!p0 $0x0, s1;
	[sflag:s0] =	ssyncset.done @!p0 $0x0  }
0x2e7: {  	[sflag:s0] =	ssyncadd.s32 @!p0 s1  }
0x2e8: {  	[bflag:$0x3] =	sbarrier.arrive $0xFFFF  }
0x2e9: {  	_ =	shalt  }

// kernel: kernel.9.cloned.1.call-start
scs
__scs_entry_jumppad:
0x0: {  	(pc) =	sbr.rel $0x88, $3  }
0x1: {  	(tag) =	ssettag $0x0;
	lr =	simm.s32 $0x1  }
0x2: {  	[smem:$0x3F92] =	sst lr;
	_ =	strace $0xD0000000  }
0x3: {  	_ = 	snop  }
0x4: {  	_ = 	snop  }
0x5: {  	_ = 	snop  }
0x6: {  	_ = 	snop  }
0x7: {  	_ = 	snop  }
__scs_overlays_trampoline_lowered:
0x8: {  	[smem:$0x3FA1] =	sst s0  }
0x9: {  	[smem:$0x3FA2] =	sst s1  }
0xa: {  	[smem:$0x3FA3] =	sst s2  }
0xb: {  	[smem:$0x3FA4] =	sst s3  }
0xc: {  	[smem:$0x3FA5] =	sst s4  }
0xd: {  	[smem:$0x3FA6] =	sst s5  }
0xe: {  	[smem:$0x3FA7] =	sst s6  }
0xf: {  	[smem:$0x3FA8] =	sst s7  }
0x10: {  	[smem:$0x3FA9] =	sst s8  }
0x11: {  	[smem:$0x3FAA] =	sst s9;
	s0 =	simm.s32 @!p0 $0x0  }
0x12: {  	s1 =	sld [smem:$0x3F90];
	s0 =	simm.s32 @p0 $0x1  }
0x13: {  	[smem:$0x3FAB] =	sst s0;
	s0 =	simm.s32 @!p1 $0x0  }
0x14: {  	s2 =	sld [smem:$0x3F8F];
	s0 =	simm.s32 @p1 $0x1  }
0x15: {  	[smem:$0x3FAC] =	sst s0;
	s0 =	simm.s32 @!p2 $0x0  }
0x16: {  	s3 =	sld [smem:$0x3FDB];
	s0 =	simm.s32 @p2 $0x1  }
0x17: {  	s4 =	simm.s32 $0x1BF5;
	[smem:$0x3FAE] =	sst s0  }
0x18: {  	s0 =	sld [smem:$0x3F91];
	_ =	swait.ge [sflag:s4], $0x0  }
0x19: {  	s7 =	sld [smem:$0x3F92]  }
0x1a: {  	s8 =	sadd.s32 $0xFFFFE003, lr  }
0x1b: {  	s9 =	sadd.s32 $0xFFFFFEF7, lr;
	s5 =	simm.s32 $0xFFFFFFFF;
	p2 =	slt.u32 s8, $0xFFFFF086  }
0x1c: {  	p1 =	slt.u32 s9, $0xF7A;
	s5 =	simm.s32 @!p2 $0x0  }
0x1d: {  	s5 =	simm.s32 @p1 $0x1;
	p0 =	seq.s32 s7, s2  }
0x1e: {  	s7 =	smul.u32 @!p0 $0xF7A, s2;
	p2 =	seq.s32 @!p0 s5, $0x0  }
0x1f: {  	s9 =	smul.u32 $0xF7A, s1;
	s8 =	simm.s32 @!p0 $0x1BF5;
	p2 =	por !p2, p0  }
0x20: {  	[sflag:s8] =	ssyncset.s32 @!p0 $0xFFFFF086;
	s6 =	sadd.s32 @!p0 s3, s7;
	s7 =	simm.s32 @!p0 $0x108  }
0x21: {  	s3 =	sadd.s32 s3, s9;
	s6 =	sadd.s32 @!p0 $0x88, s6;
	s7 =	simm.s32 @p2 $0x1082  }
0x22: {  	[simem:s7], [sflag:s8] =	dma.local @!p0 [hbm:s6], $0xF7A  }
0x23: {  	s9 =	sor.u32 $0xD0000000, s2;
	s6 =	simm.s32 $0x108;
	_ =	swait.ge @!p0 [sflag:s8], $0x0  }
0x24: {  	s3 =	sadd.s32 $0x88, s3;
	s6 =	simm.s32 @!p1 $0x1082;
	[sflag:s4] =	ssyncset.s32 $0xFFFFF086  }
0x25: {  	[simem:s6], [sflag:s4] =	dma.local [hbm:s3], $0xF7A  }
0x26: {  	[smem:$0x3F92] =	sst s1;
	(tag) =	ssettag s2;
	_ =	strace s9  }
0x27: {  	s1 =	sld [smem:$0x3FA2]  }
0x28: {  	s2 =	sld [smem:$0x3FA3]  }
0x29: {  	s4 =	sld [smem:$0x3FA5]  }
0x2a: {  	p0 =	seq.s32 s5, $0x0;
	s5 =	sld [smem:$0x3FA6]  }
0x2b: {  	s6 =	sld [smem:$0x3FA7]  }
0x2c: {  	s7 =	sld [smem:$0x3FA8]  }
0x2d: {  	s3 =	simm.s32 $0x108;
	s8 =	sld [smem:$0x3FA9]  }
0x2e: {  	s3 =	simm.s32 @!p0 $0x1082;
	s9 =	sld [smem:$0x3FAA]  }
0x2f: {  	lr =	sadd.s32 s0, s3;
	s0 =	sld [smem:$0x3FA1]  }
0x30: {  	s3 =	sld [smem:$0x3FA4]  }
0x31: {  	[smem:$0x3FAD] =	sst s10  }
0x32: {  	s10 =	sld [smem:$0x3FAB];
	_ =	sdelay $0x3  }
0x33: {  	p0 =	seq.s32 s10, $0x1;
	s10 =	sld [smem:$0x3FAD];
	_ =	sdelay $0x3  }
0x34: {  	[smem:$0x3FAD] =	sst s10  }
0x35: {  	s10 =	sld [smem:$0x3FAC];
	_ =	sdelay $0x3  }
0x36: {  	p1 =	seq.s32 s10, $0x1;
	s10 =	sld [smem:$0x3FAD];
	_ =	sdelay $0x3  }
0x37: {  	[smem:$0x3FAD] =	sst s10  }
0x38: {  	s10 =	sld [smem:$0x3FAE]  }
0x39: {  	_ = 	snop;
	(pc) =	sbr.ind lr, $3  }
0x3a: {  	_ = 	snop  }
0x3b: {  	_ = 	snop  }
0x3c: {  	p2 =	seq.s32 s10, $0x1;
	s10 =	sld [smem:$0x3FAD]  }
0x3d: {  	_ =	shalt  }
0x3e: {  	_ =	shalt  }
0x3f: {  	_ =	shalt  }
0x40: {  	_ =	shalt  }
0x41: {  	_ =	shalt  }
0x42: {  	_ =	shalt  }
0x43: {  	_ =	shalt  }
0x44: {  	_ =	shalt  }
0x45: {  	_ =	shalt  }
0x46: {  	_ =	shalt  }
0x47: {  	_ =	shalt  }
0x48: {  	_ =	shalt  }
0x49: {  	_ =	shalt  }
0x4a: {  	_ =	shalt  }
0x4b: {  	_ =	shalt  }
0x4c: {  	_ =	shalt  }
0x4d: {  	_ =	shalt  }
0x4e: {  	_ =	shalt  }
0x4f: {  	_ =	shalt  }
0x50: {  	_ =	shalt  }
0x51: {  	_ =	shalt  }
0x52: {  	_ =	shalt  }
0x53: {  	_ =	shalt  }
0x54: {  	_ =	shalt  }
0x55: {  	_ =	shalt  }
0x56: {  	_ =	shalt  }
0x57: {  	_ =	shalt  }
0x58: {  	_ =	shalt  }
0x59: {  	_ =	shalt  }
0x5a: {  	_ =	shalt  }
0x5b: {  	_ =	shalt  }
0x5c: {  	_ =	shalt  }
0x5d: {  	_ =	shalt  }
0x5e: {  	_ =	shalt  }
0x5f: {  	_ =	shalt  }
0x60: {  	_ =	shalt  }
0x61: {  	_ =	shalt  }
0x62: {  	_ =	shalt  }
0x63: {  	_ =	shalt  }
0x64: {  	_ =	shalt  }
0x65: {  	_ =	shalt  }
0x66: {  	_ =	shalt  }
0x67: {  	_ =	shalt  }
0x68: {  	_ =	shalt  }
0x69: {  	_ =	shalt  }
0x6a: {  	_ =	shalt  }
0x6b: {  	_ =	shalt  }
0x6c: {  	_ =	shalt  }
0x6d: {  	_ =	shalt  }
0x6e: {  	_ =	shalt  }
0x6f: {  	_ =	shalt  }
0x70: {  	_ =	shalt  }
0x71: {  	_ =	shalt  }
0x72: {  	_ =	shalt  }
0x73: {  	_ =	shalt  }
0x74: {  	_ =	shalt  }
0x75: {  	_ =	shalt  }
0x76: {  	_ =	shalt  }
0x77: {  	_ =	shalt  }
0x78: {  	_ =	shalt  }
0x79: {  	_ =	shalt  }
0x7a: {  	_ =	shalt  }
0x7b: {  	_ =	shalt  }
0x7c: {  	_ =	shalt  }
0x7d: {  	_ =	shalt  }
0x7e: {  	_ =	shalt  }
0x7f: {  	_ =	shalt  }
0x80: {  	_ =	shalt  }
0x81: {  	_ =	shalt  }
0x82: {  	_ =	shalt  }
0x83: {  	_ =	shalt  }
0x84: {  	_ =	shalt  }
0x85: {  	_ =	shalt  }
0x86: {  	_ =	shalt  }
0x87: {  	_ =	shalt  }
.Lfunc_end0:
.L_simem_size_0:
called_computation_lowered:
.L_overlay_start_0:
0x88: {  	s2 =	sld [smem:$0x3FD9]  }
0x89: {  	s3 =	sld [smem:$0x3FFE];
	_ =	sdelay $0x1  }
0x8a: {  	s1 =	srdreg.scid  }
0x8b: {  	s0 =	sand.u32 $0x1, s1  }
0x8c: {  	s16 =	sshll.u32 s0, $0xA;
	s2 =	sadd.s32 s3, s2  }
0x8d: {  	s2 =	sadd.s32 s2, s16  }
0x8e: {  	[smem:$0x3FB9] =	sst s2  }
0x8f: {  	_ = 	snop  }
0x90: {  	(tm) =	ssettm $0x1  }
0x91: {  	s17 =	sld [smem:$0x3FFB];
	_ =	sdelay $0x3  }
0x92: {  	_ =	strace s17  }
0x93: {  	s2 =	sld [smem:$0x3FFC];
	_ =	sdelay $0x3  }
0x94: {  	_ =	strace s2  }
0x95: {  	s2 =	sld [smem:$0x3FFD];
	_ =	sdelay $0x3  }
0x96: {  	_ =	strace s2  }
0x97: {  	_ =	strace $0x8FFFFFFF  }
0x98: {  	s18 =	sld [smem:$0x3FDB];
	_ =	sdelay $0x1  }
0x99: {  	s19 =	simm.s32 $_scs_section_size  }
0x9a: {  	s4 =	simm.s32 $_size__tile_overlayer_lowered;
	s5 =	simm.s32 $_tile_overlayer_lowered  }
0x9b: {  	s22 =	simm.s32 $0x1BFF;
	s21 =	sshll.u32 s5, $0x1;
	s2 =	sadd.s32 s19, s18  }
0x9c: {  	s6 =	simm.s32 $0x0;
	s20 =	sshll.u32 s4, $0x1;
	s4 =	sadd.s32 s21, s2  }
0x9d: {  	[timem:s6], [sflag:s22] =	dma.local [hbm:s4], s20  }
0x9e: {  	_ =	swait.ge [sflag:s22], s20  }
0x9f: {  	s3 =	ssub.s32 $0x0, s20;
	[sflag:s22] =	ssyncset.done $0x0  }
0xa0: {  	[sflag:s22] =	ssyncadd.s32 s3;
	_ =	sdelay $0x1  }
0xa1: {  	s23 =	simm.s32 $0x1B8B  }
0xa2: {  	_ =	swait.ge [sflag:s23], $0x1  }
0xa3: {  	[sflag:s23] =	ssyncset.done $0x0  }
0xa4: {  	s25 =	simm.s32 $0x1B8E;
	s24 =	sld [smem:$0x3FFE];
	[sflag:s23] =	ssyncadd.s32 $0xFFFFFFFF  }
0xa5: {  	s26 =	simm.s32 $execute0_lowered;
	[smem:$0x3FD2] =	sst s25  }
0xa6: {  	s4 =	sshll.u32 s26, $0x1;
	_ =	strace $0x80000046;
	[dreg:$0x1] =	wrdreg $0xFFFFFFFF  }
0xa7: {  	s28 =	simm.s32 $_size_execute0_lowered;
	s2 =	sadd.s32 s2, s4;
	[dreg:$0x0] =	wrdreg $0x0  }
0xa8: {  	s4 =	sshll.u32 s28, $0x1;
	[dreg:$0x2] =	wrdreg s2  }
0xa9: {  	[dreg:$0x3] =	wrdreg s4  }
0xaa: {  	[dreg:$0x4] =	wrdreg $0xC0  }
0xab: {  	_ =	task [dreg:s6], $0x5FFFF  }
0xac: {  	[dreg:$0x1] =	wrdreg $0xFFFFFFFF  }
0xad: {  	[dreg:$0x0] =	wrdreg $0x60  }
0xae: {  	[dreg:$0x2] =	wrdreg s24  }
0xaf: {  	[dreg:$0x3] =	wrdreg $0x8D000  }
0xb0: {  	[dreg:$0x4] =	wrdreg $0x9  }
0xb1: {  	_ =	task.clear_ibuf [dreg:s6], $0x5FFFF;
	_ =	strace $0x90000046  }
0xb2: {  	s29 =	simm.s32 $0x9;
	_ =	strace $0x80000048  }
0xb3: {  	_ =	swait.ge [sflag:s29], $0x1  }
0xb4: {  	[sflag:s29] =	ssyncadd.s32 $0xFFFFFFFF  }
0xb5: {  	_ =	strace $0x90000048  }
0xb6: {  	_ =	sfence  }
0xb7: {  	s30 =	sld [smem:$0x0];
	_ =	sdelay $0x2  }
0xb8: {  	s31 =	sshll.u32 s1, $0xD;
	s1 =	sshrl.u32 s1, $0x2  }
0xb9: {  	s3 =	sand.u32 $0x4000, s31;
	s1 =	sadd.s32 s1, s30  }
0xba: {  	s0 =	sor.u32 s3, s0;
	s1 =	sshll.u32 s1, $0x11  }
0xbb: {  	s0 =	sor.u32 s1, s0  }
0xbc: {  	s0 =	sadd.s32 $0x8F2B, s0  }
0xbd: {  	[sflag:s0] =	ssyncadd.remote.s32 $0x1  }
0xbe: {  	_ =	sfence.sel $0xFFFF  }
0xbf: {  	[dreg:$0x0] =	wrdreg $0xFFFFFFFF;
	(pc) =	sbr.abs _section_cstart, $3  }
0xc0: {  	[dreg:$0x1] =	wrdreg $0xFFFFFFFF  }
0xc1: {  	_ =	task.clear_ibuf [dreg:s6], $0x2FFFF;
	_ =	strace $0x9FFFFFFF  }
0xc2: {  	(tm) =	ssettm $0x7FFFFFFF  }
0xc3: {  	_ =	shalt  }
tec
execute0_lowered:
.L_overlay_start_1:
0x0: {  	(tag) =	ssettag $0x1  }
0x1: {  	s7 =	rddreg [dreg:$0x0]  }
0x2: {  	s1 =	rddreg [dreg:$0x1];
	s2 =	simm.s32 $0x0;
	s6 =	stileid.u32  }
0x3: {  	s0 =	srdreg.scid;
	s28 =	simm.s32 $0x4;
	[smem:$0x7FF] =	sst s2  }
0x4: {  	s3 =	sadd.s32 $0x17400, s7;
	s9 =	smul.u32 $0x13800, s6;
	s4 =	sadd.s32 $0xD600, s7  }
0x5: {  	s5 =	sadd.s32 $0x3800, s7;
	s10 =	sand.u32 $0x1, s0;
	s11 =	smul.u32 $0x4E000, s6  }
0x6: {  	s14 =	sadd.s32 $0x65800, s7;
	s21 =	sshll.u32 s6, $0x6;
	s15 =	smul.u32 $0x2710, s6  }
0x7: {  	p0 =	sne.s32 s6, $0x0;
	_ =	strace $0x80000047;
	s20 =	smul.u32 $0x27100, s10  }
0x8: {  	s8 =	sshll.u32 s10, $0x4;
	s18 =	ssub.s32 $0x2, s10;
	s10 =	smul.u32 $0x138800, s10  }
0x9: {  	s17 =	sshrl.u32 s9, $0x3;
	s8 =	sor.u32 s6, s8;
	s13 =	sshrl.u32 s18, $0x1  }
0xa: {  	s11 =	sshrl.u32 s11, $0x2;
	s12 =	sadd.s32 s17, s7;
	s8 =	smul.u32 $0x2710, s8  }
0xb: {  	s0 =	ssub.s32 s18, s13;
	s11 =	sadd.s32 s11, s1;
	s7 =	sadd.s32 $0x65600, s7  }
0xc: {  	s9 =	sadd.s32 s9, s10;
	[dreg:$0x9] =	wrdreg s11;
	s19 =	sadd.s32 $0x3E600, s12  }
0xd: {  	[dreg:$0xb] =	wrdreg s7;
	s12 =	sadd.s32 s15, s20;
	s0 =	smax.u32 s0, $0x1  }
0xe: {  	[dreg:$0xa] =	wrdreg s19;
	s11 =	sshrl.u32 s8, $0x3;
	s8 =	sor.u32 $0x1C07, s21  }
0xf: {  	s15 =	sadd.s32 $0x380, s12;
	s16 =	sadd.s32 $0x300, s12;
	s22 =	sadd.s32 $0x10, s11  }
0x10: {  	s19 =	sadd.s32 $0x280, s12;
	[smem:$0x7FC] =	sst s0;
	s23 =	sadd.s32 s4, s22  }
0x11: {  	s25 =	sadd.s32 $0x20, s11;
	s24 =	sadd.s32 s5, s22;
	[dreg:$0xc] =	wrdreg s23  }
0x12: {  	s29 =	sadd.s32 $0x30, s11;
	s26 =	sadd.s32 s4, s25;
	[dreg:$0xd] =	wrdreg s24  }
0x13: {  	s31 =	sshrl.u32 s15, $0x3;
	s7 =	sadd.s32 s5, s25;
	[dreg:$0xe] =	wrdreg s26  }
0x14: {  	s17 =	sshrl.u32 s16, $0x3;
	s30 =	sadd.s32 s4, s29;
	[dreg:$0xf] =	wrdreg s7  }
0x15: {  	s21 =	sshrl.u32 s19, $0x3;
	s15 =	sadd.s32 s31, s5;
	[dreg:$0x10] =	wrdreg s30  }
0x16: {  	s19 =	sadd.s32 $0x4C0, s11;
	s18 =	sadd.s32 s17, s5;
	[dreg:$0x3] =	wrdreg s15  }
0x17: {  	s20 =	sadd.s32 s17, s4;
	s13 =	sadd.s32 s5, s29;
	[dreg:$0x5] =	wrdreg s18  }
0x18: {  	s22 =	sadd.s32 s21, s5;
	s29 =	sshrl.u32 s10, $0x3;
	[dreg:$0x11] =	wrdreg s13  }
0x19: {  	s17 =	sadd.s32 $0x4B0, s11;
	s10 =	sadd.s32 $0x200, s12;
	[dreg:$0x6] =	wrdreg s20  }
0x1a: {  	s12 =	simm.s32 $0x7;
	s7 =	sadd.s32 s31, s4;
	[dreg:$0x7] =	wrdreg s22  }
0x1b: {  	s23 =	sadd.s32 $0x480, s11;
	s30 =	sadd.s32 s21, s4;
	[dreg:$0x4] =	wrdreg s7  }
0x1c: {  	s26 =	sshrl.u32 s9, $0x3;
	s18 =	sadd.s32 s4, s17;
	[dreg:$0x8] =	wrdreg s30  }
0x1d: {  	s31 =	sadd.s32 $0x490, s11;
	s9 =	sadd.s32 s5, s17;
	[dreg:$0x19] =	wrdreg s18  }
0x1e: {  	s20 =	sadd.s32 s4, s19;
	s21 =	sadd.s32 $0x4D0, s11;
	[dreg:$0x1a] =	wrdreg s9  }
0x1f: {  	s17 =	simm.s32 $0x300;
	s24 =	sadd.s32 s4, s23;
	[dreg:$0x1b] =	wrdreg s20  }
0x20: {  	s25 =	sadd.s32 s5, s23;
	s7 =	sadd.s32 s14, s26;
	[dreg:$0x12] =	wrdreg s24  }
0x21: {  	s13 =	sadd.s32 s4, s31;
	s15 =	sadd.s32 s5, s31;
	[dreg:$0x13] =	wrdreg s25  }
0x22: {  	s22 =	sadd.s32 s4, s21;
	s23 =	sadd.s32 s5, s21;
	[dreg:$0x14] =	wrdreg s7  }
0x23: {  	s26 =	sadd.s32 $0x4E0, s11;
	s31 =	sadd.s32 $0x138000, s1;
	[dreg:$0x15] =	wrdreg s13  }
0x24: {  	s18 =	simm.s32 $0x180;
	s20 =	simm.s32 $0x1;
	[dreg:$0x16] =	wrdreg s15  }
0x25: {  	s21 =	simm.s32 $0x400;
	s7 =	sadd.s32 s14, s29;
	[dreg:$0x1d] =	wrdreg s22  }
0x26: {  	s14 =	sadd.s32 $0x4A0, s11;
	[dreg:$0x1e] =	wrdreg s23;
	s24 =	sadd.s32 s4, s11  }
0x27: {  	s25 =	sadd.s32 s5, s11;
	s29 =	sadd.s32 s4, s26;
	[smem:$0x7FD] =	sst s31  }
0x28: {  	s13 =	simm.s32 $0x200;
	s15 =	simm.s32 $0x280;
	[dreg:$0x1f] =	wrdreg s24  }
0x29: {  	s22 =	simm.s32 $0x2;
	s23 =	simm.s32 $0x4400;
	[smem:$0x7F8] =	sst s25  }
0x2a: {  	s16 =	sadd.s32 s4, s14;
	s6 =	sadd.s32 s5, s14;
	[smem:$0x7F9] =	sst s29  }
0x2b: {  	s30 =	sadd.s32 $0x27000, s7;
	s14 =	simm.s32 $0x80;
	[dreg:$0x17] =	wrdreg s16  }
0x2c: {  	s24 =	simm.s32 $0x5;
	s25 =	simm.s32 $0x3;
	[dreg:$0x18] =	wrdreg s6  }
0x2d: {  	s6 =	sadd.s32 s5, s19;
	[smem:$0x7FB] =	sst s30;
	s16 =	simm.s32 $0x100  }
0x2e: {  	s19 =	simm.s32 $0x380;
	[dreg:$0x1c] =	wrdreg s6;
	s6 =	sadd.s32 s5, s26  }
0x2f: {  	s26 =	simm.s32 $0x6;
	[smem:$0x7FA] =	sst s6;
	s6 =	simm.s32 $0x0  }
.LBB2_1:
0x30: {  	s0 =	rddreg [dreg:$0x9]  }
0x31: {  	s9 =	rddreg [dreg:$0xa];
	s7 =	sshrl.u32 s0, $0x3  }
0x32: {  	[spmem:s7], [sflag:s8] =	dma.local [hbm:s9], $0x2700  }
0x33: {  	_ =	swait.ge [sflag:s12], $0x2700  }
0x34: {  	s0 =	sld [smem:$0x7FD];
	_ =	sdelay $0x1  }
0x35: {  	s11 =	simm.s32 @!p0 $0x7;
	[sflag:s12] =	ssyncset.done $0x0  }
0x36: {  	[sflag:s12] =	ssyncadd.s32 $0xFFFFD900;
	s9 =	sshrl.u32 @!p0 s0, $0x3;
	s0 =	rddreg [dreg:$0xb]  }
0x37: {  	[spmem:s9], [sflag:s8] =	dma.local @!p0 [hbm:s0], $0x100  }
0x38: {  	_ =	swait.ge @!p0 [sflag:s11], $0x100  }
0x39: {  	[sflag:s11] =	ssyncset.done @!p0 $0x0  }
0x3a: {  	[sflag:s11] =	ssyncadd.s32 @!p0 $0xFFFFFF00  }
0x3b: {  	[bflag:$0x0] =	sbarrier.arrive $0xFFFF  }
0x3c: {  	s11 =	rddreg [dreg:$0x1f]  }
0x3d: {  	s31 =	sld [smem:$0x7F8]  }
0x3e: {  	[tilespmem:s2], [sflag:$0x1] =	stream.linear.gather [hbm4b:s11+s2], $0x80, $0x38;
	[tilespmem:$0x1C580] =	vst v63  }
0x3f: {  	_ = 	snop  }
0x40: {  	[tilespmem:s13], [sflag:$0x1] =	stream.linear.gather [hbm4b:s31+s2], $0x80, $0x38;
	[tilespmem:$0x1C580] =	vst v63  }
0x41: {  	s11 =	rddreg [dreg:$0xc]  }
0x42: {  	[tilespmem:s14], [sflag:$0x2] =	stream.linear.gather [hbm4b:s11+s2], $0x80, $0x38;
	[tilespmem:$0x1C580] =	vst v63  }
0x43: {  	s31 =	rddreg [dreg:$0xd]  }
0x44: {  	[tilespmem:s15], [sflag:$0x2] =	stream.linear.gather [hbm4b:s31+s2], $0x80, $0x38;
	[tilespmem:$0x1C580] =	vst v63  }
0x45: {  	s11 =	rddreg [dreg:$0xe]  }
0x46: {  	[tilespmem:s16], [sflag:$0x3] =	stream.linear.gather [hbm4b:s11+s2], $0x80, $0x38;
	[tilespmem:$0x1C580] =	vst v63  }
0x47: {  	s31 =	rddreg [dreg:$0xf]  }
0x48: {  	[tilespmem:s17], [sflag:$0x3] =	stream.linear.gather [hbm4b:s31+s2], $0x80, $0x38;
	[tilespmem:$0x1C580] =	vst v63  }
0x49: {  	s11 =	rddreg [dreg:$0x10]  }
0x4a: {  	[tilespmem:s18], [sflag:$0x4] =	stream.linear.gather [hbm4b:s11+s2], $0x80, $0x38;
	[tilespmem:$0x1C580] =	vst v63  }
0x4b: {  	s31 =	rddreg [dreg:$0x11]  }
0x4c: {  	[tilespmem:s19], [sflag:$0x4] =	stream.linear.gather [hbm4b:s31+s2], $0x80, $0x38;
	[tilespmem:$0x1C580] =	vst v63  }
0x4d: {  	_ =	swait.ge [sflag:s20], $0x80  }
0x4e: {  	[sflag:s20] =	ssyncset.done $0x0  }
0x4f: {  	[sflag:s20] =	ssyncadd.s32 $0xFFFFFF80  }
0x50: {  	_ =	swait.ge [sflag:s20], $0x80  }
0x51: {  	[sflag:s20] =	ssyncset.done $0x0  }
0x52: {  	[sflag:s20] =	ssyncadd.s32 $0xFFFFFF80  }
0x53: {  	[tilespmem:s21], [sflag:$0x5] =	stream.indirect.gather [hbm4b:s3+s14], $0x80, s2, s14, $0xb8;
	[tilespmem:$0x1C580] =	vst v63  }
0x54: {  	_ =	swait.ge [sflag:s22], $0x80  }
0x55: {  	[sflag:s22] =	ssyncset.done $0x0  }
0x56: {  	[sflag:s22] =	ssyncadd.s32 $0xFFFFFF80  }
0x57: {  	_ =	swait.ge [sflag:s22], $0x80  }
0x58: {  	[sflag:s22] =	ssyncset.done $0x0  }
0x59: {  	[sflag:s22] =	ssyncadd.s32 $0xFFFFFF80  }
0x5a: {  	[tilespmem:s23], [sflag:$0x6] =	stream.indirect.gather [hbm4b:s3+s14], $0x80, s14, s14, $0xb8;
	[tilespmem:$0x1C580] =	vst v63  }
0x5b: {  	_ =	swait.ge [sflag:s24], $0x4000  }
0x5c: {  	[sflag:s24] =	ssyncset.done $0x0  }
0x5d: {  	[sflag:s24] =	ssyncadd.s32 $0xFFFFC000  }
0x5e: {  	[spmem:s1] =	stream.indirect.scatter.add.f32 [tilespmem:s21], [sflag:$0x7], $0x80, s13, s14, $0xb8;
	[tilespmem:$0x1C580] =	vst v63  }
0x5f: {  	_ =	swait.ge [sflag:s12], $0x4000  }
0x60: {  	s0 =	sshrl.u32 s10, $0x3;
	[sflag:s12] =	ssyncset.done $0x0  }
0x61: {  	s29 =	sadd.s32 s4, s0;
	[sflag:s12] =	ssyncadd.s32 $0xFFFFC000  }
0x62: {  	[tilespmem:s2], [sflag:$0x1] =	stream.linear.gather [hbm4b:s29+s2], $0x80, $0x38;
	[tilespmem:$0x1C580] =	vst v63  }
0x63: {  	s11 =	sadd.s32 s5, s0  }
0x64: {  	[tilespmem:s13], [sflag:$0x1] =	stream.linear.gather [hbm4b:s11+s2], $0x80, $0x38;
	[tilespmem:$0x1C580] =	vst v63  }
0x65: {  	_ =	swait.ge [sflag:s25], $0x80  }
0x66: {  	[sflag:s25] =	ssyncset.done $0x0  }
0x67: {  	[sflag:s25] =	ssyncadd.s32 $0xFFFFFF80  }
0x68: {  	_ =	swait.ge [sflag:s25], $0x80  }
0x69: {  	[sflag:s25] =	ssyncset.done $0x0  }
0x6a: {  	[sflag:s25] =	ssyncadd.s32 $0xFFFFFF80  }
0x6b: {  	[tilespmem:s21], [sflag:$0x5] =	stream.indirect.gather [hbm4b:s3+s14], $0x80, s16, s14, $0xb8;
	[tilespmem:$0x1C580] =	vst v63  }
0x6c: {  	_ =	swait.ge [sflag:s26], $0x4000  }
0x6d: {  	[sflag:s26] =	ssyncset.done $0x0  }
0x6e: {  	[sflag:s26] =	ssyncadd.s32 $0xFFFFC000  }
0x6f: {  	[spmem:s1] =	stream.indirect.scatter.add.f32 [tilespmem:s23], [sflag:$0x7], $0x80, s15, s14, $0xb8;
	[tilespmem:$0x1C580] =	vst v63  }
0x70: {  	_ =	swait.ge [sflag:s12], $0x4000  }
0x71: {  	s31 =	rddreg [dreg:$0x8];
	[sflag:s12] =	ssyncset.done $0x0  }
0x72: {  	s29 =	rddreg [dreg:$0x7];
	[sflag:s12] =	ssyncadd.s32 $0xFFFFC000;
	s11 =	sadd.s32 $0x0, s31  }
0x73: {  	[tilespmem:s14], [sflag:$0x2] =	stream.linear.gather [hbm4b:s11+s2], $0x80, $0x38;
	[tilespmem:$0x1C580] =	vst v63  }
0x74: {  	s0 =	sadd.s32 $0x0, s29  }
0x75: {  	[tilespmem:s15], [sflag:$0x2] =	stream.linear.gather [hbm4b:s0+s2], $0x80, $0x38;
	[tilespmem:$0x1C580] =	vst v63  }
0x76: {  	_ =	swait.ge [sflag:s28], $0x80  }
0x77: {  	[sflag:s28] =	ssyncset.done $0x0  }
0x78: {  	[sflag:s28] =	ssyncadd.s32 $0xFFFFFF80  }
0x79: {  	_ =	swait.ge [sflag:s28], $0x80  }
0x7a: {  	[sflag:s28] =	ssyncset.done $0x0  }
0x7b: {  	[sflag:s28] =	ssyncadd.s32 $0xFFFFFF80  }
0x7c: {  	[tilespmem:s23], [sflag:$0x6] =	stream.indirect.gather [hbm4b:s3+s14], $0x80, s18, s14, $0xb8;
	[tilespmem:$0x1C580] =	vst v63  }
0x7d: {  	_ =	swait.ge [sflag:s24], $0x4000  }
0x7e: {  	[sflag:s24] =	ssyncset.done $0x0  }
0x7f: {  	[sflag:s24] =	ssyncadd.s32 $0xFFFFC000  }
0x80: {  	[spmem:s1] =	stream.indirect.scatter.add.f32 [tilespmem:s21], [sflag:$0x7], $0x80, s17, s14, $0xb8;
	[tilespmem:$0x1C580] =	vst v63  }
0x81: {  	_ =	swait.ge [sflag:s12], $0x4000  }
0x82: {  	s31 =	rddreg [dreg:$0x6];
	[sflag:s12] =	ssyncset.done $0x0  }
0x83: {  	s29 =	rddreg [dreg:$0x5];
	[sflag:s12] =	ssyncadd.s32 $0xFFFFC000;
	s11 =	sadd.s32 $0x0, s31  }
0x84: {  	[tilespmem:s16], [sflag:$0x3] =	stream.linear.gather [hbm4b:s11+s2], $0x80, $0x38;
	[tilespmem:$0x1C580] =	vst v63  }
0x85: {  	s0 =	sadd.s32 $0x0, s29  }
0x86: {  	[tilespmem:s17], [sflag:$0x3] =	stream.linear.gather [hbm4b:s0+s2], $0x80, $0x38;
	[tilespmem:$0x1C580] =	vst v63  }
0x87: {  	_ =	swait.ge [sflag:s20], $0x80  }
0x88: {  	[sflag:s20] =	ssyncset.done $0x0  }
0x89: {  	[sflag:s20] =	ssyncadd.s32 $0xFFFFFF80  }
0x8a: {  	_ =	swait.ge [sflag:s20], $0x80  }
0x8b: {  	[sflag:s20] =	ssyncset.done $0x0  }
0x8c: {  	[sflag:s20] =	ssyncadd.s32 $0xFFFFFF80  }
0x8d: {  	[tilespmem:s21], [sflag:$0x5] =	stream.indirect.gather [hbm4b:s3+s14], $0x80, s2, s14, $0xb8;
	[tilespmem:$0x1C580] =	vst v63  }
0x8e: {  	_ =	swait.ge [sflag:s26], $0x4000  }
0x8f: {  	[sflag:s26] =	ssyncset.done $0x0  }
0x90: {  	[sflag:s26] =	ssyncadd.s32 $0xFFFFC000  }
0x91: {  	[spmem:s1] =	stream.indirect.scatter.add.f32 [tilespmem:s23], [sflag:$0x7], $0x80, s19, s14, $0xb8;
	[tilespmem:$0x1C580] =	vst v63  }
0x92: {  	_ =	swait.ge [sflag:s12], $0x4000  }
0x93: {  	s31 =	rddreg [dreg:$0x4];
	[sflag:s12] =	ssyncset.done $0x0  }
0x94: {  	s29 =	rddreg [dreg:$0x3];
	[sflag:s12] =	ssyncadd.s32 $0xFFFFC000;
	s11 =	sadd.s32 $0x0, s31  }
0x95: {  	[tilespmem:s18], [sflag:$0x4] =	stream.linear.gather [hbm4b:s11+s2], $0x80, $0x38;
	[tilespmem:$0x1C580] =	vst v63  }
0x96: {  	s30 =	sadd.s32 $0x0, s29;
	s29 =	sadd.s32 $0x200, s10;
	s11 =	simm.s32 $0x40  }
.LBB2_2:
0x97: {  	[tilespmem:s19], [sflag:$0x4] =	stream.linear.gather [hbm4b:s30+s2], $0x80, $0x38;
	[tilespmem:$0x1C580] =	vst v63  }
0x98: {  	_ =	swait.ge [sflag:s22], $0x80  }
0x99: {  	[sflag:s22] =	ssyncset.done $0x0  }
0x9a: {  	[sflag:s22] =	ssyncadd.s32 $0xFFFFFF80  }
0x9b: {  	_ =	swait.ge [sflag:s22], $0x80  }
0x9c: {  	[sflag:s22] =	ssyncset.done $0x0  }
0x9d: {  	[sflag:s22] =	ssyncadd.s32 $0xFFFFFF80  }
0x9e: {  	[tilespmem:s23], [sflag:$0x6] =	stream.indirect.gather [hbm4b:s3+s14], $0x80, s14, s14, $0xb8;
	[tilespmem:$0x1C580] =	vst v63  }
0x9f: {  	_ =	swait.ge [sflag:s24], $0x4000  }
0xa0: {  	[sflag:s24] =	ssyncset.done $0x0  }
0xa1: {  	[sflag:s24] =	ssyncadd.s32 $0xFFFFC000  }
0xa2: {  	[spmem:s1] =	stream.indirect.scatter.add.f32 [tilespmem:s21], [sflag:$0x7], $0x80, s13, s14, $0xb8;
	[tilespmem:$0x1C580] =	vst v63  }
0xa3: {  	_ =	swait.ge [sflag:s12], $0x4000  }
0xa4: {  	s31 =	sshrl.u32 s29, $0x3;
	[sflag:s12] =	ssyncset.done $0x0  }
0xa5: {  	s0 =	sadd.s32 s4, s31;
	[sflag:s12] =	ssyncadd.s32 $0xFFFFC000  }
0xa6: {  	[tilespmem:s2], [sflag:$0x1] =	stream.linear.gather [hbm4b:s0+s2], $0x80, $0x38;
	[tilespmem:$0x1C580] =	vst v63  }
0xa7: {  	s31 =	sadd.s32 s5, s31  }
0xa8: {  	[tilespmem:s13], [sflag:$0x1] =	stream.linear.gather [hbm4b:s31+s2], $0x80, $0x38;
	[tilespmem:$0x1C580] =	vst v63  }
0xa9: {  	_ =	swait.ge [sflag:s25], $0x80  }
0xaa: {  	[sflag:s25] =	ssyncset.done $0x0  }
0xab: {  	[sflag:s25] =	ssyncadd.s32 $0xFFFFFF80  }
0xac: {  	_ =	swait.ge [sflag:s25], $0x80  }
0xad: {  	[sflag:s25] =	ssyncset.done $0x0  }
0xae: {  	[sflag:s25] =	ssyncadd.s32 $0xFFFFFF80  }
0xaf: {  	[tilespmem:s21], [sflag:$0x5] =	stream.indirect.gather [hbm4b:s3+s14], $0x80, s16, s14, $0xb8;
	[tilespmem:$0x1C580] =	vst v63  }
0xb0: {  	_ =	swait.ge [sflag:s26], $0x4000  }
0xb1: {  	[sflag:s26] =	ssyncset.done $0x0  }
0xb2: {  	[sflag:s26] =	ssyncadd.s32 $0xFFFFC000  }
0xb3: {  	[spmem:s1] =	stream.indirect.scatter.add.f32 [tilespmem:s23], [sflag:$0x7], $0x80, s15, s14, $0xb8;
	[tilespmem:$0x1C580] =	vst v63  }
0xb4: {  	_ =	swait.ge [sflag:s12], $0x4000  }
0xb5: {  	s30 =	smov.u32 s11;
	s0 =	rddreg [dreg:$0x8];
	[sflag:s12] =	ssyncset.done $0x0  }
0xb6: {  	s31 =	rddreg [dreg:$0x7];
	[sflag:s12] =	ssyncadd.s32 $0xFFFFC000;
	s0 =	sadd.s32 s30, s0  }
0xb7: {  	[tilespmem:s14], [sflag:$0x2] =	stream.linear.gather [hbm4b:s0+s2], $0x80, $0x38;
	[tilespmem:$0x1C580] =	vst v63  }
0xb8: {  	s31 =	sadd.s32 s30, s31  }
0xb9: {  	[tilespmem:s15], [sflag:$0x2] =	stream.linear.gather [hbm4b:s31+s2], $0x80, $0x38;
	[tilespmem:$0x1C580] =	vst v63  }
0xba: {  	_ =	swait.ge [sflag:s28], $0x80  }
0xbb: {  	[sflag:s28] =	ssyncset.done $0x0  }
0xbc: {  	[sflag:s28] =	ssyncadd.s32 $0xFFFFFF80  }
0xbd: {  	_ =	swait.ge [sflag:s28], $0x80  }
0xbe: {  	[sflag:s28] =	ssyncset.done $0x0  }
0xbf: {  	[sflag:s28] =	ssyncadd.s32 $0xFFFFFF80  }
0xc0: {  	[tilespmem:s23], [sflag:$0x6] =	stream.indirect.gather [hbm4b:s3+s14], $0x80, s18, s14, $0xb8;
	[tilespmem:$0x1C580] =	vst v63  }
0xc1: {  	_ =	swait.ge [sflag:s24], $0x4000  }
0xc2: {  	[sflag:s24] =	ssyncset.done $0x0  }
0xc3: {  	[sflag:s24] =	ssyncadd.s32 $0xFFFFC000  }
0xc4: {  	[spmem:s1] =	stream.indirect.scatter.add.f32 [tilespmem:s21], [sflag:$0x7], $0x80, s17, s14, $0xb8;
	[tilespmem:$0x1C580] =	vst v63  }
0xc5: {  	_ =	swait.ge [sflag:s12], $0x4000  }
0xc6: {  	s0 =	rddreg [dreg:$0x6];
	[sflag:s12] =	ssyncset.done $0x0  }
0xc7: {  	s31 =	rddreg [dreg:$0x5];
	[sflag:s12] =	ssyncadd.s32 $0xFFFFC000;
	s0 =	sadd.s32 s30, s0  }
0xc8: {  	[tilespmem:s16], [sflag:$0x3] =	stream.linear.gather [hbm4b:s0+s2], $0x80, $0x38;
	[tilespmem:$0x1C580] =	vst v63  }
0xc9: {  	s31 =	sadd.s32 s30, s31  }
0xca: {  	[tilespmem:s17], [sflag:$0x3] =	stream.linear.gather [hbm4b:s31+s2], $0x80, $0x38;
	[tilespmem:$0x1C580] =	vst v63  }
0xcb: {  	_ =	swait.ge [sflag:s20], $0x80  }
0xcc: {  	[sflag:s20] =	ssyncset.done $0x0  }
0xcd: {  	[sflag:s20] =	ssyncadd.s32 $0xFFFFFF80  }
0xce: {  	_ =	swait.ge [sflag:s20], $0x80  }
0xcf: {  	[sflag:s20] =	ssyncset.done $0x0  }
0xd0: {  	[sflag:s20] =	ssyncadd.s32 $0xFFFFFF80  }
0xd1: {  	[tilespmem:s21], [sflag:$0x5] =	stream.indirect.gather [hbm4b:s3+s14], $0x80, s2, s14, $0xb8;
	[tilespmem:$0x1C580] =	vst v63  }
0xd2: {  	_ =	swait.ge [sflag:s26], $0x4000  }
0xd3: {  	[sflag:s26] =	ssyncset.done $0x0  }
0xd4: {  	p1 =	sne.s32 s11, $0x400;
	[sflag:s26] =	ssyncadd.s32 $0xFFFFC000  }
0xd5: {  	[spmem:s1] =	stream.indirect.scatter.add.f32 [tilespmem:s23], [sflag:$0x7], $0x80, s19, s14, $0xb8;
	[tilespmem:$0x1C580] =	vst v63  }
.Ltmp0:
0xd6: {  	_ =	swait.ge [sflag:s12], $0x4000;
	(pc) =	sbr.rel @p1 .LBB2_2-.Ltmp0, $4  }
0xd7: {  	s11 =	sadd.s32 $0x40, s11;
	s0 =	rddreg [dreg:$0x4]  }
0xd8: {  	s29 =	sadd.s32 $0x200, s29;
	s31 =	rddreg [dreg:$0x3];
	[sflag:s12] =	ssyncset.done $0x0  }
0xd9: {  	[sflag:s12] =	ssyncadd.s32 $0xFFFFC000;
	s0 =	sadd.s32 s30, s0;
	s30 =	sadd.s32 s30, s31  }
0xda: {  	[tilespmem:s18], [sflag:$0x4] =	stream.linear.gather [hbm4b:s0+s2], $0x80, $0x38;
	[tilespmem:$0x1C580] =	vst v63  }
0xdb: {  	[tilespmem:s19], [sflag:$0x4] =	stream.linear.gather [hbm4b:s30+s2], $0x80, $0x38;
	[tilespmem:$0x1C580] =	vst v63  }
0xdc: {  	_ =	swait.ge [sflag:s22], $0x80  }
0xdd: {  	[sflag:s22] =	ssyncset.done $0x0  }
0xde: {  	[sflag:s22] =	ssyncadd.s32 $0xFFFFFF80  }
0xdf: {  	_ =	swait.ge [sflag:s22], $0x80  }
0xe0: {  	[sflag:s22] =	ssyncset.done $0x0  }
0xe1: {  	[sflag:s22] =	ssyncadd.s32 $0xFFFFFF80  }
0xe2: {  	[tilespmem:s23], [sflag:$0x6] =	stream.indirect.gather [hbm4b:s3+s14], $0x80, s14, s14, $0xb8;
	[tilespmem:$0x1C580] =	vst v63  }
0xe3: {  	_ =	swait.ge [sflag:s24], $0x4000  }
0xe4: {  	[sflag:s24] =	ssyncset.done $0x0  }
0xe5: {  	[sflag:s24] =	ssyncadd.s32 $0xFFFFC000  }
0xe6: {  	[spmem:s1] =	stream.indirect.scatter.add.f32 [tilespmem:s21], [sflag:$0x7], $0x80, s13, s14, $0xb8;
	[tilespmem:$0x1C580] =	vst v63  }
0xe7: {  	_ =	swait.ge [sflag:s12], $0x4000  }
0xe8: {  	[sflag:s12] =	ssyncset.done $0x0  }
0xe9: {  	s0 =	rddreg [dreg:$0x12];
	[sflag:s12] =	ssyncadd.s32 $0xFFFFC000  }
0xea: {  	[tilespmem:s2], [sflag:$0x1] =	stream.linear.gather [hbm4b:s0+s2], $0x80, $0x38;
	[tilespmem:$0x1C580] =	vst v63  }
0xeb: {  	s30 =	rddreg [dreg:$0x13]  }
0xec: {  	[tilespmem:s13], [sflag:$0x1] =	stream.linear.gather [hbm4b:s30+s2], $0x80, $0x38;
	[tilespmem:$0x1C580] =	vst v63  }
0xed: {  	_ =	swait.ge [sflag:s25], $0x80  }
0xee: {  	[sflag:s25] =	ssyncset.done $0x0  }
0xef: {  	[sflag:s25] =	ssyncadd.s32 $0xFFFFFF80  }
0xf0: {  	_ =	swait.ge [sflag:s25], $0x80  }
0xf1: {  	[sflag:s25] =	ssyncset.done $0x0  }
0xf2: {  	[sflag:s25] =	ssyncadd.s32 $0xFFFFFF80  }
0xf3: {  	[tilespmem:s21], [sflag:$0x5] =	stream.indirect.gather [hbm4b:s3+s14], $0x80, s16, s14, $0xb8;
	[tilespmem:$0x1C580] =	vst v63  }
0xf4: {  	_ =	swait.ge [sflag:s26], $0x4000  }
0xf5: {  	[sflag:s26] =	ssyncset.done $0x0  }
0xf6: {  	[sflag:s26] =	ssyncadd.s32 $0xFFFFC000  }
0xf7: {  	[spmem:s1] =	stream.indirect.scatter.add.f32 [tilespmem:s23], [sflag:$0x7], $0x80, s15, s14, $0xb8;
	[tilespmem:$0x1C580] =	vst v63  }
0xf8: {  	_ =	swait.ge [sflag:s12], $0x4000  }
0xf9: {  	[sflag:s12] =	ssyncset.done $0x0  }
0xfa: {  	s31 =	rddreg [dreg:$0x15];
	[sflag:s12] =	ssyncadd.s32 $0xFFFFC000  }
0xfb: {  	[tilespmem:s14], [sflag:$0x2] =	stream.linear.gather [hbm4b:s31+s2], $0x80, $0x38;
	[tilespmem:$0x1C580] =	vst v63  }
0xfc: {  	s11 =	rddreg [dreg:$0x16]  }
0xfd: {  	[tilespmem:s15], [sflag:$0x2] =	stream.linear.gather [hbm4b:s11+s2], $0x80, $0x38;
	[tilespmem:$0x1C580] =	vst v63  }
0xfe: {  	_ =	swait.ge [sflag:s28], $0x80  }
0xff: {  	[sflag:s28] =	ssyncset.done $0x0  }
0x100: {  	[sflag:s28] =	ssyncadd.s32 $0xFFFFFF80  }
0x101: {  	_ =	swait.ge [sflag:s28], $0x80  }
0x102: {  	[sflag:s28] =	ssyncset.done $0x0  }
0x103: {  	[sflag:s28] =	ssyncadd.s32 $0xFFFFFF80  }
0x104: {  	[tilespmem:s23], [sflag:$0x6] =	stream.indirect.gather [hbm4b:s3+s14], $0x80, s18, s14, $0xb8;
	[tilespmem:$0x1C580] =	vst v63  }
0x105: {  	_ =	swait.ge [sflag:s24], $0x4000  }
0x106: {  	[sflag:s24] =	ssyncset.done $0x0  }
0x107: {  	[sflag:s24] =	ssyncadd.s32 $0xFFFFC000  }
0x108: {  	[spmem:s1] =	stream.indirect.scatter.add.f32 [tilespmem:s21], [sflag:$0x7], $0x80, s17, s14, $0xb8;
	[tilespmem:$0x1C580] =	vst v63  }
0x109: {  	_ =	swait.ge [sflag:s12], $0x4000  }
0x10a: {  	[sflag:s12] =	ssyncset.done $0x0  }
0x10b: {  	s29 =	rddreg [dreg:$0x17];
	[sflag:s12] =	ssyncadd.s32 $0xFFFFC000  }
0x10c: {  	[tilespmem:s16], [sflag:$0x3] =	stream.linear.gather [hbm4b:s29+s2], $0x80, $0x38;
	[tilespmem:$0x1C580] =	vst v63  }
0x10d: {  	s30 =	rddreg [dreg:$0x18]  }
0x10e: {  	[tilespmem:s17], [sflag:$0x3] =	stream.linear.gather [hbm4b:s30+s2], $0x80, $0x38;
	[tilespmem:$0x1C580] =	vst v63  }
0x10f: {  	_ =	swait.ge [sflag:s20], $0x80  }
0x110: {  	[sflag:s20] =	ssyncset.done $0x0  }
0x111: {  	[sflag:s20] =	ssyncadd.s32 $0xFFFFFF80  }
0x112: {  	_ =	swait.ge [sflag:s20], $0x80  }
0x113: {  	[sflag:s20] =	ssyncset.done $0x0  }
0x114: {  	[sflag:s20] =	ssyncadd.s32 $0xFFFFFF80  }
0x115: {  	[tilespmem:s21], [sflag:$0x5] =	stream.indirect.gather [hbm4b:s3+s14], $0x80, s2, s14, $0xb8;
	[tilespmem:$0x1C580] =	vst v63  }
0x116: {  	_ =	swait.ge [sflag:s26], $0x4000  }
0x117: {  	[sflag:s26] =	ssyncset.done $0x0  }
0x118: {  	[sflag:s26] =	ssyncadd.s32 $0xFFFFC000  }
0x119: {  	[spmem:s1] =	stream.indirect.scatter.add.f32 [tilespmem:s23], [sflag:$0x7], $0x80, s19, s14, $0xb8;
	[tilespmem:$0x1C580] =	vst v63  }
0x11a: {  	_ =	swait.ge [sflag:s12], $0x4000  }
0x11b: {  	[sflag:s12] =	ssyncset.done $0x0  }
0x11c: {  	s31 =	rddreg [dreg:$0x19];
	[sflag:s12] =	ssyncadd.s32 $0xFFFFC000  }
0x11d: {  	[tilespmem:s18], [sflag:$0x4] =	stream.linear.gather [hbm4b:s31+s2], $0x80, $0x38;
	[tilespmem:$0x1C580] =	vst v63  }
0x11e: {  	s11 =	rddreg [dreg:$0x1a]  }
0x11f: {  	[tilespmem:s19], [sflag:$0x4] =	stream.linear.gather [hbm4b:s11+s2], $0x80, $0x38;
	[tilespmem:$0x1C580] =	vst v63  }
0x120: {  	_ =	swait.ge [sflag:s22], $0x80  }
0x121: {  	[sflag:s22] =	ssyncset.done $0x0  }
0x122: {  	[sflag:s22] =	ssyncadd.s32 $0xFFFFFF80  }
0x123: {  	_ =	swait.ge [sflag:s22], $0x80  }
0x124: {  	[sflag:s22] =	ssyncset.done $0x0  }
0x125: {  	[sflag:s22] =	ssyncadd.s32 $0xFFFFFF80  }
0x126: {  	[tilespmem:s23], [sflag:$0x6] =	stream.indirect.gather [hbm4b:s3+s14], $0x80, s14, s14, $0xb8;
	[tilespmem:$0x1C580] =	vst v63  }
0x127: {  	_ =	swait.ge [sflag:s24], $0x4000  }
0x128: {  	[sflag:s24] =	ssyncset.done $0x0  }
0x129: {  	[sflag:s24] =	ssyncadd.s32 $0xFFFFC000  }
0x12a: {  	[spmem:s1] =	stream.indirect.scatter.add.f32 [tilespmem:s21], [sflag:$0x7], $0x80, s13, s14, $0xb8;
	[tilespmem:$0x1C580] =	vst v63  }
0x12b: {  	_ =	swait.ge [sflag:s12], $0x4000  }
0x12c: {  	[sflag:s12] =	ssyncset.done $0x0  }
0x12d: {  	s29 =	rddreg [dreg:$0x1b];
	[sflag:s12] =	ssyncadd.s32 $0xFFFFC000  }
0x12e: {  	[tilespmem:s2], [sflag:$0x1] =	stream.linear.gather [hbm4b:s29+s2], $0x80, $0x38;
	[tilespmem:$0x1C580] =	vst v63  }
0x12f: {  	s30 =	rddreg [dreg:$0x1c]  }
0x130: {  	[tilespmem:s13], [sflag:$0x1] =	stream.linear.gather [hbm4b:s30+s2], $0x80, $0x38;
	[tilespmem:$0x1C580] =	vst v63  }
0x131: {  	_ =	swait.ge [sflag:s25], $0x80  }
0x132: {  	[sflag:s25] =	ssyncset.done $0x0  }
0x133: {  	[sflag:s25] =	ssyncadd.s32 $0xFFFFFF80  }
0x134: {  	_ =	swait.ge [sflag:s25], $0x80  }
0x135: {  	[sflag:s25] =	ssyncset.done $0x0  }
0x136: {  	[sflag:s25] =	ssyncadd.s32 $0xFFFFFF80  }
0x137: {  	[tilespmem:s21], [sflag:$0x5] =	stream.indirect.gather [hbm4b:s3+s14], $0x80, s16, s14, $0xb8;
	[tilespmem:$0x1C580] =	vst v63  }
0x138: {  	_ =	swait.ge [sflag:s26], $0x4000  }
0x139: {  	[sflag:s26] =	ssyncset.done $0x0  }
0x13a: {  	[sflag:s26] =	ssyncadd.s32 $0xFFFFC000  }
0x13b: {  	[spmem:s1] =	stream.indirect.scatter.add.f32 [tilespmem:s23], [sflag:$0x7], $0x80, s15, s14, $0xb8;
	[tilespmem:$0x1C580] =	vst v63  }
0x13c: {  	_ =	swait.ge [sflag:s12], $0x4000  }
0x13d: {  	[sflag:s12] =	ssyncset.done $0x0  }
0x13e: {  	s31 =	rddreg [dreg:$0x1d];
	[sflag:s12] =	ssyncadd.s32 $0xFFFFC000  }
0x13f: {  	[tilespmem:s14], [sflag:$0x2] =	stream.linear.gather [hbm4b:s31+s2], $0x80, $0x38;
	[tilespmem:$0x1C580] =	vst v63  }
0x140: {  	s11 =	rddreg [dreg:$0x1e]  }
0x141: {  	[tilespmem:s15], [sflag:$0x2] =	stream.linear.gather [hbm4b:s11+s2], $0x80, $0x38;
	[tilespmem:$0x1C580] =	vst v63  }
0x142: {  	_ =	swait.ge [sflag:s28], $0x80  }
0x143: {  	[sflag:s28] =	ssyncset.done $0x0  }
0x144: {  	[sflag:s28] =	ssyncadd.s32 $0xFFFFFF80  }
0x145: {  	_ =	swait.ge [sflag:s28], $0x80  }
0x146: {  	[sflag:s28] =	ssyncset.done $0x0  }
0x147: {  	[sflag:s28] =	ssyncadd.s32 $0xFFFFFF80  }
0x148: {  	[tilespmem:s23], [sflag:$0x6] =	stream.indirect.gather [hbm4b:s3+s14], $0x80, s18, s14, $0xb8;
	[tilespmem:$0x1C580] =	vst v63  }
0x149: {  	_ =	swait.ge [sflag:s24], $0x4000  }
0x14a: {  	[sflag:s24] =	ssyncset.done $0x0  }
0x14b: {  	[sflag:s24] =	ssyncadd.s32 $0xFFFFC000  }
0x14c: {  	[spmem:s1] =	stream.indirect.scatter.add.f32 [tilespmem:s21], [sflag:$0x7], $0x80, s17, s14, $0xb8;
	[tilespmem:$0x1C580] =	vst v63  }
0x14d: {  	_ =	swait.ge [sflag:s12], $0x4000  }
0x14e: {  	[sflag:s12] =	ssyncset.done $0x0  }
0x14f: {  	[sflag:s12] =	ssyncadd.s32 $0xFFFFC000  }
0x150: {  	_ =	swait.ge [sflag:s20], $0x80  }
0x151: {  	[sflag:s20] =	ssyncset.done $0x0  }
0x152: {  	[sflag:s20] =	ssyncadd.s32 $0xFFFFFF80  }
0x153: {  	_ =	swait.ge [sflag:s20], $0x80  }
0x154: {  	[sflag:s20] =	ssyncset.done $0x0  }
0x155: {  	[sflag:s20] =	ssyncadd.s32 $0xFFFFFF80  }
0x156: {  	[tilespmem:s21], [sflag:$0x5] =	stream.indirect.gather [hbm4b:s3+s14], $0x80, s2, s14, $0xb8;
	[tilespmem:$0x1C580] =	vst v63  }
0x157: {  	_ =	swait.ge [sflag:s26], $0x4000  }
0x158: {  	[sflag:s26] =	ssyncset.done $0x0  }
0x159: {  	[sflag:s26] =	ssyncadd.s32 $0xFFFFC000  }
0x15a: {  	[spmem:s1] =	stream.indirect.scatter.add.f32 [tilespmem:s23], [sflag:$0x7], $0x80, s19, s14, $0xb8;
	[tilespmem:$0x1C580] =	vst v63  }
0x15b: {  	_ =	swait.ge [sflag:s12], $0x4000  }
0x15c: {  	[sflag:s12] =	ssyncset.done $0x0  }
0x15d: {  	[sflag:s12] =	ssyncadd.s32 $0xFFFFC000  }
0x15e: {  	_ =	swait.ge [sflag:s22], $0x80  }
0x15f: {  	[sflag:s22] =	ssyncset.done $0x0  }
0x160: {  	[sflag:s22] =	ssyncadd.s32 $0xFFFFFF80  }
0x161: {  	_ =	swait.ge [sflag:s22], $0x80  }
0x162: {  	[sflag:s22] =	ssyncset.done $0x0  }
0x163: {  	[sflag:s22] =	ssyncadd.s32 $0xFFFFFF80  }
0x164: {  	[tilespmem:s23], [sflag:$0x6] =	stream.indirect.gather [hbm4b:s3+s14], $0x80, s14, s14, $0xb8;
	[tilespmem:$0x1C580] =	vst v63  }
0x165: {  	_ =	swait.ge [sflag:s24], $0x4000  }
0x166: {  	[sflag:s24] =	ssyncset.done $0x0  }
0x167: {  	[sflag:s24] =	ssyncadd.s32 $0xFFFFC000  }
0x168: {  	[spmem:s1] =	stream.indirect.scatter.add.f32 [tilespmem:s21], [sflag:$0x7], $0x80, s13, s14, $0xb8;
	[tilespmem:$0x1C580] =	vst v63  }
0x169: {  	_ =	swait.ge [sflag:s12], $0x4000  }
0x16a: {  	[sflag:s12] =	ssyncset.done $0x0  }
0x16b: {  	[sflag:s12] =	ssyncadd.s32 $0xFFFFC000  }
0x16c: {  	_ =	swait.ge [sflag:s26], $0x4000  }
0x16d: {  	[sflag:s26] =	ssyncset.done $0x0  }
0x16e: {  	[sflag:s26] =	ssyncadd.s32 $0xFFFFC000  }
0x16f: {  	[spmem:s1] =	stream.indirect.scatter.add.f32 [tilespmem:s23], [sflag:$0x7], $0x80, s15, s14, $0xb8;
	[tilespmem:$0x1C580] =	vst v63  }
0x170: {  	_ =	swait.ge [sflag:s12], $0x4000  }
0x171: {  	s29 =	sld [smem:$0x7F9]  }
0x172: {  	[sflag:s12] =	ssyncset.done $0x0  }
0x173: {  	s11 =	simm.s32 $0x8400;
	[sflag:s12] =	ssyncadd.s32 $0xFFFFC000  }
0x174: {  	[tilespmem:s11], [sflag:$0x7] =	stream.linear.gather [hbm4b:s29+s2], $0x10, $0x38;
	[tilespmem:$0x1C580] =	vst v63  }
0x175: {  	_ =	swait.ge [sflag:s12], $0x10  }
0x176: {  	s30 =	sld [smem:$0x7FA]  }
0x177: {  	[sflag:s12] =	ssyncset.done $0x0  }
0x178: {  	s29 =	simm.s32 $0x8480;
	[sflag:s12] =	ssyncadd.s32 $0xFFFFFFF0  }
0x179: {  	[tilespmem:s29], [sflag:$0x7] =	stream.linear.gather [hbm4b:s30+s2], $0x10, $0x38;
	[tilespmem:$0x1C580] =	vst v63  }
0x17a: {  	_ =	swait.ge [sflag:s12], $0x10  }
0x17b: {  	[sflag:s12] =	ssyncset.done $0x0  }
0x17c: {  	s0 =	simm.s32 $0x10;
	s31 =	simm.s32 $0x8500;
	[sflag:s12] =	ssyncadd.s32 $0xFFFFFFF0  }
0x17d: {  	[tilespmem:s31], [sflag:$0x7] =	stream.indirect.gather [hbm4b:s3+s0], $0x80, s11, s0, $0xb8;
	[tilespmem:$0x1C580] =	vst v63  }
0x17e: {  	_ =	swait.ge [sflag:s12], $0x800  }
0x17f: {  	[sflag:s12] =	ssyncset.done $0x0  }
0x180: {  	[sflag:s12] =	ssyncadd.s32 $0xFFFFF800  }
0x181: {  	[spmem:s1] =	stream.indirect.scatter.add.f32 [tilespmem:s31], [sflag:$0x7], $0x80, s29, s0, $0xb8;
	[tilespmem:$0x1C580] =	vst v63  }
0x182: {  	_ =	swait.ge [sflag:s12], $0x800  }
0x183: {  	[sflag:s12] =	ssyncset.done $0x0  }
0x184: {  	[sflag:s12] =	ssyncadd.s32 $0xFFFFF800  }
0x185: {  	[bflag:$0x0] =	sbarrier.arrive $0xFFFF  }
0x186: {  	s30 =	rddreg [dreg:$0x14]  }
0x187: {  	[hbm:s30], [sflag:s8] =	dma.local [spmem:s7], $0x2700  }
0x188: {  	_ =	swait.ge [sflag:s12], $0x2700  }
0x189: {  	s0 =	sld [smem:$0x7FB]  }
0x18a: {  	[sflag:s12] =	ssyncset.done $0x0  }
0x18b: {  	[sflag:s12] =	ssyncadd.s32 $0xFFFFD900  }
0x18c: {  	[hbm:s0], [sflag:s8] =	dma.local @!p0 [spmem:s9], $0x100  }
0x18d: {  	s0 =	simm.s32 @!p0 $0x7  }
0x18e: {  	_ =	swait.ge @!p0 [sflag:s0], $0x100  }
0x18f: {  	s31 =	sld [smem:$0x7FC];
	_ =	sdelay $0x1  }
0x190: {  	s6 =	sadd.s32 $0x1, s6  }
0x191: {  	p1 =	sne.s32 s6, s31  }
.Ltmp1:
0x192: {  	_ = 	snop;
	(pc) =	sbr.rel @p1 .LBB2_1-.Ltmp1, $3  }
0x193: {  	_ =	sdelay $0x1  }
0x194: {  	[sflag:s0] =	ssyncset.done @!p0 $0x0  }
0x195: {  	[sflag:s0] =	ssyncadd.s32 @!p0 $0xFFFFFF00  }
0x196: {  	_ =	sfence.sel $0x180000  }
0x197: {  	[bflag:$0x0] =	sbarrier.arrive $0xFFFF  }
0x198: {  	_ =	strace $0x90000047  }
0x199: {  	[bflag:$0x2] =	sbarrier.arrive $0xFFFF  }
0x19a: {  	s0 =	rddreg [dreg:$0x2]  }
0x19b: {  	s0 =	sadd.s32 @!p0 $0x100000, s0  }
0x19c: {  	[sflag:s0] =	ssyncadd.tile.s32 @!p0 $0x1;
	_ =	shalt  }
.Lfunc_end2:
_tile_overlayer_lowered:
.L_overlay_start_2:
0x19d: {  	(tag) =	ssettag $0x2  }
0x19e: {  	s0 =	rddreg [dreg:$0x0];
	s2 =	stileid.u32  }
0x19f: {  	s1 =	rddreg [dreg:$0x1];
	p0 =	sne.s32 s2, $0x0  }
0x1a0: {  	s3 =	rddreg [dreg:$0x2];
	[bflag:$0x3] =	sbarrier.arrive $0xFFFF;
	s2 =	simm.s32 @!p0 $0x1C07  }
0x1a1: {  	[timem:s3], [sflag:s2] =	dma.local @!p0 [hbm:s0], s1  }
0x1a2: {  	s0 =	simm.s32 @!p0 $0x7  }
0x1a3: {  	_ =	swait.ge @!p0 [sflag:s0], s1  }
0x1a4: {  	s1 =	ssub.s32 @!p0 $0x0, s1;
	[sflag:s0] =	ssyncset.done @!p0 $0x0  }
0x1a5: {  	[sflag:s0] =	ssyncadd.s32 @!p0 s1  }
0x1a6: {  	[bflag:$0x3] =	sbarrier.arrive $0xFFFF  }
0x1a7: {  	_ =	shalt  }

</sc_bundles>
